<compile_context>
chip_gen: v7x
topology: tpu7x:2x2x1
jax: 0.10.2.dev20260603
libtpu: 0.0.44.dev20260713+nightly
codegen_flags: <defaults>
</compile_context>

<pallas_src>
import functools

import jax
import jax.numpy as jnp
from jax import lax
from jax.experimental import pallas as pl
from jax.experimental.pallas import tpu as pltpu
from jax.experimental.pallas import tpu_sc as plsc

N = 10000
E = 160000
DIN = 256
DH = 256
DOUT = 128
NB = 64

E_TOT = E + N
NBLK = 96
CE = 128
T_E = NBLK * CE
E_PAD = 16 * T_E
EROWS = E_PAD // CE
SROWS = 80
NP = 10240
HALF = 5120
ACC_R = HALF + 128
PADN = NP - 1
NEG = -1e30

_mesh = plsc.VectorSubcoreMesh(core_axis_name="c", subcore_axis_name="s")
_scp = pltpu.CompilerParams(use_tc_tiling_on_sc=False,
                            needs_layout_passes=False)



def _tc_in_body(x_ref, w_ref, as_ref, ad_ref, h_ref, sc_ref):
    h = lax.dot_general(x_ref[...], w_ref[...], (((1,), (1,)), ((), ())),
                        preferred_element_type=jnp.float32)
    h_ref[...] = h
    s0 = jnp.sum(h * as_ref[...], axis=1, keepdims=True)
    s1 = jnp.sum(h * ad_ref[...], axis=1, keepdims=True)
    sc_ref[...] = jnp.concatenate([s0, s1], axis=1)


_BM = 1000


def _tc_in(x, W, a_s, a_d):
    return pl.pallas_call(
        _tc_in_body,
        grid=(N // _BM,),
        in_specs=[
            pl.BlockSpec((_BM, DIN), lambda i: (i, 0)),
            pl.BlockSpec((DH, DIN), lambda i: (0, 0)),
            pl.BlockSpec((1, DH), lambda i: (0, 0)),
            pl.BlockSpec((1, DH), lambda i: (0, 0)),
        ],
        out_specs=[
            pl.BlockSpec((_BM, DH), lambda i: (i, 0)),
            pl.BlockSpec((_BM, 2), lambda i: (i, 0)),
        ],
        out_shape=[
            jax.ShapeDtypeStruct((NP, DH), jnp.float32),
            jax.ShapeDtypeStruct((NP, 2), jnp.float32),
        ],
    )(x, W, a_s, a_d)


def _tc_mid_body(a_ref, b_ref, w_ref, as_ref, ad_ref, h_ref, sc_ref):
    x = jnp.maximum(a_ref[...] + b_ref[...], 0.0)
    h = lax.dot_general(x, w_ref[...], (((1,), (1,)), ((), ())),
                        preferred_element_type=jnp.float32)
    h_ref[...] = h
    s0 = jnp.sum(h * as_ref[...], axis=1, keepdims=True)
    s1 = jnp.sum(h * ad_ref[...], axis=1, keepdims=True)
    sc_ref[...] = jnp.concatenate([s0, s1], axis=1)


_BM2 = 1024


def _tc_mid(agg, b, W, a_s, a_d):
    return pl.pallas_call(
        _tc_mid_body,
        grid=(NP // _BM2,),
        in_specs=[
            pl.BlockSpec((_BM2, DH), lambda i: (i, 0)),
            pl.BlockSpec((1, DH), lambda i: (0, 0)),
            pl.BlockSpec((DH, DH), lambda i: (0, 0)),
            pl.BlockSpec((1, DH), lambda i: (0, 0)),
            pl.BlockSpec((1, DH), lambda i: (0, 0)),
        ],
        out_specs=[
            pl.BlockSpec((_BM2, DH), lambda i: (i, 0)),
            pl.BlockSpec((_BM2, 2), lambda i: (i, 0)),
        ],
        out_shape=[
            jax.ShapeDtypeStruct((NP, DH), jnp.float32),
            jax.ShapeDtypeStruct((NP, 2), jnp.float32),
        ],
    )(agg, b, W, a_s, a_d)


_BMF = 512


def _tc_fin_body(a_ref, b_ref, bt_ref, wf_ref, bf_ref, o_ref,
                 acc_ref, cnt_ref):
    i = pl.program_id(0)

    @pl.when(i == 0)
    def _():
        acc_ref[...] = jnp.zeros_like(acc_ref)
        cnt_ref[...] = jnp.zeros_like(cnt_ref)

    x = jnp.maximum(a_ref[...] + b_ref[...], 0.0)
    bt = bt_ref[0]
    oh = (lax.broadcasted_iota(jnp.int32, (NB, _BMF), 0) == bt
          ).astype(jnp.float32)
    acc_ref[...] += lax.dot_general(oh, x, (((1,), (0,)), ((), ())),
                                    preferred_element_type=jnp.float32)
    cnt_ref[...] += lax.dot_general(oh, jnp.ones((_BMF, DOUT), jnp.float32),
                                    (((1,), (0,)), ((), ())),
                                    preferred_element_type=jnp.float32)

    @pl.when(i == pl.num_programs(0) - 1)
    def _():
        pooled = acc_ref[...] / jnp.maximum(cnt_ref[:, :1], 1.0)
        o_ref[...] = lax.dot_general(pooled, wf_ref[...],
                                     (((1,), (1,)), ((), ())),
                                     preferred_element_type=jnp.float32
                                     ) + bf_ref[...]


def _tc_fin(agg, b, batch3, Wf, bf):
    return pl.pallas_call(
        _tc_fin_body,
        grid=(NP // _BMF,),
        in_specs=[
            pl.BlockSpec((_BMF, DH), lambda i: (i, 0)),
            pl.BlockSpec((1, DH), lambda i: (0, 0)),
            pl.BlockSpec((1, 1, _BMF), lambda i: (i, 0, 0)),
            pl.BlockSpec((DOUT, DH), lambda i: (0, 0)),
            pl.BlockSpec((1, DOUT), lambda i: (0, 0)),
        ],
        out_specs=pl.BlockSpec((NB, DOUT), lambda i: (0, 0)),
        out_shape=jax.ShapeDtypeStruct((NB, DOUT), jnp.float32),
        scratch_shapes=[
            pltpu.VMEM((NB, DH), jnp.float32),
            pltpu.VMEM((NB, DOUT), jnp.float32),
        ],
    )(agg, b, batch3, Wf, bf)



@functools.partial(
    pl.kernel,
    out_type=(jax.ShapeDtypeStruct((EROWS, CE), jnp.int32),
              jax.ShapeDtypeStruct((EROWS, CE), jnp.int32),
              jax.ShapeDtypeStruct((16, 16), jnp.int32)),
    mesh=_mesh,
    compiler_params=_scp,
    scratch_types=[
        pltpu.VMEM((NBLK, CE), jnp.int32),
        pltpu.VMEM((NBLK, CE), jnp.int32),
        pltpu.VMEM((T_E + 16,), jnp.int32),
        pltpu.VMEM((T_E + 16,), jnp.int32),
        pltpu.VMEM((16,), jnp.int32),
        pltpu.VMEM((NBLK,), jnp.int32),
        pltpu.SemaphoreType.DMA,
    ],
)
def _sc_part(src_hbm, dst_hbm, srcp_hbm, dstp_hbm, cnt_hbm,
             src_v, dst_v, ps_v, pd_v, c_v, crid_v, sem):
    sid = lax.axis_index("s")
    cid = lax.axis_index("c")
    row0 = sid * NBLK

    def _cr(i, _):
        crid_v[pl.ds(i * 16, 16)] = row0 + i * 16 + lax.iota(jnp.int32, 16)
        return 0
    lax.fori_loop(0, NBLK // 16, _cr, 0)
    pltpu.async_copy(src_hbm.at[crid_v], src_v, sem).wait()
    pltpu.async_copy(dst_hbm.at[crid_v], dst_v, sem).wait()

    def _c(i, c):
        d = dst_v[i // 8, pl.ds((i % 8) * 16, 16)]
        return c + plsc.all_reduce_population_count(d < HALF)[0]
    nlo = lax.fori_loop(0, NBLK * 8, _c, jnp.int32(0))

    def _k(i, oo):
        olo, ohi = oo
        j = i // 8
        sl = pl.ds((i % 8) * 16, 16)
        sv = src_v[j, sl]
        dv = dst_v[j, sl]
        m = dv < HALF
        plsc.store_compressed(ps_v.at[pl.ds(olo, 16)], sv, mask=m)
        plsc.store_compressed(pd_v.at[pl.ds(olo, 16)], dv, mask=m)
        plsc.store_compressed(ps_v.at[pl.ds(ohi, 16)], sv, mask=~m)
        plsc.store_compressed(pd_v.at[pl.ds(ohi, 16)], dv, mask=~m)
        clo = plsc.all_reduce_population_count(m)[0]
        return olo + clo, ohi + (16 - clo)
    lax.fori_loop(0, NBLK * 8, _k, (jnp.int32(0), nlo))

    def _t(q, _):
        src_v[q // 8, pl.ds((q % 8) * 16, 16)] = ps_v[pl.ds(q * 16, 16)]
        dst_v[q // 8, pl.ds((q % 8) * 16, 16)] = pd_v[pl.ds(q * 16, 16)]
        return 0
    lax.fori_loop(0, NBLK * 8, _t, 0)
    c_v[...] = jnp.zeros((16,), jnp.int32) + nlo

    @pl.when(cid == 0)
    def _():
        pltpu.sync_copy(src_v, srcp_hbm.at[pl.ds(row0, NBLK)])
        pltpu.sync_copy(dst_v, dstp_hbm.at[pl.ds(row0, NBLK)])
        pltpu.sync_copy(c_v, cnt_hbm.at[sid])


@functools.partial(
    pl.kernel,
    out_type=jax.ShapeDtypeStruct((EROWS, CE), jnp.float32),
    mesh=_mesh,
    compiler_params=_scp,
    scratch_types=[
        pltpu.VMEM((2 * NP,), jnp.float32),
        pltpu.VMEM((NBLK, CE), jnp.int32),
        pltpu.VMEM((NBLK, CE), jnp.int32),
        pltpu.VMEM((NBLK, CE), jnp.float32),
        pltpu.VMEM((SROWS, CE), jnp.float32),
        pltpu.VMEM((16,), jnp.float32),
        pltpu.VMEM((16, 16), jnp.float32),
        pltpu.VMEM((SROWS,), jnp.int32),
        pltpu.VMEM((NBLK,), jnp.int32),
        pltpu.SemaphoreType.DMA,
        pltpu.VMEM_SHARED((16, 16), jnp.float32),
        pltpu.VMEM_SHARED((SROWS, CE), jnp.float32),
    ],
)
def _sc_softmax(sc_hbm, src_hbm, dst_hbm, alpha_hbm,
                sc_v, src_v, dst_v, e_v, s_v, mx_v, mx16_v, rid_v, crid_v,
                sem, mx_sh, s_sh):
    sid = lax.axis_index("s")
    cid = lax.axis_index("c")
    row0 = sid * NBLK

    pltpu.sync_copy(sc_hbm, sc_v)

    def _cl(i, _):
        sc_v[pl.ds(2 * N + i * 16, 16)] = jnp.zeros((16,), jnp.float32)
        return 0
    lax.fori_loop(0, 2 * (NP - N) // 16, _cl, 0)

    def _cr(i, _):
        crid_v[pl.ds(i * 16, 16)] = row0 + i * 16 + lax.iota(jnp.int32, 16)
        return 0
    lax.fori_loop(0, NBLK // 16, _cr, 0)
    pltpu.async_copy(src_hbm.at[crid_v], src_v, sem).wait()
    pltpu.async_copy(dst_hbm.at[crid_v], dst_v, sem).wait()

    def _z(i, _):
        s_v[i // 8, pl.ds((i % 8) * 16, 16)] = jnp.zeros((16,), jnp.float32)
        return 0
    lax.fori_loop(0, SROWS * 8, _z, 0)

    def _r(i, _):
        rid_v[pl.ds(i * 16, 16)] = i * 16 + lax.iota(jnp.int32, 16)
        return 0
    lax.fori_loop(0, SROWS // 16, _r, 0)

    @pl.when(sid == 0)
    def _():
        pltpu.sync_copy(s_v, s_sh)

    def _e(i, vmax):
        j = i // 8
        sl = pl.ds((i % 8) * 16, 16)
        e = (plsc.load_gather(sc_v, [src_v[j, sl] * 2])
             + plsc.load_gather(sc_v, [dst_v[j, sl] * 2 + 1]))
        e = jnp.where(e >= 0.0, e, e * 0.2)
        e_v[j, sl] = e
        return jnp.maximum(vmax, e)

    vmax = lax.fori_loop(0, NBLK * 8, _e, jnp.full((16,), NEG, jnp.float32))
    mx_v[...] = vmax
    pltpu.sync_copy(mx_v, mx_sh.at[sid])
    plsc.subcore_barrier()

    pltpu.sync_copy(mx_sh, mx16_v)

    def _m(i, vm):
        return jnp.maximum(vm, mx16_v[i])
    g = jnp.max(lax.fori_loop(0, 16, _m, jnp.full((16,), NEG, jnp.float32)))

    def _p(i, _):
        j = i // 8
        sl = pl.ds((i % 8) * 16, 16)
        p = jnp.exp(e_v[j, sl] - g)
        e_v[j, sl] = p
        idst = dst_v[j, sl]
        plsc.addupdate_scatter(s_v, [idst >> 7, idst & 127], p)
        return 0
    lax.fori_loop(0, NBLK * 8, _p, 0)

    pltpu.sync_copy(s_v, s_sh.at[rid_v], add=True)
    plsc.subcore_barrier()
    pltpu.sync_copy(s_sh, s_v)

    def _a(i, _):
        j = i // 8
        sl = pl.ds((i % 8) * 16, 16)
        idst = dst_v[j, sl]
        s = plsc.load_gather(s_v, [idst >> 7, idst & 127])
        e_v[j, sl] = e_v[j, sl] / (s + 1e-16)
        return 0
    lax.fori_loop(0, NBLK * 8, _a, 0)

    half = NBLK // 2
    pltpu.sync_copy(e_v.at[pl.ds(cid * half, half)],
                    alpha_hbm.at[pl.ds(row0 + cid * half, half)])


@functools.partial(
    pl.kernel,
    out_type=jax.ShapeDtypeStruct((NP, DH), jnp.float32),
    mesh=_mesh,
    compiler_params=_scp,
    scratch_types=[
        pltpu.VMEM((NBLK,), jnp.int32),
        pltpu.VMEM((NBLK, CE), jnp.int32),
        pltpu.VMEM((NBLK, CE), jnp.int32),
        pltpu.VMEM((NBLK, CE), jnp.float32),
        pltpu.VMEM((16, 16), jnp.int32),
        pltpu.VMEM((32, DH), jnp.float32),
        pltpu.VMEM((4, DH), jnp.float32),
        pltpu.SemaphoreType.DMA,
        pltpu.VMEM_SHARED((ACC_R, DH), jnp.float32),
    ],
)
def _sc_agg(h_hbm, src_hbm, dst_hbm, alpha_hbm, cnt_hbm, agg_hbm,
            rid_v, src_v, dst_v, al_v, cnt_v, g_v, z_v, sem, acc_sh):
    sid = lax.axis_index("s")
    cid = lax.axis_index("c")
    row0 = sid * NBLK

    def _ri(i, _):
        rid_v[pl.ds(i * 16, 16)] = row0 + i * 16 + lax.iota(jnp.int32, 16)
        return 0
    lax.fori_loop(0, NBLK // 16, _ri, 0)
    pltpu.async_copy(src_hbm.at[rid_v], src_v, sem).wait()
    pltpu.async_copy(dst_hbm.at[rid_v], dst_v, sem).wait()
    pltpu.async_copy(alpha_hbm.at[rid_v], al_v, sem).wait()
    pltpu.sync_copy(cnt_hbm, cnt_v)

    base = cid * HALF

    def _rm(i, _):
        j = i // 8
        sl = pl.ds((i % 8) * 16, 16)
        d = dst_v[j, sl] - base
        ok = (d >= 0) & (d < HALF)
        dst_v[j, sl] = jnp.where(ok, d, ACC_R - 1)
        return 0
    lax.fori_loop(0, NBLK * 8, _rm, 0)

    def _z(i, _):
        z_v[i // 16, pl.ds((i % 16) * 16, 16)] = jnp.zeros((16,), jnp.float32)
        return 0
    lax.fori_loop(0, 4 * (DH // 16), _z, 0)

    def _zc(t, _):
        pltpu.sync_copy(z_v, acc_sh.at[pl.ds(sid * (ACC_R // 16) + t * 4, 4)])
        return 0
    lax.fori_loop(0, ACC_R // 64, _zc, 0)
    plsc.subcore_barrier()

    nlo = cnt_v[sid][0]
    lo = jnp.where(cid == 0, 0, nlo >> 5)
    hi = jnp.where(cid == 0, (nlo + 31) >> 5, NBLK * 4)

    def _unit(i, _):
        j = i // 4
        q = i % 4
        pltpu.async_copy(h_hbm.at[src_v.at[j, pl.ds(q * 32, 32)]],
                         g_v, sem).wait()

        def _row(r, _):
            zi = jnp.zeros((16,), jnp.int32)
            a = plsc.load_gather(al_v, [zi + j, zi + q * 32 + r])
            for k in range(DH // 16):
                sl = pl.ds(k * 16, 16)
                g_v[r, sl] = g_v[r, sl] * a
            return 0
        lax.fori_loop(0, 32, _row, 0)

        pltpu.sync_copy(g_v, acc_sh.at[dst_v.at[j, pl.ds(q * 32, 32)]],
                        add=True)
        return 0

    lax.fori_loop(lo, hi, _unit, 0)
    plsc.subcore_barrier()

    pltpu.sync_copy(acc_sh.at[pl.ds(sid * (HALF // 16), HALF // 16)],
                    agg_hbm.at[pl.ds(base + sid * (HALF // 16), HALF // 16)])



def kernel(x, edge_index, batch, W1, att_src1, att_dst1, b1,
           W2, att_src2, att_dst2, b2, W3, att_src3, att_dst3, b3, Wf, bf):
    loop = jnp.arange(N, dtype=jnp.int32)
    pads = jnp.zeros((E_PAD - E_TOT,), jnp.int32)
    padd = jnp.full((E_PAD - E_TOT,), PADN, jnp.int32)
    src2 = jnp.concatenate([edge_index[0].astype(jnp.int32), loop, pads]
                           ).reshape(EROWS, CE)
    dst2 = jnp.concatenate([edge_index[1].astype(jnp.int32), loop, padd]
                           ).reshape(EROWS, CE)
    batch3 = jnp.concatenate(
        [batch.astype(jnp.int32), jnp.full((NP - N,), NB, jnp.int32)]
    ).reshape(NP // _BMF, 1, _BMF)

    srcp, dstp, cnt = _sc_part(src2, dst2)

    def layer(h, sc):
        alpha = _sc_softmax(sc.reshape(2 * NP), srcp, dstp)
        return _sc_agg(h, srcp, dstp, alpha, cnt)

    h, sc = _tc_in(x, W1, att_src1.reshape(1, DH), att_dst1.reshape(1, DH))
    agg = layer(h, sc)
    h, sc = _tc_mid(agg, b1.reshape(1, DH), W2,
                    att_src2.reshape(1, DH), att_dst2.reshape(1, DH))
    agg = layer(h, sc)
    h, sc = _tc_mid(agg, b2.reshape(1, DH), W3,
                    att_src3.reshape(1, DH), att_dst3.reshape(1, DH))
    agg = layer(h, sc)
    return _tc_fin(agg, b3.reshape(1, DH), batch3, Wf, bf.reshape(1, DOUT))

# --- scband reference (transcript-rebuilt; emitter-appended) ---
"""Pipeline reference for scband-gatconv-model-52501680227002 (READ-ONLY COPY).

The authoritative reference and input builder live on the scoring server;
editing this copy changes nothing except your own understanding.
"""

import jax, jax.numpy as jnp
import numpy as np

N = 10000
E = 160000
DIN = 256
DH = 256
DOUT = 128
NB = 64


def setup_inputs(seed: int = 0):
    key = jax.random.key(seed)
    ks = jax.random.split(key, 20)
    inp = {}
    inp['x'] = jax.random.normal(ks[0], (N, DIN), jnp.float32)
    inp['edge_index'] = jax.random.randint(ks[1], (2, E), 0, N)
    inp['batch'] = jnp.sort(jax.random.randint(ks[2], (N,), 0, NB))

    def lin(k, o, i):
        return jax.random.normal(k, (o, i), jnp.float32) * (1.0 / np.sqrt(i))

    inp['W1'] = lin(ks[3], DH, DIN)
    inp['att_src1'] = jax.random.normal(ks[4], (DH,), jnp.float32) * 0.1
    inp['att_dst1'] = jax.random.normal(ks[5], (DH,), jnp.float32) * 0.1
    inp['b1'] = jnp.zeros((DH,), jnp.float32)
    inp['W2'] = lin(ks[6], DH, DH)
    inp['att_src2'] = jax.random.normal(ks[7], (DH,), jnp.float32) * 0.1
    inp['att_dst2'] = jax.random.normal(ks[8], (DH,), jnp.float32) * 0.1
    inp['b2'] = jnp.zeros((DH,), jnp.float32)
    inp['W3'] = lin(ks[9], DH, DH)
    inp['att_src3'] = jax.random.normal(ks[10], (DH,), jnp.float32) * 0.1
    inp['att_dst3'] = jax.random.normal(ks[11], (DH,), jnp.float32) * 0.1
    inp['b3'] = jnp.zeros((DH,), jnp.float32)
    inp['Wf'] = lin(ks[12], DOUT, DH)
    inp['bf'] = jnp.zeros((DOUT,), jnp.float32)
    return inp


def _gat(x, src, dst, W, a_s, a_d, b):
    # PyG GATConv (heads=1, add_self_loops handled by caller)
    h = x @ W.T
    e = jnp.sum(h * a_s, axis=-1)[src] + jnp.sum(h * a_d, axis=-1)[dst]
    e = jax.nn.leaky_relu(e, 0.2)
    m = jax.ops.segment_max(e, dst, num_segments=N)
    m = jnp.where(jnp.isfinite(m), m, 0.0)
    p = jnp.exp(e - m[dst])
    s = jax.ops.segment_sum(p, dst, num_segments=N)
    alpha = p / (s[dst] + 1e-16)
    return jax.ops.segment_sum(h[src] * alpha[:, None], dst, num_segments=N) + b


def reference(x, edge_index, batch, W1, att_src1, att_dst1, b1, W2, att_src2, att_dst2, b2, W3, att_src3, att_dst3, b3, Wf, bf):
    loop = jnp.arange(N, dtype=edge_index.dtype)
    src = jnp.concatenate([edge_index[0], loop])
    dst = jnp.concatenate([edge_index[1], loop])
    h = jax.nn.relu(_gat(x, src, dst, W1, att_src1, att_dst1, b1))
    h = jax.nn.relu(_gat(h, src, dst, W2, att_src2, att_dst2, b2))
    h = jax.nn.relu(_gat(h, src, dst, W3, att_src3, att_dst3, b3))
    cnt = jax.ops.segment_sum(jnp.ones((N,), jnp.float32), batch, num_segments=NB)
    pooled = jax.ops.segment_sum(h, batch, num_segments=NB) / jnp.maximum(cnt, 1.0)[:, None]
    return pooled @ Wf.T + bf

if __name__ == "__main__":
    import jax
    _d = setup_inputs()
    print(jax.jit(kernel)(*tuple(_d.values())))

</pallas_src>

<mosaic_0001>
#map = affine_map<(d0, d1) -> (0, 0)>
module attributes {stable_mosaic.version = 14 : i64} {
  func.func @_sc_part(%arg0: i32, %arg1: i32, %arg2: memref<1536x128xi32, #tpu.memory_space<hbm>>, %arg3: memref<1536x128xi32, #tpu.memory_space<hbm>>, %arg4: memref<1536x128xi32, #tpu.memory_space<hbm>>, %arg5: memref<1536x128xi32, #tpu.memory_space<hbm>>, %arg6: memref<16x16xi32, #tpu.memory_space<hbm>>, %arg7: memref<96x128xi32, #tpu.memory_space<vmem>>, %arg8: memref<96x128xi32, #tpu.memory_space<vmem>>, %arg9: memref<12304xi32, #tpu.memory_space<vmem>>, %arg10: memref<12304xi32, #tpu.memory_space<vmem>>, %arg11: memref<16xi32, #tpu.memory_space<vmem>>, %arg12: memref<96xi32, #tpu.memory_space<vmem>>, %arg13: memref<!tpu.dma_semaphore, #tpu.memory_space<semaphore_mem>>) attributes {dimension_semantics = [#tpu.dimension_semantics<core_parallel>, #tpu.dimension_semantics<subcore_parallel>], iteration_bounds = array<i64: 2, 16>, scalar_prefetch = 0 : i64, scratch_operands = 7 : i64, tpu.core_type = #tpu.core_type<sc_vector_subcore>, window_params = [{transform_indices = #map}, {transform_indices = #map}, {transform_indices = #map}, {transform_indices = #map}, {transform_indices = #map}]} {
    %mul3A = arith.constant 96 : i32
    %mul3A_0 = arith.muli %arg1, %mul3A : i32
    %scan3A = arith.constant 0 : i32
    %scan3A_1 = arith.constant 0 : i32
    %scan3A_2 = arith.constant 6 : i32
    %scan3A_3 = arith.addi %scan3A_1, %scan3A_2 : i32
    %scan3A_4 = arith.constant 1 : i32
    %scan3A_5 = scf.for %scan3A_43 = %scan3A_1 to %scan3A_3 step %scan3A_4 iter_args(%scan3A_44 = %scan3A) -> (i32)  : i32 {
      %mul3A_45 = arith.constant 16 : i32
      %mul3A_46 = arith.muli %scan3A_43, %mul3A_45 : i32
      %add3A_47 = arith.addi %mul3A_0, %mul3A_46 : i32
      %iota3A = tpu.iota {dimensions = array<i32: 0>} : vector<16xi32>
      %add3A_48 = vector.broadcast %add3A_47 : i32 to vector<16xi32>
      %add3A_49 = arith.addi %add3A_48, %iota3A : vector<16xi32>
      %mul3A_50 = arith.constant 16 : i32
      %mul3A_51 = arith.muli %scan3A_43, %mul3A_50 : i32
      %swap3A_52 = arith.index_cast %mul3A_51 : i32 to index
      %swap3A_53 = tpu.vector_load %arg12[%swap3A_52] {strides = array<i32>} : memref<96xi32, #tpu.memory_space<vmem>>, vector<16xi32>,
      tpu.vector_store %arg12[%swap3A_52], %add3A_49 {strides = array<i32>} : memref<96xi32, #tpu.memory_space<vmem>>, vector<16xi32>,
      %scan3A_54 = arith.constant 0 : i32
      scf.yield %scan3A_54 : i32
    }
    %scan3A_6 = arith.constant 6 : i32
    %dma_start3A = arith.constant 0 : i32
    %dma_start3A_7 = arith.constant 0 : i32
    %dma_start3A_8 = tpu.memref_slice %arg2[%dma_start3A, %dma_start3A_7] : memref<1536x128xi32, #tpu.memory_space<hbm>> -> memref<1536x128xi32, #tpu.memory_space<hbm>>
    tpu.enqueue_indirect_dma source(%dma_start3A_8 : memref<1536x128xi32, #tpu.memory_space<hbm>>) target(%arg7 : memref<96x128xi32, #tpu.memory_space<vmem>>) offsets(%arg12 : memref<96xi32, #tpu.memory_space<vmem>>) semaphore(%arg13 : memref<!tpu.dma_semaphore, #tpu.memory_space<semaphore_mem>>)
    %dma_wait3A = arith.constant 0 : i32
    %dma_wait3A_9 = arith.constant 0 : i32
    %dma_wait3A_10 = tpu.memref_slice %arg2[%dma_wait3A, %dma_wait3A_9] : memref<1536x128xi32, #tpu.memory_space<hbm>> -> memref<1536x128xi32, #tpu.memory_space<hbm>>
    tpu.wait_indirect_dma semaphore(%arg13 : memref<!tpu.dma_semaphore, #tpu.memory_space<semaphore_mem>>) src(%dma_wait3A_10 : memref<1536x128xi32, #tpu.memory_space<hbm>>) dst(%arg7 : memref<96x128xi32, #tpu.memory_space<vmem>>)
    %dma_start3A_11 = arith.constant 0 : i32
    %dma_start3A_12 = arith.constant 0 : i32
    %dma_start3A_13 = tpu.memref_slice %arg3[%dma_start3A_11, %dma_start3A_12] : memref<1536x128xi32, #tpu.memory_space<hbm>> -> memref<1536x128xi32, #tpu.memory_space<hbm>>
    tpu.enqueue_indirect_dma source(%dma_start3A_13 : memref<1536x128xi32, #tpu.memory_space<hbm>>) target(%arg8 : memref<96x128xi32, #tpu.memory_space<vmem>>) offsets(%arg12 : memref<96xi32, #tpu.memory_space<vmem>>) semaphore(%arg13 : memref<!tpu.dma_semaphore, #tpu.memory_space<semaphore_mem>>)
    %dma_wait3A_14 = arith.constant 0 : i32
    %dma_wait3A_15 = arith.constant 0 : i32
    %dma_wait3A_16 = tpu.memref_slice %arg3[%dma_wait3A_14, %dma_wait3A_15] : memref<1536x128xi32, #tpu.memory_space<hbm>> -> memref<1536x128xi32, #tpu.memory_space<hbm>>
    tpu.wait_indirect_dma semaphore(%arg13 : memref<!tpu.dma_semaphore, #tpu.memory_space<semaphore_mem>>) src(%dma_wait3A_16 : memref<1536x128xi32, #tpu.memory_space<hbm>>) dst(%arg8 : memref<96x128xi32, #tpu.memory_space<vmem>>)
    %scan3A_17 = arith.constant 0 : i32
    %scan3A_18 = arith.constant 0 : i32
    %scan3A_19 = arith.constant 768 : i32
    %scan3A_20 = arith.addi %scan3A_18, %scan3A_19 : i32
    %scan3A_21 = arith.constant 1 : i32
    %scan3A_22 = scf.for %scan3A_43 = %scan3A_18 to %scan3A_20 step %scan3A_21 iter_args(%scan3A_44 = %scan3A_17) -> (i32)  : i32 {
      %jit3A = arith.constant 8 : i32
      %div3A = arith.divsi %scan3A_43, %jit3A : i32
      %sign3A = arith.constant 0 : i32
      %sign3A_45 = arith.cmpi sgt, %scan3A_43, %sign3A : i32
      %sign3A_46 = arith.extui %sign3A_45 : i1 to i32
      %sign3A_47 = arith.constant 0 : i32
      %sign3A_48 = arith.cmpi slt, %scan3A_43, %sign3A_47 : i32
      %sign3A_49 = arith.extui %sign3A_48 : i1 to i32
      %sign3A_50 = arith.subi %sign3A_46, %sign3A_49 : i32
      %sign3A_51 = arith.constant 0 : i32
      %sign3A_52 = arith.cmpi sgt, %jit3A, %sign3A_51 : i32
      %sign3A_53 = arith.extui %sign3A_52 : i1 to i32
      %sign3A_54 = arith.constant 0 : i32
      %sign3A_55 = arith.cmpi slt, %jit3A, %sign3A_54 : i32
      %sign3A_56 = arith.extui %sign3A_55 : i1 to i32
      %sign3A_57 = arith.subi %sign3A_53, %sign3A_56 : i32
      %ne3A = arith.cmpi ne, %sign3A_50, %sign3A_57 : i32
      %rem3A = arith.remsi %scan3A_43, %jit3A : i32
      %ne3A_58 = arith.constant 0 : i32
      %ne3A_59 = arith.cmpi ne, %rem3A, %ne3A_58 : i32
      %and3A = arith.andi %ne3A, %ne3A_59 : i1
      %sub3A = arith.constant 1 : i32
      %sub3A_60 = arith.subi %div3A, %sub3A : i32
      %select_n3A = arith.select %and3A, %sub3A_60, %div3A : i32
      %jit3A_61 = arith.constant 8 : i32
      %eq3A_62 = arith.constant 0 : i32
      %eq3A_63 = arith.cmpi eq, %jit3A_61, %eq3A_62 : i32
      %jit3A_64 = arith.constant 1 : i32
      %select_n3A_65 = arith.select %eq3A_63, %jit3A_64, %jit3A_61 : i32
      %rem3A_66 = arith.remsi %scan3A_43, %select_n3A_65 : i32
      %ne3A_67 = arith.constant 0 : i32
      %ne3A_68 = arith.cmpi ne, %rem3A_66, %ne3A_67 : i32
      %lt3A = arith.constant 0 : i32
      %lt3A_69 = arith.cmpi slt, %rem3A_66, %lt3A : i32
      %lt3A_70 = arith.constant 0 : i32
      %lt3A_71 = arith.cmpi slt, %select_n3A_65, %lt3A_70 : i32
      %ne3A_72 = arith.xori %lt3A_69, %lt3A_71 : i1
      %and3A_73 = arith.andi %ne3A_72, %ne3A_68 : i1
      %add3A_74 = arith.addi %rem3A_66, %select_n3A_65 : i32
      %select_n3A_75 = arith.select %and3A_73, %add3A_74, %rem3A_66 : i32
      %mul3A_76 = arith.constant 16 : i32
      %mul3A_77 = arith.muli %select_n3A_75, %mul3A_76 : i32
      %get3A = arith.index_cast %select_n3A : i32 to index
      %get3A_78 = arith.index_cast %mul3A_77 : i32 to index
      %get3A_79 = tpu.vector_load %arg8[%get3A, %get3A_78] {strides = array<i32>} : memref<96x128xi32, #tpu.memory_space<vmem>>, vector<16xi32>,
      %lt3A_80 = arith.constant 5120 : i32
      %lt3A_81 = vector.broadcast %lt3A_80 : i32 to vector<16xi32>
      %lt3A_82 = arith.cmpi slt, %get3A_79, %lt3A_81 : vector<16xi32>
      %all_reduce_population_count3A = tpu.all_reduce %lt3A_82 {dim = 0 : i64, kind = #tpu.reduction_kind<sum>} : vector<16xi1> -> vector<16xi32>
      %slice3A = vector.extract_strided_slice %all_reduce_population_count3A {offsets = [0], sizes = [1], strides = [1]} : vector<16xi32> to vector<1xi32>
      %squeeze3A = vector.extract %slice3A[0] : i32 from vector<1xi32>
      %add3A_83 = arith.addi %scan3A_44, %squeeze3A : i32
      scf.yield %add3A_83 : i32
    }
    %scan3A_23 = arith.constant 768 : i32
    %scan3A_24 = arith.constant 0 : i32
    %scan3A_25 = arith.constant 0 : i32
    %scan3A_26 = arith.constant 768 : i32
    %scan3A_27 = arith.addi %scan3A_25, %scan3A_26 : i32
    %scan3A_28 = arith.constant 1 : i32
    %scan3A_29:2 = scf.for %scan3A_43 = %scan3A_25 to %scan3A_27 step %scan3A_28 iter_args(%scan3A_44 = %scan3A_24, %scan3A_45 = %scan3A_22) -> (i32, i32)  : i32 {
      %jit3A = arith.constant 8 : i32
      %div3A = arith.divsi %scan3A_43, %jit3A : i32
      %sign3A = arith.constant 0 : i32
      %sign3A_46 = arith.cmpi sgt, %scan3A_43, %sign3A : i32
      %sign3A_47 = arith.extui %sign3A_46 : i1 to i32
      %sign3A_48 = arith.constant 0 : i32
      %sign3A_49 = arith.cmpi slt, %scan3A_43, %sign3A_48 : i32
      %sign3A_50 = arith.extui %sign3A_49 : i1 to i32
      %sign3A_51 = arith.subi %sign3A_47, %sign3A_50 : i32
      %sign3A_52 = arith.constant 0 : i32
      %sign3A_53 = arith.cmpi sgt, %jit3A, %sign3A_52 : i32
      %sign3A_54 = arith.extui %sign3A_53 : i1 to i32
      %sign3A_55 = arith.constant 0 : i32
      %sign3A_56 = arith.cmpi slt, %jit3A, %sign3A_55 : i32
      %sign3A_57 = arith.extui %sign3A_56 : i1 to i32
      %sign3A_58 = arith.subi %sign3A_54, %sign3A_57 : i32
      %ne3A = arith.cmpi ne, %sign3A_51, %sign3A_58 : i32
      %rem3A = arith.remsi %scan3A_43, %jit3A : i32
      %ne3A_59 = arith.constant 0 : i32
      %ne3A_60 = arith.cmpi ne, %rem3A, %ne3A_59 : i32
      %and3A = arith.andi %ne3A, %ne3A_60 : i1
      %sub3A = arith.constant 1 : i32
      %sub3A_61 = arith.subi %div3A, %sub3A : i32
      %select_n3A = arith.select %and3A, %sub3A_61, %div3A : i32
      %jit3A_62 = arith.constant 8 : i32
      %eq3A_63 = arith.constant 0 : i32
      %eq3A_64 = arith.cmpi eq, %jit3A_62, %eq3A_63 : i32
      %jit3A_65 = arith.constant 1 : i32
      %select_n3A_66 = arith.select %eq3A_64, %jit3A_65, %jit3A_62 : i32
      %rem3A_67 = arith.remsi %scan3A_43, %select_n3A_66 : i32
      %ne3A_68 = arith.constant 0 : i32
      %ne3A_69 = arith.cmpi ne, %rem3A_67, %ne3A_68 : i32
      %lt3A = arith.constant 0 : i32
      %lt3A_70 = arith.cmpi slt, %rem3A_67, %lt3A : i32
      %lt3A_71 = arith.constant 0 : i32
      %lt3A_72 = arith.cmpi slt, %select_n3A_66, %lt3A_71 : i32
      %ne3A_73 = arith.xori %lt3A_70, %lt3A_72 : i1
      %and3A_74 = arith.andi %ne3A_73, %ne3A_69 : i1
      %add3A_75 = arith.addi %rem3A_67, %select_n3A_66 : i32
      %select_n3A_76 = arith.select %and3A_74, %add3A_75, %rem3A_67 : i32
      %mul3A_77 = arith.constant 16 : i32
      %mul3A_78 = arith.muli %select_n3A_76, %mul3A_77 : i32
      %get3A = arith.index_cast %select_n3A : i32 to index
      %get3A_79 = arith.index_cast %mul3A_78 : i32 to index
      %get3A_80 = tpu.vector_load %arg7[%get3A, %get3A_79] {strides = array<i32>} : memref<96x128xi32, #tpu.memory_space<vmem>>, vector<16xi32>,
      %get3A_81 = arith.index_cast %select_n3A : i32 to index
      %get3A_82 = arith.index_cast %mul3A_78 : i32 to index
      %get3A_83 = tpu.vector_load %arg8[%get3A_81, %get3A_82] {strides = array<i32>} : memref<96x128xi32, #tpu.memory_space<vmem>>, vector<16xi32>,
      %lt3A_84 = arith.constant 5120 : i32
      %lt3A_85 = vector.broadcast %lt3A_84 : i32 to vector<16xi32>
      %lt3A_86 = arith.cmpi slt, %get3A_83, %lt3A_85 : vector<16xi32>
      %swap3A_87 = arith.index_cast %scan3A_44 : i32 to index
      %swap3A_88 = tpu.vector_load %arg9[%swap3A_87] masked %lt3A_86 {strides = array<i32>} : memref<12304xi32, #tpu.memory_space<vmem>>, vector<16xi32>, vector<16xi1>
      tpu.vector_store %arg9[%swap3A_87], %get3A_80 masked %lt3A_86 {strides = array<i32>} : memref<12304xi32, #tpu.memory_space<vmem>>, vector<16xi32>, vector<16xi1>
      %swap3A_89 = arith.index_cast %scan3A_44 : i32 to index
      %swap3A_90 = tpu.vector_load %arg10[%swap3A_89] masked %lt3A_86 {strides = array<i32>} : memref<12304xi32, #tpu.memory_space<vmem>>, vector<16xi32>, vector<16xi1>
      tpu.vector_store %arg10[%swap3A_89], %get3A_83 masked %lt3A_86 {strides = array<i32>} : memref<12304xi32, #tpu.memory_space<vmem>>, vector<16xi32>, vector<16xi1>
      %not3A = arith.constant dense<true> : vector<16xi1>
      %not3A_91 = arith.xori %lt3A_86, %not3A : vector<16xi1>
      %swap3A_92 = arith.index_cast %scan3A_45 : i32 to index
      %swap3A_93 = tpu.vector_load %arg9[%swap3A_92] masked %not3A_91 {strides = array<i32>} : memref<12304xi32, #tpu.memory_space<vmem>>, vector<16xi32>, vector<16xi1>
      tpu.vector_store %arg9[%swap3A_92], %get3A_80 masked %not3A_91 {strides = array<i32>} : memref<12304xi32, #tpu.memory_space<vmem>>, vector<16xi32>, vector<16xi1>
      %not3A_94 = arith.constant dense<true> : vector<16xi1>
      %not3A_95 = arith.xori %lt3A_86, %not3A_94 : vector<16xi1>
      %swap3A_96 = arith.index_cast %scan3A_45 : i32 to index
      %swap3A_97 = tpu.vector_load %arg10[%swap3A_96] masked %not3A_95 {strides = array<i32>} : memref<12304xi32, #tpu.memory_space<vmem>>, vector<16xi32>, vector<16xi1>
      tpu.vector_store %arg10[%swap3A_96], %get3A_83 masked %not3A_95 {strides = array<i32>} : memref<12304xi32, #tpu.memory_space<vmem>>, vector<16xi32>, vector<16xi1>
      %all_reduce_population_count3A = tpu.all_reduce %lt3A_86 {dim = 0 : i64, kind = #tpu.reduction_kind<sum>} : vector<16xi1> -> vector<16xi32>
      %slice3A = vector.extract_strided_slice %all_reduce_population_count3A {offsets = [0], sizes = [1], strides = [1]} : vector<16xi32> to vector<1xi32>
      %squeeze3A = vector.extract %slice3A[0] : i32 from vector<1xi32>
      %add3A_98 = arith.addi %scan3A_44, %squeeze3A : i32
      %sub3A_99 = arith.constant 16 : i32
      %sub3A_100 = arith.subi %sub3A_99, %squeeze3A : i32
      %add3A_101 = arith.addi %scan3A_45, %sub3A_100 : i32
      scf.yield %add3A_98, %add3A_101 : i32, i32
    }
    %scan3A_30 = arith.constant 768 : i32
    %scan3A_31 = arith.constant 0 : i32
    %scan3A_32 = arith.constant 0 : i32
    %scan3A_33 = arith.constant 768 : i32
    %scan3A_34 = arith.addi %scan3A_32, %scan3A_33 : i32
    %scan3A_35 = arith.constant 1 : i32
    %scan3A_36 = scf.for %scan3A_43 = %scan3A_32 to %scan3A_34 step %scan3A_35 iter_args(%scan3A_44 = %scan3A_31) -> (i32)  : i32 {
      %mul3A_45 = arith.constant 16 : i32
      %mul3A_46 = arith.muli %scan3A_43, %mul3A_45 : i32
      %get3A = arith.index_cast %mul3A_46 : i32 to index
      %get3A_47 = tpu.vector_load %arg9[%get3A] {strides = array<i32>} : memref<12304xi32, #tpu.memory_space<vmem>>, vector<16xi32>,
      %jit3A = arith.constant 8 : i32
      %div3A = arith.divsi %scan3A_43, %jit3A : i32
      %sign3A = arith.constant 0 : i32
      %sign3A_48 = arith.cmpi sgt, %scan3A_43, %sign3A : i32
      %sign3A_49 = arith.extui %sign3A_48 : i1 to i32
      %sign3A_50 = arith.constant 0 : i32
      %sign3A_51 = arith.cmpi slt, %scan3A_43, %sign3A_50 : i32
      %sign3A_52 = arith.extui %sign3A_51 : i1 to i32
      %sign3A_53 = arith.subi %sign3A_49, %sign3A_52 : i32
      %sign3A_54 = arith.constant 0 : i32
      %sign3A_55 = arith.cmpi sgt, %jit3A, %sign3A_54 : i32
      %sign3A_56 = arith.extui %sign3A_55 : i1 to i32
      %sign3A_57 = arith.constant 0 : i32
      %sign3A_58 = arith.cmpi slt, %jit3A, %sign3A_57 : i32
      %sign3A_59 = arith.extui %sign3A_58 : i1 to i32
      %sign3A_60 = arith.subi %sign3A_56, %sign3A_59 : i32
      %ne3A = arith.cmpi ne, %sign3A_53, %sign3A_60 : i32
      %rem3A = arith.remsi %scan3A_43, %jit3A : i32
      %ne3A_61 = arith.constant 0 : i32
      %ne3A_62 = arith.cmpi ne, %rem3A, %ne3A_61 : i32
      %and3A = arith.andi %ne3A, %ne3A_62 : i1
      %sub3A = arith.constant 1 : i32
      %sub3A_63 = arith.subi %div3A, %sub3A : i32
      %select_n3A = arith.select %and3A, %sub3A_63, %div3A : i32
      %jit3A_64 = arith.constant 8 : i32
      %eq3A_65 = arith.constant 0 : i32
      %eq3A_66 = arith.cmpi eq, %jit3A_64, %eq3A_65 : i32
      %jit3A_67 = arith.constant 1 : i32
      %select_n3A_68 = arith.select %eq3A_66, %jit3A_67, %jit3A_64 : i32
      %rem3A_69 = arith.remsi %scan3A_43, %select_n3A_68 : i32
      %ne3A_70 = arith.constant 0 : i32
      %ne3A_71 = arith.cmpi ne, %rem3A_69, %ne3A_70 : i32
      %lt3A = arith.constant 0 : i32
      %lt3A_72 = arith.cmpi slt, %rem3A_69, %lt3A : i32
      %lt3A_73 = arith.constant 0 : i32
      %lt3A_74 = arith.cmpi slt, %select_n3A_68, %lt3A_73 : i32
      %ne3A_75 = arith.xori %lt3A_72, %lt3A_74 : i1
      %and3A_76 = arith.andi %ne3A_75, %ne3A_71 : i1
      %add3A_77 = arith.addi %rem3A_69, %select_n3A_68 : i32
      %select_n3A_78 = arith.select %and3A_76, %add3A_77, %rem3A_69 : i32
      %mul3A_79 = arith.constant 16 : i32
      %mul3A_80 = arith.muli %select_n3A_78, %mul3A_79 : i32
      %swap3A_81 = arith.index_cast %select_n3A : i32 to index
      %swap3A_82 = arith.index_cast %mul3A_80 : i32 to index
      %swap3A_83 = tpu.vector_load %arg7[%swap3A_81, %swap3A_82] {strides = array<i32>} : memref<96x128xi32, #tpu.memory_space<vmem>>, vector<16xi32>,
      tpu.vector_store %arg7[%swap3A_81, %swap3A_82], %get3A_47 {strides = array<i32>} : memref<96x128xi32, #tpu.memory_space<vmem>>, vector<16xi32>,
      %mul3A_84 = arith.constant 16 : i32
      %mul3A_85 = arith.muli %scan3A_43, %mul3A_84 : i32
      %get3A_86 = arith.index_cast %mul3A_85 : i32 to index
      %get3A_87 = tpu.vector_load %arg10[%get3A_86] {strides = array<i32>} : memref<12304xi32, #tpu.memory_space<vmem>>, vector<16xi32>,
      %jit3A_88 = arith.constant 8 : i32
      %div3A_89 = arith.divsi %scan3A_43, %jit3A_88 : i32
      %sign3A_90 = arith.constant 0 : i32
      %sign3A_91 = arith.cmpi sgt, %scan3A_43, %sign3A_90 : i32
      %sign3A_92 = arith.extui %sign3A_91 : i1 to i32
      %sign3A_93 = arith.constant 0 : i32
      %sign3A_94 = arith.cmpi slt, %scan3A_43, %sign3A_93 : i32
      %sign3A_95 = arith.extui %sign3A_94 : i1 to i32
      %sign3A_96 = arith.subi %sign3A_92, %sign3A_95 : i32
      %sign3A_97 = arith.constant 0 : i32
      %sign3A_98 = arith.cmpi sgt, %jit3A_88, %sign3A_97 : i32
      %sign3A_99 = arith.extui %sign3A_98 : i1 to i32
      %sign3A_100 = arith.constant 0 : i32
      %sign3A_101 = arith.cmpi slt, %jit3A_88, %sign3A_100 : i32
      %sign3A_102 = arith.extui %sign3A_101 : i1 to i32
      %sign3A_103 = arith.subi %sign3A_99, %sign3A_102 : i32
      %ne3A_104 = arith.cmpi ne, %sign3A_96, %sign3A_103 : i32
      %rem3A_105 = arith.remsi %scan3A_43, %jit3A_88 : i32
      %ne3A_106 = arith.constant 0 : i32
      %ne3A_107 = arith.cmpi ne, %rem3A_105, %ne3A_106 : i32
      %and3A_108 = arith.andi %ne3A_104, %ne3A_107 : i1
      %sub3A_109 = arith.constant 1 : i32
      %sub3A_110 = arith.subi %div3A_89, %sub3A_109 : i32
      %select_n3A_111 = arith.select %and3A_108, %sub3A_110, %div3A_89 : i32
      %jit3A_112 = arith.constant 8 : i32
      %eq3A_113 = arith.constant 0 : i32
      %eq3A_114 = arith.cmpi eq, %jit3A_112, %eq3A_113 : i32
      %jit3A_115 = arith.constant 1 : i32
      %select_n3A_116 = arith.select %eq3A_114, %jit3A_115, %jit3A_112 : i32
      %rem3A_117 = arith.remsi %scan3A_43, %select_n3A_116 : i32
      %ne3A_118 = arith.constant 0 : i32
      %ne3A_119 = arith.cmpi ne, %rem3A_117, %ne3A_118 : i32
      %lt3A_120 = arith.constant 0 : i32
      %lt3A_121 = arith.cmpi slt, %rem3A_117, %lt3A_120 : i32
      %lt3A_122 = arith.constant 0 : i32
      %lt3A_123 = arith.cmpi slt, %select_n3A_116, %lt3A_122 : i32
      %ne3A_124 = arith.xori %lt3A_121, %lt3A_123 : i1
      %and3A_125 = arith.andi %ne3A_124, %ne3A_119 : i1
      %add3A_126 = arith.addi %rem3A_117, %select_n3A_116 : i32
      %select_n3A_127 = arith.select %and3A_125, %add3A_126, %rem3A_117 : i32
      %mul3A_128 = arith.constant 16 : i32
      %mul3A_129 = arith.muli %select_n3A_127, %mul3A_128 : i32
      %swap3A_130 = arith.index_cast %select_n3A_111 : i32 to index
      %swap3A_131 = arith.index_cast %mul3A_129 : i32 to index
      %swap3A_132 = tpu.vector_load %arg8[%swap3A_130, %swap3A_131] {strides = array<i32>} : memref<96x128xi32, #tpu.memory_space<vmem>>, vector<16xi32>,
      tpu.vector_store %arg8[%swap3A_130, %swap3A_131], %get3A_87 {strides = array<i32>} : memref<96x128xi32, #tpu.memory_space<vmem>>, vector<16xi32>,
      %scan3A_133 = arith.constant 0 : i32
      scf.yield %scan3A_133 : i32
    }
    %scan3A_37 = arith.constant 768 : i32
    %broadcast_in_dim3A = arith.constant 0 : i32
    %broadcast_in_dim3A_38 = vector.broadcast %broadcast_in_dim3A : i32 to vector<16xi32>
    %add3A = vector.broadcast %scan3A_22 : i32 to vector<16xi32>
    %add3A_39 = arith.addi %broadcast_in_dim3A_38, %add3A : vector<16xi32>
    %swap3A = arith.constant 0 : index
    %swap3A_40 = tpu.vector_load %arg11[%swap3A] {strides = array<i32>} : memref<16xi32, #tpu.memory_space<vmem>>, vector<16xi32>,
    tpu.vector_store %arg11[%swap3A], %add3A_39 {strides = array<i32>} : memref<16xi32, #tpu.memory_space<vmem>>, vector<16xi32>,
    %eq3A = arith.constant 0 : i32
    %eq3A_41 = arith.cmpi eq, %arg0, %eq3A : i32
    %convert_element_type3A = arith.extui %eq3A_41 : i1 to i32
    %cond3A = arith.constant 0 : i32
    %cond3A_42 = arith.cmpi ne, %convert_element_type3A, %cond3A : i32
    scf.if %cond3A_42 {
      "tpu.region"() ({
        %run_scoped3A = tpu.sem_alloc : memref<!tpu.dma_semaphore, #tpu.memory_space<semaphore_mem>>
        %dma_start3A_43 = arith.constant 0 : i32
        %dma_start3A_44 = tpu.memref_slice %arg4[%mul3A_0, %dma_start3A_43] : memref<1536x128xi32, #tpu.memory_space<hbm>> -> memref<96x128xi32, #tpu.memory_space<hbm>>
        %dma_start3A_45 = arith.constant 0 : i32
        %dma_start3A_46 = tpu.memref_slice %arg4[%mul3A_0, %dma_start3A_45] : memref<1536x128xi32, #tpu.memory_space<hbm>> -> memref<96x128xi32, #tpu.memory_space<hbm>>
        tpu.enqueue_dma source(%arg7 : memref<96x128xi32, #tpu.memory_space<vmem>>) target(%dma_start3A_46 : memref<96x128xi32, #tpu.memory_space<hbm>>) target_semaphore(%run_scoped3A : memref<!tpu.dma_semaphore, #tpu.memory_space<semaphore_mem>>)
        %dma_wait3A_47 = arith.constant 0 : i32
        %dma_wait3A_48 = tpu.memref_slice %arg4[%mul3A_0, %dma_wait3A_47] : memref<1536x128xi32, #tpu.memory_space<hbm>> -> memref<96x128xi32, #tpu.memory_space<hbm>>
        %dma_wait3A_49 = arith.constant 0 : i32
        %dma_wait3A_50 = tpu.memref_slice %arg4[%mul3A_0, %dma_wait3A_49] : memref<1536x128xi32, #tpu.memory_space<hbm>> -> memref<96x128xi32, #tpu.memory_space<hbm>>
        tpu.wait_dma2 semaphore(%run_scoped3A : memref<!tpu.dma_semaphore, #tpu.memory_space<semaphore_mem>>) src(%arg7 : memref<96x128xi32, #tpu.memory_space<vmem>>) dst(%dma_wait3A_50 : memref<96x128xi32, #tpu.memory_space<hbm>>)
        tpu.yield
      }) : () -> ()
      "tpu.region"() ({
        %run_scoped3A = tpu.sem_alloc : memref<!tpu.dma_semaphore, #tpu.memory_space<semaphore_mem>>
        %dma_start3A_43 = arith.constant 0 : i32
        %dma_start3A_44 = tpu.memref_slice %arg5[%mul3A_0, %dma_start3A_43] : memref<1536x128xi32, #tpu.memory_space<hbm>> -> memref<96x128xi32, #tpu.memory_space<hbm>>
        %dma_start3A_45 = arith.constant 0 : i32
        %dma_start3A_46 = tpu.memref_slice %arg5[%mul3A_0, %dma_start3A_45] : memref<1536x128xi32, #tpu.memory_space<hbm>> -> memref<96x128xi32, #tpu.memory_space<hbm>>
        tpu.enqueue_dma source(%arg8 : memref<96x128xi32, #tpu.memory_space<vmem>>) target(%dma_start3A_46 : memref<96x128xi32, #tpu.memory_space<hbm>>) target_semaphore(%run_scoped3A : memref<!tpu.dma_semaphore, #tpu.memory_space<semaphore_mem>>)
        %dma_wait3A_47 = arith.constant 0 : i32
        %dma_wait3A_48 = tpu.memref_slice %arg5[%mul3A_0, %dma_wait3A_47] : memref<1536x128xi32, #tpu.memory_space<hbm>> -> memref<96x128xi32, #tpu.memory_space<hbm>>
        %dma_wait3A_49 = arith.constant 0 : i32
        %dma_wait3A_50 = tpu.memref_slice %arg5[%mul3A_0, %dma_wait3A_49] : memref<1536x128xi32, #tpu.memory_space<hbm>> -> memref<96x128xi32, #tpu.memory_space<hbm>>
        tpu.wait_dma2 semaphore(%run_scoped3A : memref<!tpu.dma_semaphore, #tpu.memory_space<semaphore_mem>>) src(%arg8 : memref<96x128xi32, #tpu.memory_space<vmem>>) dst(%dma_wait3A_50 : memref<96x128xi32, #tpu.memory_space<hbm>>)
        tpu.yield
      }) : () -> ()
      "tpu.region"() ({
        %run_scoped3A = tpu.sem_alloc : memref<!tpu.dma_semaphore, #tpu.memory_space<semaphore_mem>>
        %dma_start3A_43 = arith.constant 0 : i32
        %dma_start3A_44 = tpu.memref_slice %arg6[%arg1, %dma_start3A_43] : memref<16x16xi32, #tpu.memory_space<hbm>> -> memref<1x16xi32, #tpu.memory_space<hbm>>
        %dma_start3A_45 = tpu.memref_squeeze %dma_start3A_44 : memref<1x16xi32, #tpu.memory_space<hbm>> -> memref<16xi32, #tpu.memory_space<hbm>>
        %dma_start3A_46 = arith.constant 0 : i32
        %dma_start3A_47 = tpu.memref_slice %arg6[%arg1, %dma_start3A_46] : memref<16x16xi32, #tpu.memory_space<hbm>> -> memref<1x16xi32, #tpu.memory_space<hbm>>
        %dma_start3A_48 = tpu.memref_squeeze %dma_start3A_47 : memref<1x16xi32, #tpu.memory_space<hbm>> -> memref<16xi32, #tpu.memory_space<hbm>>
        tpu.enqueue_dma source(%arg11 : memref<16xi32, #tpu.memory_space<vmem>>) target(%dma_start3A_48 : memref<16xi32, #tpu.memory_space<hbm>>) target_semaphore(%run_scoped3A : memref<!tpu.dma_semaphore, #tpu.memory_space<semaphore_mem>>)
        %dma_wait3A_49 = arith.constant 0 : i32
        %dma_wait3A_50 = tpu.memref_slice %arg6[%arg1, %dma_wait3A_49] : memref<16x16xi32, #tpu.memory_space<hbm>> -> memref<1x16xi32, #tpu.memory_space<hbm>>
        %dma_wait3A_51 = tpu.memref_squeeze %dma_wait3A_50 : memref<1x16xi32, #tpu.memory_space<hbm>> -> memref<16xi32, #tpu.memory_space<hbm>>
        %dma_wait3A_52 = arith.constant 0 : i32
        %dma_wait3A_53 = tpu.memref_slice %arg6[%arg1, %dma_wait3A_52] : memref<16x16xi32, #tpu.memory_space<hbm>> -> memref<1x16xi32, #tpu.memory_space<hbm>>
        %dma_wait3A_54 = tpu.memref_squeeze %dma_wait3A_53 : memref<1x16xi32, #tpu.memory_space<hbm>> -> memref<16xi32, #tpu.memory_space<hbm>>
        tpu.wait_dma2 semaphore(%run_scoped3A : memref<!tpu.dma_semaphore, #tpu.memory_space<semaphore_mem>>) src(%arg11 : memref<16xi32, #tpu.memory_space<vmem>>) dst(%dma_wait3A_54 : memref<16xi32, #tpu.memory_space<hbm>>)
        tpu.yield
      }) : () -> ()
    } else {
    }
    return
  }
}

#map = affine_map<(d0, d1) -> (0)>
#map1 = affine_map<(d0, d1) -> (0, 0)>
module attributes {stable_mosaic.version = 14 : i64} {
  func.func @_sc_softmax(%arg0: i32, %arg1: i32, %arg2: memref<20480xf32, #tpu.memory_space<hbm>>, %arg3: memref<1536x128xi32, #tpu.memory_space<hbm>>, %arg4: memref<1536x128xi32, #tpu.memory_space<hbm>>, %arg5: memref<1536x128xf32, #tpu.memory_space<hbm>>, %arg6: memref<20480xf32, #tpu.memory_space<vmem>>, %arg7: memref<96x128xi32, #tpu.memory_space<vmem>>, %arg8: memref<96x128xi32, #tpu.memory_space<vmem>>, %arg9: memref<96x128xf32, #tpu.memory_space<vmem>>, %arg10: memref<80x128xf32, #tpu.memory_space<vmem>>, %arg11: memref<16xf32, #tpu.memory_space<vmem>>, %arg12: memref<16x16xf32, #tpu.memory_space<vmem>>, %arg13: memref<80xi32, #tpu.memory_space<vmem>>, %arg14: memref<96xi32, #tpu.memory_space<vmem>>, %arg15: memref<!tpu.dma_semaphore, #tpu.memory_space<semaphore_mem>>, %arg16: memref<16x16xf32, #tpu.memory_space<vmem_shared>>, %arg17: memref<80x128xf32, #tpu.memory_space<vmem_shared>>) attributes {dimension_semantics = [#tpu.dimension_semantics<core_parallel>, #tpu.dimension_semantics<subcore_parallel>], iteration_bounds = array<i64: 2, 16>, scalar_prefetch = 0 : i64, scratch_operands = 12 : i64, tpu.core_type = #tpu.core_type<sc_vector_subcore>, window_params = [{transform_indices = #map}, {transform_indices = #map1}, {transform_indices = #map1}, {transform_indices = #map1}]} {
    %mul3A = arith.constant 96 : i32
    %mul3A_0 = arith.muli %arg1, %mul3A : i32
    "tpu.region"() ({
      %run_scoped3A = tpu.sem_alloc : memref<!tpu.dma_semaphore, #tpu.memory_space<semaphore_mem>>
      tpu.enqueue_dma source(%arg2 : memref<20480xf32, #tpu.memory_space<hbm>>) target(%arg6 : memref<20480xf32, #tpu.memory_space<vmem>>) target_semaphore(%run_scoped3A : memref<!tpu.dma_semaphore, #tpu.memory_space<semaphore_mem>>)
      tpu.wait_dma2 semaphore(%run_scoped3A : memref<!tpu.dma_semaphore, #tpu.memory_space<semaphore_mem>>) src(%arg2 : memref<20480xf32, #tpu.memory_space<hbm>>) dst(%arg6 : memref<20480xf32, #tpu.memory_space<vmem>>)
      tpu.yield
    }) : () -> ()
    %scan3A = arith.constant 0 : i32
    %scan3A_1 = arith.constant 0 : i32
    %scan3A_2 = arith.constant 30 : i32
    %scan3A_3 = arith.addi %scan3A_1, %scan3A_2 : i32
    %scan3A_4 = arith.constant 1 : i32
    %scan3A_5 = scf.for %scan3A_78 = %scan3A_1 to %scan3A_3 step %scan3A_4 iter_args(%scan3A_79 = %scan3A) -> (i32)  : i32 {
      %broadcast_in_dim3A_80 = arith.constant 0.000000e+00 : f32
      %broadcast_in_dim3A_81 = vector.broadcast %broadcast_in_dim3A_80 : f32 to vector<16xf32>
      %mul3A_82 = arith.constant 16 : i32
      %mul3A_83 = arith.muli %scan3A_78, %mul3A_82 : i32
      %add3A_84 = arith.constant 20000 : i32
      %add3A_85 = arith.addi %add3A_84, %mul3A_83 : i32
      %swap3A_86 = arith.index_cast %add3A_85 : i32 to index
      %swap3A_87 = tpu.vector_load %arg6[%swap3A_86] {strides = array<i32>} : memref<20480xf32, #tpu.memory_space<vmem>>, vector<16xf32>,
      tpu.vector_store %arg6[%swap3A_86], %broadcast_in_dim3A_81 {strides = array<i32>} : memref<20480xf32, #tpu.memory_space<vmem>>, vector<16xf32>,
      %scan3A_88 = arith.constant 0 : i32
      scf.yield %scan3A_88 : i32
    }
    %scan3A_6 = arith.constant 30 : i32
    %scan3A_7 = arith.constant 0 : i32
    %scan3A_8 = arith.constant 0 : i32
    %scan3A_9 = arith.constant 6 : i32
    %scan3A_10 = arith.addi %scan3A_8, %scan3A_9 : i32
    %scan3A_11 = arith.constant 1 : i32
    %scan3A_12 = scf.for %scan3A_78 = %scan3A_8 to %scan3A_10 step %scan3A_11 iter_args(%scan3A_79 = %scan3A_7) -> (i32)  : i32 {
      %mul3A_80 = arith.constant 16 : i32
      %mul3A_81 = arith.muli %scan3A_78, %mul3A_80 : i32
      %add3A_82 = arith.addi %mul3A_0, %mul3A_81 : i32
      %iota3A = tpu.iota {dimensions = array<i32: 0>} : vector<16xi32>
      %add3A_83 = vector.broadcast %add3A_82 : i32 to vector<16xi32>
      %add3A_84 = arith.addi %add3A_83, %iota3A : vector<16xi32>
      %mul3A_85 = arith.constant 16 : i32
      %mul3A_86 = arith.muli %scan3A_78, %mul3A_85 : i32
      %swap3A_87 = arith.index_cast %mul3A_86 : i32 to index
      %swap3A_88 = tpu.vector_load %arg14[%swap3A_87] {strides = array<i32>} : memref<96xi32, #tpu.memory_space<vmem>>, vector<16xi32>,
      tpu.vector_store %arg14[%swap3A_87], %add3A_84 {strides = array<i32>} : memref<96xi32, #tpu.memory_space<vmem>>, vector<16xi32>,
      %scan3A_89 = arith.constant 0 : i32
      scf.yield %scan3A_89 : i32
    }
    %scan3A_13 = arith.constant 6 : i32
    %dma_start3A = arith.constant 0 : i32
    %dma_start3A_14 = arith.constant 0 : i32
    %dma_start3A_15 = tpu.memref_slice %arg3[%dma_start3A, %dma_start3A_14] : memref<1536x128xi32, #tpu.memory_space<hbm>> -> memref<1536x128xi32, #tpu.memory_space<hbm>>
    tpu.enqueue_indirect_dma source(%dma_start3A_15 : memref<1536x128xi32, #tpu.memory_space<hbm>>) target(%arg7 : memref<96x128xi32, #tpu.memory_space<vmem>>) offsets(%arg14 : memref<96xi32, #tpu.memory_space<vmem>>) semaphore(%arg15 : memref<!tpu.dma_semaphore, #tpu.memory_space<semaphore_mem>>)
    %dma_wait3A = arith.constant 0 : i32
    %dma_wait3A_16 = arith.constant 0 : i32
    %dma_wait3A_17 = tpu.memref_slice %arg3[%dma_wait3A, %dma_wait3A_16] : memref<1536x128xi32, #tpu.memory_space<hbm>> -> memref<1536x128xi32, #tpu.memory_space<hbm>>
    tpu.wait_indirect_dma semaphore(%arg15 : memref<!tpu.dma_semaphore, #tpu.memory_space<semaphore_mem>>) src(%dma_wait3A_17 : memref<1536x128xi32, #tpu.memory_space<hbm>>) dst(%arg7 : memref<96x128xi32, #tpu.memory_space<vmem>>)
    %dma_start3A_18 = arith.constant 0 : i32
    %dma_start3A_19 = arith.constant 0 : i32
    %dma_start3A_20 = tpu.memref_slice %arg4[%dma_start3A_18, %dma_start3A_19] : memref<1536x128xi32, #tpu.memory_space<hbm>> -> memref<1536x128xi32, #tpu.memory_space<hbm>>
    tpu.enqueue_indirect_dma source(%dma_start3A_20 : memref<1536x128xi32, #tpu.memory_space<hbm>>) target(%arg8 : memref<96x128xi32, #tpu.memory_space<vmem>>) offsets(%arg14 : memref<96xi32, #tpu.memory_space<vmem>>) semaphore(%arg15 : memref<!tpu.dma_semaphore, #tpu.memory_space<semaphore_mem>>)
    %dma_wait3A_21 = arith.constant 0 : i32
    %dma_wait3A_22 = arith.constant 0 : i32
    %dma_wait3A_23 = tpu.memref_slice %arg4[%dma_wait3A_21, %dma_wait3A_22] : memref<1536x128xi32, #tpu.memory_space<hbm>> -> memref<1536x128xi32, #tpu.memory_space<hbm>>
    tpu.wait_indirect_dma semaphore(%arg15 : memref<!tpu.dma_semaphore, #tpu.memory_space<semaphore_mem>>) src(%dma_wait3A_23 : memref<1536x128xi32, #tpu.memory_space<hbm>>) dst(%arg8 : memref<96x128xi32, #tpu.memory_space<vmem>>)
    %scan3A_24 = arith.constant 0 : i32
    %scan3A_25 = arith.constant 0 : i32
    %scan3A_26 = arith.constant 640 : i32
    %scan3A_27 = arith.addi %scan3A_25, %scan3A_26 : i32
    %scan3A_28 = arith.constant 1 : i32
    %scan3A_29 = scf.for %scan3A_78 = %scan3A_25 to %scan3A_27 step %scan3A_28 iter_args(%scan3A_79 = %scan3A_24) -> (i32)  : i32 {
      %broadcast_in_dim3A_80 = arith.constant 0.000000e+00 : f32
      %broadcast_in_dim3A_81 = vector.broadcast %broadcast_in_dim3A_80 : f32 to vector<16xf32>
      %jit3A = arith.constant 8 : i32
      %div3A = arith.divsi %scan3A_78, %jit3A : i32
      %sign3A = arith.constant 0 : i32
      %sign3A_82 = arith.cmpi sgt, %scan3A_78, %sign3A : i32
      %sign3A_83 = arith.extui %sign3A_82 : i1 to i32
      %sign3A_84 = arith.constant 0 : i32
      %sign3A_85 = arith.cmpi slt, %scan3A_78, %sign3A_84 : i32
      %sign3A_86 = arith.extui %sign3A_85 : i1 to i32
      %sign3A_87 = arith.subi %sign3A_83, %sign3A_86 : i32
      %sign3A_88 = arith.constant 0 : i32
      %sign3A_89 = arith.cmpi sgt, %jit3A, %sign3A_88 : i32
      %sign3A_90 = arith.extui %sign3A_89 : i1 to i32
      %sign3A_91 = arith.constant 0 : i32
      %sign3A_92 = arith.cmpi slt, %jit3A, %sign3A_91 : i32
      %sign3A_93 = arith.extui %sign3A_92 : i1 to i32
      %sign3A_94 = arith.subi %sign3A_90, %sign3A_93 : i32
      %ne3A = arith.cmpi ne, %sign3A_87, %sign3A_94 : i32
      %rem3A = arith.remsi %scan3A_78, %jit3A : i32
      %ne3A_95 = arith.constant 0 : i32
      %ne3A_96 = arith.cmpi ne, %rem3A, %ne3A_95 : i32
      %and3A = arith.andi %ne3A, %ne3A_96 : i1
      %sub3A = arith.constant 1 : i32
      %sub3A_97 = arith.subi %div3A, %sub3A : i32
      %select_n3A = arith.select %and3A, %sub3A_97, %div3A : i32
      %jit3A_98 = arith.constant 8 : i32
      %eq3A_99 = arith.constant 0 : i32
      %eq3A_100 = arith.cmpi eq, %jit3A_98, %eq3A_99 : i32
      %jit3A_101 = arith.constant 1 : i32
      %select_n3A_102 = arith.select %eq3A_100, %jit3A_101, %jit3A_98 : i32
      %rem3A_103 = arith.remsi %scan3A_78, %select_n3A_102 : i32
      %ne3A_104 = arith.constant 0 : i32
      %ne3A_105 = arith.cmpi ne, %rem3A_103, %ne3A_104 : i32
      %lt3A = arith.constant 0 : i32
      %lt3A_106 = arith.cmpi slt, %rem3A_103, %lt3A : i32
      %lt3A_107 = arith.constant 0 : i32
      %lt3A_108 = arith.cmpi slt, %select_n3A_102, %lt3A_107 : i32
      %ne3A_109 = arith.xori %lt3A_106, %lt3A_108 : i1
      %and3A_110 = arith.andi %ne3A_109, %ne3A_105 : i1
      %add3A_111 = arith.addi %rem3A_103, %select_n3A_102 : i32
      %select_n3A_112 = arith.select %and3A_110, %add3A_111, %rem3A_103 : i32
      %mul3A_113 = arith.constant 16 : i32
      %mul3A_114 = arith.muli %select_n3A_112, %mul3A_113 : i32
      %swap3A_115 = arith.index_cast %select_n3A : i32 to index
      %swap3A_116 = arith.index_cast %mul3A_114 : i32 to index
      %swap3A_117 = tpu.vector_load %arg10[%swap3A_115, %swap3A_116] {strides = array<i32>} : memref<80x128xf32, #tpu.memory_space<vmem>>, vector<16xf32>,
      tpu.vector_store %arg10[%swap3A_115, %swap3A_116], %broadcast_in_dim3A_81 {strides = array<i32>} : memref<80x128xf32, #tpu.memory_space<vmem>>, vector<16xf32>,
      %scan3A_118 = arith.constant 0 : i32
      scf.yield %scan3A_118 : i32
    }
    %scan3A_30 = arith.constant 640 : i32
    %scan3A_31 = arith.constant 0 : i32
    %scan3A_32 = arith.constant 0 : i32
    %scan3A_33 = arith.constant 5 : i32
    %scan3A_34 = arith.addi %scan3A_32, %scan3A_33 : i32
    %scan3A_35 = arith.constant 1 : i32
    %scan3A_36 = scf.for %scan3A_78 = %scan3A_32 to %scan3A_34 step %scan3A_35 iter_args(%scan3A_79 = %scan3A_31) -> (i32)  : i32 {
      %mul3A_80 = arith.constant 16 : i32
      %mul3A_81 = arith.muli %scan3A_78, %mul3A_80 : i32
      %iota3A = tpu.iota {dimensions = array<i32: 0>} : vector<16xi32>
      %add3A_82 = vector.broadcast %mul3A_81 : i32 to vector<16xi32>
      %add3A_83 = arith.addi %add3A_82, %iota3A : vector<16xi32>
      %mul3A_84 = arith.constant 16 : i32
      %mul3A_85 = arith.muli %scan3A_78, %mul3A_84 : i32
      %swap3A_86 = arith.index_cast %mul3A_85 : i32 to index
      %swap3A_87 = tpu.vector_load %arg13[%swap3A_86] {strides = array<i32>} : memref<80xi32, #tpu.memory_space<vmem>>, vector<16xi32>,
      tpu.vector_store %arg13[%swap3A_86], %add3A_83 {strides = array<i32>} : memref<80xi32, #tpu.memory_space<vmem>>, vector<16xi32>,
      %scan3A_88 = arith.constant 0 : i32
      scf.yield %scan3A_88 : i32
    }
    %scan3A_37 = arith.constant 5 : i32
    %eq3A = arith.constant 0 : i32
    %eq3A_38 = arith.cmpi eq, %arg1, %eq3A : i32
    %convert_element_type3A = arith.extui %eq3A_38 : i1 to i32
    %cond3A = arith.constant 0 : i32
    %cond3A_39 = arith.cmpi ne, %convert_element_type3A, %cond3A : i32
    scf.if %cond3A_39 {
      "tpu.region"() ({
        %run_scoped3A = tpu.sem_alloc : memref<!tpu.dma_semaphore, #tpu.memory_space<semaphore_mem>>
        tpu.enqueue_dma source(%arg10 : memref<80x128xf32, #tpu.memory_space<vmem>>) target(%arg17 : memref<80x128xf32, #tpu.memory_space<vmem_shared>>) target_semaphore(%run_scoped3A : memref<!tpu.dma_semaphore, #tpu.memory_space<semaphore_mem>>)
        tpu.wait_dma2 semaphore(%run_scoped3A : memref<!tpu.dma_semaphore, #tpu.memory_space<semaphore_mem>>) src(%arg10 : memref<80x128xf32, #tpu.memory_space<vmem>>) dst(%arg17 : memref<80x128xf32, #tpu.memory_space<vmem_shared>>)
        tpu.yield
      }) : () -> ()
    } else {
    }
    %broadcast_in_dim3A = arith.constant -1.000000e+30 : f32
    %broadcast_in_dim3A_40 = vector.broadcast %broadcast_in_dim3A : f32 to vector<16xf32>
    %scan3A_41 = arith.constant 0 : i32
    %scan3A_42 = arith.constant 768 : i32
    %scan3A_43 = arith.addi %scan3A_41, %scan3A_42 : i32
    %scan3A_44 = arith.constant 1 : i32
    %scan3A_45 = scf.for %scan3A_78 = %scan3A_41 to %scan3A_43 step %scan3A_44 iter_args(%scan3A_79 = %broadcast_in_dim3A_40) -> (vector<16xf32>)  : i32 {
      %jit3A = arith.constant 8 : i32
      %div3A = arith.divsi %scan3A_78, %jit3A : i32
      %sign3A = arith.constant 0 : i32
      %sign3A_80 = arith.cmpi sgt, %scan3A_78, %sign3A : i32
      %sign3A_81 = arith.extui %sign3A_80 : i1 to i32
      %sign3A_82 = arith.constant 0 : i32
      %sign3A_83 = arith.cmpi slt, %scan3A_78, %sign3A_82 : i32
      %sign3A_84 = arith.extui %sign3A_83 : i1 to i32
      %sign3A_85 = arith.subi %sign3A_81, %sign3A_84 : i32
      %sign3A_86 = arith.constant 0 : i32
      %sign3A_87 = arith.cmpi sgt, %jit3A, %sign3A_86 : i32
      %sign3A_88 = arith.extui %sign3A_87 : i1 to i32
      %sign3A_89 = arith.constant 0 : i32
      %sign3A_90 = arith.cmpi slt, %jit3A, %sign3A_89 : i32
      %sign3A_91 = arith.extui %sign3A_90 : i1 to i32
      %sign3A_92 = arith.subi %sign3A_88, %sign3A_91 : i32
      %ne3A = arith.cmpi ne, %sign3A_85, %sign3A_92 : i32
      %rem3A = arith.remsi %scan3A_78, %jit3A : i32
      %ne3A_93 = arith.constant 0 : i32
      %ne3A_94 = arith.cmpi ne, %rem3A, %ne3A_93 : i32
      %and3A = arith.andi %ne3A, %ne3A_94 : i1
      %sub3A = arith.constant 1 : i32
      %sub3A_95 = arith.subi %div3A, %sub3A : i32
      %select_n3A = arith.select %and3A, %sub3A_95, %div3A : i32
      %jit3A_96 = arith.constant 8 : i32
      %eq3A_97 = arith.constant 0 : i32
      %eq3A_98 = arith.cmpi eq, %jit3A_96, %eq3A_97 : i32
      %jit3A_99 = arith.constant 1 : i32
      %select_n3A_100 = arith.select %eq3A_98, %jit3A_99, %jit3A_96 : i32
      %rem3A_101 = arith.remsi %scan3A_78, %select_n3A_100 : i32
      %ne3A_102 = arith.constant 0 : i32
      %ne3A_103 = arith.cmpi ne, %rem3A_101, %ne3A_102 : i32
      %lt3A = arith.constant 0 : i32
      %lt3A_104 = arith.cmpi slt, %rem3A_101, %lt3A : i32
      %lt3A_105 = arith.constant 0 : i32
      %lt3A_106 = arith.cmpi slt, %select_n3A_100, %lt3A_105 : i32
      %ne3A_107 = arith.xori %lt3A_104, %lt3A_106 : i1
      %and3A_108 = arith.andi %ne3A_107, %ne3A_103 : i1
      %add3A_109 = arith.addi %rem3A_101, %select_n3A_100 : i32
      %select_n3A_110 = arith.select %and3A_108, %add3A_109, %rem3A_101 : i32
      %mul3A_111 = arith.constant 16 : i32
      %mul3A_112 = arith.muli %select_n3A_110, %mul3A_111 : i32
      %get3A = arith.index_cast %select_n3A : i32 to index
      %get3A_113 = arith.index_cast %mul3A_112 : i32 to index
      %get3A_114 = tpu.vector_load %arg7[%get3A, %get3A_113] {strides = array<i32>} : memref<96x128xi32, #tpu.memory_space<vmem>>, vector<16xi32>,
      %mul3A_115 = arith.constant 2 : i32
      %mul3A_116 = vector.broadcast %mul3A_115 : i32 to vector<16xi32>
      %mul3A_117 = arith.muli %get3A_114, %mul3A_116 : vector<16xi32>
      %gather3A = tpu.vector_load_idx %arg6[%mul3A_117] : memref<20480xf32, #tpu.memory_space<vmem>>[vector<16xi32>], vector<16xf32>,
      %get3A_118 = arith.index_cast %select_n3A : i32 to index
      %get3A_119 = arith.index_cast %mul3A_112 : i32 to index
      %get3A_120 = tpu.vector_load %arg8[%get3A_118, %get3A_119] {strides = array<i32>} : memref<96x128xi32, #tpu.memory_space<vmem>>, vector<16xi32>,
      %mul3A_121 = arith.constant 2 : i32
      %mul3A_122 = vector.broadcast %mul3A_121 : i32 to vector<16xi32>
      %mul3A_123 = arith.muli %get3A_120, %mul3A_122 : vector<16xi32>
      %add3A_124 = arith.constant 1 : i32
      %add3A_125 = vector.broadcast %add3A_124 : i32 to vector<16xi32>
      %add3A_126 = arith.addi %mul3A_123, %add3A_125 : vector<16xi32>
      %gather3A_127 = tpu.vector_load_idx %arg6[%add3A_126] : memref<20480xf32, #tpu.memory_space<vmem>>[vector<16xi32>], vector<16xf32>,
      %add3A_128 = arith.addf %gather3A, %gather3A_127 : vector<16xf32>
      %ge3A = arith.constant 0.000000e+00 : f32
      %ge3A_129 = vector.broadcast %ge3A : f32 to vector<16xf32>
      %ge3A_130 = arith.cmpf oge, %add3A_128, %ge3A_129 : vector<16xf32>
      %mul3A_131 = arith.constant 2.000000e-01 : f32
      %mul3A_132 = vector.broadcast %mul3A_131 : f32 to vector<16xf32>
      %mul3A_133 = arith.mulf %add3A_128, %mul3A_132 : vector<16xf32>
      %select_n3A_134 = arith.select %ge3A_130, %add3A_128, %mul3A_133 : vector<16xi1>, vector<16xf32>
      %swap3A_135 = arith.index_cast %select_n3A : i32 to index
      %swap3A_136 = arith.index_cast %mul3A_112 : i32 to index
      %swap3A_137 = tpu.vector_load %arg9[%swap3A_135, %swap3A_136] {strides = array<i32>} : memref<96x128xf32, #tpu.memory_space<vmem>>, vector<16xf32>,
      tpu.vector_store %arg9[%swap3A_135, %swap3A_136], %select_n3A_134 {strides = array<i32>} : memref<96x128xf32, #tpu.memory_space<vmem>>, vector<16xf32>,
      %max3A = arith.maximumf %scan3A_79, %select_n3A_134 : vector<16xf32>
      scf.yield %max3A : vector<16xf32>
    }
    %scan3A_46 = arith.constant 768 : i32
    %swap3A = arith.constant 0 : index
    %swap3A_47 = tpu.vector_load %arg11[%swap3A] {strides = array<i32>} : memref<16xf32, #tpu.memory_space<vmem>>, vector<16xf32>,
    tpu.vector_store %arg11[%swap3A], %scan3A_45 {strides = array<i32>} : memref<16xf32, #tpu.memory_space<vmem>>, vector<16xf32>,
    "tpu.region"() ({
      %run_scoped3A = tpu.sem_alloc : memref<!tpu.dma_semaphore, #tpu.memory_space<semaphore_mem>>
      %dma_start3A_78 = arith.constant 0 : i32
      %dma_start3A_79 = tpu.memref_slice %arg16[%arg1, %dma_start3A_78] : memref<16x16xf32, #tpu.memory_space<vmem_shared>> -> memref<1x16xf32, #tpu.memory_space<vmem_shared>>
      %dma_start3A_80 = tpu.memref_squeeze %dma_start3A_79 : memref<1x16xf32, #tpu.memory_space<vmem_shared>> -> memref<16xf32, #tpu.memory_space<vmem_shared>>
      %dma_start3A_81 = arith.constant 0 : i32
      %dma_start3A_82 = tpu.memref_slice %arg16[%arg1, %dma_start3A_81] : memref<16x16xf32, #tpu.memory_space<vmem_shared>> -> memref<1x16xf32, #tpu.memory_space<vmem_shared>>
      %dma_start3A_83 = tpu.memref_squeeze %dma_start3A_82 : memref<1x16xf32, #tpu.memory_space<vmem_shared>> -> memref<16xf32, #tpu.memory_space<vmem_shared>>
      tpu.enqueue_dma source(%arg11 : memref<16xf32, #tpu.memory_space<vmem>>) target(%dma_start3A_83 : memref<16xf32, #tpu.memory_space<vmem_shared>>) target_semaphore(%run_scoped3A : memref<!tpu.dma_semaphore, #tpu.memory_space<semaphore_mem>>)
      %dma_wait3A_84 = arith.constant 0 : i32
      %dma_wait3A_85 = tpu.memref_slice %arg16[%arg1, %dma_wait3A_84] : memref<16x16xf32, #tpu.memory_space<vmem_shared>> -> memref<1x16xf32, #tpu.memory_space<vmem_shared>>
      %dma_wait3A_86 = tpu.memref_squeeze %dma_wait3A_85 : memref<1x16xf32, #tpu.memory_space<vmem_shared>> -> memref<16xf32, #tpu.memory_space<vmem_shared>>
      %dma_wait3A_87 = arith.constant 0 : i32
      %dma_wait3A_88 = tpu.memref_slice %arg16[%arg1, %dma_wait3A_87] : memref<16x16xf32, #tpu.memory_space<vmem_shared>> -> memref<1x16xf32, #tpu.memory_space<vmem_shared>>
      %dma_wait3A_89 = tpu.memref_squeeze %dma_wait3A_88 : memref<1x16xf32, #tpu.memory_space<vmem_shared>> -> memref<16xf32, #tpu.memory_space<vmem_shared>>
      tpu.wait_dma2 semaphore(%run_scoped3A : memref<!tpu.dma_semaphore, #tpu.memory_space<semaphore_mem>>) src(%arg11 : memref<16xf32, #tpu.memory_space<vmem>>) dst(%dma_wait3A_89 : memref<16xf32, #tpu.memory_space<vmem_shared>>)
      tpu.yield
    }) : () -> ()
    %barrier3A = arith.constant 0 : index
    tpu.barrier barrier_id(%barrier3A)
    "tpu.region"() ({
      %run_scoped3A = tpu.sem_alloc : memref<!tpu.dma_semaphore, #tpu.memory_space<semaphore_mem>>
      tpu.enqueue_dma source(%arg16 : memref<16x16xf32, #tpu.memory_space<vmem_shared>>) target(%arg12 : memref<16x16xf32, #tpu.memory_space<vmem>>) target_semaphore(%run_scoped3A : memref<!tpu.dma_semaphore, #tpu.memory_space<semaphore_mem>>)
      tpu.wait_dma2 semaphore(%run_scoped3A : memref<!tpu.dma_semaphore, #tpu.memory_space<semaphore_mem>>) src(%arg16 : memref<16x16xf32, #tpu.memory_space<vmem_shared>>) dst(%arg12 : memref<16x16xf32, #tpu.memory_space<vmem>>)
      tpu.yield
    }) : () -> ()
    %broadcast_in_dim3A_48 = arith.constant -1.000000e+30 : f32
    %broadcast_in_dim3A_49 = vector.broadcast %broadcast_in_dim3A_48 : f32 to vector<16xf32>
    %scan3A_50 = arith.constant 0 : i32
    %scan3A_51 = arith.constant 16 : i32
    %scan3A_52 = arith.addi %scan3A_50, %scan3A_51 : i32
    %scan3A_53 = arith.constant 1 : i32
    %scan3A_54 = scf.for %scan3A_78 = %scan3A_50 to %scan3A_52 step %scan3A_53 iter_args(%scan3A_79 = %broadcast_in_dim3A_49) -> (vector<16xf32>)  : i32 {
      %get3A = arith.index_cast %scan3A_78 : i32 to index
      %get3A_80 = arith.constant 0 : index
      %get3A_81 = tpu.vector_load %arg12[%get3A, %get3A_80] {strides = array<i32>} : memref<16x16xf32, #tpu.memory_space<vmem>>, vector<16xf32>,
      %max3A = arith.maximumf %scan3A_79, %get3A_81 : vector<16xf32>
      scf.yield %max3A : vector<16xf32>
    }
    %scan3A_55 = arith.constant 16 : i32
    %reduce_max3A = arith.constant true
    %reduce_max3A_56 = vector.broadcast %reduce_max3A : i1 to vector<16xi1>
    %reduce_max3A_57 = tpu.scan <max>, %scan3A_54 masked %reduce_max3A_56 : vector<16xf32>, vector<16xi1> -> vector<16xf32>
    %reduce_max3A_58 = vector.extract %reduce_max3A_57[15] : f32 from vector<16xf32>
    %scan3A_59 = arith.constant 0 : i32
    %scan3A_60 = arith.constant 0 : i32
    %scan3A_61 = arith.constant 768 : i32
    %scan3A_62 = arith.addi %scan3A_60, %scan3A_61 : i32
    %scan3A_63 = arith.constant 1 : i32
    %scan3A_64 = scf.for %scan3A_78 = %scan3A_60 to %scan3A_62 step %scan3A_63 iter_args(%scan3A_79 = %scan3A_59) -> (i32)  : i32 {
      %jit3A = arith.constant 8 : i32
      %div3A = arith.divsi %scan3A_78, %jit3A : i32
      %sign3A = arith.constant 0 : i32
      %sign3A_80 = arith.cmpi sgt, %scan3A_78, %sign3A : i32
      %sign3A_81 = arith.extui %sign3A_80 : i1 to i32
      %sign3A_82 = arith.constant 0 : i32
      %sign3A_83 = arith.cmpi slt, %scan3A_78, %sign3A_82 : i32
      %sign3A_84 = arith.extui %sign3A_83 : i1 to i32
      %sign3A_85 = arith.subi %sign3A_81, %sign3A_84 : i32
      %sign3A_86 = arith.constant 0 : i32
      %sign3A_87 = arith.cmpi sgt, %jit3A, %sign3A_86 : i32
      %sign3A_88 = arith.extui %sign3A_87 : i1 to i32
      %sign3A_89 = arith.constant 0 : i32
      %sign3A_90 = arith.cmpi slt, %jit3A, %sign3A_89 : i32
      %sign3A_91 = arith.extui %sign3A_90 : i1 to i32
      %sign3A_92 = arith.subi %sign3A_88, %sign3A_91 : i32
      %ne3A = arith.cmpi ne, %sign3A_85, %sign3A_92 : i32
      %rem3A = arith.remsi %scan3A_78, %jit3A : i32
      %ne3A_93 = arith.constant 0 : i32
      %ne3A_94 = arith.cmpi ne, %rem3A, %ne3A_93 : i32
      %and3A = arith.andi %ne3A, %ne3A_94 : i1
      %sub3A = arith.constant 1 : i32
      %sub3A_95 = arith.subi %div3A, %sub3A : i32
      %select_n3A = arith.select %and3A, %sub3A_95, %div3A : i32
      %jit3A_96 = arith.constant 8 : i32
      %eq3A_97 = arith.constant 0 : i32
      %eq3A_98 = arith.cmpi eq, %jit3A_96, %eq3A_97 : i32
      %jit3A_99 = arith.constant 1 : i32
      %select_n3A_100 = arith.select %eq3A_98, %jit3A_99, %jit3A_96 : i32
      %rem3A_101 = arith.remsi %scan3A_78, %select_n3A_100 : i32
      %ne3A_102 = arith.constant 0 : i32
      %ne3A_103 = arith.cmpi ne, %rem3A_101, %ne3A_102 : i32
      %lt3A = arith.constant 0 : i32
      %lt3A_104 = arith.cmpi slt, %rem3A_101, %lt3A : i32
      %lt3A_105 = arith.constant 0 : i32
      %lt3A_106 = arith.cmpi slt, %select_n3A_100, %lt3A_105 : i32
      %ne3A_107 = arith.xori %lt3A_104, %lt3A_106 : i1
      %and3A_108 = arith.andi %ne3A_107, %ne3A_103 : i1
      %add3A_109 = arith.addi %rem3A_101, %select_n3A_100 : i32
      %select_n3A_110 = arith.select %and3A_108, %add3A_109, %rem3A_101 : i32
      %mul3A_111 = arith.constant 16 : i32
      %mul3A_112 = arith.muli %select_n3A_110, %mul3A_111 : i32
      %get3A = arith.index_cast %select_n3A : i32 to index
      %get3A_113 = arith.index_cast %mul3A_112 : i32 to index
      %get3A_114 = tpu.vector_load %arg9[%get3A, %get3A_113] {strides = array<i32>} : memref<96x128xf32, #tpu.memory_space<vmem>>, vector<16xf32>,
      %sub3A_115 = vector.broadcast %reduce_max3A_58 : f32 to vector<16xf32>
      %sub3A_116 = arith.subf %get3A_114, %sub3A_115 : vector<16xf32>
      %exp3A = math.exp %sub3A_116 : vector<16xf32>
      %swap3A_117 = arith.index_cast %select_n3A : i32 to index
      %swap3A_118 = arith.index_cast %mul3A_112 : i32 to index
      %swap3A_119 = tpu.vector_load %arg9[%swap3A_117, %swap3A_118] {strides = array<i32>} : memref<96x128xf32, #tpu.memory_space<vmem>>, vector<16xf32>,
      tpu.vector_store %arg9[%swap3A_117, %swap3A_118], %exp3A {strides = array<i32>} : memref<96x128xf32, #tpu.memory_space<vmem>>, vector<16xf32>,
      %get3A_120 = arith.index_cast %select_n3A : i32 to index
      %get3A_121 = arith.index_cast %mul3A_112 : i32 to index
      %get3A_122 = tpu.vector_load %arg8[%get3A_120, %get3A_121] {strides = array<i32>} : memref<96x128xi32, #tpu.memory_space<vmem>>, vector<16xi32>,
      %shift_right_arithmetic3A = arith.constant 7 : i32
      %shift_right_arithmetic3A_123 = vector.broadcast %shift_right_arithmetic3A : i32 to vector<16xi32>
      %shift_right_arithmetic3A_124 = arith.shrsi %get3A_122, %shift_right_arithmetic3A_123 : vector<16xi32>
      %and3A_125 = arith.constant 127 : i32
      %and3A_126 = vector.broadcast %and3A_125 : i32 to vector<16xi32>
      %and3A_127 = arith.andi %get3A_122, %and3A_126 : vector<16xi32>
      tpu.vector_store_idx %arg10[%shift_right_arithmetic3A_124, %and3A_127], %exp3A {add = true} : memref<80x128xf32, #tpu.memory_space<vmem>>[vector<16xi32>, vector<16xi32>], vector<16xf32>,
      %scan3A_128 = arith.constant 0 : i32
      scf.yield %scan3A_128 : i32
    }
    %scan3A_65 = arith.constant 768 : i32
    "tpu.region"() ({
      %run_scoped3A = tpu.sem_alloc : memref<!tpu.dma_semaphore, #tpu.memory_space<semaphore_mem>>
      %dma_start3A_78 = arith.constant 0 : i32
      %dma_start3A_79 = arith.constant 0 : i32
      %dma_start3A_80 = tpu.memref_slice %arg17[%dma_start3A_78, %dma_start3A_79] : memref<80x128xf32, #tpu.memory_space<vmem_shared>> -> memref<80x128xf32, #tpu.memory_space<vmem_shared>>
      tpu.enqueue_indirect_dma source(%arg10 : memref<80x128xf32, #tpu.memory_space<vmem>>) target(%dma_start3A_80 : memref<80x128xf32, #tpu.memory_space<vmem_shared>>) offsets(%arg13 : memref<80xi32, #tpu.memory_space<vmem>>) semaphore(%run_scoped3A : memref<!tpu.dma_semaphore, #tpu.memory_space<semaphore_mem>>) {add = true}
      %dma_wait3A_81 = arith.constant 0 : i32
      %dma_wait3A_82 = arith.constant 0 : i32
      %dma_wait3A_83 = tpu.memref_slice %arg17[%dma_wait3A_81, %dma_wait3A_82] : memref<80x128xf32, #tpu.memory_space<vmem_shared>> -> memref<80x128xf32, #tpu.memory_space<vmem_shared>>
      tpu.wait_indirect_dma semaphore(%run_scoped3A : memref<!tpu.dma_semaphore, #tpu.memory_space<semaphore_mem>>) src(%arg10 : memref<80x128xf32, #tpu.memory_space<vmem>>) dst(%dma_wait3A_83 : memref<80x128xf32, #tpu.memory_space<vmem_shared>>)
      tpu.yield
    }) : () -> ()
    %barrier3A_66 = arith.constant 0 : index
    tpu.barrier barrier_id(%barrier3A_66)
    "tpu.region"() ({
      %run_scoped3A = tpu.sem_alloc : memref<!tpu.dma_semaphore, #tpu.memory_space<semaphore_mem>>
      tpu.enqueue_dma source(%arg17 : memref<80x128xf32, #tpu.memory_space<vmem_shared>>) target(%arg10 : memref<80x128xf32, #tpu.memory_space<vmem>>) target_semaphore(%run_scoped3A : memref<!tpu.dma_semaphore, #tpu.memory_space<semaphore_mem>>)
      tpu.wait_dma2 semaphore(%run_scoped3A : memref<!tpu.dma_semaphore, #tpu.memory_space<semaphore_mem>>) src(%arg17 : memref<80x128xf32, #tpu.memory_space<vmem_shared>>) dst(%arg10 : memref<80x128xf32, #tpu.memory_space<vmem>>)
      tpu.yield
    }) : () -> ()
    %scan3A_67 = arith.constant 0 : i32
    %scan3A_68 = arith.constant 0 : i32
    %scan3A_69 = arith.constant 768 : i32
    %scan3A_70 = arith.addi %scan3A_68, %scan3A_69 : i32
    %scan3A_71 = arith.constant 1 : i32
    %scan3A_72 = scf.for %scan3A_78 = %scan3A_68 to %scan3A_70 step %scan3A_71 iter_args(%scan3A_79 = %scan3A_67) -> (i32)  : i32 {
      %jit3A = arith.constant 8 : i32
      %div3A = arith.divsi %scan3A_78, %jit3A : i32
      %sign3A = arith.constant 0 : i32
      %sign3A_80 = arith.cmpi sgt, %scan3A_78, %sign3A : i32
      %sign3A_81 = arith.extui %sign3A_80 : i1 to i32
      %sign3A_82 = arith.constant 0 : i32
      %sign3A_83 = arith.cmpi slt, %scan3A_78, %sign3A_82 : i32
      %sign3A_84 = arith.extui %sign3A_83 : i1 to i32
      %sign3A_85 = arith.subi %sign3A_81, %sign3A_84 : i32
      %sign3A_86 = arith.constant 0 : i32
      %sign3A_87 = arith.cmpi sgt, %jit3A, %sign3A_86 : i32
      %sign3A_88 = arith.extui %sign3A_87 : i1 to i32
      %sign3A_89 = arith.constant 0 : i32
      %sign3A_90 = arith.cmpi slt, %jit3A, %sign3A_89 : i32
      %sign3A_91 = arith.extui %sign3A_90 : i1 to i32
      %sign3A_92 = arith.subi %sign3A_88, %sign3A_91 : i32
      %ne3A = arith.cmpi ne, %sign3A_85, %sign3A_92 : i32
      %rem3A = arith.remsi %scan3A_78, %jit3A : i32
      %ne3A_93 = arith.constant 0 : i32
      %ne3A_94 = arith.cmpi ne, %rem3A, %ne3A_93 : i32
      %and3A = arith.andi %ne3A, %ne3A_94 : i1
      %sub3A = arith.constant 1 : i32
      %sub3A_95 = arith.subi %div3A, %sub3A : i32
      %select_n3A = arith.select %and3A, %sub3A_95, %div3A : i32
      %jit3A_96 = arith.constant 8 : i32
      %eq3A_97 = arith.constant 0 : i32
      %eq3A_98 = arith.cmpi eq, %jit3A_96, %eq3A_97 : i32
      %jit3A_99 = arith.constant 1 : i32
      %select_n3A_100 = arith.select %eq3A_98, %jit3A_99, %jit3A_96 : i32
      %rem3A_101 = arith.remsi %scan3A_78, %select_n3A_100 : i32
      %ne3A_102 = arith.constant 0 : i32
      %ne3A_103 = arith.cmpi ne, %rem3A_101, %ne3A_102 : i32
      %lt3A = arith.constant 0 : i32
      %lt3A_104 = arith.cmpi slt, %rem3A_101, %lt3A : i32
      %lt3A_105 = arith.constant 0 : i32
      %lt3A_106 = arith.cmpi slt, %select_n3A_100, %lt3A_105 : i32
      %ne3A_107 = arith.xori %lt3A_104, %lt3A_106 : i1
      %and3A_108 = arith.andi %ne3A_107, %ne3A_103 : i1
      %add3A_109 = arith.addi %rem3A_101, %select_n3A_100 : i32
      %select_n3A_110 = arith.select %and3A_108, %add3A_109, %rem3A_101 : i32
      %mul3A_111 = arith.constant 16 : i32
      %mul3A_112 = arith.muli %select_n3A_110, %mul3A_111 : i32
      %get3A = arith.index_cast %select_n3A : i32 to index
      %get3A_113 = arith.index_cast %mul3A_112 : i32 to index
      %get3A_114 = tpu.vector_load %arg8[%get3A, %get3A_113] {strides = array<i32>} : memref<96x128xi32, #tpu.memory_space<vmem>>, vector<16xi32>,
      %shift_right_arithmetic3A = arith.constant 7 : i32
      %shift_right_arithmetic3A_115 = vector.broadcast %shift_right_arithmetic3A : i32 to vector<16xi32>
      %shift_right_arithmetic3A_116 = arith.shrsi %get3A_114, %shift_right_arithmetic3A_115 : vector<16xi32>
      %and3A_117 = arith.constant 127 : i32
      %and3A_118 = vector.broadcast %and3A_117 : i32 to vector<16xi32>
      %and3A_119 = arith.andi %get3A_114, %and3A_118 : vector<16xi32>
      %gather3A = tpu.vector_load_idx %arg10[%shift_right_arithmetic3A_116, %and3A_119] : memref<80x128xf32, #tpu.memory_space<vmem>>[vector<16xi32>, vector<16xi32>], vector<16xf32>,
      %get3A_120 = arith.index_cast %select_n3A : i32 to index
      %get3A_121 = arith.index_cast %mul3A_112 : i32 to index
      %get3A_122 = tpu.vector_load %arg9[%get3A_120, %get3A_121] {strides = array<i32>} : memref<96x128xf32, #tpu.memory_space<vmem>>, vector<16xf32>,
      %add3A_123 = arith.constant 1.000000e-16 : f32
      %add3A_124 = vector.broadcast %add3A_123 : f32 to vector<16xf32>
      %add3A_125 = arith.addf %gather3A, %add3A_124 : vector<16xf32>
      %div3A_126 = arith.divf %get3A_122, %add3A_125 : vector<16xf32>
      %swap3A_127 = arith.index_cast %select_n3A : i32 to index
      %swap3A_128 = arith.index_cast %mul3A_112 : i32 to index
      %swap3A_129 = tpu.vector_load %arg9[%swap3A_127, %swap3A_128] {strides = array<i32>} : memref<96x128xf32, #tpu.memory_space<vmem>>, vector<16xf32>,
      tpu.vector_store %arg9[%swap3A_127, %swap3A_128], %div3A_126 {strides = array<i32>} : memref<96x128xf32, #tpu.memory_space<vmem>>, vector<16xf32>,
      %scan3A_130 = arith.constant 0 : i32
      scf.yield %scan3A_130 : i32
    }
    %scan3A_73 = arith.constant 768 : i32
    %mul3A_74 = arith.constant 48 : i32
    %mul3A_75 = arith.muli %arg0, %mul3A_74 : i32
    %mul3A_76 = arith.constant 48 : i32
    %mul3A_77 = arith.muli %arg0, %mul3A_76 : i32
    %add3A = arith.addi %mul3A_0, %mul3A_77 : i32
    "tpu.region"() ({
      %run_scoped3A = tpu.sem_alloc : memref<!tpu.dma_semaphore, #tpu.memory_space<semaphore_mem>>
      %dma_start3A_78 = arith.constant 0 : i32
      %dma_start3A_79 = tpu.memref_slice %arg9[%mul3A_75, %dma_start3A_78] : memref<96x128xf32, #tpu.memory_space<vmem>> -> memref<48x128xf32, #tpu.memory_space<vmem>>
      %dma_start3A_80 = arith.constant 0 : i32
      %dma_start3A_81 = tpu.memref_slice %arg5[%add3A, %dma_start3A_80] : memref<1536x128xf32, #tpu.memory_space<hbm>> -> memref<48x128xf32, #tpu.memory_space<hbm>>
      %dma_start3A_82 = arith.constant 0 : i32
      %dma_start3A_83 = tpu.memref_slice %arg5[%add3A, %dma_start3A_82] : memref<1536x128xf32, #tpu.memory_space<hbm>> -> memref<48x128xf32, #tpu.memory_space<hbm>>
      %dma_start3A_84 = arith.constant 0 : i32
      %dma_start3A_85 = tpu.memref_slice %arg9[%mul3A_75, %dma_start3A_84] : memref<96x128xf32, #tpu.memory_space<vmem>> -> memref<48x128xf32, #tpu.memory_space<vmem>>
      tpu.enqueue_dma source(%dma_start3A_85 : memref<48x128xf32, #tpu.memory_space<vmem>>) target(%dma_start3A_83 : memref<48x128xf32, #tpu.memory_space<hbm>>) target_semaphore(%run_scoped3A : memref<!tpu.dma_semaphore, #tpu.memory_space<semaphore_mem>>)
      %dma_wait3A_86 = arith.constant 0 : i32
      %dma_wait3A_87 = tpu.memref_slice %arg9[%mul3A_75, %dma_wait3A_86] : memref<96x128xf32, #tpu.memory_space<vmem>> -> memref<48x128xf32, #tpu.memory_space<vmem>>
      %dma_wait3A_88 = arith.constant 0 : i32
      %dma_wait3A_89 = tpu.memref_slice %arg5[%add3A, %dma_wait3A_88] : memref<1536x128xf32, #tpu.memory_space<hbm>> -> memref<48x128xf32, #tpu.memory_space<hbm>>
      %dma_wait3A_90 = arith.constant 0 : i32
      %dma_wait3A_91 = tpu.memref_slice %arg5[%add3A, %dma_wait3A_90] : memref<1536x128xf32, #tpu.memory_space<hbm>> -> memref<48x128xf32, #tpu.memory_space<hbm>>
      %dma_wait3A_92 = arith.constant 0 : i32
      %dma_wait3A_93 = tpu.memref_slice %arg9[%mul3A_75, %dma_wait3A_92] : memref<96x128xf32, #tpu.memory_space<vmem>> -> memref<48x128xf32, #tpu.memory_space<vmem>>
      tpu.wait_dma2 semaphore(%run_scoped3A : memref<!tpu.dma_semaphore, #tpu.memory_space<semaphore_mem>>) src(%dma_wait3A_93 : memref<48x128xf32, #tpu.memory_space<vmem>>) dst(%dma_wait3A_91 : memref<48x128xf32, #tpu.memory_space<hbm>>)
      tpu.yield
    }) : () -> ()
    return
  }
}

#map = affine_map<(d0, d1) -> (0)>
#map1 = affine_map<(d0, d1) -> (0, 0)>
module attributes {stable_mosaic.version = 14 : i64} {
  func.func @_sc_softmax(%arg0: i32, %arg1: i32, %arg2: memref<20480xf32, #tpu.memory_space<hbm>>, %arg3: memref<1536x128xi32, #tpu.memory_space<hbm>>, %arg4: memref<1536x128xi32, #tpu.memory_space<hbm>>, %arg5: memref<1536x128xf32, #tpu.memory_space<hbm>>, %arg6: memref<20480xf32, #tpu.memory_space<vmem>>, %arg7: memref<96x128xi32, #tpu.memory_space<vmem>>, %arg8: memref<96x128xi32, #tpu.memory_space<vmem>>, %arg9: memref<96x128xf32, #tpu.memory_space<vmem>>, %arg10: memref<80x128xf32, #tpu.memory_space<vmem>>, %arg11: memref<16xf32, #tpu.memory_space<vmem>>, %arg12: memref<16x16xf32, #tpu.memory_space<vmem>>, %arg13: memref<80xi32, #tpu.memory_space<vmem>>, %arg14: memref<96xi32, #tpu.memory_space<vmem>>, %arg15: memref<!tpu.dma_semaphore, #tpu.memory_space<semaphore_mem>>, %arg16: memref<16x16xf32, #tpu.memory_space<vmem_shared>>, %arg17: memref<80x128xf32, #tpu.memory_space<vmem_shared>>) attributes {dimension_semantics = [#tpu.dimension_semantics<core_parallel>, #tpu.dimension_semantics<subcore_parallel>], iteration_bounds = array<i64: 2, 16>, scalar_prefetch = 0 : i64, scratch_operands = 12 : i64, tpu.core_type = #tpu.core_type<sc_vector_subcore>, window_params = [{transform_indices = #map}, {transform_indices = #map1}, {transform_indices = #map1}, {transform_indices = #map1}]} {
    %mul3A = arith.constant 96 : i32
    %mul3A_0 = arith.muli %arg1, %mul3A : i32
    "tpu.region"() ({
      %run_scoped3A = tpu.sem_alloc : memref<!tpu.dma_semaphore, #tpu.memory_space<semaphore_mem>>
      tpu.enqueue_dma source(%arg2 : memref<20480xf32, #tpu.memory_space<hbm>>) target(%arg6 : memref<20480xf32, #tpu.memory_space<vmem>>) target_semaphore(%run_scoped3A : memref<!tpu.dma_semaphore, #tpu.memory_space<semaphore_mem>>)
      tpu.wait_dma2 semaphore(%run_scoped3A : memref<!tpu.dma_semaphore, #tpu.memory_space<semaphore_mem>>) src(%arg2 : memref<20480xf32, #tpu.memory_space<hbm>>) dst(%arg6 : memref<20480xf32, #tpu.memory_space<vmem>>)
      tpu.yield
    }) : () -> ()
    %scan3A = arith.constant 0 : i32
    %scan3A_1 = arith.constant 0 : i32
    %scan3A_2 = arith.constant 30 : i32
    %scan3A_3 = arith.addi %scan3A_1, %scan3A_2 : i32
    %scan3A_4 = arith.constant 1 : i32
    %scan3A_5 = scf.for %scan3A_78 = %scan3A_1 to %scan3A_3 step %scan3A_4 iter_args(%scan3A_79 = %scan3A) -> (i32)  : i32 {
      %broadcast_in_dim3A_80 = arith.constant 0.000000e+00 : f32
      %broadcast_in_dim3A_81 = vector.broadcast %broadcast_in_dim3A_80 : f32 to vector<16xf32>
      %mul3A_82 = arith.constant 16 : i32
      %mul3A_83 = arith.muli %scan3A_78, %mul3A_82 : i32
      %add3A_84 = arith.constant 20000 : i32
      %add3A_85 = arith.addi %add3A_84, %mul3A_83 : i32
      %swap3A_86 = arith.index_cast %add3A_85 : i32 to index
      %swap3A_87 = tpu.vector_load %arg6[%swap3A_86] {strides = array<i32>} : memref<20480xf32, #tpu.memory_space<vmem>>, vector<16xf32>,
      tpu.vector_store %arg6[%swap3A_86], %broadcast_in_dim3A_81 {strides = array<i32>} : memref<20480xf32, #tpu.memory_space<vmem>>, vector<16xf32>,
      %scan3A_88 = arith.constant 0 : i32
      scf.yield %scan3A_88 : i32
    }
    %scan3A_6 = arith.constant 30 : i32
    %scan3A_7 = arith.constant 0 : i32
    %scan3A_8 = arith.constant 0 : i32
    %scan3A_9 = arith.constant 6 : i32
    %scan3A_10 = arith.addi %scan3A_8, %scan3A_9 : i32
    %scan3A_11 = arith.constant 1 : i32
    %scan3A_12 = scf.for %scan3A_78 = %scan3A_8 to %scan3A_10 step %scan3A_11 iter_args(%scan3A_79 = %scan3A_7) -> (i32)  : i32 {
      %mul3A_80 = arith.constant 16 : i32
      %mul3A_81 = arith.muli %scan3A_78, %mul3A_80 : i32
      %add3A_82 = arith.addi %mul3A_0, %mul3A_81 : i32
      %iota3A = tpu.iota {dimensions = array<i32: 0>} : vector<16xi32>
      %add3A_83 = vector.broadcast %add3A_82 : i32 to vector<16xi32>
      %add3A_84 = arith.addi %add3A_83, %iota3A : vector<16xi32>
      %mul3A_85 = arith.constant 16 : i32
      %mul3A_86 = arith.muli %scan3A_78, %mul3A_85 : i32
      %swap3A_87 = arith.index_cast %mul3A_86 : i32 to index
      %swap3A_88 = tpu.vector_load %arg14[%swap3A_87] {strides = array<i32>} : memref<96xi32, #tpu.memory_space<vmem>>, vector<16xi32>,
      tpu.vector_store %arg14[%swap3A_87], %add3A_84 {strides = array<i32>} : memref<96xi32, #tpu.memory_space<vmem>>, vector<16xi32>,
      %scan3A_89 = arith.constant 0 : i32
      scf.yield %scan3A_89 : i32
    }
    %scan3A_13 = arith.constant 6 : i32
    %dma_start3A = arith.constant 0 : i32
    %dma_start3A_14 = arith.constant 0 : i32
    %dma_start3A_15 = tpu.memref_slice %arg3[%dma_start3A, %dma_start3A_14] : memref<1536x128xi32, #tpu.memory_space<hbm>> -> memref<1536x128xi32, #tpu.memory_space<hbm>>
    tpu.enqueue_indirect_dma source(%dma_start3A_15 : memref<1536x128xi32, #tpu.memory_space<hbm>>) target(%arg7 : memref<96x128xi32, #tpu.memory_space<vmem>>) offsets(%arg14 : memref<96xi32, #tpu.memory_space<vmem>>) semaphore(%arg15 : memref<!tpu.dma_semaphore, #tpu.memory_space<semaphore_mem>>)
    %dma_wait3A = arith.constant 0 : i32
    %dma_wait3A_16 = arith.constant 0 : i32
    %dma_wait3A_17 = tpu.memref_slice %arg3[%dma_wait3A, %dma_wait3A_16] : memref<1536x128xi32, #tpu.memory_space<hbm>> -> memref<1536x128xi32, #tpu.memory_space<hbm>>
    tpu.wait_indirect_dma semaphore(%arg15 : memref<!tpu.dma_semaphore, #tpu.memory_space<semaphore_mem>>) src(%dma_wait3A_17 : memref<1536x128xi32, #tpu.memory_space<hbm>>) dst(%arg7 : memref<96x128xi32, #tpu.memory_space<vmem>>)
    %dma_start3A_18 = arith.constant 0 : i32
    %dma_start3A_19 = arith.constant 0 : i32
    %dma_start3A_20 = tpu.memref_slice %arg4[%dma_start3A_18, %dma_start3A_19] : memref<1536x128xi32, #tpu.memory_space<hbm>> -> memref<1536x128xi32, #tpu.memory_space<hbm>>
    tpu.enqueue_indirect_dma source(%dma_start3A_20 : memref<1536x128xi32, #tpu.memory_space<hbm>>) target(%arg8 : memref<96x128xi32, #tpu.memory_space<vmem>>) offsets(%arg14 : memref<96xi32, #tpu.memory_space<vmem>>) semaphore(%arg15 : memref<!tpu.dma_semaphore, #tpu.memory_space<semaphore_mem>>)
    %dma_wait3A_21 = arith.constant 0 : i32
    %dma_wait3A_22 = arith.constant 0 : i32
    %dma_wait3A_23 = tpu.memref_slice %arg4[%dma_wait3A_21, %dma_wait3A_22] : memref<1536x128xi32, #tpu.memory_space<hbm>> -> memref<1536x128xi32, #tpu.memory_space<hbm>>
    tpu.wait_indirect_dma semaphore(%arg15 : memref<!tpu.dma_semaphore, #tpu.memory_space<semaphore_mem>>) src(%dma_wait3A_23 : memref<1536x128xi32, #tpu.memory_space<hbm>>) dst(%arg8 : memref<96x128xi32, #tpu.memory_space<vmem>>)
    %scan3A_24 = arith.constant 0 : i32
    %scan3A_25 = arith.constant 0 : i32
    %scan3A_26 = arith.constant 640 : i32
    %scan3A_27 = arith.addi %scan3A_25, %scan3A_26 : i32
    %scan3A_28 = arith.constant 1 : i32
    %scan3A_29 = scf.for %scan3A_78 = %scan3A_25 to %scan3A_27 step %scan3A_28 iter_args(%scan3A_79 = %scan3A_24) -> (i32)  : i32 {
      %broadcast_in_dim3A_80 = arith.constant 0.000000e+00 : f32
      %broadcast_in_dim3A_81 = vector.broadcast %broadcast_in_dim3A_80 : f32 to vector<16xf32>
      %jit3A = arith.constant 8 : i32
      %div3A = arith.divsi %scan3A_78, %jit3A : i32
      %sign3A = arith.constant 0 : i32
      %sign3A_82 = arith.cmpi sgt, %scan3A_78, %sign3A : i32
      %sign3A_83 = arith.extui %sign3A_82 : i1 to i32
      %sign3A_84 = arith.constant 0 : i32
      %sign3A_85 = arith.cmpi slt, %scan3A_78, %sign3A_84 : i32
      %sign3A_86 = arith.extui %sign3A_85 : i1 to i32
      %sign3A_87 = arith.subi %sign3A_83, %sign3A_86 : i32
      %sign3A_88 = arith.constant 0 : i32
      %sign3A_89 = arith.cmpi sgt, %jit3A, %sign3A_88 : i32
      %sign3A_90 = arith.extui %sign3A_89 : i1 to i32
      %sign3A_91 = arith.constant 0 : i32
      %sign3A_92 = arith.cmpi slt, %jit3A, %sign3A_91 : i32
      %sign3A_93 = arith.extui %sign3A_92 : i1 to i32
      %sign3A_94 = arith.subi %sign3A_90, %sign3A_93 : i32
      %ne3A = arith.cmpi ne, %sign3A_87, %sign3A_94 : i32
      %rem3A = arith.remsi %scan3A_78, %jit3A : i32
      %ne3A_95 = arith.constant 0 : i32
      %ne3A_96 = arith.cmpi ne, %rem3A, %ne3A_95 : i32
      %and3A = arith.andi %ne3A, %ne3A_96 : i1
      %sub3A = arith.constant 1 : i32
      %sub3A_97 = arith.subi %div3A, %sub3A : i32
      %select_n3A = arith.select %and3A, %sub3A_97, %div3A : i32
      %jit3A_98 = arith.constant 8 : i32
      %eq3A_99 = arith.constant 0 : i32
      %eq3A_100 = arith.cmpi eq, %jit3A_98, %eq3A_99 : i32
      %jit3A_101 = arith.constant 1 : i32
      %select_n3A_102 = arith.select %eq3A_100, %jit3A_101, %jit3A_98 : i32
      %rem3A_103 = arith.remsi %scan3A_78, %select_n3A_102 : i32
      %ne3A_104 = arith.constant 0 : i32
      %ne3A_105 = arith.cmpi ne, %rem3A_103, %ne3A_104 : i32
      %lt3A = arith.constant 0 : i32
      %lt3A_106 = arith.cmpi slt, %rem3A_103, %lt3A : i32
      %lt3A_107 = arith.constant 0 : i32
      %lt3A_108 = arith.cmpi slt, %select_n3A_102, %lt3A_107 : i32
      %ne3A_109 = arith.xori %lt3A_106, %lt3A_108 : i1
      %and3A_110 = arith.andi %ne3A_109, %ne3A_105 : i1
      %add3A_111 = arith.addi %rem3A_103, %select_n3A_102 : i32
      %select_n3A_112 = arith.select %and3A_110, %add3A_111, %rem3A_103 : i32
      %mul3A_113 = arith.constant 16 : i32
      %mul3A_114 = arith.muli %select_n3A_112, %mul3A_113 : i32
      %swap3A_115 = arith.index_cast %select_n3A : i32 to index
      %swap3A_116 = arith.index_cast %mul3A_114 : i32 to index
      %swap3A_117 = tpu.vector_load %arg10[%swap3A_115, %swap3A_116] {strides = array<i32>} : memref<80x128xf32, #tpu.memory_space<vmem>>, vector<16xf32>,
      tpu.vector_store %arg10[%swap3A_115, %swap3A_116], %broadcast_in_dim3A_81 {strides = array<i32>} : memref<80x128xf32, #tpu.memory_space<vmem>>, vector<16xf32>,
      %scan3A_118 = arith.constant 0 : i32
      scf.yield %scan3A_118 : i32
    }
    %scan3A_30 = arith.constant 640 : i32
    %scan3A_31 = arith.constant 0 : i32
    %scan3A_32 = arith.constant 0 : i32
    %scan3A_33 = arith.constant 5 : i32
    %scan3A_34 = arith.addi %scan3A_32, %scan3A_33 : i32
    %scan3A_35 = arith.constant 1 : i32
    %scan3A_36 = scf.for %scan3A_78 = %scan3A_32 to %scan3A_34 step %scan3A_35 iter_args(%scan3A_79 = %scan3A_31) -> (i32)  : i32 {
      %mul3A_80 = arith.constant 16 : i32
      %mul3A_81 = arith.muli %scan3A_78, %mul3A_80 : i32
      %iota3A = tpu.iota {dimensions = array<i32: 0>} : vector<16xi32>
      %add3A_82 = vector.broadcast %mul3A_81 : i32 to vector<16xi32>
      %add3A_83 = arith.addi %add3A_82, %iota3A : vector<16xi32>
      %mul3A_84 = arith.constant 16 : i32
      %mul3A_85 = arith.muli %scan3A_78, %mul3A_84 : i32
      %swap3A_86 = arith.index_cast %mul3A_85 : i32 to index
      %swap3A_87 = tpu.vector_load %arg13[%swap3A_86] {strides = array<i32>} : memref<80xi32, #tpu.memory_space<vmem>>, vector<16xi32>,
      tpu.vector_store %arg13[%swap3A_86], %add3A_83 {strides = array<i32>} : memref<80xi32, #tpu.memory_space<vmem>>, vector<16xi32>,
      %scan3A_88 = arith.constant 0 : i32
      scf.yield %scan3A_88 : i32
    }
    %scan3A_37 = arith.constant 5 : i32
    %eq3A = arith.constant 0 : i32
    %eq3A_38 = arith.cmpi eq, %arg1, %eq3A : i32
    %convert_element_type3A = arith.extui %eq3A_38 : i1 to i32
    %cond3A = arith.constant 0 : i32
    %cond3A_39 = arith.cmpi ne, %convert_element_type3A, %cond3A : i32
    scf.if %cond3A_39 {
      "tpu.region"() ({
        %run_scoped3A = tpu.sem_alloc : memref<!tpu.dma_semaphore, #tpu.memory_space<semaphore_mem>>
        tpu.enqueue_dma source(%arg10 : memref<80x128xf32, #tpu.memory_space<vmem>>) target(%arg17 : memref<80x128xf32, #tpu.memory_space<vmem_shared>>) target_semaphore(%run_scoped3A : memref<!tpu.dma_semaphore, #tpu.memory_space<semaphore_mem>>)
        tpu.wait_dma2 semaphore(%run_scoped3A : memref<!tpu.dma_semaphore, #tpu.memory_space<semaphore_mem>>) src(%arg10 : memref<80x128xf32, #tpu.memory_space<vmem>>) dst(%arg17 : memref<80x128xf32, #tpu.memory_space<vmem_shared>>)
        tpu.yield
      }) : () -> ()
    } else {
    }
    %broadcast_in_dim3A = arith.constant -1.000000e+30 : f32
    %broadcast_in_dim3A_40 = vector.broadcast %broadcast_in_dim3A : f32 to vector<16xf32>
    %scan3A_41 = arith.constant 0 : i32
    %scan3A_42 = arith.constant 768 : i32
    %scan3A_43 = arith.addi %scan3A_41, %scan3A_42 : i32
    %scan3A_44 = arith.constant 1 : i32
    %scan3A_45 = scf.for %scan3A_78 = %scan3A_41 to %scan3A_43 step %scan3A_44 iter_args(%scan3A_79 = %broadcast_in_dim3A_40) -> (vector<16xf32>)  : i32 {
      %jit3A = arith.constant 8 : i32
      %div3A = arith.divsi %scan3A_78, %jit3A : i32
      %sign3A = arith.constant 0 : i32
      %sign3A_80 = arith.cmpi sgt, %scan3A_78, %sign3A : i32
      %sign3A_81 = arith.extui %sign3A_80 : i1 to i32
      %sign3A_82 = arith.constant 0 : i32
      %sign3A_83 = arith.cmpi slt, %scan3A_78, %sign3A_82 : i32
      %sign3A_84 = arith.extui %sign3A_83 : i1 to i32
      %sign3A_85 = arith.subi %sign3A_81, %sign3A_84 : i32
      %sign3A_86 = arith.constant 0 : i32
      %sign3A_87 = arith.cmpi sgt, %jit3A, %sign3A_86 : i32
      %sign3A_88 = arith.extui %sign3A_87 : i1 to i32
      %sign3A_89 = arith.constant 0 : i32
      %sign3A_90 = arith.cmpi slt, %jit3A, %sign3A_89 : i32
      %sign3A_91 = arith.extui %sign3A_90 : i1 to i32
      %sign3A_92 = arith.subi %sign3A_88, %sign3A_91 : i32
      %ne3A = arith.cmpi ne, %sign3A_85, %sign3A_92 : i32
      %rem3A = arith.remsi %scan3A_78, %jit3A : i32
      %ne3A_93 = arith.constant 0 : i32
      %ne3A_94 = arith.cmpi ne, %rem3A, %ne3A_93 : i32
      %and3A = arith.andi %ne3A, %ne3A_94 : i1
      %sub3A = arith.constant 1 : i32
      %sub3A_95 = arith.subi %div3A, %sub3A : i32
      %select_n3A = arith.select %and3A, %sub3A_95, %div3A : i32
      %jit3A_96 = arith.constant 8 : i32
      %eq3A_97 = arith.constant 0 : i32
      %eq3A_98 = arith.cmpi eq, %jit3A_96, %eq3A_97 : i32
      %jit3A_99 = arith.constant 1 : i32
      %select_n3A_100 = arith.select %eq3A_98, %jit3A_99, %jit3A_96 : i32
      %rem3A_101 = arith.remsi %scan3A_78, %select_n3A_100 : i32
      %ne3A_102 = arith.constant 0 : i32
      %ne3A_103 = arith.cmpi ne, %rem3A_101, %ne3A_102 : i32
      %lt3A = arith.constant 0 : i32
      %lt3A_104 = arith.cmpi slt, %rem3A_101, %lt3A : i32
      %lt3A_105 = arith.constant 0 : i32
      %lt3A_106 = arith.cmpi slt, %select_n3A_100, %lt3A_105 : i32
      %ne3A_107 = arith.xori %lt3A_104, %lt3A_106 : i1
      %and3A_108 = arith.andi %ne3A_107, %ne3A_103 : i1
      %add3A_109 = arith.addi %rem3A_101, %select_n3A_100 : i32
      %select_n3A_110 = arith.select %and3A_108, %add3A_109, %rem3A_101 : i32
      %mul3A_111 = arith.constant 16 : i32
      %mul3A_112 = arith.muli %select_n3A_110, %mul3A_111 : i32
      %get3A = arith.index_cast %select_n3A : i32 to index
      %get3A_113 = arith.index_cast %mul3A_112 : i32 to index
      %get3A_114 = tpu.vector_load %arg7[%get3A, %get3A_113] {strides = array<i32>} : memref<96x128xi32, #tpu.memory_space<vmem>>, vector<16xi32>,
      %mul3A_115 = arith.constant 2 : i32
      %mul3A_116 = vector.broadcast %mul3A_115 : i32 to vector<16xi32>
      %mul3A_117 = arith.muli %get3A_114, %mul3A_116 : vector<16xi32>
      %gather3A = tpu.vector_load_idx %arg6[%mul3A_117] : memref<20480xf32, #tpu.memory_space<vmem>>[vector<16xi32>], vector<16xf32>,
      %get3A_118 = arith.index_cast %select_n3A : i32 to index
      %get3A_119 = arith.index_cast %mul3A_112 : i32 to index
      %get3A_120 = tpu.vector_load %arg8[%get3A_118, %get3A_119] {strides = array<i32>} : memref<96x128xi32, #tpu.memory_space<vmem>>, vector<16xi32>,
      %mul3A_121 = arith.constant 2 : i32
      %mul3A_122 = vector.broadcast %mul3A_121 : i32 to vector<16xi32>
      %mul3A_123 = arith.muli %get3A_120, %mul3A_122 : vector<16xi32>
      %add3A_124 = arith.constant 1 : i32
      %add3A_125 = vector.broadcast %add3A_124 : i32 to vector<16xi32>
      %add3A_126 = arith.addi %mul3A_123, %add3A_125 : vector<16xi32>
      %gather3A_127 = tpu.vector_load_idx %arg6[%add3A_126] : memref<20480xf32, #tpu.memory_space<vmem>>[vector<16xi32>], vector<16xf32>,
      %add3A_128 = arith.addf %gather3A, %gather3A_127 : vector<16xf32>
      %ge3A = arith.constant 0.000000e+00 : f32
      %ge3A_129 = vector.broadcast %ge3A : f32 to vector<16xf32>
      %ge3A_130 = arith.cmpf oge, %add3A_128, %ge3A_129 : vector<16xf32>
      %mul3A_131 = arith.constant 2.000000e-01 : f32
      %mul3A_132 = vector.broadcast %mul3A_131 : f32 to vector<16xf32>
      %mul3A_133 = arith.mulf %add3A_128, %mul3A_132 : vector<16xf32>
      %select_n3A_134 = arith.select %ge3A_130, %add3A_128, %mul3A_133 : vector<16xi1>, vector<16xf32>
      %swap3A_135 = arith.index_cast %select_n3A : i32 to index
      %swap3A_136 = arith.index_cast %mul3A_112 : i32 to index
      %swap3A_137 = tpu.vector_load %arg9[%swap3A_135, %swap3A_136] {strides = array<i32>} : memref<96x128xf32, #tpu.memory_space<vmem>>, vector<16xf32>,
      tpu.vector_store %arg9[%swap3A_135, %swap3A_136], %select_n3A_134 {strides = array<i32>} : memref<96x128xf32, #tpu.memory_space<vmem>>, vector<16xf32>,
      %max3A = arith.maximumf %scan3A_79, %select_n3A_134 : vector<16xf32>
      scf.yield %max3A : vector<16xf32>
    }
    %scan3A_46 = arith.constant 768 : i32
    %swap3A = arith.constant 0 : index
    %swap3A_47 = tpu.vector_load %arg11[%swap3A] {strides = array<i32>} : memref<16xf32, #tpu.memory_space<vmem>>, vector<16xf32>,
    tpu.vector_store %arg11[%swap3A], %scan3A_45 {strides = array<i32>} : memref<16xf32, #tpu.memory_space<vmem>>, vector<16xf32>,
    "tpu.region"() ({
      %run_scoped3A = tpu.sem_alloc : memref<!tpu.dma_semaphore, #tpu.memory_space<semaphore_mem>>
      %dma_start3A_78 = arith.constant 0 : i32
      %dma_start3A_79 = tpu.memref_slice %arg16[%arg1, %dma_start3A_78] : memref<16x16xf32, #tpu.memory_space<vmem_shared>> -> memref<1x16xf32, #tpu.memory_space<vmem_shared>>
      %dma_start3A_80 = tpu.memref_squeeze %dma_start3A_79 : memref<1x16xf32, #tpu.memory_space<vmem_shared>> -> memref<16xf32, #tpu.memory_space<vmem_shared>>
      %dma_start3A_81 = arith.constant 0 : i32
      %dma_start3A_82 = tpu.memref_slice %arg16[%arg1, %dma_start3A_81] : memref<16x16xf32, #tpu.memory_space<vmem_shared>> -> memref<1x16xf32, #tpu.memory_space<vmem_shared>>
      %dma_start3A_83 = tpu.memref_squeeze %dma_start3A_82 : memref<1x16xf32, #tpu.memory_space<vmem_shared>> -> memref<16xf32, #tpu.memory_space<vmem_shared>>
      tpu.enqueue_dma source(%arg11 : memref<16xf32, #tpu.memory_space<vmem>>) target(%dma_start3A_83 : memref<16xf32, #tpu.memory_space<vmem_shared>>) target_semaphore(%run_scoped3A : memref<!tpu.dma_semaphore, #tpu.memory_space<semaphore_mem>>)
      %dma_wait3A_84 = arith.constant 0 : i32
      %dma_wait3A_85 = tpu.memref_slice %arg16[%arg1, %dma_wait3A_84] : memref<16x16xf32, #tpu.memory_space<vmem_shared>> -> memref<1x16xf32, #tpu.memory_space<vmem_shared>>
      %dma_wait3A_86 = tpu.memref_squeeze %dma_wait3A_85 : memref<1x16xf32, #tpu.memory_space<vmem_shared>> -> memref<16xf32, #tpu.memory_space<vmem_shared>>
      %dma_wait3A_87 = arith.constant 0 : i32
      %dma_wait3A_88 = tpu.memref_slice %arg16[%arg1, %dma_wait3A_87] : memref<16x16xf32, #tpu.memory_space<vmem_shared>> -> memref<1x16xf32, #tpu.memory_space<vmem_shared>>
      %dma_wait3A_89 = tpu.memref_squeeze %dma_wait3A_88 : memref<1x16xf32, #tpu.memory_space<vmem_shared>> -> memref<16xf32, #tpu.memory_space<vmem_shared>>
      tpu.wait_dma2 semaphore(%run_scoped3A : memref<!tpu.dma_semaphore, #tpu.memory_space<semaphore_mem>>) src(%arg11 : memref<16xf32, #tpu.memory_space<vmem>>) dst(%dma_wait3A_89 : memref<16xf32, #tpu.memory_space<vmem_shared>>)
      tpu.yield
    }) : () -> ()
    %barrier3A = arith.constant 0 : index
    tpu.barrier barrier_id(%barrier3A)
    "tpu.region"() ({
      %run_scoped3A = tpu.sem_alloc : memref<!tpu.dma_semaphore, #tpu.memory_space<semaphore_mem>>
      tpu.enqueue_dma source(%arg16 : memref<16x16xf32, #tpu.memory_space<vmem_shared>>) target(%arg12 : memref<16x16xf32, #tpu.memory_space<vmem>>) target_semaphore(%run_scoped3A : memref<!tpu.dma_semaphore, #tpu.memory_space<semaphore_mem>>)
      tpu.wait_dma2 semaphore(%run_scoped3A : memref<!tpu.dma_semaphore, #tpu.memory_space<semaphore_mem>>) src(%arg16 : memref<16x16xf32, #tpu.memory_space<vmem_shared>>) dst(%arg12 : memref<16x16xf32, #tpu.memory_space<vmem>>)
      tpu.yield
    }) : () -> ()
    %broadcast_in_dim3A_48 = arith.constant -1.000000e+30 : f32
    %broadcast_in_dim3A_49 = vector.broadcast %broadcast_in_dim3A_48 : f32 to vector<16xf32>
    %scan3A_50 = arith.constant 0 : i32
    %scan3A_51 = arith.constant 16 : i32
    %scan3A_52 = arith.addi %scan3A_50, %scan3A_51 : i32
    %scan3A_53 = arith.constant 1 : i32
    %scan3A_54 = scf.for %scan3A_78 = %scan3A_50 to %scan3A_52 step %scan3A_53 iter_args(%scan3A_79 = %broadcast_in_dim3A_49) -> (vector<16xf32>)  : i32 {
      %get3A = arith.index_cast %scan3A_78 : i32 to index
      %get3A_80 = arith.constant 0 : index
      %get3A_81 = tpu.vector_load %arg12[%get3A, %get3A_80] {strides = array<i32>} : memref<16x16xf32, #tpu.memory_space<vmem>>, vector<16xf32>,
      %max3A = arith.maximumf %scan3A_79, %get3A_81 : vector<16xf32>
      scf.yield %max3A : vector<16xf32>
    }
    %scan3A_55 = arith.constant 16 : i32
    %reduce_max3A = arith.constant true
    %reduce_max3A_56 = vector.broadcast %reduce_max3A : i1 to vector<16xi1>
    %reduce_max3A_57 = tpu.scan <max>, %scan3A_54 masked %reduce_max3A_56 : vector<16xf32>, vector<16xi1> -> vector<16xf32>
    %reduce_max3A_58 = vector.extract %reduce_max3A_57[15] : f32 from vector<16xf32>
    %scan3A_59 = arith.constant 0 : i32
    %scan3A_60 = arith.constant 0 : i32
    %scan3A_61 = arith.constant 768 : i32
    %scan3A_62 = arith.addi %scan3A_60, %scan3A_61 : i32
    %scan3A_63 = arith.constant 1 : i32
    %scan3A_64 = scf.for %scan3A_78 = %scan3A_60 to %scan3A_62 step %scan3A_63 iter_args(%scan3A_79 = %scan3A_59) -> (i32)  : i32 {
      %jit3A = arith.constant 8 : i32
      %div3A = arith.divsi %scan3A_78, %jit3A : i32
      %sign3A = arith.constant 0 : i32
      %sign3A_80 = arith.cmpi sgt, %scan3A_78, %sign3A : i32
      %sign3A_81 = arith.extui %sign3A_80 : i1 to i32
      %sign3A_82 = arith.constant 0 : i32
      %sign3A_83 = arith.cmpi slt, %scan3A_78, %sign3A_82 : i32
      %sign3A_84 = arith.extui %sign3A_83 : i1 to i32
      %sign3A_85 = arith.subi %sign3A_81, %sign3A_84 : i32
      %sign3A_86 = arith.constant 0 : i32
      %sign3A_87 = arith.cmpi sgt, %jit3A, %sign3A_86 : i32
      %sign3A_88 = arith.extui %sign3A_87 : i1 to i32
      %sign3A_89 = arith.constant 0 : i32
      %sign3A_90 = arith.cmpi slt, %jit3A, %sign3A_89 : i32
      %sign3A_91 = arith.extui %sign3A_90 : i1 to i32
      %sign3A_92 = arith.subi %sign3A_88, %sign3A_91 : i32
      %ne3A = arith.cmpi ne, %sign3A_85, %sign3A_92 : i32
      %rem3A = arith.remsi %scan3A_78, %jit3A : i32
      %ne3A_93 = arith.constant 0 : i32
      %ne3A_94 = arith.cmpi ne, %rem3A, %ne3A_93 : i32
      %and3A = arith.andi %ne3A, %ne3A_94 : i1
      %sub3A = arith.constant 1 : i32
      %sub3A_95 = arith.subi %div3A, %sub3A : i32
      %select_n3A = arith.select %and3A, %sub3A_95, %div3A : i32
      %jit3A_96 = arith.constant 8 : i32
      %eq3A_97 = arith.constant 0 : i32
      %eq3A_98 = arith.cmpi eq, %jit3A_96, %eq3A_97 : i32
      %jit3A_99 = arith.constant 1 : i32
      %select_n3A_100 = arith.select %eq3A_98, %jit3A_99, %jit3A_96 : i32
      %rem3A_101 = arith.remsi %scan3A_78, %select_n3A_100 : i32
      %ne3A_102 = arith.constant 0 : i32
      %ne3A_103 = arith.cmpi ne, %rem3A_101, %ne3A_102 : i32
      %lt3A = arith.constant 0 : i32
      %lt3A_104 = arith.cmpi slt, %rem3A_101, %lt3A : i32
      %lt3A_105 = arith.constant 0 : i32
      %lt3A_106 = arith.cmpi slt, %select_n3A_100, %lt3A_105 : i32
      %ne3A_107 = arith.xori %lt3A_104, %lt3A_106 : i1
      %and3A_108 = arith.andi %ne3A_107, %ne3A_103 : i1
      %add3A_109 = arith.addi %rem3A_101, %select_n3A_100 : i32
      %select_n3A_110 = arith.select %and3A_108, %add3A_109, %rem3A_101 : i32
      %mul3A_111 = arith.constant 16 : i32
      %mul3A_112 = arith.muli %select_n3A_110, %mul3A_111 : i32
      %get3A = arith.index_cast %select_n3A : i32 to index
      %get3A_113 = arith.index_cast %mul3A_112 : i32 to index
      %get3A_114 = tpu.vector_load %arg9[%get3A, %get3A_113] {strides = array<i32>} : memref<96x128xf32, #tpu.memory_space<vmem>>, vector<16xf32>,
      %sub3A_115 = vector.broadcast %reduce_max3A_58 : f32 to vector<16xf32>
      %sub3A_116 = arith.subf %get3A_114, %sub3A_115 : vector<16xf32>
      %exp3A = math.exp %sub3A_116 : vector<16xf32>
      %swap3A_117 = arith.index_cast %select_n3A : i32 to index
      %swap3A_118 = arith.index_cast %mul3A_112 : i32 to index
      %swap3A_119 = tpu.vector_load %arg9[%swap3A_117, %swap3A_118] {strides = array<i32>} : memref<96x128xf32, #tpu.memory_space<vmem>>, vector<16xf32>,
      tpu.vector_store %arg9[%swap3A_117, %swap3A_118], %exp3A {strides = array<i32>} : memref<96x128xf32, #tpu.memory_space<vmem>>, vector<16xf32>,
      %get3A_120 = arith.index_cast %select_n3A : i32 to index
      %get3A_121 = arith.index_cast %mul3A_112 : i32 to index
      %get3A_122 = tpu.vector_load %arg8[%get3A_120, %get3A_121] {strides = array<i32>} : memref<96x128xi32, #tpu.memory_space<vmem>>, vector<16xi32>,
      %shift_right_arithmetic3A = arith.constant 7 : i32
      %shift_right_arithmetic3A_123 = vector.broadcast %shift_right_arithmetic3A : i32 to vector<16xi32>
      %shift_right_arithmetic3A_124 = arith.shrsi %get3A_122, %shift_right_arithmetic3A_123 : vector<16xi32>
      %and3A_125 = arith.constant 127 : i32
      %and3A_126 = vector.broadcast %and3A_125 : i32 to vector<16xi32>
      %and3A_127 = arith.andi %get3A_122, %and3A_126 : vector<16xi32>
      tpu.vector_store_idx %arg10[%shift_right_arithmetic3A_124, %and3A_127], %exp3A {add = true} : memref<80x128xf32, #tpu.memory_space<vmem>>[vector<16xi32>, vector<16xi32>], vector<16xf32>,
      %scan3A_128 = arith.constant 0 : i32
      scf.yield %scan3A_128 : i32
    }
    %scan3A_65 = arith.constant 768 : i32
    "tpu.region"() ({
      %run_scoped3A = tpu.sem_alloc : memref<!tpu.dma_semaphore, #tpu.memory_space<semaphore_mem>>
      %dma_start3A_78 = arith.constant 0 : i32
      %dma_start3A_79 = arith.constant 0 : i32
      %dma_start3A_80 = tpu.memref_slice %arg17[%dma_start3A_78, %dma_start3A_79] : memref<80x128xf32, #tpu.memory_space<vmem_shared>> -> memref<80x128xf32, #tpu.memory_space<vmem_shared>>
      tpu.enqueue_indirect_dma source(%arg10 : memref<80x128xf32, #tpu.memory_space<vmem>>) target(%dma_start3A_80 : memref<80x128xf32, #tpu.memory_space<vmem_shared>>) offsets(%arg13 : memref<80xi32, #tpu.memory_space<vmem>>) semaphore(%run_scoped3A : memref<!tpu.dma_semaphore, #tpu.memory_space<semaphore_mem>>) {add = true}
      %dma_wait3A_81 = arith.constant 0 : i32
      %dma_wait3A_82 = arith.constant 0 : i32
      %dma_wait3A_83 = tpu.memref_slice %arg17[%dma_wait3A_81, %dma_wait3A_82] : memref<80x128xf32, #tpu.memory_space<vmem_shared>> -> memref<80x128xf32, #tpu.memory_space<vmem_shared>>
      tpu.wait_indirect_dma semaphore(%run_scoped3A : memref<!tpu.dma_semaphore, #tpu.memory_space<semaphore_mem>>) src(%arg10 : memref<80x128xf32, #tpu.memory_space<vmem>>) dst(%dma_wait3A_83 : memref<80x128xf32, #tpu.memory_space<vmem_shared>>)
      tpu.yield
    }) : () -> ()
    %barrier3A_66 = arith.constant 0 : index
    tpu.barrier barrier_id(%barrier3A_66)
    "tpu.region"() ({
      %run_scoped3A = tpu.sem_alloc : memref<!tpu.dma_semaphore, #tpu.memory_space<semaphore_mem>>
      tpu.enqueue_dma source(%arg17 : memref<80x128xf32, #tpu.memory_space<vmem_shared>>) target(%arg10 : memref<80x128xf32, #tpu.memory_space<vmem>>) target_semaphore(%run_scoped3A : memref<!tpu.dma_semaphore, #tpu.memory_space<semaphore_mem>>)
      tpu.wait_dma2 semaphore(%run_scoped3A : memref<!tpu.dma_semaphore, #tpu.memory_space<semaphore_mem>>) src(%arg17 : memref<80x128xf32, #tpu.memory_space<vmem_shared>>) dst(%arg10 : memref<80x128xf32, #tpu.memory_space<vmem>>)
      tpu.yield
    }) : () -> ()
    %scan3A_67 = arith.constant 0 : i32
    %scan3A_68 = arith.constant 0 : i32
    %scan3A_69 = arith.constant 768 : i32
    %scan3A_70 = arith.addi %scan3A_68, %scan3A_69 : i32
    %scan3A_71 = arith.constant 1 : i32
    %scan3A_72 = scf.for %scan3A_78 = %scan3A_68 to %scan3A_70 step %scan3A_71 iter_args(%scan3A_79 = %scan3A_67) -> (i32)  : i32 {
      %jit3A = arith.constant 8 : i32
      %div3A = arith.divsi %scan3A_78, %jit3A : i32
      %sign3A = arith.constant 0 : i32
      %sign3A_80 = arith.cmpi sgt, %scan3A_78, %sign3A : i32
      %sign3A_81 = arith.extui %sign3A_80 : i1 to i32
      %sign3A_82 = arith.constant 0 : i32
      %sign3A_83 = arith.cmpi slt, %scan3A_78, %sign3A_82 : i32
      %sign3A_84 = arith.extui %sign3A_83 : i1 to i32
      %sign3A_85 = arith.subi %sign3A_81, %sign3A_84 : i32
      %sign3A_86 = arith.constant 0 : i32
      %sign3A_87 = arith.cmpi sgt, %jit3A, %sign3A_86 : i32
      %sign3A_88 = arith.extui %sign3A_87 : i1 to i32
      %sign3A_89 = arith.constant 0 : i32
      %sign3A_90 = arith.cmpi slt, %jit3A, %sign3A_89 : i32
      %sign3A_91 = arith.extui %sign3A_90 : i1 to i32
      %sign3A_92 = arith.subi %sign3A_88, %sign3A_91 : i32
      %ne3A = arith.cmpi ne, %sign3A_85, %sign3A_92 : i32
      %rem3A = arith.remsi %scan3A_78, %jit3A : i32
      %ne3A_93 = arith.constant 0 : i32
      %ne3A_94 = arith.cmpi ne, %rem3A, %ne3A_93 : i32
      %and3A = arith.andi %ne3A, %ne3A_94 : i1
      %sub3A = arith.constant 1 : i32
      %sub3A_95 = arith.subi %div3A, %sub3A : i32
      %select_n3A = arith.select %and3A, %sub3A_95, %div3A : i32
      %jit3A_96 = arith.constant 8 : i32
      %eq3A_97 = arith.constant 0 : i32
      %eq3A_98 = arith.cmpi eq, %jit3A_96, %eq3A_97 : i32
      %jit3A_99 = arith.constant 1 : i32
      %select_n3A_100 = arith.select %eq3A_98, %jit3A_99, %jit3A_96 : i32
      %rem3A_101 = arith.remsi %scan3A_78, %select_n3A_100 : i32
      %ne3A_102 = arith.constant 0 : i32
      %ne3A_103 = arith.cmpi ne, %rem3A_101, %ne3A_102 : i32
      %lt3A = arith.constant 0 : i32
      %lt3A_104 = arith.cmpi slt, %rem3A_101, %lt3A : i32
      %lt3A_105 = arith.constant 0 : i32
      %lt3A_106 = arith.cmpi slt, %select_n3A_100, %lt3A_105 : i32
      %ne3A_107 = arith.xori %lt3A_104, %lt3A_106 : i1
      %and3A_108 = arith.andi %ne3A_107, %ne3A_103 : i1
      %add3A_109 = arith.addi %rem3A_101, %select_n3A_100 : i32
      %select_n3A_110 = arith.select %and3A_108, %add3A_109, %rem3A_101 : i32
      %mul3A_111 = arith.constant 16 : i32
      %mul3A_112 = arith.muli %select_n3A_110, %mul3A_111 : i32
      %get3A = arith.index_cast %select_n3A : i32 to index
      %get3A_113 = arith.index_cast %mul3A_112 : i32 to index
      %get3A_114 = tpu.vector_load %arg8[%get3A, %get3A_113] {strides = array<i32>} : memref<96x128xi32, #tpu.memory_space<vmem>>, vector<16xi32>,
      %shift_right_arithmetic3A = arith.constant 7 : i32
      %shift_right_arithmetic3A_115 = vector.broadcast %shift_right_arithmetic3A : i32 to vector<16xi32>
      %shift_right_arithmetic3A_116 = arith.shrsi %get3A_114, %shift_right_arithmetic3A_115 : vector<16xi32>
      %and3A_117 = arith.constant 127 : i32
      %and3A_118 = vector.broadcast %and3A_117 : i32 to vector<16xi32>
      %and3A_119 = arith.andi %get3A_114, %and3A_118 : vector<16xi32>
      %gather3A = tpu.vector_load_idx %arg10[%shift_right_arithmetic3A_116, %and3A_119] : memref<80x128xf32, #tpu.memory_space<vmem>>[vector<16xi32>, vector<16xi32>], vector<16xf32>,
      %get3A_120 = arith.index_cast %select_n3A : i32 to index
      %get3A_121 = arith.index_cast %mul3A_112 : i32 to index
      %get3A_122 = tpu.vector_load %arg9[%get3A_120, %get3A_121] {strides = array<i32>} : memref<96x128xf32, #tpu.memory_space<vmem>>, vector<16xf32>,
      %add3A_123 = arith.constant 1.000000e-16 : f32
      %add3A_124 = vector.broadcast %add3A_123 : f32 to vector<16xf32>
      %add3A_125 = arith.addf %gather3A, %add3A_124 : vector<16xf32>
      %div3A_126 = arith.divf %get3A_122, %add3A_125 : vector<16xf32>
      %swap3A_127 = arith.index_cast %select_n3A : i32 to index
      %swap3A_128 = arith.index_cast %mul3A_112 : i32 to index
      %swap3A_129 = tpu.vector_load %arg9[%swap3A_127, %swap3A_128] {strides = array<i32>} : memref<96x128xf32, #tpu.memory_space<vmem>>, vector<16xf32>,
      tpu.vector_store %arg9[%swap3A_127, %swap3A_128], %div3A_126 {strides = array<i32>} : memref<96x128xf32, #tpu.memory_space<vmem>>, vector<16xf32>,
      %scan3A_130 = arith.constant 0 : i32
      scf.yield %scan3A_130 : i32
    }
    %scan3A_73 = arith.constant 768 : i32
    %mul3A_74 = arith.constant 48 : i32
    %mul3A_75 = arith.muli %arg0, %mul3A_74 : i32
    %mul3A_76 = arith.constant 48 : i32
    %mul3A_77 = arith.muli %arg0, %mul3A_76 : i32
    %add3A = arith.addi %mul3A_0, %mul3A_77 : i32
    "tpu.region"() ({
      %run_scoped3A = tpu.sem_alloc : memref<!tpu.dma_semaphore, #tpu.memory_space<semaphore_mem>>
      %dma_start3A_78 = arith.constant 0 : i32
      %dma_start3A_79 = tpu.memref_slice %arg9[%mul3A_75, %dma_start3A_78] : memref<96x128xf32, #tpu.memory_space<vmem>> -> memref<48x128xf32, #tpu.memory_space<vmem>>
      %dma_start3A_80 = arith.constant 0 : i32
      %dma_start3A_81 = tpu.memref_slice %arg5[%add3A, %dma_start3A_80] : memref<1536x128xf32, #tpu.memory_space<hbm>> -> memref<48x128xf32, #tpu.memory_space<hbm>>
      %dma_start3A_82 = arith.constant 0 : i32
      %dma_start3A_83 = tpu.memref_slice %arg5[%add3A, %dma_start3A_82] : memref<1536x128xf32, #tpu.memory_space<hbm>> -> memref<48x128xf32, #tpu.memory_space<hbm>>
      %dma_start3A_84 = arith.constant 0 : i32
      %dma_start3A_85 = tpu.memref_slice %arg9[%mul3A_75, %dma_start3A_84] : memref<96x128xf32, #tpu.memory_space<vmem>> -> memref<48x128xf32, #tpu.memory_space<vmem>>
      tpu.enqueue_dma source(%dma_start3A_85 : memref<48x128xf32, #tpu.memory_space<vmem>>) target(%dma_start3A_83 : memref<48x128xf32, #tpu.memory_space<hbm>>) target_semaphore(%run_scoped3A : memref<!tpu.dma_semaphore, #tpu.memory_space<semaphore_mem>>)
      %dma_wait3A_86 = arith.constant 0 : i32
      %dma_wait3A_87 = tpu.memref_slice %arg9[%mul3A_75, %dma_wait3A_86] : memref<96x128xf32, #tpu.memory_space<vmem>> -> memref<48x128xf32, #tpu.memory_space<vmem>>
      %dma_wait3A_88 = arith.constant 0 : i32
      %dma_wait3A_89 = tpu.memref_slice %arg5[%add3A, %dma_wait3A_88] : memref<1536x128xf32, #tpu.memory_space<hbm>> -> memref<48x128xf32, #tpu.memory_space<hbm>>
      %dma_wait3A_90 = arith.constant 0 : i32
      %dma_wait3A_91 = tpu.memref_slice %arg5[%add3A, %dma_wait3A_90] : memref<1536x128xf32, #tpu.memory_space<hbm>> -> memref<48x128xf32, #tpu.memory_space<hbm>>
      %dma_wait3A_92 = arith.constant 0 : i32
      %dma_wait3A_93 = tpu.memref_slice %arg9[%mul3A_75, %dma_wait3A_92] : memref<96x128xf32, #tpu.memory_space<vmem>> -> memref<48x128xf32, #tpu.memory_space<vmem>>
      tpu.wait_dma2 semaphore(%run_scoped3A : memref<!tpu.dma_semaphore, #tpu.memory_space<semaphore_mem>>) src(%dma_wait3A_93 : memref<48x128xf32, #tpu.memory_space<vmem>>) dst(%dma_wait3A_91 : memref<48x128xf32, #tpu.memory_space<hbm>>)
      tpu.yield
    }) : () -> ()
    return
  }
}

#map = affine_map<(d0, d1) -> (0, 0)>
module attributes {stable_mosaic.version = 14 : i64} {
  func.func @_sc_agg(%arg0: i32, %arg1: i32, %arg2: memref<10240x256xf32, #tpu.memory_space<hbm>>, %arg3: memref<1536x128xi32, #tpu.memory_space<hbm>>, %arg4: memref<1536x128xi32, #tpu.memory_space<hbm>>, %arg5: memref<1536x128xf32, #tpu.memory_space<hbm>>, %arg6: memref<16x16xi32, #tpu.memory_space<hbm>>, %arg7: memref<10240x256xf32, #tpu.memory_space<hbm>>, %arg8: memref<96xi32, #tpu.memory_space<vmem>>, %arg9: memref<96x128xi32, #tpu.memory_space<vmem>>, %arg10: memref<96x128xi32, #tpu.memory_space<vmem>>, %arg11: memref<96x128xf32, #tpu.memory_space<vmem>>, %arg12: memref<16x16xi32, #tpu.memory_space<vmem>>, %arg13: memref<32x256xf32, #tpu.memory_space<vmem>>, %arg14: memref<4x256xf32, #tpu.memory_space<vmem>>, %arg15: memref<!tpu.dma_semaphore, #tpu.memory_space<semaphore_mem>>, %arg16: memref<5248x256xf32, #tpu.memory_space<vmem_shared>>) attributes {dimension_semantics = [#tpu.dimension_semantics<core_parallel>, #tpu.dimension_semantics<subcore_parallel>], iteration_bounds = array<i64: 2, 16>, scalar_prefetch = 0 : i64, scratch_operands = 9 : i64, tpu.core_type = #tpu.core_type<sc_vector_subcore>, window_params = [{transform_indices = #map}, {transform_indices = #map}, {transform_indices = #map}, {transform_indices = #map}, {transform_indices = #map}, {transform_indices = #map}]} {
    %mul3A = arith.constant 96 : i32
    %mul3A_0 = arith.muli %arg1, %mul3A : i32
    %scan3A = arith.constant 0 : i32
    %scan3A_1 = arith.constant 0 : i32
    %scan3A_2 = arith.constant 6 : i32
    %scan3A_3 = arith.addi %scan3A_1, %scan3A_2 : i32
    %scan3A_4 = arith.constant 1 : i32
    %scan3A_5 = scf.for %scan3A_73 = %scan3A_1 to %scan3A_3 step %scan3A_4 iter_args(%scan3A_74 = %scan3A) -> (i32)  : i32 {
      %mul3A_75 = arith.constant 16 : i32
      %mul3A_76 = arith.muli %scan3A_73, %mul3A_75 : i32
      %add3A_77 = arith.addi %mul3A_0, %mul3A_76 : i32
      %iota3A = tpu.iota {dimensions = array<i32: 0>} : vector<16xi32>
      %add3A_78 = vector.broadcast %add3A_77 : i32 to vector<16xi32>
      %add3A_79 = arith.addi %add3A_78, %iota3A : vector<16xi32>
      %mul3A_80 = arith.constant 16 : i32
      %mul3A_81 = arith.muli %scan3A_73, %mul3A_80 : i32
      %swap3A = arith.index_cast %mul3A_81 : i32 to index
      %swap3A_82 = tpu.vector_load %arg8[%swap3A] {strides = array<i32>} : memref<96xi32, #tpu.memory_space<vmem>>, vector<16xi32>,
      tpu.vector_store %arg8[%swap3A], %add3A_79 {strides = array<i32>} : memref<96xi32, #tpu.memory_space<vmem>>, vector<16xi32>,
      %scan3A_83 = arith.constant 0 : i32
      scf.yield %scan3A_83 : i32
    }
    %scan3A_6 = arith.constant 6 : i32
    %dma_start3A = arith.constant 0 : i32
    %dma_start3A_7 = arith.constant 0 : i32
    %dma_start3A_8 = tpu.memref_slice %arg3[%dma_start3A, %dma_start3A_7] : memref<1536x128xi32, #tpu.memory_space<hbm>> -> memref<1536x128xi32, #tpu.memory_space<hbm>>
    tpu.enqueue_indirect_dma source(%dma_start3A_8 : memref<1536x128xi32, #tpu.memory_space<hbm>>) target(%arg9 : memref<96x128xi32, #tpu.memory_space<vmem>>) offsets(%arg8 : memref<96xi32, #tpu.memory_space<vmem>>) semaphore(%arg15 : memref<!tpu.dma_semaphore, #tpu.memory_space<semaphore_mem>>)
    %dma_wait3A = arith.constant 0 : i32
    %dma_wait3A_9 = arith.constant 0 : i32
    %dma_wait3A_10 = tpu.memref_slice %arg3[%dma_wait3A, %dma_wait3A_9] : memref<1536x128xi32, #tpu.memory_space<hbm>> -> memref<1536x128xi32, #tpu.memory_space<hbm>>
    tpu.wait_indirect_dma semaphore(%arg15 : memref<!tpu.dma_semaphore, #tpu.memory_space<semaphore_mem>>) src(%dma_wait3A_10 : memref<1536x128xi32, #tpu.memory_space<hbm>>) dst(%arg9 : memref<96x128xi32, #tpu.memory_space<vmem>>)
    %dma_start3A_11 = arith.constant 0 : i32
    %dma_start3A_12 = arith.constant 0 : i32
    %dma_start3A_13 = tpu.memref_slice %arg4[%dma_start3A_11, %dma_start3A_12] : memref<1536x128xi32, #tpu.memory_space<hbm>> -> memref<1536x128xi32, #tpu.memory_space<hbm>>
    tpu.enqueue_indirect_dma source(%dma_start3A_13 : memref<1536x128xi32, #tpu.memory_space<hbm>>) target(%arg10 : memref<96x128xi32, #tpu.memory_space<vmem>>) offsets(%arg8 : memref<96xi32, #tpu.memory_space<vmem>>) semaphore(%arg15 : memref<!tpu.dma_semaphore, #tpu.memory_space<semaphore_mem>>)
    %dma_wait3A_14 = arith.constant 0 : i32
    %dma_wait3A_15 = arith.constant 0 : i32
    %dma_wait3A_16 = tpu.memref_slice %arg4[%dma_wait3A_14, %dma_wait3A_15] : memref<1536x128xi32, #tpu.memory_space<hbm>> -> memref<1536x128xi32, #tpu.memory_space<hbm>>
    tpu.wait_indirect_dma semaphore(%arg15 : memref<!tpu.dma_semaphore, #tpu.memory_space<semaphore_mem>>) src(%dma_wait3A_16 : memref<1536x128xi32, #tpu.memory_space<hbm>>) dst(%arg10 : memref<96x128xi32, #tpu.memory_space<vmem>>)
    %dma_start3A_17 = arith.constant 0 : i32
    %dma_start3A_18 = arith.constant 0 : i32
    %dma_start3A_19 = tpu.memref_slice %arg5[%dma_start3A_17, %dma_start3A_18] : memref<1536x128xf32, #tpu.memory_space<hbm>> -> memref<1536x128xf32, #tpu.memory_space<hbm>>
    tpu.enqueue_indirect_dma source(%dma_start3A_19 : memref<1536x128xf32, #tpu.memory_space<hbm>>) target(%arg11 : memref<96x128xf32, #tpu.memory_space<vmem>>) offsets(%arg8 : memref<96xi32, #tpu.memory_space<vmem>>) semaphore(%arg15 : memref<!tpu.dma_semaphore, #tpu.memory_space<semaphore_mem>>)
    %dma_wait3A_20 = arith.constant 0 : i32
    %dma_wait3A_21 = arith.constant 0 : i32
    %dma_wait3A_22 = tpu.memref_slice %arg5[%dma_wait3A_20, %dma_wait3A_21] : memref<1536x128xf32, #tpu.memory_space<hbm>> -> memref<1536x128xf32, #tpu.memory_space<hbm>>
    tpu.wait_indirect_dma semaphore(%arg15 : memref<!tpu.dma_semaphore, #tpu.memory_space<semaphore_mem>>) src(%dma_wait3A_22 : memref<1536x128xf32, #tpu.memory_space<hbm>>) dst(%arg11 : memref<96x128xf32, #tpu.memory_space<vmem>>)
    "tpu.region"() ({
      %run_scoped3A = tpu.sem_alloc : memref<!tpu.dma_semaphore, #tpu.memory_space<semaphore_mem>>
      tpu.enqueue_dma source(%arg6 : memref<16x16xi32, #tpu.memory_space<hbm>>) target(%arg12 : memref<16x16xi32, #tpu.memory_space<vmem>>) target_semaphore(%run_scoped3A : memref<!tpu.dma_semaphore, #tpu.memory_space<semaphore_mem>>)
      tpu.wait_dma2 semaphore(%run_scoped3A : memref<!tpu.dma_semaphore, #tpu.memory_space<semaphore_mem>>) src(%arg6 : memref<16x16xi32, #tpu.memory_space<hbm>>) dst(%arg12 : memref<16x16xi32, #tpu.memory_space<vmem>>)
      tpu.yield
    }) : () -> ()
    %mul3A_23 = arith.constant 5120 : i32
    %mul3A_24 = arith.muli %arg0, %mul3A_23 : i32
    %scan3A_25 = arith.constant 0 : i32
    %scan3A_26 = arith.constant 0 : i32
    %scan3A_27 = arith.constant 768 : i32
    %scan3A_28 = arith.addi %scan3A_26, %scan3A_27 : i32
    %scan3A_29 = arith.constant 1 : i32
    %scan3A_30 = scf.for %scan3A_73 = %scan3A_26 to %scan3A_28 step %scan3A_29 iter_args(%scan3A_74 = %scan3A_25) -> (i32)  : i32 {
      %jit3A_75 = arith.constant 8 : i32
      %div3A = arith.divsi %scan3A_73, %jit3A_75 : i32
      %sign3A = arith.constant 0 : i32
      %sign3A_76 = arith.cmpi sgt, %scan3A_73, %sign3A : i32
      %sign3A_77 = arith.extui %sign3A_76 : i1 to i32
      %sign3A_78 = arith.constant 0 : i32
      %sign3A_79 = arith.cmpi slt, %scan3A_73, %sign3A_78 : i32
      %sign3A_80 = arith.extui %sign3A_79 : i1 to i32
      %sign3A_81 = arith.subi %sign3A_77, %sign3A_80 : i32
      %sign3A_82 = arith.constant 0 : i32
      %sign3A_83 = arith.cmpi sgt, %jit3A_75, %sign3A_82 : i32
      %sign3A_84 = arith.extui %sign3A_83 : i1 to i32
      %sign3A_85 = arith.constant 0 : i32
      %sign3A_86 = arith.cmpi slt, %jit3A_75, %sign3A_85 : i32
      %sign3A_87 = arith.extui %sign3A_86 : i1 to i32
      %sign3A_88 = arith.subi %sign3A_84, %sign3A_87 : i32
      %ne3A = arith.cmpi ne, %sign3A_81, %sign3A_88 : i32
      %rem3A = arith.remsi %scan3A_73, %jit3A_75 : i32
      %ne3A_89 = arith.constant 0 : i32
      %ne3A_90 = arith.cmpi ne, %rem3A, %ne3A_89 : i32
      %and3A = arith.andi %ne3A, %ne3A_90 : i1
      %sub3A = arith.constant 1 : i32
      %sub3A_91 = arith.subi %div3A, %sub3A : i32
      %select_n3A_92 = arith.select %and3A, %sub3A_91, %div3A : i32
      %jit3A_93 = arith.constant 8 : i32
      %eq3A_94 = arith.constant 0 : i32
      %eq3A_95 = arith.cmpi eq, %jit3A_93, %eq3A_94 : i32
      %jit3A_96 = arith.constant 1 : i32
      %select_n3A_97 = arith.select %eq3A_95, %jit3A_96, %jit3A_93 : i32
      %rem3A_98 = arith.remsi %scan3A_73, %select_n3A_97 : i32
      %ne3A_99 = arith.constant 0 : i32
      %ne3A_100 = arith.cmpi ne, %rem3A_98, %ne3A_99 : i32
      %lt3A = arith.constant 0 : i32
      %lt3A_101 = arith.cmpi slt, %rem3A_98, %lt3A : i32
      %lt3A_102 = arith.constant 0 : i32
      %lt3A_103 = arith.cmpi slt, %select_n3A_97, %lt3A_102 : i32
      %ne3A_104 = arith.xori %lt3A_101, %lt3A_103 : i1
      %and3A_105 = arith.andi %ne3A_104, %ne3A_100 : i1
      %add3A_106 = arith.addi %rem3A_98, %select_n3A_97 : i32
      %select_n3A_107 = arith.select %and3A_105, %add3A_106, %rem3A_98 : i32
      %mul3A_108 = arith.constant 16 : i32
      %mul3A_109 = arith.muli %select_n3A_107, %mul3A_108 : i32
      %get3A_110 = arith.index_cast %select_n3A_92 : i32 to index
      %get3A_111 = arith.index_cast %mul3A_109 : i32 to index
      %get3A_112 = tpu.vector_load %arg10[%get3A_110, %get3A_111] {strides = array<i32>} : memref<96x128xi32, #tpu.memory_space<vmem>>, vector<16xi32>,
      %sub3A_113 = vector.broadcast %mul3A_24 : i32 to vector<16xi32>
      %sub3A_114 = arith.subi %get3A_112, %sub3A_113 : vector<16xi32>
      %ge3A = arith.constant 0 : i32
      %ge3A_115 = vector.broadcast %ge3A : i32 to vector<16xi32>
      %ge3A_116 = arith.cmpi sge, %sub3A_114, %ge3A_115 : vector<16xi32>
      %lt3A_117 = arith.constant 5120 : i32
      %lt3A_118 = vector.broadcast %lt3A_117 : i32 to vector<16xi32>
      %lt3A_119 = arith.cmpi slt, %sub3A_114, %lt3A_118 : vector<16xi32>
      %and3A_120 = arith.andi %ge3A_116, %lt3A_119 : vector<16xi1>
      %jit3A_121 = arith.constant 5247 : i32
      %broadcast_in_dim3A = vector.broadcast %jit3A_121 : i32 to vector<16xi32>
      %select_n3A_122 = arith.select %and3A_120, %sub3A_114, %broadcast_in_dim3A : vector<16xi1>, vector<16xi32>
      %swap3A = arith.index_cast %select_n3A_92 : i32 to index
      %swap3A_123 = arith.index_cast %mul3A_109 : i32 to index
      %swap3A_124 = tpu.vector_load %arg10[%swap3A, %swap3A_123] {strides = array<i32>} : memref<96x128xi32, #tpu.memory_space<vmem>>, vector<16xi32>,
      tpu.vector_store %arg10[%swap3A, %swap3A_123], %select_n3A_122 {strides = array<i32>} : memref<96x128xi32, #tpu.memory_space<vmem>>, vector<16xi32>,
      %scan3A_125 = arith.constant 0 : i32
      scf.yield %scan3A_125 : i32
    }
    %scan3A_31 = arith.constant 768 : i32
    %scan3A_32 = arith.constant 0 : i32
    %scan3A_33 = arith.constant 0 : i32
    %scan3A_34 = arith.constant 64 : i32
    %scan3A_35 = arith.addi %scan3A_33, %scan3A_34 : i32
    %scan3A_36 = arith.constant 1 : i32
    %scan3A_37 = scf.for %scan3A_73 = %scan3A_33 to %scan3A_35 step %scan3A_36 iter_args(%scan3A_74 = %scan3A_32) -> (i32)  : i32 {
      %broadcast_in_dim3A = arith.constant 0.000000e+00 : f32
      %broadcast_in_dim3A_75 = vector.broadcast %broadcast_in_dim3A : f32 to vector<16xf32>
      %jit3A_76 = arith.constant 16 : i32
      %div3A = arith.divsi %scan3A_73, %jit3A_76 : i32
      %sign3A = arith.constant 0 : i32
      %sign3A_77 = arith.cmpi sgt, %scan3A_73, %sign3A : i32
      %sign3A_78 = arith.extui %sign3A_77 : i1 to i32
      %sign3A_79 = arith.constant 0 : i32
      %sign3A_80 = arith.cmpi slt, %scan3A_73, %sign3A_79 : i32
      %sign3A_81 = arith.extui %sign3A_80 : i1 to i32
      %sign3A_82 = arith.subi %sign3A_78, %sign3A_81 : i32
      %sign3A_83 = arith.constant 0 : i32
      %sign3A_84 = arith.cmpi sgt, %jit3A_76, %sign3A_83 : i32
      %sign3A_85 = arith.extui %sign3A_84 : i1 to i32
      %sign3A_86 = arith.constant 0 : i32
      %sign3A_87 = arith.cmpi slt, %jit3A_76, %sign3A_86 : i32
      %sign3A_88 = arith.extui %sign3A_87 : i1 to i32
      %sign3A_89 = arith.subi %sign3A_85, %sign3A_88 : i32
      %ne3A = arith.cmpi ne, %sign3A_82, %sign3A_89 : i32
      %rem3A = arith.remsi %scan3A_73, %jit3A_76 : i32
      %ne3A_90 = arith.constant 0 : i32
      %ne3A_91 = arith.cmpi ne, %rem3A, %ne3A_90 : i32
      %and3A = arith.andi %ne3A, %ne3A_91 : i1
      %sub3A = arith.constant 1 : i32
      %sub3A_92 = arith.subi %div3A, %sub3A : i32
      %select_n3A_93 = arith.select %and3A, %sub3A_92, %div3A : i32
      %jit3A_94 = arith.constant 16 : i32
      %eq3A_95 = arith.constant 0 : i32
      %eq3A_96 = arith.cmpi eq, %jit3A_94, %eq3A_95 : i32
      %jit3A_97 = arith.constant 1 : i32
      %select_n3A_98 = arith.select %eq3A_96, %jit3A_97, %jit3A_94 : i32
      %rem3A_99 = arith.remsi %scan3A_73, %select_n3A_98 : i32
      %ne3A_100 = arith.constant 0 : i32
      %ne3A_101 = arith.cmpi ne, %rem3A_99, %ne3A_100 : i32
      %lt3A = arith.constant 0 : i32
      %lt3A_102 = arith.cmpi slt, %rem3A_99, %lt3A : i32
      %lt3A_103 = arith.constant 0 : i32
      %lt3A_104 = arith.cmpi slt, %select_n3A_98, %lt3A_103 : i32
      %ne3A_105 = arith.xori %lt3A_102, %lt3A_104 : i1
      %and3A_106 = arith.andi %ne3A_105, %ne3A_101 : i1
      %add3A_107 = arith.addi %rem3A_99, %select_n3A_98 : i32
      %select_n3A_108 = arith.select %and3A_106, %add3A_107, %rem3A_99 : i32
      %mul3A_109 = arith.constant 16 : i32
      %mul3A_110 = arith.muli %select_n3A_108, %mul3A_109 : i32
      %swap3A = arith.index_cast %select_n3A_93 : i32 to index
      %swap3A_111 = arith.index_cast %mul3A_110 : i32 to index
      %swap3A_112 = tpu.vector_load %arg14[%swap3A, %swap3A_111] {strides = array<i32>} : memref<4x256xf32, #tpu.memory_space<vmem>>, vector<16xf32>,
      tpu.vector_store %arg14[%swap3A, %swap3A_111], %broadcast_in_dim3A_75 {strides = array<i32>} : memref<4x256xf32, #tpu.memory_space<vmem>>, vector<16xf32>,
      %scan3A_113 = arith.constant 0 : i32
      scf.yield %scan3A_113 : i32
    }
    %scan3A_38 = arith.constant 64 : i32
    %scan3A_39 = arith.constant 0 : i32
    %scan3A_40 = arith.constant 0 : i32
    %scan3A_41 = arith.constant 82 : i32
    %scan3A_42 = arith.addi %scan3A_40, %scan3A_41 : i32
    %scan3A_43 = arith.constant 1 : i32
    %scan3A_44 = scf.for %scan3A_73 = %scan3A_40 to %scan3A_42 step %scan3A_43 iter_args(%scan3A_74 = %scan3A_39) -> (i32)  : i32 {
      %mul3A_75 = arith.constant 328 : i32
      %mul3A_76 = arith.muli %arg1, %mul3A_75 : i32
      %mul3A_77 = arith.constant 4 : i32
      %mul3A_78 = arith.muli %scan3A_73, %mul3A_77 : i32
      %add3A_79 = arith.addi %mul3A_76, %mul3A_78 : i32
      "tpu.region"() ({
        %run_scoped3A = tpu.sem_alloc : memref<!tpu.dma_semaphore, #tpu.memory_space<semaphore_mem>>
        %dma_start3A_81 = arith.constant 0 : i32
        %dma_start3A_82 = tpu.memref_slice %arg16[%add3A_79, %dma_start3A_81] : memref<5248x256xf32, #tpu.memory_space<vmem_shared>> -> memref<4x256xf32, #tpu.memory_space<vmem_shared>>
        %dma_start3A_83 = arith.constant 0 : i32
        %dma_start3A_84 = tpu.memref_slice %arg16[%add3A_79, %dma_start3A_83] : memref<5248x256xf32, #tpu.memory_space<vmem_shared>> -> memref<4x256xf32, #tpu.memory_space<vmem_shared>>
        tpu.enqueue_dma source(%arg14 : memref<4x256xf32, #tpu.memory_space<vmem>>) target(%dma_start3A_84 : memref<4x256xf32, #tpu.memory_space<vmem_shared>>) target_semaphore(%run_scoped3A : memref<!tpu.dma_semaphore, #tpu.memory_space<semaphore_mem>>)
        %dma_wait3A_85 = arith.constant 0 : i32
        %dma_wait3A_86 = tpu.memref_slice %arg16[%add3A_79, %dma_wait3A_85] : memref<5248x256xf32, #tpu.memory_space<vmem_shared>> -> memref<4x256xf32, #tpu.memory_space<vmem_shared>>
        %dma_wait3A_87 = arith.constant 0 : i32
        %dma_wait3A_88 = tpu.memref_slice %arg16[%add3A_79, %dma_wait3A_87] : memref<5248x256xf32, #tpu.memory_space<vmem_shared>> -> memref<4x256xf32, #tpu.memory_space<vmem_shared>>
        tpu.wait_dma2 semaphore(%run_scoped3A : memref<!tpu.dma_semaphore, #tpu.memory_space<semaphore_mem>>) src(%arg14 : memref<4x256xf32, #tpu.memory_space<vmem>>) dst(%dma_wait3A_88 : memref<4x256xf32, #tpu.memory_space<vmem_shared>>)
        tpu.yield
      }) : () -> ()
      %scan3A_80 = arith.constant 0 : i32
      scf.yield %scan3A_80 : i32
    }
    %scan3A_45 = arith.constant 82 : i32
    %barrier3A = arith.constant 0 : index
    tpu.barrier barrier_id(%barrier3A)
    %get3A = arith.index_cast %arg1 : i32 to index
    %get3A_46 = arith.constant 0 : index
    %get3A_47 = tpu.vector_load %arg12[%get3A, %get3A_46] {strides = array<i32>} : memref<16x16xi32, #tpu.memory_space<vmem>>, vector<16xi32>,
    %slice3A = vector.extract_strided_slice %get3A_47 {offsets = [0], sizes = [1], strides = [1]} : vector<16xi32> to vector<1xi32>
    %squeeze3A = vector.extract %slice3A[0] : i32 from vector<1xi32>
    %eq3A = arith.constant 0 : i32
    %eq3A_48 = arith.cmpi eq, %arg0, %eq3A : i32
    %shift_right_arithmetic3A = arith.constant 5 : i32
    %shift_right_arithmetic3A_49 = arith.shrsi %squeeze3A, %shift_right_arithmetic3A : i32
    %jit3A = arith.constant 0 : i32
    %select_n3A = arith.select %eq3A_48, %jit3A, %shift_right_arithmetic3A_49 : i32
    %eq3A_50 = arith.constant 0 : i32
    %eq3A_51 = arith.cmpi eq, %arg0, %eq3A_50 : i32
    %add3A = arith.constant 31 : i32
    %add3A_52 = arith.addi %squeeze3A, %add3A : i32
    %shift_right_arithmetic3A_53 = arith.constant 5 : i32
    %shift_right_arithmetic3A_54 = arith.shrsi %add3A_52, %shift_right_arithmetic3A_53 : i32
    %jit3A_55 = arith.constant 384 : i32
    %select_n3A_56 = arith.select %eq3A_51, %shift_right_arithmetic3A_54, %jit3A_55 : i32
    %while3A = arith.constant 0 : i32
    %while3A_57 = arith.subi %select_n3A_56, %select_n3A : i32
    %while3A_58 = arith.addi %select_n3A, %while3A_57 : i32
    %while3A_59 = arith.constant 1 : i32
    %while3A_60 = arith.divsi %while3A_57, %while3A_59 : i32
    %while3A_61 = arith.muli %while3A_60, %while3A_59 : i32
    %while3A_62 = arith.addi %select_n3A, %while3A_61 : i32
    %while3A_63 = arith.constant 1 : i32
    %while3A_64 = scf.for %while3A_73 = %select_n3A to %while3A_62 step %while3A_63 iter_args(%while3A_74 = %while3A) -> (i32)  : i32 {
      %jit3A_75 = arith.constant 4 : i32
      %div3A = arith.divsi %while3A_73, %jit3A_75 : i32
      %sign3A = arith.constant 0 : i32
      %sign3A_76 = arith.cmpi sgt, %while3A_73, %sign3A : i32
      %sign3A_77 = arith.extui %sign3A_76 : i1 to i32
      %sign3A_78 = arith.constant 0 : i32
      %sign3A_79 = arith.cmpi slt, %while3A_73, %sign3A_78 : i32
      %sign3A_80 = arith.extui %sign3A_79 : i1 to i32
      %sign3A_81 = arith.subi %sign3A_77, %sign3A_80 : i32
      %sign3A_82 = arith.constant 0 : i32
      %sign3A_83 = arith.cmpi sgt, %jit3A_75, %sign3A_82 : i32
      %sign3A_84 = arith.extui %sign3A_83 : i1 to i32
      %sign3A_85 = arith.constant 0 : i32
      %sign3A_86 = arith.cmpi slt, %jit3A_75, %sign3A_85 : i32
      %sign3A_87 = arith.extui %sign3A_86 : i1 to i32
      %sign3A_88 = arith.subi %sign3A_84, %sign3A_87 : i32
      %ne3A = arith.cmpi ne, %sign3A_81, %sign3A_88 : i32
      %rem3A = arith.remsi %while3A_73, %jit3A_75 : i32
      %ne3A_89 = arith.constant 0 : i32
      %ne3A_90 = arith.cmpi ne, %rem3A, %ne3A_89 : i32
      %and3A = arith.andi %ne3A, %ne3A_90 : i1
      %sub3A = arith.constant 1 : i32
      %sub3A_91 = arith.subi %div3A, %sub3A : i32
      %select_n3A_92 = arith.select %and3A, %sub3A_91, %div3A : i32
      %jit3A_93 = arith.constant 4 : i32
      %eq3A_94 = arith.constant 0 : i32
      %eq3A_95 = arith.cmpi eq, %jit3A_93, %eq3A_94 : i32
      %jit3A_96 = arith.constant 1 : i32
      %select_n3A_97 = arith.select %eq3A_95, %jit3A_96, %jit3A_93 : i32
      %rem3A_98 = arith.remsi %while3A_73, %select_n3A_97 : i32
      %ne3A_99 = arith.constant 0 : i32
      %ne3A_100 = arith.cmpi ne, %rem3A_98, %ne3A_99 : i32
      %lt3A = arith.constant 0 : i32
      %lt3A_101 = arith.cmpi slt, %rem3A_98, %lt3A : i32
      %lt3A_102 = arith.constant 0 : i32
      %lt3A_103 = arith.cmpi slt, %select_n3A_97, %lt3A_102 : i32
      %ne3A_104 = arith.xori %lt3A_101, %lt3A_103 : i1
      %and3A_105 = arith.andi %ne3A_104, %ne3A_100 : i1
      %add3A_106 = arith.addi %rem3A_98, %select_n3A_97 : i32
      %select_n3A_107 = arith.select %and3A_105, %add3A_106, %rem3A_98 : i32
      %mul3A_108 = arith.constant 32 : i32
      %mul3A_109 = arith.muli %select_n3A_107, %mul3A_108 : i32
      %dma_start3A_110 = tpu.memref_slice %arg9[%select_n3A_92, %mul3A_109] : memref<96x128xi32, #tpu.memory_space<vmem>> -> memref<1x32xi32, #tpu.memory_space<vmem>>
      %dma_start3A_111 = tpu.memref_squeeze %dma_start3A_110 : memref<1x32xi32, #tpu.memory_space<vmem>> -> memref<32xi32, #tpu.memory_space<vmem>>
      %dma_start3A_112 = arith.constant 0 : i32
      %dma_start3A_113 = arith.constant 0 : i32
      %dma_start3A_114 = tpu.memref_slice %arg2[%dma_start3A_112, %dma_start3A_113] : memref<10240x256xf32, #tpu.memory_space<hbm>> -> memref<10240x256xf32, #tpu.memory_space<hbm>>
      tpu.enqueue_indirect_dma source(%dma_start3A_114 : memref<10240x256xf32, #tpu.memory_space<hbm>>) target(%arg13 : memref<32x256xf32, #tpu.memory_space<vmem>>) offsets(%dma_start3A_111 : memref<32xi32, #tpu.memory_space<vmem>>) semaphore(%arg15 : memref<!tpu.dma_semaphore, #tpu.memory_space<semaphore_mem>>)
      %dma_wait3A_115 = tpu.memref_slice %arg9[%select_n3A_92, %mul3A_109] : memref<96x128xi32, #tpu.memory_space<vmem>> -> memref<1x32xi32, #tpu.memory_space<vmem>>
      %dma_wait3A_116 = tpu.memref_squeeze %dma_wait3A_115 : memref<1x32xi32, #tpu.memory_space<vmem>> -> memref<32xi32, #tpu.memory_space<vmem>>
      %dma_wait3A_117 = arith.constant 0 : i32
      %dma_wait3A_118 = arith.constant 0 : i32
      %dma_wait3A_119 = tpu.memref_slice %arg2[%dma_wait3A_117, %dma_wait3A_118] : memref<10240x256xf32, #tpu.memory_space<hbm>> -> memref<10240x256xf32, #tpu.memory_space<hbm>>
      tpu.wait_indirect_dma semaphore(%arg15 : memref<!tpu.dma_semaphore, #tpu.memory_space<semaphore_mem>>) src(%dma_wait3A_119 : memref<10240x256xf32, #tpu.memory_space<hbm>>) dst(%arg13 : memref<32x256xf32, #tpu.memory_space<vmem>>)
      %scan3A_120 = arith.constant 0 : i32
      %scan3A_121 = arith.constant 0 : i32
      %scan3A_122 = arith.constant 32 : i32
      %scan3A_123 = arith.addi %scan3A_121, %scan3A_122 : i32
      %scan3A_124 = arith.constant 1 : i32
      %scan3A_125 = scf.for %scan3A_130 = %scan3A_121 to %scan3A_123 step %scan3A_124 iter_args(%scan3A_131 = %scan3A_120) -> (i32)  : i32 {
        %broadcast_in_dim3A = arith.constant 0 : i32
        %broadcast_in_dim3A_132 = vector.broadcast %broadcast_in_dim3A : i32 to vector<16xi32>
        %add3A_133 = vector.broadcast %select_n3A_92 : i32 to vector<16xi32>
        %add3A_134 = arith.addi %broadcast_in_dim3A_132, %add3A_133 : vector<16xi32>
        %mul3A_135 = arith.constant 32 : i32
        %mul3A_136 = arith.muli %select_n3A_107, %mul3A_135 : i32
        %add3A_137 = vector.broadcast %mul3A_136 : i32 to vector<16xi32>
        %add3A_138 = arith.addi %broadcast_in_dim3A_132, %add3A_137 : vector<16xi32>
        %add3A_139 = vector.broadcast %scan3A_130 : i32 to vector<16xi32>
        %add3A_140 = arith.addi %add3A_138, %add3A_139 : vector<16xi32>
        %gather3A = tpu.vector_load_idx %arg11[%add3A_134, %add3A_140] : memref<96x128xf32, #tpu.memory_space<vmem>>[vector<16xi32>, vector<16xi32>], vector<16xf32>,
        %get3A_141 = arith.index_cast %scan3A_130 : i32 to index
        %get3A_142 = arith.constant 0 : index
        %get3A_143 = tpu.vector_load %arg13[%get3A_141, %get3A_142] {strides = array<i32>} : memref<32x256xf32, #tpu.memory_space<vmem>>, vector<16xf32>,
        %mul3A_144 = arith.mulf %get3A_143, %gather3A : vector<16xf32>
        %swap3A = arith.index_cast %scan3A_130 : i32 to index
        %swap3A_145 = arith.constant 0 : index
        %swap3A_146 = tpu.vector_load %arg13[%swap3A, %swap3A_145] {strides = array<i32>} : memref<32x256xf32, #tpu.memory_space<vmem>>, vector<16xf32>,
        tpu.vector_store %arg13[%swap3A, %swap3A_145], %mul3A_144 {strides = array<i32>} : memref<32x256xf32, #tpu.memory_space<vmem>>, vector<16xf32>,
        %get3A_147 = arith.index_cast %scan3A_130 : i32 to index
        %get3A_148 = arith.constant 16 : index
        %get3A_149 = tpu.vector_load %arg13[%get3A_147, %get3A_148] {strides = array<i32>} : memref<32x256xf32, #tpu.memory_space<vmem>>, vector<16xf32>,
        %mul3A_150 = arith.mulf %get3A_149, %gather3A : vector<16xf32>
        %swap3A_151 = arith.index_cast %scan3A_130 : i32 to index
        %swap3A_152 = arith.constant 16 : index
        %swap3A_153 = tpu.vector_load %arg13[%swap3A_151, %swap3A_152] {strides = array<i32>} : memref<32x256xf32, #tpu.memory_space<vmem>>, vector<16xf32>,
        tpu.vector_store %arg13[%swap3A_151, %swap3A_152], %mul3A_150 {strides = array<i32>} : memref<32x256xf32, #tpu.memory_space<vmem>>, vector<16xf32>,
        %get3A_154 = arith.index_cast %scan3A_130 : i32 to index
        %get3A_155 = arith.constant 32 : index
        %get3A_156 = tpu.vector_load %arg13[%get3A_154, %get3A_155] {strides = array<i32>} : memref<32x256xf32, #tpu.memory_space<vmem>>, vector<16xf32>,
        %mul3A_157 = arith.mulf %get3A_156, %gather3A : vector<16xf32>
        %swap3A_158 = arith.index_cast %scan3A_130 : i32 to index
        %swap3A_159 = arith.constant 32 : index
        %swap3A_160 = tpu.vector_load %arg13[%swap3A_158, %swap3A_159] {strides = array<i32>} : memref<32x256xf32, #tpu.memory_space<vmem>>, vector<16xf32>,
        tpu.vector_store %arg13[%swap3A_158, %swap3A_159], %mul3A_157 {strides = array<i32>} : memref<32x256xf32, #tpu.memory_space<vmem>>, vector<16xf32>,
        %get3A_161 = arith.index_cast %scan3A_130 : i32 to index
        %get3A_162 = arith.constant 48 : index
        %get3A_163 = tpu.vector_load %arg13[%get3A_161, %get3A_162] {strides = array<i32>} : memref<32x256xf32, #tpu.memory_space<vmem>>, vector<16xf32>,
        %mul3A_164 = arith.mulf %get3A_163, %gather3A : vector<16xf32>
        %swap3A_165 = arith.index_cast %scan3A_130 : i32 to index
        %swap3A_166 = arith.constant 48 : index
        %swap3A_167 = tpu.vector_load %arg13[%swap3A_165, %swap3A_166] {strides = array<i32>} : memref<32x256xf32, #tpu.memory_space<vmem>>, vector<16xf32>,
        tpu.vector_store %arg13[%swap3A_165, %swap3A_166], %mul3A_164 {strides = array<i32>} : memref<32x256xf32, #tpu.memory_space<vmem>>, vector<16xf32>,
        %get3A_168 = arith.index_cast %scan3A_130 : i32 to index
        %get3A_169 = arith.constant 64 : index
        %get3A_170 = tpu.vector_load %arg13[%get3A_168, %get3A_169] {strides = array<i32>} : memref<32x256xf32, #tpu.memory_space<vmem>>, vector<16xf32>,
        %mul3A_171 = arith.mulf %get3A_170, %gather3A : vector<16xf32>
        %swap3A_172 = arith.index_cast %scan3A_130 : i32 to index
        %swap3A_173 = arith.constant 64 : index
        %swap3A_174 = tpu.vector_load %arg13[%swap3A_172, %swap3A_173] {strides = array<i32>} : memref<32x256xf32, #tpu.memory_space<vmem>>, vector<16xf32>,
        tpu.vector_store %arg13[%swap3A_172, %swap3A_173], %mul3A_171 {strides = array<i32>} : memref<32x256xf32, #tpu.memory_space<vmem>>, vector<16xf32>,
        %get3A_175 = arith.index_cast %scan3A_130 : i32 to index
        %get3A_176 = arith.constant 80 : index
        %get3A_177 = tpu.vector_load %arg13[%get3A_175, %get3A_176] {strides = array<i32>} : memref<32x256xf32, #tpu.memory_space<vmem>>, vector<16xf32>,
        %mul3A_178 = arith.mulf %get3A_177, %gather3A : vector<16xf32>
        %swap3A_179 = arith.index_cast %scan3A_130 : i32 to index
        %swap3A_180 = arith.constant 80 : index
        %swap3A_181 = tpu.vector_load %arg13[%swap3A_179, %swap3A_180] {strides = array<i32>} : memref<32x256xf32, #tpu.memory_space<vmem>>, vector<16xf32>,
        tpu.vector_store %arg13[%swap3A_179, %swap3A_180], %mul3A_178 {strides = array<i32>} : memref<32x256xf32, #tpu.memory_space<vmem>>, vector<16xf32>,
        %get3A_182 = arith.index_cast %scan3A_130 : i32 to index
        %get3A_183 = arith.constant 96 : index
        %get3A_184 = tpu.vector_load %arg13[%get3A_182, %get3A_183] {strides = array<i32>} : memref<32x256xf32, #tpu.memory_space<vmem>>, vector<16xf32>,
        %mul3A_185 = arith.mulf %get3A_184, %gather3A : vector<16xf32>
        %swap3A_186 = arith.index_cast %scan3A_130 : i32 to index
        %swap3A_187 = arith.constant 96 : index
        %swap3A_188 = tpu.vector_load %arg13[%swap3A_186, %swap3A_187] {strides = array<i32>} : memref<32x256xf32, #tpu.memory_space<vmem>>, vector<16xf32>,
        tpu.vector_store %arg13[%swap3A_186, %swap3A_187], %mul3A_185 {strides = array<i32>} : memref<32x256xf32, #tpu.memory_space<vmem>>, vector<16xf32>,
        %get3A_189 = arith.index_cast %scan3A_130 : i32 to index
        %get3A_190 = arith.constant 112 : index
        %get3A_191 = tpu.vector_load %arg13[%get3A_189, %get3A_190] {strides = array<i32>} : memref<32x256xf32, #tpu.memory_space<vmem>>, vector<16xf32>,
        %mul3A_192 = arith.mulf %get3A_191, %gather3A : vector<16xf32>
        %swap3A_193 = arith.index_cast %scan3A_130 : i32 to index
        %swap3A_194 = arith.constant 112 : index
        %swap3A_195 = tpu.vector_load %arg13[%swap3A_193, %swap3A_194] {strides = array<i32>} : memref<32x256xf32, #tpu.memory_space<vmem>>, vector<16xf32>,
        tpu.vector_store %arg13[%swap3A_193, %swap3A_194], %mul3A_192 {strides = array<i32>} : memref<32x256xf32, #tpu.memory_space<vmem>>, vector<16xf32>,
        %get3A_196 = arith.index_cast %scan3A_130 : i32 to index
        %get3A_197 = arith.constant 128 : index
        %get3A_198 = tpu.vector_load %arg13[%get3A_196, %get3A_197] {strides = array<i32>} : memref<32x256xf32, #tpu.memory_space<vmem>>, vector<16xf32>,
        %mul3A_199 = arith.mulf %get3A_198, %gather3A : vector<16xf32>
        %swap3A_200 = arith.index_cast %scan3A_130 : i32 to index
        %swap3A_201 = arith.constant 128 : index
        %swap3A_202 = tpu.vector_load %arg13[%swap3A_200, %swap3A_201] {strides = array<i32>} : memref<32x256xf32, #tpu.memory_space<vmem>>, vector<16xf32>,
        tpu.vector_store %arg13[%swap3A_200, %swap3A_201], %mul3A_199 {strides = array<i32>} : memref<32x256xf32, #tpu.memory_space<vmem>>, vector<16xf32>,
        %get3A_203 = arith.index_cast %scan3A_130 : i32 to index
        %get3A_204 = arith.constant 144 : index
        %get3A_205 = tpu.vector_load %arg13[%get3A_203, %get3A_204] {strides = array<i32>} : memref<32x256xf32, #tpu.memory_space<vmem>>, vector<16xf32>,
        %mul3A_206 = arith.mulf %get3A_205, %gather3A : vector<16xf32>
        %swap3A_207 = arith.index_cast %scan3A_130 : i32 to index
        %swap3A_208 = arith.constant 144 : index
        %swap3A_209 = tpu.vector_load %arg13[%swap3A_207, %swap3A_208] {strides = array<i32>} : memref<32x256xf32, #tpu.memory_space<vmem>>, vector<16xf32>,
        tpu.vector_store %arg13[%swap3A_207, %swap3A_208], %mul3A_206 {strides = array<i32>} : memref<32x256xf32, #tpu.memory_space<vmem>>, vector<16xf32>,
        %get3A_210 = arith.index_cast %scan3A_130 : i32 to index
        %get3A_211 = arith.constant 160 : index
        %get3A_212 = tpu.vector_load %arg13[%get3A_210, %get3A_211] {strides = array<i32>} : memref<32x256xf32, #tpu.memory_space<vmem>>, vector<16xf32>,
        %mul3A_213 = arith.mulf %get3A_212, %gather3A : vector<16xf32>
        %swap3A_214 = arith.index_cast %scan3A_130 : i32 to index
        %swap3A_215 = arith.constant 160 : index
        %swap3A_216 = tpu.vector_load %arg13[%swap3A_214, %swap3A_215] {strides = array<i32>} : memref<32x256xf32, #tpu.memory_space<vmem>>, vector<16xf32>,
        tpu.vector_store %arg13[%swap3A_214, %swap3A_215], %mul3A_213 {strides = array<i32>} : memref<32x256xf32, #tpu.memory_space<vmem>>, vector<16xf32>,
        %get3A_217 = arith.index_cast %scan3A_130 : i32 to index
        %get3A_218 = arith.constant 176 : index
        %get3A_219 = tpu.vector_load %arg13[%get3A_217, %get3A_218] {strides = array<i32>} : memref<32x256xf32, #tpu.memory_space<vmem>>, vector<16xf32>,
        %mul3A_220 = arith.mulf %get3A_219, %gather3A : vector<16xf32>
        %swap3A_221 = arith.index_cast %scan3A_130 : i32 to index
        %swap3A_222 = arith.constant 176 : index
        %swap3A_223 = tpu.vector_load %arg13[%swap3A_221, %swap3A_222] {strides = array<i32>} : memref<32x256xf32, #tpu.memory_space<vmem>>, vector<16xf32>,
        tpu.vector_store %arg13[%swap3A_221, %swap3A_222], %mul3A_220 {strides = array<i32>} : memref<32x256xf32, #tpu.memory_space<vmem>>, vector<16xf32>,
        %get3A_224 = arith.index_cast %scan3A_130 : i32 to index
        %get3A_225 = arith.constant 192 : index
        %get3A_226 = tpu.vector_load %arg13[%get3A_224, %get3A_225] {strides = array<i32>} : memref<32x256xf32, #tpu.memory_space<vmem>>, vector<16xf32>,
        %mul3A_227 = arith.mulf %get3A_226, %gather3A : vector<16xf32>
        %swap3A_228 = arith.index_cast %scan3A_130 : i32 to index
        %swap3A_229 = arith.constant 192 : index
        %swap3A_230 = tpu.vector_load %arg13[%swap3A_228, %swap3A_229] {strides = array<i32>} : memref<32x256xf32, #tpu.memory_space<vmem>>, vector<16xf32>,
        tpu.vector_store %arg13[%swap3A_228, %swap3A_229], %mul3A_227 {strides = array<i32>} : memref<32x256xf32, #tpu.memory_space<vmem>>, vector<16xf32>,
        %get3A_231 = arith.index_cast %scan3A_130 : i32 to index
        %get3A_232 = arith.constant 208 : index
        %get3A_233 = tpu.vector_load %arg13[%get3A_231, %get3A_232] {strides = array<i32>} : memref<32x256xf32, #tpu.memory_space<vmem>>, vector<16xf32>,
        %mul3A_234 = arith.mulf %get3A_233, %gather3A : vector<16xf32>
        %swap3A_235 = arith.index_cast %scan3A_130 : i32 to index
        %swap3A_236 = arith.constant 208 : index
        %swap3A_237 = tpu.vector_load %arg13[%swap3A_235, %swap3A_236] {strides = array<i32>} : memref<32x256xf32, #tpu.memory_space<vmem>>, vector<16xf32>,
        tpu.vector_store %arg13[%swap3A_235, %swap3A_236], %mul3A_234 {strides = array<i32>} : memref<32x256xf32, #tpu.memory_space<vmem>>, vector<16xf32>,
        %get3A_238 = arith.index_cast %scan3A_130 : i32 to index
        %get3A_239 = arith.constant 224 : index
        %get3A_240 = tpu.vector_load %arg13[%get3A_238, %get3A_239] {strides = array<i32>} : memref<32x256xf32, #tpu.memory_space<vmem>>, vector<16xf32>,
        %mul3A_241 = arith.mulf %get3A_240, %gather3A : vector<16xf32>
        %swap3A_242 = arith.index_cast %scan3A_130 : i32 to index
        %swap3A_243 = arith.constant 224 : index
        %swap3A_244 = tpu.vector_load %arg13[%swap3A_242, %swap3A_243] {strides = array<i32>} : memref<32x256xf32, #tpu.memory_space<vmem>>, vector<16xf32>,
        tpu.vector_store %arg13[%swap3A_242, %swap3A_243], %mul3A_241 {strides = array<i32>} : memref<32x256xf32, #tpu.memory_space<vmem>>, vector<16xf32>,
        %get3A_245 = arith.index_cast %scan3A_130 : i32 to index
        %get3A_246 = arith.constant 240 : index
        %get3A_247 = tpu.vector_load %arg13[%get3A_245, %get3A_246] {strides = array<i32>} : memref<32x256xf32, #tpu.memory_space<vmem>>, vector<16xf32>,
        %mul3A_248 = arith.mulf %get3A_247, %gather3A : vector<16xf32>
        %swap3A_249 = arith.index_cast %scan3A_130 : i32 to index
        %swap3A_250 = arith.constant 240 : index
        %swap3A_251 = tpu.vector_load %arg13[%swap3A_249, %swap3A_250] {strides = array<i32>} : memref<32x256xf32, #tpu.memory_space<vmem>>, vector<16xf32>,
        tpu.vector_store %arg13[%swap3A_249, %swap3A_250], %mul3A_248 {strides = array<i32>} : memref<32x256xf32, #tpu.memory_space<vmem>>, vector<16xf32>,
        %scan3A_252 = arith.constant 0 : i32
        scf.yield %scan3A_252 : i32
      }
      %scan3A_126 = arith.constant 32 : i32
      %mul3A_127 = arith.constant 32 : i32
      %mul3A_128 = arith.muli %select_n3A_107, %mul3A_127 : i32
      "tpu.region"() ({
        %run_scoped3A = tpu.sem_alloc : memref<!tpu.dma_semaphore, #tpu.memory_space<semaphore_mem>>
        %dma_start3A_130 = tpu.memref_slice %arg10[%select_n3A_92, %mul3A_128] : memref<96x128xi32, #tpu.memory_space<vmem>> -> memref<1x32xi32, #tpu.memory_space<vmem>>
        %dma_start3A_131 = tpu.memref_squeeze %dma_start3A_130 : memref<1x32xi32, #tpu.memory_space<vmem>> -> memref<32xi32, #tpu.memory_space<vmem>>
        %dma_start3A_132 = arith.constant 0 : i32
        %dma_start3A_133 = arith.constant 0 : i32
        %dma_start3A_134 = tpu.memref_slice %arg16[%dma_start3A_132, %dma_start3A_133] : memref<5248x256xf32, #tpu.memory_space<vmem_shared>> -> memref<5248x256xf32, #tpu.memory_space<vmem_shared>>
        tpu.enqueue_indirect_dma source(%arg13 : memref<32x256xf32, #tpu.memory_space<vmem>>) target(%dma_start3A_134 : memref<5248x256xf32, #tpu.memory_space<vmem_shared>>) offsets(%dma_start3A_131 : memref<32xi32, #tpu.memory_space<vmem>>) semaphore(%run_scoped3A : memref<!tpu.dma_semaphore, #tpu.memory_space<semaphore_mem>>) {add = true}
        %dma_wait3A_135 = tpu.memref_slice %arg10[%select_n3A_92, %mul3A_128] : memref<96x128xi32, #tpu.memory_space<vmem>> -> memref<1x32xi32, #tpu.memory_space<vmem>>
        %dma_wait3A_136 = tpu.memref_squeeze %dma_wait3A_135 : memref<1x32xi32, #tpu.memory_space<vmem>> -> memref<32xi32, #tpu.memory_space<vmem>>
        %dma_wait3A_137 = arith.constant 0 : i32
        %dma_wait3A_138 = arith.constant 0 : i32
        %dma_wait3A_139 = tpu.memref_slice %arg16[%dma_wait3A_137, %dma_wait3A_138] : memref<5248x256xf32, #tpu.memory_space<vmem_shared>> -> memref<5248x256xf32, #tpu.memory_space<vmem_shared>>
        tpu.wait_indirect_dma semaphore(%run_scoped3A : memref<!tpu.dma_semaphore, #tpu.memory_space<semaphore_mem>>) src(%arg13 : memref<32x256xf32, #tpu.memory_space<vmem>>) dst(%dma_wait3A_139 : memref<5248x256xf32, #tpu.memory_space<vmem_shared>>)
        tpu.yield
      }) : () -> ()
      %while3A_129 = arith.constant 0 : i32
      scf.yield %while3A_129 : i32
    }
    %while3A_65 = arith.constant 1 : i32
    %while3A_66 = scf.for %while3A_73 = %while3A_62 to %while3A_58 step %while3A_65 iter_args(%while3A_74 = %while3A_64) -> (i32)  : i32 {
      %jit3A_75 = arith.constant 4 : i32
      %div3A = arith.divsi %while3A_73, %jit3A_75 : i32
      %sign3A = arith.constant 0 : i32
      %sign3A_76 = arith.cmpi sgt, %while3A_73, %sign3A : i32
      %sign3A_77 = arith.extui %sign3A_76 : i1 to i32
      %sign3A_78 = arith.constant 0 : i32
      %sign3A_79 = arith.cmpi slt, %while3A_73, %sign3A_78 : i32
      %sign3A_80 = arith.extui %sign3A_79 : i1 to i32
      %sign3A_81 = arith.subi %sign3A_77, %sign3A_80 : i32
      %sign3A_82 = arith.constant 0 : i32
      %sign3A_83 = arith.cmpi sgt, %jit3A_75, %sign3A_82 : i32
      %sign3A_84 = arith.extui %sign3A_83 : i1 to i32
      %sign3A_85 = arith.constant 0 : i32
      %sign3A_86 = arith.cmpi slt, %jit3A_75, %sign3A_85 : i32
      %sign3A_87 = arith.extui %sign3A_86 : i1 to i32
      %sign3A_88 = arith.subi %sign3A_84, %sign3A_87 : i32
      %ne3A = arith.cmpi ne, %sign3A_81, %sign3A_88 : i32
      %rem3A = arith.remsi %while3A_73, %jit3A_75 : i32
      %ne3A_89 = arith.constant 0 : i32
      %ne3A_90 = arith.cmpi ne, %rem3A, %ne3A_89 : i32
      %and3A = arith.andi %ne3A, %ne3A_90 : i1
      %sub3A = arith.constant 1 : i32
      %sub3A_91 = arith.subi %div3A, %sub3A : i32
      %select_n3A_92 = arith.select %and3A, %sub3A_91, %div3A : i32
      %jit3A_93 = arith.constant 4 : i32
      %eq3A_94 = arith.constant 0 : i32
      %eq3A_95 = arith.cmpi eq, %jit3A_93, %eq3A_94 : i32
      %jit3A_96 = arith.constant 1 : i32
      %select_n3A_97 = arith.select %eq3A_95, %jit3A_96, %jit3A_93 : i32
      %rem3A_98 = arith.remsi %while3A_73, %select_n3A_97 : i32
      %ne3A_99 = arith.constant 0 : i32
      %ne3A_100 = arith.cmpi ne, %rem3A_98, %ne3A_99 : i32
      %lt3A = arith.constant 0 : i32
      %lt3A_101 = arith.cmpi slt, %rem3A_98, %lt3A : i32
      %lt3A_102 = arith.constant 0 : i32
      %lt3A_103 = arith.cmpi slt, %select_n3A_97, %lt3A_102 : i32
      %ne3A_104 = arith.xori %lt3A_101, %lt3A_103 : i1
      %and3A_105 = arith.andi %ne3A_104, %ne3A_100 : i1
      %add3A_106 = arith.addi %rem3A_98, %select_n3A_97 : i32
      %select_n3A_107 = arith.select %and3A_105, %add3A_106, %rem3A_98 : i32
      %mul3A_108 = arith.constant 32 : i32
      %mul3A_109 = arith.muli %select_n3A_107, %mul3A_108 : i32
      %dma_start3A_110 = tpu.memref_slice %arg9[%select_n3A_92, %mul3A_109] : memref<96x128xi32, #tpu.memory_space<vmem>> -> memref<1x32xi32, #tpu.memory_space<vmem>>
      %dma_start3A_111 = tpu.memref_squeeze %dma_start3A_110 : memref<1x32xi32, #tpu.memory_space<vmem>> -> memref<32xi32, #tpu.memory_space<vmem>>
      %dma_start3A_112 = arith.constant 0 : i32
      %dma_start3A_113 = arith.constant 0 : i32
      %dma_start3A_114 = tpu.memref_slice %arg2[%dma_start3A_112, %dma_start3A_113] : memref<10240x256xf32, #tpu.memory_space<hbm>> -> memref<10240x256xf32, #tpu.memory_space<hbm>>
      tpu.enqueue_indirect_dma source(%dma_start3A_114 : memref<10240x256xf32, #tpu.memory_space<hbm>>) target(%arg13 : memref<32x256xf32, #tpu.memory_space<vmem>>) offsets(%dma_start3A_111 : memref<32xi32, #tpu.memory_space<vmem>>) semaphore(%arg15 : memref<!tpu.dma_semaphore, #tpu.memory_space<semaphore_mem>>)
      %dma_wait3A_115 = tpu.memref_slice %arg9[%select_n3A_92, %mul3A_109] : memref<96x128xi32, #tpu.memory_space<vmem>> -> memref<1x32xi32, #tpu.memory_space<vmem>>
      %dma_wait3A_116 = tpu.memref_squeeze %dma_wait3A_115 : memref<1x32xi32, #tpu.memory_space<vmem>> -> memref<32xi32, #tpu.memory_space<vmem>>
      %dma_wait3A_117 = arith.constant 0 : i32
      %dma_wait3A_118 = arith.constant 0 : i32
      %dma_wait3A_119 = tpu.memref_slice %arg2[%dma_wait3A_117, %dma_wait3A_118] : memref<10240x256xf32, #tpu.memory_space<hbm>> -> memref<10240x256xf32, #tpu.memory_space<hbm>>
      tpu.wait_indirect_dma semaphore(%arg15 : memref<!tpu.dma_semaphore, #tpu.memory_space<semaphore_mem>>) src(%dma_wait3A_119 : memref<10240x256xf32, #tpu.memory_space<hbm>>) dst(%arg13 : memref<32x256xf32, #tpu.memory_space<vmem>>)
      %scan3A_120 = arith.constant 0 : i32
      %scan3A_121 = arith.constant 0 : i32
      %scan3A_122 = arith.constant 32 : i32
      %scan3A_123 = arith.addi %scan3A_121, %scan3A_122 : i32
      %scan3A_124 = arith.constant 1 : i32
      %scan3A_125 = scf.for %scan3A_130 = %scan3A_121 to %scan3A_123 step %scan3A_124 iter_args(%scan3A_131 = %scan3A_120) -> (i32)  : i32 {
        %broadcast_in_dim3A = arith.constant 0 : i32
        %broadcast_in_dim3A_132 = vector.broadcast %broadcast_in_dim3A : i32 to vector<16xi32>
        %add3A_133 = vector.broadcast %select_n3A_92 : i32 to vector<16xi32>
        %add3A_134 = arith.addi %broadcast_in_dim3A_132, %add3A_133 : vector<16xi32>
        %mul3A_135 = arith.constant 32 : i32
        %mul3A_136 = arith.muli %select_n3A_107, %mul3A_135 : i32
        %add3A_137 = vector.broadcast %mul3A_136 : i32 to vector<16xi32>
        %add3A_138 = arith.addi %broadcast_in_dim3A_132, %add3A_137 : vector<16xi32>
        %add3A_139 = vector.broadcast %scan3A_130 : i32 to vector<16xi32>
        %add3A_140 = arith.addi %add3A_138, %add3A_139 : vector<16xi32>
        %gather3A = tpu.vector_load_idx %arg11[%add3A_134, %add3A_140] : memref<96x128xf32, #tpu.memory_space<vmem>>[vector<16xi32>, vector<16xi32>], vector<16xf32>,
        %get3A_141 = arith.index_cast %scan3A_130 : i32 to index
        %get3A_142 = arith.constant 0 : index
        %get3A_143 = tpu.vector_load %arg13[%get3A_141, %get3A_142] {strides = array<i32>} : memref<32x256xf32, #tpu.memory_space<vmem>>, vector<16xf32>,
        %mul3A_144 = arith.mulf %get3A_143, %gather3A : vector<16xf32>
        %swap3A = arith.index_cast %scan3A_130 : i32 to index
        %swap3A_145 = arith.constant 0 : index
        %swap3A_146 = tpu.vector_load %arg13[%swap3A, %swap3A_145] {strides = array<i32>} : memref<32x256xf32, #tpu.memory_space<vmem>>, vector<16xf32>,
        tpu.vector_store %arg13[%swap3A, %swap3A_145], %mul3A_144 {strides = array<i32>} : memref<32x256xf32, #tpu.memory_space<vmem>>, vector<16xf32>,
        %get3A_147 = arith.index_cast %scan3A_130 : i32 to index
        %get3A_148 = arith.constant 16 : index
        %get3A_149 = tpu.vector_load %arg13[%get3A_147, %get3A_148] {strides = array<i32>} : memref<32x256xf32, #tpu.memory_space<vmem>>, vector<16xf32>,
        %mul3A_150 = arith.mulf %get3A_149, %gather3A : vector<16xf32>
        %swap3A_151 = arith.index_cast %scan3A_130 : i32 to index
        %swap3A_152 = arith.constant 16 : index
        %swap3A_153 = tpu.vector_load %arg13[%swap3A_151, %swap3A_152] {strides = array<i32>} : memref<32x256xf32, #tpu.memory_space<vmem>>, vector<16xf32>,
        tpu.vector_store %arg13[%swap3A_151, %swap3A_152], %mul3A_150 {strides = array<i32>} : memref<32x256xf32, #tpu.memory_space<vmem>>, vector<16xf32>,
        %get3A_154 = arith.index_cast %scan3A_130 : i32 to index
        %get3A_155 = arith.constant 32 : index
        %get3A_156 = tpu.vector_load %arg13[%get3A_154, %get3A_155] {strides = array<i32>} : memref<32x256xf32, #tpu.memory_space<vmem>>, vector<16xf32>,
        %mul3A_157 = arith.mulf %get3A_156, %gather3A : vector<16xf32>
        %swap3A_158 = arith.index_cast %scan3A_130 : i32 to index
        %swap3A_159 = arith.constant 32 : index
        %swap3A_160 = tpu.vector_load %arg13[%swap3A_158, %swap3A_159] {strides = array<i32>} : memref<32x256xf32, #tpu.memory_space<vmem>>, vector<16xf32>,
        tpu.vector_store %arg13[%swap3A_158, %swap3A_159], %mul3A_157 {strides = array<i32>} : memref<32x256xf32, #tpu.memory_space<vmem>>, vector<16xf32>,
        %get3A_161 = arith.index_cast %scan3A_130 : i32 to index
        %get3A_162 = arith.constant 48 : index
        %get3A_163 = tpu.vector_load %arg13[%get3A_161, %get3A_162] {strides = array<i32>} : memref<32x256xf32, #tpu.memory_space<vmem>>, vector<16xf32>,
        %mul3A_164 = arith.mulf %get3A_163, %gather3A : vector<16xf32>
        %swap3A_165 = arith.index_cast %scan3A_130 : i32 to index
        %swap3A_166 = arith.constant 48 : index
        %swap3A_167 = tpu.vector_load %arg13[%swap3A_165, %swap3A_166] {strides = array<i32>} : memref<32x256xf32, #tpu.memory_space<vmem>>, vector<16xf32>,
        tpu.vector_store %arg13[%swap3A_165, %swap3A_166], %mul3A_164 {strides = array<i32>} : memref<32x256xf32, #tpu.memory_space<vmem>>, vector<16xf32>,
        %get3A_168 = arith.index_cast %scan3A_130 : i32 to index
        %get3A_169 = arith.constant 64 : index
        %get3A_170 = tpu.vector_load %arg13[%get3A_168, %get3A_169] {strides = array<i32>} : memref<32x256xf32, #tpu.memory_space<vmem>>, vector<16xf32>,
        %mul3A_171 = arith.mulf %get3A_170, %gather3A : vector<16xf32>
        %swap3A_172 = arith.index_cast %scan3A_130 : i32 to index
        %swap3A_173 = arith.constant 64 : index
        %swap3A_174 = tpu.vector_load %arg13[%swap3A_172, %swap3A_173] {strides = array<i32>} : memref<32x256xf32, #tpu.memory_space<vmem>>, vector<16xf32>,
        tpu.vector_store %arg13[%swap3A_172, %swap3A_173], %mul3A_171 {strides = array<i32>} : memref<32x256xf32, #tpu.memory_space<vmem>>, vector<16xf32>,
        %get3A_175 = arith.index_cast %scan3A_130 : i32 to index
        %get3A_176 = arith.constant 80 : index
        %get3A_177 = tpu.vector_load %arg13[%get3A_175, %get3A_176] {strides = array<i32>} : memref<32x256xf32, #tpu.memory_space<vmem>>, vector<16xf32>,
        %mul3A_178 = arith.mulf %get3A_177, %gather3A : vector<16xf32>
        %swap3A_179 = arith.index_cast %scan3A_130 : i32 to index
        %swap3A_180 = arith.constant 80 : index
        %swap3A_181 = tpu.vector_load %arg13[%swap3A_179, %swap3A_180] {strides = array<i32>} : memref<32x256xf32, #tpu.memory_space<vmem>>, vector<16xf32>,
        tpu.vector_store %arg13[%swap3A_179, %swap3A_180], %mul3A_178 {strides = array<i32>} : memref<32x256xf32, #tpu.memory_space<vmem>>, vector<16xf32>,
        %get3A_182 = arith.index_cast %scan3A_130 : i32 to index
        %get3A_183 = arith.constant 96 : index
        %get3A_184 = tpu.vector_load %arg13[%get3A_182, %get3A_183] {strides = array<i32>} : memref<32x256xf32, #tpu.memory_space<vmem>>, vector<16xf32>,
        %mul3A_185 = arith.mulf %get3A_184, %gather3A : vector<16xf32>
        %swap3A_186 = arith.index_cast %scan3A_130 : i32 to index
        %swap3A_187 = arith.constant 96 : index
        %swap3A_188 = tpu.vector_load %arg13[%swap3A_186, %swap3A_187] {strides = array<i32>} : memref<32x256xf32, #tpu.memory_space<vmem>>, vector<16xf32>,
        tpu.vector_store %arg13[%swap3A_186, %swap3A_187], %mul3A_185 {strides = array<i32>} : memref<32x256xf32, #tpu.memory_space<vmem>>, vector<16xf32>,
        %get3A_189 = arith.index_cast %scan3A_130 : i32 to index
        %get3A_190 = arith.constant 112 : index
        %get3A_191 = tpu.vector_load %arg13[%get3A_189, %get3A_190] {strides = array<i32>} : memref<32x256xf32, #tpu.memory_space<vmem>>, vector<16xf32>,
        %mul3A_192 = arith.mulf %get3A_191, %gather3A : vector<16xf32>
        %swap3A_193 = arith.index_cast %scan3A_130 : i32 to index
        %swap3A_194 = arith.constant 112 : index
        %swap3A_195 = tpu.vector_load %arg13[%swap3A_193, %swap3A_194] {strides = array<i32>} : memref<32x256xf32, #tpu.memory_space<vmem>>, vector<16xf32>,
        tpu.vector_store %arg13[%swap3A_193, %swap3A_194], %mul3A_192 {strides = array<i32>} : memref<32x256xf32, #tpu.memory_space<vmem>>, vector<16xf32>,
        %get3A_196 = arith.index_cast %scan3A_130 : i32 to index
        %get3A_197 = arith.constant 128 : index
        %get3A_198 = tpu.vector_load %arg13[%get3A_196, %get3A_197] {strides = array<i32>} : memref<32x256xf32, #tpu.memory_space<vmem>>, vector<16xf32>,
        %mul3A_199 = arith.mulf %get3A_198, %gather3A : vector<16xf32>
        %swap3A_200 = arith.index_cast %scan3A_130 : i32 to index
        %swap3A_201 = arith.constant 128 : index
        %swap3A_202 = tpu.vector_load %arg13[%swap3A_200, %swap3A_201] {strides = array<i32>} : memref<32x256xf32, #tpu.memory_space<vmem>>, vector<16xf32>,
        tpu.vector_store %arg13[%swap3A_200, %swap3A_201], %mul3A_199 {strides = array<i32>} : memref<32x256xf32, #tpu.memory_space<vmem>>, vector<16xf32>,
        %get3A_203 = arith.index_cast %scan3A_130 : i32 to index
        %get3A_204 = arith.constant 144 : index
        %get3A_205 = tpu.vector_load %arg13[%get3A_203, %get3A_204] {strides = array<i32>} : memref<32x256xf32, #tpu.memory_space<vmem>>, vector<16xf32>,
        %mul3A_206 = arith.mulf %get3A_205, %gather3A : vector<16xf32>
        %swap3A_207 = arith.index_cast %scan3A_130 : i32 to index
        %swap3A_208 = arith.constant 144 : index
        %swap3A_209 = tpu.vector_load %arg13[%swap3A_207, %swap3A_208] {strides = array<i32>} : memref<32x256xf32, #tpu.memory_space<vmem>>, vector<16xf32>,
        tpu.vector_store %arg13[%swap3A_207, %swap3A_208], %mul3A_206 {strides = array<i32>} : memref<32x256xf32, #tpu.memory_space<vmem>>, vector<16xf32>,
        %get3A_210 = arith.index_cast %scan3A_130 : i32 to index
        %get3A_211 = arith.constant 160 : index
        %get3A_212 = tpu.vector_load %arg13[%get3A_210, %get3A_211] {strides = array<i32>} : memref<32x256xf32, #tpu.memory_space<vmem>>, vector<16xf32>,
        %mul3A_213 = arith.mulf %get3A_212, %gather3A : vector<16xf32>
        %swap3A_214 = arith.index_cast %scan3A_130 : i32 to index
        %swap3A_215 = arith.constant 160 : index
        %swap3A_216 = tpu.vector_load %arg13[%swap3A_214, %swap3A_215] {strides = array<i32>} : memref<32x256xf32, #tpu.memory_space<vmem>>, vector<16xf32>,
        tpu.vector_store %arg13[%swap3A_214, %swap3A_215], %mul3A_213 {strides = array<i32>} : memref<32x256xf32, #tpu.memory_space<vmem>>, vector<16xf32>,
        %get3A_217 = arith.index_cast %scan3A_130 : i32 to index
        %get3A_218 = arith.constant 176 : index
        %get3A_219 = tpu.vector_load %arg13[%get3A_217, %get3A_218] {strides = array<i32>} : memref<32x256xf32, #tpu.memory_space<vmem>>, vector<16xf32>,
        %mul3A_220 = arith.mulf %get3A_219, %gather3A : vector<16xf32>
        %swap3A_221 = arith.index_cast %scan3A_130 : i32 to index
        %swap3A_222 = arith.constant 176 : index
        %swap3A_223 = tpu.vector_load %arg13[%swap3A_221, %swap3A_222] {strides = array<i32>} : memref<32x256xf32, #tpu.memory_space<vmem>>, vector<16xf32>,
        tpu.vector_store %arg13[%swap3A_221, %swap3A_222], %mul3A_220 {strides = array<i32>} : memref<32x256xf32, #tpu.memory_space<vmem>>, vector<16xf32>,
        %get3A_224 = arith.index_cast %scan3A_130 : i32 to index
        %get3A_225 = arith.constant 192 : index
        %get3A_226 = tpu.vector_load %arg13[%get3A_224, %get3A_225] {strides = array<i32>} : memref<32x256xf32, #tpu.memory_space<vmem>>, vector<16xf32>,
        %mul3A_227 = arith.mulf %get3A_226, %gather3A : vector<16xf32>
        %swap3A_228 = arith.index_cast %scan3A_130 : i32 to index
        %swap3A_229 = arith.constant 192 : index
        %swap3A_230 = tpu.vector_load %arg13[%swap3A_228, %swap3A_229] {strides = array<i32>} : memref<32x256xf32, #tpu.memory_space<vmem>>, vector<16xf32>,
        tpu.vector_store %arg13[%swap3A_228, %swap3A_229], %mul3A_227 {strides = array<i32>} : memref<32x256xf32, #tpu.memory_space<vmem>>, vector<16xf32>,
        %get3A_231 = arith.index_cast %scan3A_130 : i32 to index
        %get3A_232 = arith.constant 208 : index
        %get3A_233 = tpu.vector_load %arg13[%get3A_231, %get3A_232] {strides = array<i32>} : memref<32x256xf32, #tpu.memory_space<vmem>>, vector<16xf32>,
        %mul3A_234 = arith.mulf %get3A_233, %gather3A : vector<16xf32>
        %swap3A_235 = arith.index_cast %scan3A_130 : i32 to index
        %swap3A_236 = arith.constant 208 : index
        %swap3A_237 = tpu.vector_load %arg13[%swap3A_235, %swap3A_236] {strides = array<i32>} : memref<32x256xf32, #tpu.memory_space<vmem>>, vector<16xf32>,
        tpu.vector_store %arg13[%swap3A_235, %swap3A_236], %mul3A_234 {strides = array<i32>} : memref<32x256xf32, #tpu.memory_space<vmem>>, vector<16xf32>,
        %get3A_238 = arith.index_cast %scan3A_130 : i32 to index
        %get3A_239 = arith.constant 224 : index
        %get3A_240 = tpu.vector_load %arg13[%get3A_238, %get3A_239] {strides = array<i32>} : memref<32x256xf32, #tpu.memory_space<vmem>>, vector<16xf32>,
        %mul3A_241 = arith.mulf %get3A_240, %gather3A : vector<16xf32>
        %swap3A_242 = arith.index_cast %scan3A_130 : i32 to index
        %swap3A_243 = arith.constant 224 : index
        %swap3A_244 = tpu.vector_load %arg13[%swap3A_242, %swap3A_243] {strides = array<i32>} : memref<32x256xf32, #tpu.memory_space<vmem>>, vector<16xf32>,
        tpu.vector_store %arg13[%swap3A_242, %swap3A_243], %mul3A_241 {strides = array<i32>} : memref<32x256xf32, #tpu.memory_space<vmem>>, vector<16xf32>,
        %get3A_245 = arith.index_cast %scan3A_130 : i32 to index
        %get3A_246 = arith.constant 240 : index
        %get3A_247 = tpu.vector_load %arg13[%get3A_245, %get3A_246] {strides = array<i32>} : memref<32x256xf32, #tpu.memory_space<vmem>>, vector<16xf32>,
        %mul3A_248 = arith.mulf %get3A_247, %gather3A : vector<16xf32>
        %swap3A_249 = arith.index_cast %scan3A_130 : i32 to index
        %swap3A_250 = arith.constant 240 : index
        %swap3A_251 = tpu.vector_load %arg13[%swap3A_249, %swap3A_250] {strides = array<i32>} : memref<32x256xf32, #tpu.memory_space<vmem>>, vector<16xf32>,
        tpu.vector_store %arg13[%swap3A_249, %swap3A_250], %mul3A_248 {strides = array<i32>} : memref<32x256xf32, #tpu.memory_space<vmem>>, vector<16xf32>,
        %scan3A_252 = arith.constant 0 : i32
        scf.yield %scan3A_252 : i32
      }
      %scan3A_126 = arith.constant 32 : i32
      %mul3A_127 = arith.constant 32 : i32
      %mul3A_128 = arith.muli %select_n3A_107, %mul3A_127 : i32
      "tpu.region"() ({
        %run_scoped3A = tpu.sem_alloc : memref<!tpu.dma_semaphore, #tpu.memory_space<semaphore_mem>>
        %dma_start3A_130 = tpu.memref_slice %arg10[%select_n3A_92, %mul3A_128] : memref<96x128xi32, #tpu.memory_space<vmem>> -> memref<1x32xi32, #tpu.memory_space<vmem>>
        %dma_start3A_131 = tpu.memref_squeeze %dma_start3A_130 : memref<1x32xi32, #tpu.memory_space<vmem>> -> memref<32xi32, #tpu.memory_space<vmem>>
        %dma_start3A_132 = arith.constant 0 : i32
        %dma_start3A_133 = arith.constant 0 : i32
        %dma_start3A_134 = tpu.memref_slice %arg16[%dma_start3A_132, %dma_start3A_133] : memref<5248x256xf32, #tpu.memory_space<vmem_shared>> -> memref<5248x256xf32, #tpu.memory_space<vmem_shared>>
        tpu.enqueue_indirect_dma source(%arg13 : memref<32x256xf32, #tpu.memory_space<vmem>>) target(%dma_start3A_134 : memref<5248x256xf32, #tpu.memory_space<vmem_shared>>) offsets(%dma_start3A_131 : memref<32xi32, #tpu.memory_space<vmem>>) semaphore(%run_scoped3A : memref<!tpu.dma_semaphore, #tpu.memory_space<semaphore_mem>>) {add = true}
        %dma_wait3A_135 = tpu.memref_slice %arg10[%select_n3A_92, %mul3A_128] : memref<96x128xi32, #tpu.memory_space<vmem>> -> memref<1x32xi32, #tpu.memory_space<vmem>>
        %dma_wait3A_136 = tpu.memref_squeeze %dma_wait3A_135 : memref<1x32xi32, #tpu.memory_space<vmem>> -> memref<32xi32, #tpu.memory_space<vmem>>
        %dma_wait3A_137 = arith.constant 0 : i32
        %dma_wait3A_138 = arith.constant 0 : i32
        %dma_wait3A_139 = tpu.memref_slice %arg16[%dma_wait3A_137, %dma_wait3A_138] : memref<5248x256xf32, #tpu.memory_space<vmem_shared>> -> memref<5248x256xf32, #tpu.memory_space<vmem_shared>>
        tpu.wait_indirect_dma semaphore(%run_scoped3A : memref<!tpu.dma_semaphore, #tpu.memory_space<semaphore_mem>>) src(%arg13 : memref<32x256xf32, #tpu.memory_space<vmem>>) dst(%dma_wait3A_139 : memref<5248x256xf32, #tpu.memory_space<vmem_shared>>)
        tpu.yield
      }) : () -> ()
      %while3A_129 = arith.constant 0 : i32
      scf.yield %while3A_129 : i32
    }
    %barrier3A_67 = arith.constant 0 : index
    tpu.barrier barrier_id(%barrier3A_67)
    %mul3A_68 = arith.constant 320 : i32
    %mul3A_69 = arith.muli %arg1, %mul3A_68 : i32
    %mul3A_70 = arith.constant 320 : i32
    %mul3A_71 = arith.muli %arg1, %mul3A_70 : i32
    %add3A_72 = arith.addi %mul3A_24, %mul3A_71 : i32
    "tpu.region"() ({
      %run_scoped3A = tpu.sem_alloc : memref<!tpu.dma_semaphore, #tpu.memory_space<semaphore_mem>>
      %dma_start3A_73 = arith.constant 0 : i32
      %dma_start3A_74 = tpu.memref_slice %arg7[%add3A_72, %dma_start3A_73] : memref<10240x256xf32, #tpu.memory_space<hbm>> -> memref<320x256xf32, #tpu.memory_space<hbm>>
      %dma_start3A_75 = arith.constant 0 : i32
      %dma_start3A_76 = tpu.memref_slice %arg16[%mul3A_69, %dma_start3A_75] : memref<5248x256xf32, #tpu.memory_space<vmem_shared>> -> memref<320x256xf32, #tpu.memory_space<vmem_shared>>
      tpu.enqueue_dma source(%dma_start3A_76 : memref<320x256xf32, #tpu.memory_space<vmem_shared>>) target(%dma_start3A_74 : memref<320x256xf32, #tpu.memory_space<hbm>>) target_semaphore(%run_scoped3A : memref<!tpu.dma_semaphore, #tpu.memory_space<semaphore_mem>>)
      %dma_wait3A_77 = arith.constant 0 : i32
      %dma_wait3A_78 = tpu.memref_slice %arg7[%add3A_72, %dma_wait3A_77] : memref<10240x256xf32, #tpu.memory_space<hbm>> -> memref<320x256xf32, #tpu.memory_space<hbm>>
      %dma_wait3A_79 = arith.constant 0 : i32
      %dma_wait3A_80 = tpu.memref_slice %arg16[%mul3A_69, %dma_wait3A_79] : memref<5248x256xf32, #tpu.memory_space<vmem_shared>> -> memref<320x256xf32, #tpu.memory_space<vmem_shared>>
      tpu.wait_dma2 semaphore(%run_scoped3A : memref<!tpu.dma_semaphore, #tpu.memory_space<semaphore_mem>>) src(%dma_wait3A_80 : memref<320x256xf32, #tpu.memory_space<vmem_shared>>) dst(%dma_wait3A_78 : memref<320x256xf32, #tpu.memory_space<hbm>>)
      tpu.yield
    }) : () -> ()
    return
  }
}

#map = affine_map<(d0, d1) -> (0, 0)>
module attributes {stable_mosaic.version = 14 : i64} {
  func.func @_sc_agg(%arg0: i32, %arg1: i32, %arg2: memref<10240x256xf32, #tpu.memory_space<hbm>>, %arg3: memref<1536x128xi32, #tpu.memory_space<hbm>>, %arg4: memref<1536x128xi32, #tpu.memory_space<hbm>>, %arg5: memref<1536x128xf32, #tpu.memory_space<hbm>>, %arg6: memref<16x16xi32, #tpu.memory_space<hbm>>, %arg7: memref<10240x256xf32, #tpu.memory_space<hbm>>, %arg8: memref<96xi32, #tpu.memory_space<vmem>>, %arg9: memref<96x128xi32, #tpu.memory_space<vmem>>, %arg10: memref<96x128xi32, #tpu.memory_space<vmem>>, %arg11: memref<96x128xf32, #tpu.memory_space<vmem>>, %arg12: memref<16x16xi32, #tpu.memory_space<vmem>>, %arg13: memref<32x256xf32, #tpu.memory_space<vmem>>, %arg14: memref<4x256xf32, #tpu.memory_space<vmem>>, %arg15: memref<!tpu.dma_semaphore, #tpu.memory_space<semaphore_mem>>, %arg16: memref<5248x256xf32, #tpu.memory_space<vmem_shared>>) attributes {dimension_semantics = [#tpu.dimension_semantics<core_parallel>, #tpu.dimension_semantics<subcore_parallel>], iteration_bounds = array<i64: 2, 16>, scalar_prefetch = 0 : i64, scratch_operands = 9 : i64, tpu.core_type = #tpu.core_type<sc_vector_subcore>, window_params = [{transform_indices = #map}, {transform_indices = #map}, {transform_indices = #map}, {transform_indices = #map}, {transform_indices = #map}, {transform_indices = #map}]} {
    %mul3A = arith.constant 96 : i32
    %mul3A_0 = arith.muli %arg1, %mul3A : i32
    %scan3A = arith.constant 0 : i32
    %scan3A_1 = arith.constant 0 : i32
    %scan3A_2 = arith.constant 6 : i32
    %scan3A_3 = arith.addi %scan3A_1, %scan3A_2 : i32
    %scan3A_4 = arith.constant 1 : i32
    %scan3A_5 = scf.for %scan3A_73 = %scan3A_1 to %scan3A_3 step %scan3A_4 iter_args(%scan3A_74 = %scan3A) -> (i32)  : i32 {
      %mul3A_75 = arith.constant 16 : i32
      %mul3A_76 = arith.muli %scan3A_73, %mul3A_75 : i32
      %add3A_77 = arith.addi %mul3A_0, %mul3A_76 : i32
      %iota3A = tpu.iota {dimensions = array<i32: 0>} : vector<16xi32>
      %add3A_78 = vector.broadcast %add3A_77 : i32 to vector<16xi32>
      %add3A_79 = arith.addi %add3A_78, %iota3A : vector<16xi32>
      %mul3A_80 = arith.constant 16 : i32
      %mul3A_81 = arith.muli %scan3A_73, %mul3A_80 : i32
      %swap3A = arith.index_cast %mul3A_81 : i32 to index
      %swap3A_82 = tpu.vector_load %arg8[%swap3A] {strides = array<i32>} : memref<96xi32, #tpu.memory_space<vmem>>, vector<16xi32>,
      tpu.vector_store %arg8[%swap3A], %add3A_79 {strides = array<i32>} : memref<96xi32, #tpu.memory_space<vmem>>, vector<16xi32>,
      %scan3A_83 = arith.constant 0 : i32
      scf.yield %scan3A_83 : i32
    }
    %scan3A_6 = arith.constant 6 : i32
    %dma_start3A = arith.constant 0 : i32
    %dma_start3A_7 = arith.constant 0 : i32
    %dma_start3A_8 = tpu.memref_slice %arg3[%dma_start3A, %dma_start3A_7] : memref<1536x128xi32, #tpu.memory_space<hbm>> -> memref<1536x128xi32, #tpu.memory_space<hbm>>
    tpu.enqueue_indirect_dma source(%dma_start3A_8 : memref<1536x128xi32, #tpu.memory_space<hbm>>) target(%arg9 : memref<96x128xi32, #tpu.memory_space<vmem>>) offsets(%arg8 : memref<96xi32, #tpu.memory_space<vmem>>) semaphore(%arg15 : memref<!tpu.dma_semaphore, #tpu.memory_space<semaphore_mem>>)
    %dma_wait3A = arith.constant 0 : i32
    %dma_wait3A_9 = arith.constant 0 : i32
    %dma_wait3A_10 = tpu.memref_slice %arg3[%dma_wait3A, %dma_wait3A_9] : memref<1536x128xi32, #tpu.memory_space<hbm>> -> memref<1536x128xi32, #tpu.memory_space<hbm>>
    tpu.wait_indirect_dma semaphore(%arg15 : memref<!tpu.dma_semaphore, #tpu.memory_space<semaphore_mem>>) src(%dma_wait3A_10 : memref<1536x128xi32, #tpu.memory_space<hbm>>) dst(%arg9 : memref<96x128xi32, #tpu.memory_space<vmem>>)
    %dma_start3A_11 = arith.constant 0 : i32
    %dma_start3A_12 = arith.constant 0 : i32
    %dma_start3A_13 = tpu.memref_slice %arg4[%dma_start3A_11, %dma_start3A_12] : memref<1536x128xi32, #tpu.memory_space<hbm>> -> memref<1536x128xi32, #tpu.memory_space<hbm>>
    tpu.enqueue_indirect_dma source(%dma_start3A_13 : memref<1536x128xi32, #tpu.memory_space<hbm>>) target(%arg10 : memref<96x128xi32, #tpu.memory_space<vmem>>) offsets(%arg8 : memref<96xi32, #tpu.memory_space<vmem>>) semaphore(%arg15 : memref<!tpu.dma_semaphore, #tpu.memory_space<semaphore_mem>>)
    %dma_wait3A_14 = arith.constant 0 : i32
    %dma_wait3A_15 = arith.constant 0 : i32
    %dma_wait3A_16 = tpu.memref_slice %arg4[%dma_wait3A_14, %dma_wait3A_15] : memref<1536x128xi32, #tpu.memory_space<hbm>> -> memref<1536x128xi32, #tpu.memory_space<hbm>>
    tpu.wait_indirect_dma semaphore(%arg15 : memref<!tpu.dma_semaphore, #tpu.memory_space<semaphore_mem>>) src(%dma_wait3A_16 : memref<1536x128xi32, #tpu.memory_space<hbm>>) dst(%arg10 : memref<96x128xi32, #tpu.memory_space<vmem>>)
    %dma_start3A_17 = arith.constant 0 : i32
    %dma_start3A_18 = arith.constant 0 : i32
    %dma_start3A_19 = tpu.memref_slice %arg5[%dma_start3A_17, %dma_start3A_18] : memref<1536x128xf32, #tpu.memory_space<hbm>> -> memref<1536x128xf32, #tpu.memory_space<hbm>>
    tpu.enqueue_indirect_dma source(%dma_start3A_19 : memref<1536x128xf32, #tpu.memory_space<hbm>>) target(%arg11 : memref<96x128xf32, #tpu.memory_space<vmem>>) offsets(%arg8 : memref<96xi32, #tpu.memory_space<vmem>>) semaphore(%arg15 : memref<!tpu.dma_semaphore, #tpu.memory_space<semaphore_mem>>)
    %dma_wait3A_20 = arith.constant 0 : i32
    %dma_wait3A_21 = arith.constant 0 : i32
    %dma_wait3A_22 = tpu.memref_slice %arg5[%dma_wait3A_20, %dma_wait3A_21] : memref<1536x128xf32, #tpu.memory_space<hbm>> -> memref<1536x128xf32, #tpu.memory_space<hbm>>
    tpu.wait_indirect_dma semaphore(%arg15 : memref<!tpu.dma_semaphore, #tpu.memory_space<semaphore_mem>>) src(%dma_wait3A_22 : memref<1536x128xf32, #tpu.memory_space<hbm>>) dst(%arg11 : memref<96x128xf32, #tpu.memory_space<vmem>>)
    "tpu.region"() ({
      %run_scoped3A = tpu.sem_alloc : memref<!tpu.dma_semaphore, #tpu.memory_space<semaphore_mem>>
      tpu.enqueue_dma source(%arg6 : memref<16x16xi32, #tpu.memory_space<hbm>>) target(%arg12 : memref<16x16xi32, #tpu.memory_space<vmem>>) target_semaphore(%run_scoped3A : memref<!tpu.dma_semaphore, #tpu.memory_space<semaphore_mem>>)
      tpu.wait_dma2 semaphore(%run_scoped3A : memref<!tpu.dma_semaphore, #tpu.memory_space<semaphore_mem>>) src(%arg6 : memref<16x16xi32, #tpu.memory_space<hbm>>) dst(%arg12 : memref<16x16xi32, #tpu.memory_space<vmem>>)
      tpu.yield
    }) : () -> ()
    %mul3A_23 = arith.constant 5120 : i32
    %mul3A_24 = arith.muli %arg0, %mul3A_23 : i32
    %scan3A_25 = arith.constant 0 : i32
    %scan3A_26 = arith.constant 0 : i32
    %scan3A_27 = arith.constant 768 : i32
    %scan3A_28 = arith.addi %scan3A_26, %scan3A_27 : i32
    %scan3A_29 = arith.constant 1 : i32
    %scan3A_30 = scf.for %scan3A_73 = %scan3A_26 to %scan3A_28 step %scan3A_29 iter_args(%scan3A_74 = %scan3A_25) -> (i32)  : i32 {
      %jit3A_75 = arith.constant 8 : i32
      %div3A = arith.divsi %scan3A_73, %jit3A_75 : i32
      %sign3A = arith.constant 0 : i32
      %sign3A_76 = arith.cmpi sgt, %scan3A_73, %sign3A : i32
      %sign3A_77 = arith.extui %sign3A_76 : i1 to i32
      %sign3A_78 = arith.constant 0 : i32
      %sign3A_79 = arith.cmpi slt, %scan3A_73, %sign3A_78 : i32
      %sign3A_80 = arith.extui %sign3A_79 : i1 to i32
      %sign3A_81 = arith.subi %sign3A_77, %sign3A_80 : i32
      %sign3A_82 = arith.constant 0 : i32
      %sign3A_83 = arith.cmpi sgt, %jit3A_75, %sign3A_82 : i32
      %sign3A_84 = arith.extui %sign3A_83 : i1 to i32
      %sign3A_85 = arith.constant 0 : i32
      %sign3A_86 = arith.cmpi slt, %jit3A_75, %sign3A_85 : i32
      %sign3A_87 = arith.extui %sign3A_86 : i1 to i32
      %sign3A_88 = arith.subi %sign3A_84, %sign3A_87 : i32
      %ne3A = arith.cmpi ne, %sign3A_81, %sign3A_88 : i32
      %rem3A = arith.remsi %scan3A_73, %jit3A_75 : i32
      %ne3A_89 = arith.constant 0 : i32
      %ne3A_90 = arith.cmpi ne, %rem3A, %ne3A_89 : i32
      %and3A = arith.andi %ne3A, %ne3A_90 : i1
      %sub3A = arith.constant 1 : i32
      %sub3A_91 = arith.subi %div3A, %sub3A : i32
      %select_n3A_92 = arith.select %and3A, %sub3A_91, %div3A : i32
      %jit3A_93 = arith.constant 8 : i32
      %eq3A_94 = arith.constant 0 : i32
      %eq3A_95 = arith.cmpi eq, %jit3A_93, %eq3A_94 : i32
      %jit3A_96 = arith.constant 1 : i32
      %select_n3A_97 = arith.select %eq3A_95, %jit3A_96, %jit3A_93 : i32
      %rem3A_98 = arith.remsi %scan3A_73, %select_n3A_97 : i32
      %ne3A_99 = arith.constant 0 : i32
      %ne3A_100 = arith.cmpi ne, %rem3A_98, %ne3A_99 : i32
      %lt3A = arith.constant 0 : i32
      %lt3A_101 = arith.cmpi slt, %rem3A_98, %lt3A : i32
      %lt3A_102 = arith.constant 0 : i32
      %lt3A_103 = arith.cmpi slt, %select_n3A_97, %lt3A_102 : i32
      %ne3A_104 = arith.xori %lt3A_101, %lt3A_103 : i1
      %and3A_105 = arith.andi %ne3A_104, %ne3A_100 : i1
      %add3A_106 = arith.addi %rem3A_98, %select_n3A_97 : i32
      %select_n3A_107 = arith.select %and3A_105, %add3A_106, %rem3A_98 : i32
      %mul3A_108 = arith.constant 16 : i32
      %mul3A_109 = arith.muli %select_n3A_107, %mul3A_108 : i32
      %get3A_110 = arith.index_cast %select_n3A_92 : i32 to index
      %get3A_111 = arith.index_cast %mul3A_109 : i32 to index
      %get3A_112 = tpu.vector_load %arg10[%get3A_110, %get3A_111] {strides = array<i32>} : memref<96x128xi32, #tpu.memory_space<vmem>>, vector<16xi32>,
      %sub3A_113 = vector.broadcast %mul3A_24 : i32 to vector<16xi32>
      %sub3A_114 = arith.subi %get3A_112, %sub3A_113 : vector<16xi32>
      %ge3A = arith.constant 0 : i32
      %ge3A_115 = vector.broadcast %ge3A : i32 to vector<16xi32>
      %ge3A_116 = arith.cmpi sge, %sub3A_114, %ge3A_115 : vector<16xi32>
      %lt3A_117 = arith.constant 5120 : i32
      %lt3A_118 = vector.broadcast %lt3A_117 : i32 to vector<16xi32>
      %lt3A_119 = arith.cmpi slt, %sub3A_114, %lt3A_118 : vector<16xi32>
      %and3A_120 = arith.andi %ge3A_116, %lt3A_119 : vector<16xi1>
      %jit3A_121 = arith.constant 5247 : i32
      %broadcast_in_dim3A = vector.broadcast %jit3A_121 : i32 to vector<16xi32>
      %select_n3A_122 = arith.select %and3A_120, %sub3A_114, %broadcast_in_dim3A : vector<16xi1>, vector<16xi32>
      %swap3A = arith.index_cast %select_n3A_92 : i32 to index
      %swap3A_123 = arith.index_cast %mul3A_109 : i32 to index
      %swap3A_124 = tpu.vector_load %arg10[%swap3A, %swap3A_123] {strides = array<i32>} : memref<96x128xi32, #tpu.memory_space<vmem>>, vector<16xi32>,
      tpu.vector_store %arg10[%swap3A, %swap3A_123], %select_n3A_122 {strides = array<i32>} : memref<96x128xi32, #tpu.memory_space<vmem>>, vector<16xi32>,
      %scan3A_125 = arith.constant 0 : i32
      scf.yield %scan3A_125 : i32
    }
    %scan3A_31 = arith.constant 768 : i32
    %scan3A_32 = arith.constant 0 : i32
    %scan3A_33 = arith.constant 0 : i32
    %scan3A_34 = arith.constant 64 : i32
    %scan3A_35 = arith.addi %scan3A_33, %scan3A_34 : i32
    %scan3A_36 = arith.constant 1 : i32
    %scan3A_37 = scf.for %scan3A_73 = %scan3A_33 to %scan3A_35 step %scan3A_36 iter_args(%scan3A_74 = %scan3A_32) -> (i32)  : i32 {
      %broadcast_in_dim3A = arith.constant 0.000000e+00 : f32
      %broadcast_in_dim3A_75 = vector.broadcast %broadcast_in_dim3A : f32 to vector<16xf32>
      %jit3A_76 = arith.constant 16 : i32
      %div3A = arith.divsi %scan3A_73, %jit3A_76 : i32
      %sign3A = arith.constant 0 : i32
      %sign3A_77 = arith.cmpi sgt, %scan3A_73, %sign3A : i32
      %sign3A_78 = arith.extui %sign3A_77 : i1 to i32
      %sign3A_79 = arith.constant 0 : i32
      %sign3A_80 = arith.cmpi slt, %scan3A_73, %sign3A_79 : i32
      %sign3A_81 = arith.extui %sign3A_80 : i1 to i32
      %sign3A_82 = arith.subi %sign3A_78, %sign3A_81 : i32
      %sign3A_83 = arith.constant 0 : i32
      %sign3A_84 = arith.cmpi sgt, %jit3A_76, %sign3A_83 : i32
      %sign3A_85 = arith.extui %sign3A_84 : i1 to i32
      %sign3A_86 = arith.constant 0 : i32
      %sign3A_87 = arith.cmpi slt, %jit3A_76, %sign3A_86 : i32
      %sign3A_88 = arith.extui %sign3A_87 : i1 to i32
      %sign3A_89 = arith.subi %sign3A_85, %sign3A_88 : i32
      %ne3A = arith.cmpi ne, %sign3A_82, %sign3A_89 : i32
      %rem3A = arith.remsi %scan3A_73, %jit3A_76 : i32
      %ne3A_90 = arith.constant 0 : i32
      %ne3A_91 = arith.cmpi ne, %rem3A, %ne3A_90 : i32
      %and3A = arith.andi %ne3A, %ne3A_91 : i1
      %sub3A = arith.constant 1 : i32
      %sub3A_92 = arith.subi %div3A, %sub3A : i32
      %select_n3A_93 = arith.select %and3A, %sub3A_92, %div3A : i32
      %jit3A_94 = arith.constant 16 : i32
      %eq3A_95 = arith.constant 0 : i32
      %eq3A_96 = arith.cmpi eq, %jit3A_94, %eq3A_95 : i32
      %jit3A_97 = arith.constant 1 : i32
      %select_n3A_98 = arith.select %eq3A_96, %jit3A_97, %jit3A_94 : i32
      %rem3A_99 = arith.remsi %scan3A_73, %select_n3A_98 : i32
      %ne3A_100 = arith.constant 0 : i32
      %ne3A_101 = arith.cmpi ne, %rem3A_99, %ne3A_100 : i32
      %lt3A = arith.constant 0 : i32
      %lt3A_102 = arith.cmpi slt, %rem3A_99, %lt3A : i32
      %lt3A_103 = arith.constant 0 : i32
      %lt3A_104 = arith.cmpi slt, %select_n3A_98, %lt3A_103 : i32
      %ne3A_105 = arith.xori %lt3A_102, %lt3A_104 : i1
      %and3A_106 = arith.andi %ne3A_105, %ne3A_101 : i1
      %add3A_107 = arith.addi %rem3A_99, %select_n3A_98 : i32
      %select_n3A_108 = arith.select %and3A_106, %add3A_107, %rem3A_99 : i32
      %mul3A_109 = arith.constant 16 : i32
      %mul3A_110 = arith.muli %select_n3A_108, %mul3A_109 : i32
      %swap3A = arith.index_cast %select_n3A_93 : i32 to index
      %swap3A_111 = arith.index_cast %mul3A_110 : i32 to index
      %swap3A_112 = tpu.vector_load %arg14[%swap3A, %swap3A_111] {strides = array<i32>} : memref<4x256xf32, #tpu.memory_space<vmem>>, vector<16xf32>,
      tpu.vector_store %arg14[%swap3A, %swap3A_111], %broadcast_in_dim3A_75 {strides = array<i32>} : memref<4x256xf32, #tpu.memory_space<vmem>>, vector<16xf32>,
      %scan3A_113 = arith.constant 0 : i32
      scf.yield %scan3A_113 : i32
    }
    %scan3A_38 = arith.constant 64 : i32
    %scan3A_39 = arith.constant 0 : i32
    %scan3A_40 = arith.constant 0 : i32
    %scan3A_41 = arith.constant 82 : i32
    %scan3A_42 = arith.addi %scan3A_40, %scan3A_41 : i32
    %scan3A_43 = arith.constant 1 : i32
    %scan3A_44 = scf.for %scan3A_73 = %scan3A_40 to %scan3A_42 step %scan3A_43 iter_args(%scan3A_74 = %scan3A_39) -> (i32)  : i32 {
      %mul3A_75 = arith.constant 328 : i32
      %mul3A_76 = arith.muli %arg1, %mul3A_75 : i32
      %mul3A_77 = arith.constant 4 : i32
      %mul3A_78 = arith.muli %scan3A_73, %mul3A_77 : i32
      %add3A_79 = arith.addi %mul3A_76, %mul3A_78 : i32
      "tpu.region"() ({
        %run_scoped3A = tpu.sem_alloc : memref<!tpu.dma_semaphore, #tpu.memory_space<semaphore_mem>>
        %dma_start3A_81 = arith.constant 0 : i32
        %dma_start3A_82 = tpu.memref_slice %arg16[%add3A_79, %dma_start3A_81] : memref<5248x256xf32, #tpu.memory_space<vmem_shared>> -> memref<4x256xf32, #tpu.memory_space<vmem_shared>>
        %dma_start3A_83 = arith.constant 0 : i32
        %dma_start3A_84 = tpu.memref_slice %arg16[%add3A_79, %dma_start3A_83] : memref<5248x256xf32, #tpu.memory_space<vmem_shared>> -> memref<4x256xf32, #tpu.memory_space<vmem_shared>>
        tpu.enqueue_dma source(%arg14 : memref<4x256xf32, #tpu.memory_space<vmem>>) target(%dma_start3A_84 : memref<4x256xf32, #tpu.memory_space<vmem_shared>>) target_semaphore(%run_scoped3A : memref<!tpu.dma_semaphore, #tpu.memory_space<semaphore_mem>>)
        %dma_wait3A_85 = arith.constant 0 : i32
        %dma_wait3A_86 = tpu.memref_slice %arg16[%add3A_79, %dma_wait3A_85] : memref<5248x256xf32, #tpu.memory_space<vmem_shared>> -> memref<4x256xf32, #tpu.memory_space<vmem_shared>>
        %dma_wait3A_87 = arith.constant 0 : i32
        %dma_wait3A_88 = tpu.memref_slice %arg16[%add3A_79, %dma_wait3A_87] : memref<5248x256xf32, #tpu.memory_space<vmem_shared>> -> memref<4x256xf32, #tpu.memory_space<vmem_shared>>
        tpu.wait_dma2 semaphore(%run_scoped3A : memref<!tpu.dma_semaphore, #tpu.memory_space<semaphore_mem>>) src(%arg14 : memref<4x256xf32, #tpu.memory_space<vmem>>) dst(%dma_wait3A_88 : memref<4x256xf32, #tpu.memory_space<vmem_shared>>)
        tpu.yield
      }) : () -> ()
      %scan3A_80 = arith.constant 0 : i32
      scf.yield %scan3A_80 : i32
    }
    %scan3A_45 = arith.constant 82 : i32
    %barrier3A = arith.constant 0 : index
    tpu.barrier barrier_id(%barrier3A)
    %get3A = arith.index_cast %arg1 : i32 to index
    %get3A_46 = arith.constant 0 : index
    %get3A_47 = tpu.vector_load %arg12[%get3A, %get3A_46] {strides = array<i32>} : memref<16x16xi32, #tpu.memory_space<vmem>>, vector<16xi32>,
    %slice3A = vector.extract_strided_slice %get3A_47 {offsets = [0], sizes = [1], strides = [1]} : vector<16xi32> to vector<1xi32>
    %squeeze3A = vector.extract %slice3A[0] : i32 from vector<1xi32>
    %eq3A = arith.constant 0 : i32
    %eq3A_48 = arith.cmpi eq, %arg0, %eq3A : i32
    %shift_right_arithmetic3A = arith.constant 5 : i32
    %shift_right_arithmetic3A_49 = arith.shrsi %squeeze3A, %shift_right_arithmetic3A : i32
    %jit3A = arith.constant 0 : i32
    %select_n3A = arith.select %eq3A_48, %jit3A, %shift_right_arithmetic3A_49 : i32
    %eq3A_50 = arith.constant 0 : i32
    %eq3A_51 = arith.cmpi eq, %arg0, %eq3A_50 : i32
    %add3A = arith.constant 31 : i32
    %add3A_52 = arith.addi %squeeze3A, %add3A : i32
    %shift_right_arithmetic3A_53 = arith.constant 5 : i32
    %shift_right_arithmetic3A_54 = arith.shrsi %add3A_52, %shift_right_arithmetic3A_53 : i32
    %jit3A_55 = arith.constant 384 : i32
    %select_n3A_56 = arith.select %eq3A_51, %shift_right_arithmetic3A_54, %jit3A_55 : i32
    %while3A = arith.constant 0 : i32
    %while3A_57 = arith.subi %select_n3A_56, %select_n3A : i32
    %while3A_58 = arith.addi %select_n3A, %while3A_57 : i32
    %while3A_59 = arith.constant 1 : i32
    %while3A_60 = arith.divsi %while3A_57, %while3A_59 : i32
    %while3A_61 = arith.muli %while3A_60, %while3A_59 : i32
    %while3A_62 = arith.addi %select_n3A, %while3A_61 : i32
    %while3A_63 = arith.constant 1 : i32
    %while3A_64 = scf.for %while3A_73 = %select_n3A to %while3A_62 step %while3A_63 iter_args(%while3A_74 = %while3A) -> (i32)  : i32 {
      %jit3A_75 = arith.constant 4 : i32
      %div3A = arith.divsi %while3A_73, %jit3A_75 : i32
      %sign3A = arith.constant 0 : i32
      %sign3A_76 = arith.cmpi sgt, %while3A_73, %sign3A : i32
      %sign3A_77 = arith.extui %sign3A_76 : i1 to i32
      %sign3A_78 = arith.constant 0 : i32
      %sign3A_79 = arith.cmpi slt, %while3A_73, %sign3A_78 : i32
      %sign3A_80 = arith.extui %sign3A_79 : i1 to i32
      %sign3A_81 = arith.subi %sign3A_77, %sign3A_80 : i32
      %sign3A_82 = arith.constant 0 : i32
      %sign3A_83 = arith.cmpi sgt, %jit3A_75, %sign3A_82 : i32
      %sign3A_84 = arith.extui %sign3A_83 : i1 to i32
      %sign3A_85 = arith.constant 0 : i32
      %sign3A_86 = arith.cmpi slt, %jit3A_75, %sign3A_85 : i32
      %sign3A_87 = arith.extui %sign3A_86 : i1 to i32
      %sign3A_88 = arith.subi %sign3A_84, %sign3A_87 : i32
      %ne3A = arith.cmpi ne, %sign3A_81, %sign3A_88 : i32
      %rem3A = arith.remsi %while3A_73, %jit3A_75 : i32
      %ne3A_89 = arith.constant 0 : i32
      %ne3A_90 = arith.cmpi ne, %rem3A, %ne3A_89 : i32
      %and3A = arith.andi %ne3A, %ne3A_90 : i1
      %sub3A = arith.constant 1 : i32
      %sub3A_91 = arith.subi %div3A, %sub3A : i32
      %select_n3A_92 = arith.select %and3A, %sub3A_91, %div3A : i32
      %jit3A_93 = arith.constant 4 : i32
      %eq3A_94 = arith.constant 0 : i32
      %eq3A_95 = arith.cmpi eq, %jit3A_93, %eq3A_94 : i32
      %jit3A_96 = arith.constant 1 : i32
      %select_n3A_97 = arith.select %eq3A_95, %jit3A_96, %jit3A_93 : i32
      %rem3A_98 = arith.remsi %while3A_73, %select_n3A_97 : i32
      %ne3A_99 = arith.constant 0 : i32
      %ne3A_100 = arith.cmpi ne, %rem3A_98, %ne3A_99 : i32
      %lt3A = arith.constant 0 : i32
      %lt3A_101 = arith.cmpi slt, %rem3A_98, %lt3A : i32
      %lt3A_102 = arith.constant 0 : i32
      %lt3A_103 = arith.cmpi slt, %select_n3A_97, %lt3A_102 : i32
      %ne3A_104 = arith.xori %lt3A_101, %lt3A_103 : i1
      %and3A_105 = arith.andi %ne3A_104, %ne3A_100 : i1
      %add3A_106 = arith.addi %rem3A_98, %select_n3A_97 : i32
      %select_n3A_107 = arith.select %and3A_105, %add3A_106, %rem3A_98 : i32
      %mul3A_108 = arith.constant 32 : i32
      %mul3A_109 = arith.muli %select_n3A_107, %mul3A_108 : i32
      %dma_start3A_110 = tpu.memref_slice %arg9[%select_n3A_92, %mul3A_109] : memref<96x128xi32, #tpu.memory_space<vmem>> -> memref<1x32xi32, #tpu.memory_space<vmem>>
      %dma_start3A_111 = tpu.memref_squeeze %dma_start3A_110 : memref<1x32xi32, #tpu.memory_space<vmem>> -> memref<32xi32, #tpu.memory_space<vmem>>
      %dma_start3A_112 = arith.constant 0 : i32
      %dma_start3A_113 = arith.constant 0 : i32
      %dma_start3A_114 = tpu.memref_slice %arg2[%dma_start3A_112, %dma_start3A_113] : memref<10240x256xf32, #tpu.memory_space<hbm>> -> memref<10240x256xf32, #tpu.memory_space<hbm>>
      tpu.enqueue_indirect_dma source(%dma_start3A_114 : memref<10240x256xf32, #tpu.memory_space<hbm>>) target(%arg13 : memref<32x256xf32, #tpu.memory_space<vmem>>) offsets(%dma_start3A_111 : memref<32xi32, #tpu.memory_space<vmem>>) semaphore(%arg15 : memref<!tpu.dma_semaphore, #tpu.memory_space<semaphore_mem>>)
      %dma_wait3A_115 = tpu.memref_slice %arg9[%select_n3A_92, %mul3A_109] : memref<96x128xi32, #tpu.memory_space<vmem>> -> memref<1x32xi32, #tpu.memory_space<vmem>>
      %dma_wait3A_116 = tpu.memref_squeeze %dma_wait3A_115 : memref<1x32xi32, #tpu.memory_space<vmem>> -> memref<32xi32, #tpu.memory_space<vmem>>
      %dma_wait3A_117 = arith.constant 0 : i32
      %dma_wait3A_118 = arith.constant 0 : i32
      %dma_wait3A_119 = tpu.memref_slice %arg2[%dma_wait3A_117, %dma_wait3A_118] : memref<10240x256xf32, #tpu.memory_space<hbm>> -> memref<10240x256xf32, #tpu.memory_space<hbm>>
      tpu.wait_indirect_dma semaphore(%arg15 : memref<!tpu.dma_semaphore, #tpu.memory_space<semaphore_mem>>) src(%dma_wait3A_119 : memref<10240x256xf32, #tpu.memory_space<hbm>>) dst(%arg13 : memref<32x256xf32, #tpu.memory_space<vmem>>)
      %scan3A_120 = arith.constant 0 : i32
      %scan3A_121 = arith.constant 0 : i32
      %scan3A_122 = arith.constant 32 : i32
      %scan3A_123 = arith.addi %scan3A_121, %scan3A_122 : i32
      %scan3A_124 = arith.constant 1 : i32
      %scan3A_125 = scf.for %scan3A_130 = %scan3A_121 to %scan3A_123 step %scan3A_124 iter_args(%scan3A_131 = %scan3A_120) -> (i32)  : i32 {
        %broadcast_in_dim3A = arith.constant 0 : i32
        %broadcast_in_dim3A_132 = vector.broadcast %broadcast_in_dim3A : i32 to vector<16xi32>
        %add3A_133 = vector.broadcast %select_n3A_92 : i32 to vector<16xi32>
        %add3A_134 = arith.addi %broadcast_in_dim3A_132, %add3A_133 : vector<16xi32>
        %mul3A_135 = arith.constant 32 : i32
        %mul3A_136 = arith.muli %select_n3A_107, %mul3A_135 : i32
        %add3A_137 = vector.broadcast %mul3A_136 : i32 to vector<16xi32>
        %add3A_138 = arith.addi %broadcast_in_dim3A_132, %add3A_137 : vector<16xi32>
        %add3A_139 = vector.broadcast %scan3A_130 : i32 to vector<16xi32>
        %add3A_140 = arith.addi %add3A_138, %add3A_139 : vector<16xi32>
        %gather3A = tpu.vector_load_idx %arg11[%add3A_134, %add3A_140] : memref<96x128xf32, #tpu.memory_space<vmem>>[vector<16xi32>, vector<16xi32>], vector<16xf32>,
        %get3A_141 = arith.index_cast %scan3A_130 : i32 to index
        %get3A_142 = arith.constant 0 : index
        %get3A_143 = tpu.vector_load %arg13[%get3A_141, %get3A_142] {strides = array<i32>} : memref<32x256xf32, #tpu.memory_space<vmem>>, vector<16xf32>,
        %mul3A_144 = arith.mulf %get3A_143, %gather3A : vector<16xf32>
        %swap3A = arith.index_cast %scan3A_130 : i32 to index
        %swap3A_145 = arith.constant 0 : index
        %swap3A_146 = tpu.vector_load %arg13[%swap3A, %swap3A_145] {strides = array<i32>} : memref<32x256xf32, #tpu.memory_space<vmem>>, vector<16xf32>,
        tpu.vector_store %arg13[%swap3A, %swap3A_145], %mul3A_144 {strides = array<i32>} : memref<32x256xf32, #tpu.memory_space<vmem>>, vector<16xf32>,
        %get3A_147 = arith.index_cast %scan3A_130 : i32 to index
        %get3A_148 = arith.constant 16 : index
        %get3A_149 = tpu.vector_load %arg13[%get3A_147, %get3A_148] {strides = array<i32>} : memref<32x256xf32, #tpu.memory_space<vmem>>, vector<16xf32>,
        %mul3A_150 = arith.mulf %get3A_149, %gather3A : vector<16xf32>
        %swap3A_151 = arith.index_cast %scan3A_130 : i32 to index
        %swap3A_152 = arith.constant 16 : index
        %swap3A_153 = tpu.vector_load %arg13[%swap3A_151, %swap3A_152] {strides = array<i32>} : memref<32x256xf32, #tpu.memory_space<vmem>>, vector<16xf32>,
        tpu.vector_store %arg13[%swap3A_151, %swap3A_152], %mul3A_150 {strides = array<i32>} : memref<32x256xf32, #tpu.memory_space<vmem>>, vector<16xf32>,
        %get3A_154 = arith.index_cast %scan3A_130 : i32 to index
        %get3A_155 = arith.constant 32 : index
        %get3A_156 = tpu.vector_load %arg13[%get3A_154, %get3A_155] {strides = array<i32>} : memref<32x256xf32, #tpu.memory_space<vmem>>, vector<16xf32>,
        %mul3A_157 = arith.mulf %get3A_156, %gather3A : vector<16xf32>
        %swap3A_158 = arith.index_cast %scan3A_130 : i32 to index
        %swap3A_159 = arith.constant 32 : index
        %swap3A_160 = tpu.vector_load %arg13[%swap3A_158, %swap3A_159] {strides = array<i32>} : memref<32x256xf32, #tpu.memory_space<vmem>>, vector<16xf32>,
        tpu.vector_store %arg13[%swap3A_158, %swap3A_159], %mul3A_157 {strides = array<i32>} : memref<32x256xf32, #tpu.memory_space<vmem>>, vector<16xf32>,
        %get3A_161 = arith.index_cast %scan3A_130 : i32 to index
        %get3A_162 = arith.constant 48 : index
        %get3A_163 = tpu.vector_load %arg13[%get3A_161, %get3A_162] {strides = array<i32>} : memref<32x256xf32, #tpu.memory_space<vmem>>, vector<16xf32>,
        %mul3A_164 = arith.mulf %get3A_163, %gather3A : vector<16xf32>
        %swap3A_165 = arith.index_cast %scan3A_130 : i32 to index
        %swap3A_166 = arith.constant 48 : index
        %swap3A_167 = tpu.vector_load %arg13[%swap3A_165, %swap3A_166] {strides = array<i32>} : memref<32x256xf32, #tpu.memory_space<vmem>>, vector<16xf32>,
        tpu.vector_store %arg13[%swap3A_165, %swap3A_166], %mul3A_164 {strides = array<i32>} : memref<32x256xf32, #tpu.memory_space<vmem>>, vector<16xf32>,
        %get3A_168 = arith.index_cast %scan3A_130 : i32 to index
        %get3A_169 = arith.constant 64 : index
        %get3A_170 = tpu.vector_load %arg13[%get3A_168, %get3A_169] {strides = array<i32>} : memref<32x256xf32, #tpu.memory_space<vmem>>, vector<16xf32>,
        %mul3A_171 = arith.mulf %get3A_170, %gather3A : vector<16xf32>
        %swap3A_172 = arith.index_cast %scan3A_130 : i32 to index
        %swap3A_173 = arith.constant 64 : index
        %swap3A_174 = tpu.vector_load %arg13[%swap3A_172, %swap3A_173] {strides = array<i32>} : memref<32x256xf32, #tpu.memory_space<vmem>>, vector<16xf32>,
        tpu.vector_store %arg13[%swap3A_172, %swap3A_173], %mul3A_171 {strides = array<i32>} : memref<32x256xf32, #tpu.memory_space<vmem>>, vector<16xf32>,
        %get3A_175 = arith.index_cast %scan3A_130 : i32 to index
        %get3A_176 = arith.constant 80 : index
        %get3A_177 = tpu.vector_load %arg13[%get3A_175, %get3A_176] {strides = array<i32>} : memref<32x256xf32, #tpu.memory_space<vmem>>, vector<16xf32>,
        %mul3A_178 = arith.mulf %get3A_177, %gather3A : vector<16xf32>
        %swap3A_179 = arith.index_cast %scan3A_130 : i32 to index
        %swap3A_180 = arith.constant 80 : index
        %swap3A_181 = tpu.vector_load %arg13[%swap3A_179, %swap3A_180] {strides = array<i32>} : memref<32x256xf32, #tpu.memory_space<vmem>>, vector<16xf32>,
        tpu.vector_store %arg13[%swap3A_179, %swap3A_180], %mul3A_178 {strides = array<i32>} : memref<32x256xf32, #tpu.memory_space<vmem>>, vector<16xf32>,
        %get3A_182 = arith.index_cast %scan3A_130 : i32 to index
        %get3A_183 = arith.constant 96 : index
        %get3A_184 = tpu.vector_load %arg13[%get3A_182, %get3A_183] {strides = array<i32>} : memref<32x256xf32, #tpu.memory_space<vmem>>, vector<16xf32>,
        %mul3A_185 = arith.mulf %get3A_184, %gather3A : vector<16xf32>
        %swap3A_186 = arith.index_cast %scan3A_130 : i32 to index
        %swap3A_187 = arith.constant 96 : index
        %swap3A_188 = tpu.vector_load %arg13[%swap3A_186, %swap3A_187] {strides = array<i32>} : memref<32x256xf32, #tpu.memory_space<vmem>>, vector<16xf32>,
        tpu.vector_store %arg13[%swap3A_186, %swap3A_187], %mul3A_185 {strides = array<i32>} : memref<32x256xf32, #tpu.memory_space<vmem>>, vector<16xf32>,
        %get3A_189 = arith.index_cast %scan3A_130 : i32 to index
        %get3A_190 = arith.constant 112 : index
        %get3A_191 = tpu.vector_load %arg13[%get3A_189, %get3A_190] {strides = array<i32>} : memref<32x256xf32, #tpu.memory_space<vmem>>, vector<16xf32>,
        %mul3A_192 = arith.mulf %get3A_191, %gather3A : vector<16xf32>
        %swap3A_193 = arith.index_cast %scan3A_130 : i32 to index
        %swap3A_194 = arith.constant 112 : index
        %swap3A_195 = tpu.vector_load %arg13[%swap3A_193, %swap3A_194] {strides = array<i32>} : memref<32x256xf32, #tpu.memory_space<vmem>>, vector<16xf32>,
        tpu.vector_store %arg13[%swap3A_193, %swap3A_194], %mul3A_192 {strides = array<i32>} : memref<32x256xf32, #tpu.memory_space<vmem>>, vector<16xf32>,
        %get3A_196 = arith.index_cast %scan3A_130 : i32 to index
        %get3A_197 = arith.constant 128 : index
        %get3A_198 = tpu.vector_load %arg13[%get3A_196, %get3A_197] {strides = array<i32>} : memref<32x256xf32, #tpu.memory_space<vmem>>, vector<16xf32>,
        %mul3A_199 = arith.mulf %get3A_198, %gather3A : vector<16xf32>
        %swap3A_200 = arith.index_cast %scan3A_130 : i32 to index
        %swap3A_201 = arith.constant 128 : index
        %swap3A_202 = tpu.vector_load %arg13[%swap3A_200, %swap3A_201] {strides = array<i32>} : memref<32x256xf32, #tpu.memory_space<vmem>>, vector<16xf32>,
        tpu.vector_store %arg13[%swap3A_200, %swap3A_201], %mul3A_199 {strides = array<i32>} : memref<32x256xf32, #tpu.memory_space<vmem>>, vector<16xf32>,
        %get3A_203 = arith.index_cast %scan3A_130 : i32 to index
        %get3A_204 = arith.constant 144 : index
        %get3A_205 = tpu.vector_load %arg13[%get3A_203, %get3A_204] {strides = array<i32>} : memref<32x256xf32, #tpu.memory_space<vmem>>, vector<16xf32>,
        %mul3A_206 = arith.mulf %get3A_205, %gather3A : vector<16xf32>
        %swap3A_207 = arith.index_cast %scan3A_130 : i32 to index
        %swap3A_208 = arith.constant 144 : index
        %swap3A_209 = tpu.vector_load %arg13[%swap3A_207, %swap3A_208] {strides = array<i32>} : memref<32x256xf32, #tpu.memory_space<vmem>>, vector<16xf32>,
        tpu.vector_store %arg13[%swap3A_207, %swap3A_208], %mul3A_206 {strides = array<i32>} : memref<32x256xf32, #tpu.memory_space<vmem>>, vector<16xf32>,
        %get3A_210 = arith.index_cast %scan3A_130 : i32 to index
        %get3A_211 = arith.constant 160 : index
        %get3A_212 = tpu.vector_load %arg13[%get3A_210, %get3A_211] {strides = array<i32>} : memref<32x256xf32, #tpu.memory_space<vmem>>, vector<16xf32>,
        %mul3A_213 = arith.mulf %get3A_212, %gather3A : vector<16xf32>
        %swap3A_214 = arith.index_cast %scan3A_130 : i32 to index
        %swap3A_215 = arith.constant 160 : index
        %swap3A_216 = tpu.vector_load %arg13[%swap3A_214, %swap3A_215] {strides = array<i32>} : memref<32x256xf32, #tpu.memory_space<vmem>>, vector<16xf32>,
        tpu.vector_store %arg13[%swap3A_214, %swap3A_215], %mul3A_213 {strides = array<i32>} : memref<32x256xf32, #tpu.memory_space<vmem>>, vector<16xf32>,
        %get3A_217 = arith.index_cast %scan3A_130 : i32 to index
        %get3A_218 = arith.constant 176 : index
        %get3A_219 = tpu.vector_load %arg13[%get3A_217, %get3A_218] {strides = array<i32>} : memref<32x256xf32, #tpu.memory_space<vmem>>, vector<16xf32>,
        %mul3A_220 = arith.mulf %get3A_219, %gather3A : vector<16xf32>
        %swap3A_221 = arith.index_cast %scan3A_130 : i32 to index
        %swap3A_222 = arith.constant 176 : index
        %swap3A_223 = tpu.vector_load %arg13[%swap3A_221, %swap3A_222] {strides = array<i32>} : memref<32x256xf32, #tpu.memory_space<vmem>>, vector<16xf32>,
        tpu.vector_store %arg13[%swap3A_221, %swap3A_222], %mul3A_220 {strides = array<i32>} : memref<32x256xf32, #tpu.memory_space<vmem>>, vector<16xf32>,
        %get3A_224 = arith.index_cast %scan3A_130 : i32 to index
        %get3A_225 = arith.constant 192 : index
        %get3A_226 = tpu.vector_load %arg13[%get3A_224, %get3A_225] {strides = array<i32>} : memref<32x256xf32, #tpu.memory_space<vmem>>, vector<16xf32>,
        %mul3A_227 = arith.mulf %get3A_226, %gather3A : vector<16xf32>
        %swap3A_228 = arith.index_cast %scan3A_130 : i32 to index
        %swap3A_229 = arith.constant 192 : index
        %swap3A_230 = tpu.vector_load %arg13[%swap3A_228, %swap3A_229] {strides = array<i32>} : memref<32x256xf32, #tpu.memory_space<vmem>>, vector<16xf32>,
        tpu.vector_store %arg13[%swap3A_228, %swap3A_229], %mul3A_227 {strides = array<i32>} : memref<32x256xf32, #tpu.memory_space<vmem>>, vector<16xf32>,
        %get3A_231 = arith.index_cast %scan3A_130 : i32 to index
        %get3A_232 = arith.constant 208 : index
        %get3A_233 = tpu.vector_load %arg13[%get3A_231, %get3A_232] {strides = array<i32>} : memref<32x256xf32, #tpu.memory_space<vmem>>, vector<16xf32>,
        %mul3A_234 = arith.mulf %get3A_233, %gather3A : vector<16xf32>
        %swap3A_235 = arith.index_cast %scan3A_130 : i32 to index
        %swap3A_236 = arith.constant 208 : index
        %swap3A_237 = tpu.vector_load %arg13[%swap3A_235, %swap3A_236] {strides = array<i32>} : memref<32x256xf32, #tpu.memory_space<vmem>>, vector<16xf32>,
        tpu.vector_store %arg13[%swap3A_235, %swap3A_236], %mul3A_234 {strides = array<i32>} : memref<32x256xf32, #tpu.memory_space<vmem>>, vector<16xf32>,
        %get3A_238 = arith.index_cast %scan3A_130 : i32 to index
        %get3A_239 = arith.constant 224 : index
        %get3A_240 = tpu.vector_load %arg13[%get3A_238, %get3A_239] {strides = array<i32>} : memref<32x256xf32, #tpu.memory_space<vmem>>, vector<16xf32>,
        %mul3A_241 = arith.mulf %get3A_240, %gather3A : vector<16xf32>
        %swap3A_242 = arith.index_cast %scan3A_130 : i32 to index
        %swap3A_243 = arith.constant 224 : index
        %swap3A_244 = tpu.vector_load %arg13[%swap3A_242, %swap3A_243] {strides = array<i32>} : memref<32x256xf32, #tpu.memory_space<vmem>>, vector<16xf32>,
        tpu.vector_store %arg13[%swap3A_242, %swap3A_243], %mul3A_241 {strides = array<i32>} : memref<32x256xf32, #tpu.memory_space<vmem>>, vector<16xf32>,
        %get3A_245 = arith.index_cast %scan3A_130 : i32 to index
        %get3A_246 = arith.constant 240 : index
        %get3A_247 = tpu.vector_load %arg13[%get3A_245, %get3A_246] {strides = array<i32>} : memref<32x256xf32, #tpu.memory_space<vmem>>, vector<16xf32>,
        %mul3A_248 = arith.mulf %get3A_247, %gather3A : vector<16xf32>
        %swap3A_249 = arith.index_cast %scan3A_130 : i32 to index
        %swap3A_250 = arith.constant 240 : index
        %swap3A_251 = tpu.vector_load %arg13[%swap3A_249, %swap3A_250] {strides = array<i32>} : memref<32x256xf32, #tpu.memory_space<vmem>>, vector<16xf32>,
        tpu.vector_store %arg13[%swap3A_249, %swap3A_250], %mul3A_248 {strides = array<i32>} : memref<32x256xf32, #tpu.memory_space<vmem>>, vector<16xf32>,
        %scan3A_252 = arith.constant 0 : i32
        scf.yield %scan3A_252 : i32
      }
      %scan3A_126 = arith.constant 32 : i32
      %mul3A_127 = arith.constant 32 : i32
      %mul3A_128 = arith.muli %select_n3A_107, %mul3A_127 : i32
      "tpu.region"() ({
        %run_scoped3A = tpu.sem_alloc : memref<!tpu.dma_semaphore, #tpu.memory_space<semaphore_mem>>
        %dma_start3A_130 = tpu.memref_slice %arg10[%select_n3A_92, %mul3A_128] : memref<96x128xi32, #tpu.memory_space<vmem>> -> memref<1x32xi32, #tpu.memory_space<vmem>>
        %dma_start3A_131 = tpu.memref_squeeze %dma_start3A_130 : memref<1x32xi32, #tpu.memory_space<vmem>> -> memref<32xi32, #tpu.memory_space<vmem>>
        %dma_start3A_132 = arith.constant 0 : i32
        %dma_start3A_133 = arith.constant 0 : i32
        %dma_start3A_134 = tpu.memref_slice %arg16[%dma_start3A_132, %dma_start3A_133] : memref<5248x256xf32, #tpu.memory_space<vmem_shared>> -> memref<5248x256xf32, #tpu.memory_space<vmem_shared>>
        tpu.enqueue_indirect_dma source(%arg13 : memref<32x256xf32, #tpu.memory_space<vmem>>) target(%dma_start3A_134 : memref<5248x256xf32, #tpu.memory_space<vmem_shared>>) offsets(%dma_start3A_131 : memref<32xi32, #tpu.memory_space<vmem>>) semaphore(%run_scoped3A : memref<!tpu.dma_semaphore, #tpu.memory_space<semaphore_mem>>) {add = true}
        %dma_wait3A_135 = tpu.memref_slice %arg10[%select_n3A_92, %mul3A_128] : memref<96x128xi32, #tpu.memory_space<vmem>> -> memref<1x32xi32, #tpu.memory_space<vmem>>
        %dma_wait3A_136 = tpu.memref_squeeze %dma_wait3A_135 : memref<1x32xi32, #tpu.memory_space<vmem>> -> memref<32xi32, #tpu.memory_space<vmem>>
        %dma_wait3A_137 = arith.constant 0 : i32
        %dma_wait3A_138 = arith.constant 0 : i32
        %dma_wait3A_139 = tpu.memref_slice %arg16[%dma_wait3A_137, %dma_wait3A_138] : memref<5248x256xf32, #tpu.memory_space<vmem_shared>> -> memref<5248x256xf32, #tpu.memory_space<vmem_shared>>
        tpu.wait_indirect_dma semaphore(%run_scoped3A : memref<!tpu.dma_semaphore, #tpu.memory_space<semaphore_mem>>) src(%arg13 : memref<32x256xf32, #tpu.memory_space<vmem>>) dst(%dma_wait3A_139 : memref<5248x256xf32, #tpu.memory_space<vmem_shared>>)
        tpu.yield
      }) : () -> ()
      %while3A_129 = arith.constant 0 : i32
      scf.yield %while3A_129 : i32
    }
    %while3A_65 = arith.constant 1 : i32
    %while3A_66 = scf.for %while3A_73 = %while3A_62 to %while3A_58 step %while3A_65 iter_args(%while3A_74 = %while3A_64) -> (i32)  : i32 {
      %jit3A_75 = arith.constant 4 : i32
      %div3A = arith.divsi %while3A_73, %jit3A_75 : i32
      %sign3A = arith.constant 0 : i32
      %sign3A_76 = arith.cmpi sgt, %while3A_73, %sign3A : i32
      %sign3A_77 = arith.extui %sign3A_76 : i1 to i32
      %sign3A_78 = arith.constant 0 : i32
      %sign3A_79 = arith.cmpi slt, %while3A_73, %sign3A_78 : i32
      %sign3A_80 = arith.extui %sign3A_79 : i1 to i32
      %sign3A_81 = arith.subi %sign3A_77, %sign3A_80 : i32
      %sign3A_82 = arith.constant 0 : i32
      %sign3A_83 = arith.cmpi sgt, %jit3A_75, %sign3A_82 : i32
      %sign3A_84 = arith.extui %sign3A_83 : i1 to i32
      %sign3A_85 = arith.constant 0 : i32
      %sign3A_86 = arith.cmpi slt, %jit3A_75, %sign3A_85 : i32
      %sign3A_87 = arith.extui %sign3A_86 : i1 to i32
      %sign3A_88 = arith.subi %sign3A_84, %sign3A_87 : i32
      %ne3A = arith.cmpi ne, %sign3A_81, %sign3A_88 : i32
      %rem3A = arith.remsi %while3A_73, %jit3A_75 : i32
      %ne3A_89 = arith.constant 0 : i32
      %ne3A_90 = arith.cmpi ne, %rem3A, %ne3A_89 : i32
      %and3A = arith.andi %ne3A, %ne3A_90 : i1
      %sub3A = arith.constant 1 : i32
      %sub3A_91 = arith.subi %div3A, %sub3A : i32
      %select_n3A_92 = arith.select %and3A, %sub3A_91, %div3A : i32
      %jit3A_93 = arith.constant 4 : i32
      %eq3A_94 = arith.constant 0 : i32
      %eq3A_95 = arith.cmpi eq, %jit3A_93, %eq3A_94 : i32
      %jit3A_96 = arith.constant 1 : i32
      %select_n3A_97 = arith.select %eq3A_95, %jit3A_96, %jit3A_93 : i32
      %rem3A_98 = arith.remsi %while3A_73, %select_n3A_97 : i32
      %ne3A_99 = arith.constant 0 : i32
      %ne3A_100 = arith.cmpi ne, %rem3A_98, %ne3A_99 : i32
      %lt3A = arith.constant 0 : i32
      %lt3A_101 = arith.cmpi slt, %rem3A_98, %lt3A : i32
      %lt3A_102 = arith.constant 0 : i32
      %lt3A_103 = arith.cmpi slt, %select_n3A_97, %lt3A_102 : i32
      %ne3A_104 = arith.xori %lt3A_101, %lt3A_103 : i1
      %and3A_105 = arith.andi %ne3A_104, %ne3A_100 : i1
      %add3A_106 = arith.addi %rem3A_98, %select_n3A_97 : i32
      %select_n3A_107 = arith.select %and3A_105, %add3A_106, %rem3A_98 : i32
      %mul3A_108 = arith.constant 32 : i32
      %mul3A_109 = arith.muli %select_n3A_107, %mul3A_108 : i32
      %dma_start3A_110 = tpu.memref_slice %arg9[%select_n3A_92, %mul3A_109] : memref<96x128xi32, #tpu.memory_space<vmem>> -> memref<1x32xi32, #tpu.memory_space<vmem>>
      %dma_start3A_111 = tpu.memref_squeeze %dma_start3A_110 : memref<1x32xi32, #tpu.memory_space<vmem>> -> memref<32xi32, #tpu.memory_space<vmem>>
      %dma_start3A_112 = arith.constant 0 : i32
      %dma_start3A_113 = arith.constant 0 : i32
      %dma_start3A_114 = tpu.memref_slice %arg2[%dma_start3A_112, %dma_start3A_113] : memref<10240x256xf32, #tpu.memory_space<hbm>> -> memref<10240x256xf32, #tpu.memory_space<hbm>>
      tpu.enqueue_indirect_dma source(%dma_start3A_114 : memref<10240x256xf32, #tpu.memory_space<hbm>>) target(%arg13 : memref<32x256xf32, #tpu.memory_space<vmem>>) offsets(%dma_start3A_111 : memref<32xi32, #tpu.memory_space<vmem>>) semaphore(%arg15 : memref<!tpu.dma_semaphore, #tpu.memory_space<semaphore_mem>>)
      %dma_wait3A_115 = tpu.memref_slice %arg9[%select_n3A_92, %mul3A_109] : memref<96x128xi32, #tpu.memory_space<vmem>> -> memref<1x32xi32, #tpu.memory_space<vmem>>
      %dma_wait3A_116 = tpu.memref_squeeze %dma_wait3A_115 : memref<1x32xi32, #tpu.memory_space<vmem>> -> memref<32xi32, #tpu.memory_space<vmem>>
      %dma_wait3A_117 = arith.constant 0 : i32
      %dma_wait3A_118 = arith.constant 0 : i32
      %dma_wait3A_119 = tpu.memref_slice %arg2[%dma_wait3A_117, %dma_wait3A_118] : memref<10240x256xf32, #tpu.memory_space<hbm>> -> memref<10240x256xf32, #tpu.memory_space<hbm>>
      tpu.wait_indirect_dma semaphore(%arg15 : memref<!tpu.dma_semaphore, #tpu.memory_space<semaphore_mem>>) src(%dma_wait3A_119 : memref<10240x256xf32, #tpu.memory_space<hbm>>) dst(%arg13 : memref<32x256xf32, #tpu.memory_space<vmem>>)
      %scan3A_120 = arith.constant 0 : i32
      %scan3A_121 = arith.constant 0 : i32
      %scan3A_122 = arith.constant 32 : i32
      %scan3A_123 = arith.addi %scan3A_121, %scan3A_122 : i32
      %scan3A_124 = arith.constant 1 : i32
      %scan3A_125 = scf.for %scan3A_130 = %scan3A_121 to %scan3A_123 step %scan3A_124 iter_args(%scan3A_131 = %scan3A_120) -> (i32)  : i32 {
        %broadcast_in_dim3A = arith.constant 0 : i32
        %broadcast_in_dim3A_132 = vector.broadcast %broadcast_in_dim3A : i32 to vector<16xi32>
        %add3A_133 = vector.broadcast %select_n3A_92 : i32 to vector<16xi32>
        %add3A_134 = arith.addi %broadcast_in_dim3A_132, %add3A_133 : vector<16xi32>
        %mul3A_135 = arith.constant 32 : i32
        %mul3A_136 = arith.muli %select_n3A_107, %mul3A_135 : i32
        %add3A_137 = vector.broadcast %mul3A_136 : i32 to vector<16xi32>
        %add3A_138 = arith.addi %broadcast_in_dim3A_132, %add3A_137 : vector<16xi32>
        %add3A_139 = vector.broadcast %scan3A_130 : i32 to vector<16xi32>
        %add3A_140 = arith.addi %add3A_138, %add3A_139 : vector<16xi32>
        %gather3A = tpu.vector_load_idx %arg11[%add3A_134, %add3A_140] : memref<96x128xf32, #tpu.memory_space<vmem>>[vector<16xi32>, vector<16xi32>], vector<16xf32>,
        %get3A_141 = arith.index_cast %scan3A_130 : i32 to index
        %get3A_142 = arith.constant 0 : index
        %get3A_143 = tpu.vector_load %arg13[%get3A_141, %get3A_142] {strides = array<i32>} : memref<32x256xf32, #tpu.memory_space<vmem>>, vector<16xf32>,
        %mul3A_144 = arith.mulf %get3A_143, %gather3A : vector<16xf32>
        %swap3A = arith.index_cast %scan3A_130 : i32 to index
        %swap3A_145 = arith.constant 0 : index
        %swap3A_146 = tpu.vector_load %arg13[%swap3A, %swap3A_145] {strides = array<i32>} : memref<32x256xf32, #tpu.memory_space<vmem>>, vector<16xf32>,
        tpu.vector_store %arg13[%swap3A, %swap3A_145], %mul3A_144 {strides = array<i32>} : memref<32x256xf32, #tpu.memory_space<vmem>>, vector<16xf32>,
        %get3A_147 = arith.index_cast %scan3A_130 : i32 to index
        %get3A_148 = arith.constant 16 : index
        %get3A_149 = tpu.vector_load %arg13[%get3A_147, %get3A_148] {strides = array<i32>} : memref<32x256xf32, #tpu.memory_space<vmem>>, vector<16xf32>,
        %mul3A_150 = arith.mulf %get3A_149, %gather3A : vector<16xf32>
        %swap3A_151 = arith.index_cast %scan3A_130 : i32 to index
        %swap3A_152 = arith.constant 16 : index
        %swap3A_153 = tpu.vector_load %arg13[%swap3A_151, %swap3A_152] {strides = array<i32>} : memref<32x256xf32, #tpu.memory_space<vmem>>, vector<16xf32>,
        tpu.vector_store %arg13[%swap3A_151, %swap3A_152], %mul3A_150 {strides = array<i32>} : memref<32x256xf32, #tpu.memory_space<vmem>>, vector<16xf32>,
        %get3A_154 = arith.index_cast %scan3A_130 : i32 to index
        %get3A_155 = arith.constant 32 : index
        %get3A_156 = tpu.vector_load %arg13[%get3A_154, %get3A_155] {strides = array<i32>} : memref<32x256xf32, #tpu.memory_space<vmem>>, vector<16xf32>,
        %mul3A_157 = arith.mulf %get3A_156, %gather3A : vector<16xf32>
        %swap3A_158 = arith.index_cast %scan3A_130 : i32 to index
        %swap3A_159 = arith.constant 32 : index
        %swap3A_160 = tpu.vector_load %arg13[%swap3A_158, %swap3A_159] {strides = array<i32>} : memref<32x256xf32, #tpu.memory_space<vmem>>, vector<16xf32>,
        tpu.vector_store %arg13[%swap3A_158, %swap3A_159], %mul3A_157 {strides = array<i32>} : memref<32x256xf32, #tpu.memory_space<vmem>>, vector<16xf32>,
        %get3A_161 = arith.index_cast %scan3A_130 : i32 to index
        %get3A_162 = arith.constant 48 : index
        %get3A_163 = tpu.vector_load %arg13[%get3A_161, %get3A_162] {strides = array<i32>} : memref<32x256xf32, #tpu.memory_space<vmem>>, vector<16xf32>,
        %mul3A_164 = arith.mulf %get3A_163, %gather3A : vector<16xf32>
        %swap3A_165 = arith.index_cast %scan3A_130 : i32 to index
        %swap3A_166 = arith.constant 48 : index
        %swap3A_167 = tpu.vector_load %arg13[%swap3A_165, %swap3A_166] {strides = array<i32>} : memref<32x256xf32, #tpu.memory_space<vmem>>, vector<16xf32>,
        tpu.vector_store %arg13[%swap3A_165, %swap3A_166], %mul3A_164 {strides = array<i32>} : memref<32x256xf32, #tpu.memory_space<vmem>>, vector<16xf32>,
        %get3A_168 = arith.index_cast %scan3A_130 : i32 to index
        %get3A_169 = arith.constant 64 : index
        %get3A_170 = tpu.vector_load %arg13[%get3A_168, %get3A_169] {strides = array<i32>} : memref<32x256xf32, #tpu.memory_space<vmem>>, vector<16xf32>,
        %mul3A_171 = arith.mulf %get3A_170, %gather3A : vector<16xf32>
        %swap3A_172 = arith.index_cast %scan3A_130 : i32 to index
        %swap3A_173 = arith.constant 64 : index
        %swap3A_174 = tpu.vector_load %arg13[%swap3A_172, %swap3A_173] {strides = array<i32>} : memref<32x256xf32, #tpu.memory_space<vmem>>, vector<16xf32>,
        tpu.vector_store %arg13[%swap3A_172, %swap3A_173], %mul3A_171 {strides = array<i32>} : memref<32x256xf32, #tpu.memory_space<vmem>>, vector<16xf32>,
        %get3A_175 = arith.index_cast %scan3A_130 : i32 to index
        %get3A_176 = arith.constant 80 : index
        %get3A_177 = tpu.vector_load %arg13[%get3A_175, %get3A_176] {strides = array<i32>} : memref<32x256xf32, #tpu.memory_space<vmem>>, vector<16xf32>,
        %mul3A_178 = arith.mulf %get3A_177, %gather3A : vector<16xf32>
        %swap3A_179 = arith.index_cast %scan3A_130 : i32 to index
        %swap3A_180 = arith.constant 80 : index
        %swap3A_181 = tpu.vector_load %arg13[%swap3A_179, %swap3A_180] {strides = array<i32>} : memref<32x256xf32, #tpu.memory_space<vmem>>, vector<16xf32>,
        tpu.vector_store %arg13[%swap3A_179, %swap3A_180], %mul3A_178 {strides = array<i32>} : memref<32x256xf32, #tpu.memory_space<vmem>>, vector<16xf32>,
        %get3A_182 = arith.index_cast %scan3A_130 : i32 to index
        %get3A_183 = arith.constant 96 : index
        %get3A_184 = tpu.vector_load %arg13[%get3A_182, %get3A_183] {strides = array<i32>} : memref<32x256xf32, #tpu.memory_space<vmem>>, vector<16xf32>,
        %mul3A_185 = arith.mulf %get3A_184, %gather3A : vector<16xf32>
        %swap3A_186 = arith.index_cast %scan3A_130 : i32 to index
        %swap3A_187 = arith.constant 96 : index
        %swap3A_188 = tpu.vector_load %arg13[%swap3A_186, %swap3A_187] {strides = array<i32>} : memref<32x256xf32, #tpu.memory_space<vmem>>, vector<16xf32>,
        tpu.vector_store %arg13[%swap3A_186, %swap3A_187], %mul3A_185 {strides = array<i32>} : memref<32x256xf32, #tpu.memory_space<vmem>>, vector<16xf32>,
        %get3A_189 = arith.index_cast %scan3A_130 : i32 to index
        %get3A_190 = arith.constant 112 : index
        %get3A_191 = tpu.vector_load %arg13[%get3A_189, %get3A_190] {strides = array<i32>} : memref<32x256xf32, #tpu.memory_space<vmem>>, vector<16xf32>,
        %mul3A_192 = arith.mulf %get3A_191, %gather3A : vector<16xf32>
        %swap3A_193 = arith.index_cast %scan3A_130 : i32 to index
        %swap3A_194 = arith.constant 112 : index
        %swap3A_195 = tpu.vector_load %arg13[%swap3A_193, %swap3A_194] {strides = array<i32>} : memref<32x256xf32, #tpu.memory_space<vmem>>, vector<16xf32>,
        tpu.vector_store %arg13[%swap3A_193, %swap3A_194], %mul3A_192 {strides = array<i32>} : memref<32x256xf32, #tpu.memory_space<vmem>>, vector<16xf32>,
        %get3A_196 = arith.index_cast %scan3A_130 : i32 to index
        %get3A_197 = arith.constant 128 : index
        %get3A_198 = tpu.vector_load %arg13[%get3A_196, %get3A_197] {strides = array<i32>} : memref<32x256xf32, #tpu.memory_space<vmem>>, vector<16xf32>,
        %mul3A_199 = arith.mulf %get3A_198, %gather3A : vector<16xf32>
        %swap3A_200 = arith.index_cast %scan3A_130 : i32 to index
        %swap3A_201 = arith.constant 128 : index
        %swap3A_202 = tpu.vector_load %arg13[%swap3A_200, %swap3A_201] {strides = array<i32>} : memref<32x256xf32, #tpu.memory_space<vmem>>, vector<16xf32>,
        tpu.vector_store %arg13[%swap3A_200, %swap3A_201], %mul3A_199 {strides = array<i32>} : memref<32x256xf32, #tpu.memory_space<vmem>>, vector<16xf32>,
        %get3A_203 = arith.index_cast %scan3A_130 : i32 to index
        %get3A_204 = arith.constant 144 : index
        %get3A_205 = tpu.vector_load %arg13[%get3A_203, %get3A_204] {strides = array<i32>} : memref<32x256xf32, #tpu.memory_space<vmem>>, vector<16xf32>,
        %mul3A_206 = arith.mulf %get3A_205, %gather3A : vector<16xf32>
        %swap3A_207 = arith.index_cast %scan3A_130 : i32 to index
        %swap3A_208 = arith.constant 144 : index
        %swap3A_209 = tpu.vector_load %arg13[%swap3A_207, %swap3A_208] {strides = array<i32>} : memref<32x256xf32, #tpu.memory_space<vmem>>, vector<16xf32>,
        tpu.vector_store %arg13[%swap3A_207, %swap3A_208], %mul3A_206 {strides = array<i32>} : memref<32x256xf32, #tpu.memory_space<vmem>>, vector<16xf32>,
        %get3A_210 = arith.index_cast %scan3A_130 : i32 to index
        %get3A_211 = arith.constant 160 : index
        %get3A_212 = tpu.vector_load %arg13[%get3A_210, %get3A_211] {strides = array<i32>} : memref<32x256xf32, #tpu.memory_space<vmem>>, vector<16xf32>,
        %mul3A_213 = arith.mulf %get3A_212, %gather3A : vector<16xf32>
        %swap3A_214 = arith.index_cast %scan3A_130 : i32 to index
        %swap3A_215 = arith.constant 160 : index
        %swap3A_216 = tpu.vector_load %arg13[%swap3A_214, %swap3A_215] {strides = array<i32>} : memref<32x256xf32, #tpu.memory_space<vmem>>, vector<16xf32>,
        tpu.vector_store %arg13[%swap3A_214, %swap3A_215], %mul3A_213 {strides = array<i32>} : memref<32x256xf32, #tpu.memory_space<vmem>>, vector<16xf32>,
        %get3A_217 = arith.index_cast %scan3A_130 : i32 to index
        %get3A_218 = arith.constant 176 : index
        %get3A_219 = tpu.vector_load %arg13[%get3A_217, %get3A_218] {strides = array<i32>} : memref<32x256xf32, #tpu.memory_space<vmem>>, vector<16xf32>,
        %mul3A_220 = arith.mulf %get3A_219, %gather3A : vector<16xf32>
        %swap3A_221 = arith.index_cast %scan3A_130 : i32 to index
        %swap3A_222 = arith.constant 176 : index
        %swap3A_223 = tpu.vector_load %arg13[%swap3A_221, %swap3A_222] {strides = array<i32>} : memref<32x256xf32, #tpu.memory_space<vmem>>, vector<16xf32>,
        tpu.vector_store %arg13[%swap3A_221, %swap3A_222], %mul3A_220 {strides = array<i32>} : memref<32x256xf32, #tpu.memory_space<vmem>>, vector<16xf32>,
        %get3A_224 = arith.index_cast %scan3A_130 : i32 to index
        %get3A_225 = arith.constant 192 : index
        %get3A_226 = tpu.vector_load %arg13[%get3A_224, %get3A_225] {strides = array<i32>} : memref<32x256xf32, #tpu.memory_space<vmem>>, vector<16xf32>,
        %mul3A_227 = arith.mulf %get3A_226, %gather3A : vector<16xf32>
        %swap3A_228 = arith.index_cast %scan3A_130 : i32 to index
        %swap3A_229 = arith.constant 192 : index
        %swap3A_230 = tpu.vector_load %arg13[%swap3A_228, %swap3A_229] {strides = array<i32>} : memref<32x256xf32, #tpu.memory_space<vmem>>, vector<16xf32>,
        tpu.vector_store %arg13[%swap3A_228, %swap3A_229], %mul3A_227 {strides = array<i32>} : memref<32x256xf32, #tpu.memory_space<vmem>>, vector<16xf32>,
        %get3A_231 = arith.index_cast %scan3A_130 : i32 to index
        %get3A_232 = arith.constant 208 : index
        %get3A_233 = tpu.vector_load %arg13[%get3A_231, %get3A_232] {strides = array<i32>} : memref<32x256xf32, #tpu.memory_space<vmem>>, vector<16xf32>,
        %mul3A_234 = arith.mulf %get3A_233, %gather3A : vector<16xf32>
        %swap3A_235 = arith.index_cast %scan3A_130 : i32 to index
        %swap3A_236 = arith.constant 208 : index
        %swap3A_237 = tpu.vector_load %arg13[%swap3A_235, %swap3A_236] {strides = array<i32>} : memref<32x256xf32, #tpu.memory_space<vmem>>, vector<16xf32>,
        tpu.vector_store %arg13[%swap3A_235, %swap3A_236], %mul3A_234 {strides = array<i32>} : memref<32x256xf32, #tpu.memory_space<vmem>>, vector<16xf32>,
        %get3A_238 = arith.index_cast %scan3A_130 : i32 to index
        %get3A_239 = arith.constant 224 : index
        %get3A_240 = tpu.vector_load %arg13[%get3A_238, %get3A_239] {strides = array<i32>} : memref<32x256xf32, #tpu.memory_space<vmem>>, vector<16xf32>,
        %mul3A_241 = arith.mulf %get3A_240, %gather3A : vector<16xf32>
        %swap3A_242 = arith.index_cast %scan3A_130 : i32 to index
        %swap3A_243 = arith.constant 224 : index
        %swap3A_244 = tpu.vector_load %arg13[%swap3A_242, %swap3A_243] {strides = array<i32>} : memref<32x256xf32, #tpu.memory_space<vmem>>, vector<16xf32>,
        tpu.vector_store %arg13[%swap3A_242, %swap3A_243], %mul3A_241 {strides = array<i32>} : memref<32x256xf32, #tpu.memory_space<vmem>>, vector<16xf32>,
        %get3A_245 = arith.index_cast %scan3A_130 : i32 to index
        %get3A_246 = arith.constant 240 : index
        %get3A_247 = tpu.vector_load %arg13[%get3A_245, %get3A_246] {strides = array<i32>} : memref<32x256xf32, #tpu.memory_space<vmem>>, vector<16xf32>,
        %mul3A_248 = arith.mulf %get3A_247, %gather3A : vector<16xf32>
        %swap3A_249 = arith.index_cast %scan3A_130 : i32 to index
        %swap3A_250 = arith.constant 240 : index
        %swap3A_251 = tpu.vector_load %arg13[%swap3A_249, %swap3A_250] {strides = array<i32>} : memref<32x256xf32, #tpu.memory_space<vmem>>, vector<16xf32>,
        tpu.vector_store %arg13[%swap3A_249, %swap3A_250], %mul3A_248 {strides = array<i32>} : memref<32x256xf32, #tpu.memory_space<vmem>>, vector<16xf32>,
        %scan3A_252 = arith.constant 0 : i32
        scf.yield %scan3A_252 : i32
      }
      %scan3A_126 = arith.constant 32 : i32
      %mul3A_127 = arith.constant 32 : i32
      %mul3A_128 = arith.muli %select_n3A_107, %mul3A_127 : i32
      "tpu.region"() ({
        %run_scoped3A = tpu.sem_alloc : memref<!tpu.dma_semaphore, #tpu.memory_space<semaphore_mem>>
        %dma_start3A_130 = tpu.memref_slice %arg10[%select_n3A_92, %mul3A_128] : memref<96x128xi32, #tpu.memory_space<vmem>> -> memref<1x32xi32, #tpu.memory_space<vmem>>
        %dma_start3A_131 = tpu.memref_squeeze %dma_start3A_130 : memref<1x32xi32, #tpu.memory_space<vmem>> -> memref<32xi32, #tpu.memory_space<vmem>>
        %dma_start3A_132 = arith.constant 0 : i32
        %dma_start3A_133 = arith.constant 0 : i32
        %dma_start3A_134 = tpu.memref_slice %arg16[%dma_start3A_132, %dma_start3A_133] : memref<5248x256xf32, #tpu.memory_space<vmem_shared>> -> memref<5248x256xf32, #tpu.memory_space<vmem_shared>>
        tpu.enqueue_indirect_dma source(%arg13 : memref<32x256xf32, #tpu.memory_space<vmem>>) target(%dma_start3A_134 : memref<5248x256xf32, #tpu.memory_space<vmem_shared>>) offsets(%dma_start3A_131 : memref<32xi32, #tpu.memory_space<vmem>>) semaphore(%run_scoped3A : memref<!tpu.dma_semaphore, #tpu.memory_space<semaphore_mem>>) {add = true}
        %dma_wait3A_135 = tpu.memref_slice %arg10[%select_n3A_92, %mul3A_128] : memref<96x128xi32, #tpu.memory_space<vmem>> -> memref<1x32xi32, #tpu.memory_space<vmem>>
        %dma_wait3A_136 = tpu.memref_squeeze %dma_wait3A_135 : memref<1x32xi32, #tpu.memory_space<vmem>> -> memref<32xi32, #tpu.memory_space<vmem>>
        %dma_wait3A_137 = arith.constant 0 : i32
        %dma_wait3A_138 = arith.constant 0 : i32
        %dma_wait3A_139 = tpu.memref_slice %arg16[%dma_wait3A_137, %dma_wait3A_138] : memref<5248x256xf32, #tpu.memory_space<vmem_shared>> -> memref<5248x256xf32, #tpu.memory_space<vmem_shared>>
        tpu.wait_indirect_dma semaphore(%run_scoped3A : memref<!tpu.dma_semaphore, #tpu.memory_space<semaphore_mem>>) src(%arg13 : memref<32x256xf32, #tpu.memory_space<vmem>>) dst(%dma_wait3A_139 : memref<5248x256xf32, #tpu.memory_space<vmem_shared>>)
        tpu.yield
      }) : () -> ()
      %while3A_129 = arith.constant 0 : i32
      scf.yield %while3A_129 : i32
    }
    %barrier3A_67 = arith.constant 0 : index
    tpu.barrier barrier_id(%barrier3A_67)
    %mul3A_68 = arith.constant 320 : i32
    %mul3A_69 = arith.muli %arg1, %mul3A_68 : i32
    %mul3A_70 = arith.constant 320 : i32
    %mul3A_71 = arith.muli %arg1, %mul3A_70 : i32
    %add3A_72 = arith.addi %mul3A_24, %mul3A_71 : i32
    "tpu.region"() ({
      %run_scoped3A = tpu.sem_alloc : memref<!tpu.dma_semaphore, #tpu.memory_space<semaphore_mem>>
      %dma_start3A_73 = arith.constant 0 : i32
      %dma_start3A_74 = tpu.memref_slice %arg7[%add3A_72, %dma_start3A_73] : memref<10240x256xf32, #tpu.memory_space<hbm>> -> memref<320x256xf32, #tpu.memory_space<hbm>>
      %dma_start3A_75 = arith.constant 0 : i32
      %dma_start3A_76 = tpu.memref_slice %arg16[%mul3A_69, %dma_start3A_75] : memref<5248x256xf32, #tpu.memory_space<vmem_shared>> -> memref<320x256xf32, #tpu.memory_space<vmem_shared>>
      tpu.enqueue_dma source(%dma_start3A_76 : memref<320x256xf32, #tpu.memory_space<vmem_shared>>) target(%dma_start3A_74 : memref<320x256xf32, #tpu.memory_space<hbm>>) target_semaphore(%run_scoped3A : memref<!tpu.dma_semaphore, #tpu.memory_space<semaphore_mem>>)
      %dma_wait3A_77 = arith.constant 0 : i32
      %dma_wait3A_78 = tpu.memref_slice %arg7[%add3A_72, %dma_wait3A_77] : memref<10240x256xf32, #tpu.memory_space<hbm>> -> memref<320x256xf32, #tpu.memory_space<hbm>>
      %dma_wait3A_79 = arith.constant 0 : i32
      %dma_wait3A_80 = tpu.memref_slice %arg16[%mul3A_69, %dma_wait3A_79] : memref<5248x256xf32, #tpu.memory_space<vmem_shared>> -> memref<320x256xf32, #tpu.memory_space<vmem_shared>>
      tpu.wait_dma2 semaphore(%run_scoped3A : memref<!tpu.dma_semaphore, #tpu.memory_space<semaphore_mem>>) src(%dma_wait3A_80 : memref<320x256xf32, #tpu.memory_space<vmem_shared>>) dst(%dma_wait3A_78 : memref<320x256xf32, #tpu.memory_space<hbm>>)
      tpu.yield
    }) : () -> ()
    return
  }
}

#map = affine_map<(d0, d1) -> (0)>
#map1 = affine_map<(d0, d1) -> (0, 0)>
module attributes {stable_mosaic.version = 14 : i64} {
  func.func @_sc_softmax(%arg0: i32, %arg1: i32, %arg2: memref<20480xf32, #tpu.memory_space<hbm>>, %arg3: memref<1536x128xi32, #tpu.memory_space<hbm>>, %arg4: memref<1536x128xi32, #tpu.memory_space<hbm>>, %arg5: memref<1536x128xf32, #tpu.memory_space<hbm>>, %arg6: memref<20480xf32, #tpu.memory_space<vmem>>, %arg7: memref<96x128xi32, #tpu.memory_space<vmem>>, %arg8: memref<96x128xi32, #tpu.memory_space<vmem>>, %arg9: memref<96x128xf32, #tpu.memory_space<vmem>>, %arg10: memref<80x128xf32, #tpu.memory_space<vmem>>, %arg11: memref<16xf32, #tpu.memory_space<vmem>>, %arg12: memref<16x16xf32, #tpu.memory_space<vmem>>, %arg13: memref<80xi32, #tpu.memory_space<vmem>>, %arg14: memref<96xi32, #tpu.memory_space<vmem>>, %arg15: memref<!tpu.dma_semaphore, #tpu.memory_space<semaphore_mem>>, %arg16: memref<16x16xf32, #tpu.memory_space<vmem_shared>>, %arg17: memref<80x128xf32, #tpu.memory_space<vmem_shared>>) attributes {dimension_semantics = [#tpu.dimension_semantics<core_parallel>, #tpu.dimension_semantics<subcore_parallel>], iteration_bounds = array<i64: 2, 16>, scalar_prefetch = 0 : i64, scratch_operands = 12 : i64, tpu.core_type = #tpu.core_type<sc_vector_subcore>, window_params = [{transform_indices = #map}, {transform_indices = #map1}, {transform_indices = #map1}, {transform_indices = #map1}]} {
    %mul3A = arith.constant 96 : i32
    %mul3A_0 = arith.muli %arg1, %mul3A : i32
    "tpu.region"() ({
      %run_scoped3A = tpu.sem_alloc : memref<!tpu.dma_semaphore, #tpu.memory_space<semaphore_mem>>
      tpu.enqueue_dma source(%arg2 : memref<20480xf32, #tpu.memory_space<hbm>>) target(%arg6 : memref<20480xf32, #tpu.memory_space<vmem>>) target_semaphore(%run_scoped3A : memref<!tpu.dma_semaphore, #tpu.memory_space<semaphore_mem>>)
      tpu.wait_dma2 semaphore(%run_scoped3A : memref<!tpu.dma_semaphore, #tpu.memory_space<semaphore_mem>>) src(%arg2 : memref<20480xf32, #tpu.memory_space<hbm>>) dst(%arg6 : memref<20480xf32, #tpu.memory_space<vmem>>)
      tpu.yield
    }) : () -> ()
    %scan3A = arith.constant 0 : i32
    %scan3A_1 = arith.constant 0 : i32
    %scan3A_2 = arith.constant 30 : i32
    %scan3A_3 = arith.addi %scan3A_1, %scan3A_2 : i32
    %scan3A_4 = arith.constant 1 : i32
    %scan3A_5 = scf.for %scan3A_78 = %scan3A_1 to %scan3A_3 step %scan3A_4 iter_args(%scan3A_79 = %scan3A) -> (i32)  : i32 {
      %broadcast_in_dim3A_80 = arith.constant 0.000000e+00 : f32
      %broadcast_in_dim3A_81 = vector.broadcast %broadcast_in_dim3A_80 : f32 to vector<16xf32>
      %mul3A_82 = arith.constant 16 : i32
      %mul3A_83 = arith.muli %scan3A_78, %mul3A_82 : i32
      %add3A_84 = arith.constant 20000 : i32
      %add3A_85 = arith.addi %add3A_84, %mul3A_83 : i32
      %swap3A_86 = arith.index_cast %add3A_85 : i32 to index
      %swap3A_87 = tpu.vector_load %arg6[%swap3A_86] {strides = array<i32>} : memref<20480xf32, #tpu.memory_space<vmem>>, vector<16xf32>,
      tpu.vector_store %arg6[%swap3A_86], %broadcast_in_dim3A_81 {strides = array<i32>} : memref<20480xf32, #tpu.memory_space<vmem>>, vector<16xf32>,
      %scan3A_88 = arith.constant 0 : i32
      scf.yield %scan3A_88 : i32
    }
    %scan3A_6 = arith.constant 30 : i32
    %scan3A_7 = arith.constant 0 : i32
    %scan3A_8 = arith.constant 0 : i32
    %scan3A_9 = arith.constant 6 : i32
    %scan3A_10 = arith.addi %scan3A_8, %scan3A_9 : i32
    %scan3A_11 = arith.constant 1 : i32
    %scan3A_12 = scf.for %scan3A_78 = %scan3A_8 to %scan3A_10 step %scan3A_11 iter_args(%scan3A_79 = %scan3A_7) -> (i32)  : i32 {
      %mul3A_80 = arith.constant 16 : i32
      %mul3A_81 = arith.muli %scan3A_78, %mul3A_80 : i32
      %add3A_82 = arith.addi %mul3A_0, %mul3A_81 : i32
      %iota3A = tpu.iota {dimensions = array<i32: 0>} : vector<16xi32>
      %add3A_83 = vector.broadcast %add3A_82 : i32 to vector<16xi32>
      %add3A_84 = arith.addi %add3A_83, %iota3A : vector<16xi32>
      %mul3A_85 = arith.constant 16 : i32
      %mul3A_86 = arith.muli %scan3A_78, %mul3A_85 : i32
      %swap3A_87 = arith.index_cast %mul3A_86 : i32 to index
      %swap3A_88 = tpu.vector_load %arg14[%swap3A_87] {strides = array<i32>} : memref<96xi32, #tpu.memory_space<vmem>>, vector<16xi32>,
      tpu.vector_store %arg14[%swap3A_87], %add3A_84 {strides = array<i32>} : memref<96xi32, #tpu.memory_space<vmem>>, vector<16xi32>,
      %scan3A_89 = arith.constant 0 : i32
      scf.yield %scan3A_89 : i32
    }
    %scan3A_13 = arith.constant 6 : i32
    %dma_start3A = arith.constant 0 : i32
    %dma_start3A_14 = arith.constant 0 : i32
    %dma_start3A_15 = tpu.memref_slice %arg3[%dma_start3A, %dma_start3A_14] : memref<1536x128xi32, #tpu.memory_space<hbm>> -> memref<1536x128xi32, #tpu.memory_space<hbm>>
    tpu.enqueue_indirect_dma source(%dma_start3A_15 : memref<1536x128xi32, #tpu.memory_space<hbm>>) target(%arg7 : memref<96x128xi32, #tpu.memory_space<vmem>>) offsets(%arg14 : memref<96xi32, #tpu.memory_space<vmem>>) semaphore(%arg15 : memref<!tpu.dma_semaphore, #tpu.memory_space<semaphore_mem>>)
    %dma_wait3A = arith.constant 0 : i32
    %dma_wait3A_16 = arith.constant 0 : i32
    %dma_wait3A_17 = tpu.memref_slice %arg3[%dma_wait3A, %dma_wait3A_16] : memref<1536x128xi32, #tpu.memory_space<hbm>> -> memref<1536x128xi32, #tpu.memory_space<hbm>>
    tpu.wait_indirect_dma semaphore(%arg15 : memref<!tpu.dma_semaphore, #tpu.memory_space<semaphore_mem>>) src(%dma_wait3A_17 : memref<1536x128xi32, #tpu.memory_space<hbm>>) dst(%arg7 : memref<96x128xi32, #tpu.memory_space<vmem>>)
    %dma_start3A_18 = arith.constant 0 : i32
    %dma_start3A_19 = arith.constant 0 : i32
    %dma_start3A_20 = tpu.memref_slice %arg4[%dma_start3A_18, %dma_start3A_19] : memref<1536x128xi32, #tpu.memory_space<hbm>> -> memref<1536x128xi32, #tpu.memory_space<hbm>>
    tpu.enqueue_indirect_dma source(%dma_start3A_20 : memref<1536x128xi32, #tpu.memory_space<hbm>>) target(%arg8 : memref<96x128xi32, #tpu.memory_space<vmem>>) offsets(%arg14 : memref<96xi32, #tpu.memory_space<vmem>>) semaphore(%arg15 : memref<!tpu.dma_semaphore, #tpu.memory_space<semaphore_mem>>)
    %dma_wait3A_21 = arith.constant 0 : i32
    %dma_wait3A_22 = arith.constant 0 : i32
    %dma_wait3A_23 = tpu.memref_slice %arg4[%dma_wait3A_21, %dma_wait3A_22] : memref<1536x128xi32, #tpu.memory_space<hbm>> -> memref<1536x128xi32, #tpu.memory_space<hbm>>
    tpu.wait_indirect_dma semaphore(%arg15 : memref<!tpu.dma_semaphore, #tpu.memory_space<semaphore_mem>>) src(%dma_wait3A_23 : memref<1536x128xi32, #tpu.memory_space<hbm>>) dst(%arg8 : memref<96x128xi32, #tpu.memory_space<vmem>>)
    %scan3A_24 = arith.constant 0 : i32
    %scan3A_25 = arith.constant 0 : i32
    %scan3A_26 = arith.constant 640 : i32
    %scan3A_27 = arith.addi %scan3A_25, %scan3A_26 : i32
    %scan3A_28 = arith.constant 1 : i32
    %scan3A_29 = scf.for %scan3A_78 = %scan3A_25 to %scan3A_27 step %scan3A_28 iter_args(%scan3A_79 = %scan3A_24) -> (i32)  : i32 {
      %broadcast_in_dim3A_80 = arith.constant 0.000000e+00 : f32
      %broadcast_in_dim3A_81 = vector.broadcast %broadcast_in_dim3A_80 : f32 to vector<16xf32>
      %jit3A = arith.constant 8 : i32
      %div3A = arith.divsi %scan3A_78, %jit3A : i32
      %sign3A = arith.constant 0 : i32
      %sign3A_82 = arith.cmpi sgt, %scan3A_78, %sign3A : i32
      %sign3A_83 = arith.extui %sign3A_82 : i1 to i32
      %sign3A_84 = arith.constant 0 : i32
      %sign3A_85 = arith.cmpi slt, %scan3A_78, %sign3A_84 : i32
      %sign3A_86 = arith.extui %sign3A_85 : i1 to i32
      %sign3A_87 = arith.subi %sign3A_83, %sign3A_86 : i32
      %sign3A_88 = arith.constant 0 : i32
      %sign3A_89 = arith.cmpi sgt, %jit3A, %sign3A_88 : i32
      %sign3A_90 = arith.extui %sign3A_89 : i1 to i32
      %sign3A_91 = arith.constant 0 : i32
      %sign3A_92 = arith.cmpi slt, %jit3A, %sign3A_91 : i32
      %sign3A_93 = arith.extui %sign3A_92 : i1 to i32
      %sign3A_94 = arith.subi %sign3A_90, %sign3A_93 : i32
      %ne3A = arith.cmpi ne, %sign3A_87, %sign3A_94 : i32
      %rem3A = arith.remsi %scan3A_78, %jit3A : i32
      %ne3A_95 = arith.constant 0 : i32
      %ne3A_96 = arith.cmpi ne, %rem3A, %ne3A_95 : i32
      %and3A = arith.andi %ne3A, %ne3A_96 : i1
      %sub3A = arith.constant 1 : i32
      %sub3A_97 = arith.subi %div3A, %sub3A : i32
      %select_n3A = arith.select %and3A, %sub3A_97, %div3A : i32
      %jit3A_98 = arith.constant 8 : i32
      %eq3A_99 = arith.constant 0 : i32
      %eq3A_100 = arith.cmpi eq, %jit3A_98, %eq3A_99 : i32
      %jit3A_101 = arith.constant 1 : i32
      %select_n3A_102 = arith.select %eq3A_100, %jit3A_101, %jit3A_98 : i32
      %rem3A_103 = arith.remsi %scan3A_78, %select_n3A_102 : i32
      %ne3A_104 = arith.constant 0 : i32
      %ne3A_105 = arith.cmpi ne, %rem3A_103, %ne3A_104 : i32
      %lt3A = arith.constant 0 : i32
      %lt3A_106 = arith.cmpi slt, %rem3A_103, %lt3A : i32
      %lt3A_107 = arith.constant 0 : i32
      %lt3A_108 = arith.cmpi slt, %select_n3A_102, %lt3A_107 : i32
      %ne3A_109 = arith.xori %lt3A_106, %lt3A_108 : i1
      %and3A_110 = arith.andi %ne3A_109, %ne3A_105 : i1
      %add3A_111 = arith.addi %rem3A_103, %select_n3A_102 : i32
      %select_n3A_112 = arith.select %and3A_110, %add3A_111, %rem3A_103 : i32
      %mul3A_113 = arith.constant 16 : i32
      %mul3A_114 = arith.muli %select_n3A_112, %mul3A_113 : i32
      %swap3A_115 = arith.index_cast %select_n3A : i32 to index
      %swap3A_116 = arith.index_cast %mul3A_114 : i32 to index
      %swap3A_117 = tpu.vector_load %arg10[%swap3A_115, %swap3A_116] {strides = array<i32>} : memref<80x128xf32, #tpu.memory_space<vmem>>, vector<16xf32>,
      tpu.vector_store %arg10[%swap3A_115, %swap3A_116], %broadcast_in_dim3A_81 {strides = array<i32>} : memref<80x128xf32, #tpu.memory_space<vmem>>, vector<16xf32>,
      %scan3A_118 = arith.constant 0 : i32
      scf.yield %scan3A_118 : i32
    }
    %scan3A_30 = arith.constant 640 : i32
    %scan3A_31 = arith.constant 0 : i32
    %scan3A_32 = arith.constant 0 : i32
    %scan3A_33 = arith.constant 5 : i32
    %scan3A_34 = arith.addi %scan3A_32, %scan3A_33 : i32
    %scan3A_35 = arith.constant 1 : i32
    %scan3A_36 = scf.for %scan3A_78 = %scan3A_32 to %scan3A_34 step %scan3A_35 iter_args(%scan3A_79 = %scan3A_31) -> (i32)  : i32 {
      %mul3A_80 = arith.constant 16 : i32
      %mul3A_81 = arith.muli %scan3A_78, %mul3A_80 : i32
      %iota3A = tpu.iota {dimensions = array<i32: 0>} : vector<16xi32>
      %add3A_82 = vector.broadcast %mul3A_81 : i32 to vector<16xi32>
      %add3A_83 = arith.addi %add3A_82, %iota3A : vector<16xi32>
      %mul3A_84 = arith.constant 16 : i32
      %mul3A_85 = arith.muli %scan3A_78, %mul3A_84 : i32
      %swap3A_86 = arith.index_cast %mul3A_85 : i32 to index
      %swap3A_87 = tpu.vector_load %arg13[%swap3A_86] {strides = array<i32>} : memref<80xi32, #tpu.memory_space<vmem>>, vector<16xi32>,
      tpu.vector_store %arg13[%swap3A_86], %add3A_83 {strides = array<i32>} : memref<80xi32, #tpu.memory_space<vmem>>, vector<16xi32>,
      %scan3A_88 = arith.constant 0 : i32
      scf.yield %scan3A_88 : i32
    }
    %scan3A_37 = arith.constant 5 : i32
    %eq3A = arith.constant 0 : i32
    %eq3A_38 = arith.cmpi eq, %arg1, %eq3A : i32
    %convert_element_type3A = arith.extui %eq3A_38 : i1 to i32
    %cond3A = arith.constant 0 : i32
    %cond3A_39 = arith.cmpi ne, %convert_element_type3A, %cond3A : i32
    scf.if %cond3A_39 {
      "tpu.region"() ({
        %run_scoped3A = tpu.sem_alloc : memref<!tpu.dma_semaphore, #tpu.memory_space<semaphore_mem>>
        tpu.enqueue_dma source(%arg10 : memref<80x128xf32, #tpu.memory_space<vmem>>) target(%arg17 : memref<80x128xf32, #tpu.memory_space<vmem_shared>>) target_semaphore(%run_scoped3A : memref<!tpu.dma_semaphore, #tpu.memory_space<semaphore_mem>>)
        tpu.wait_dma2 semaphore(%run_scoped3A : memref<!tpu.dma_semaphore, #tpu.memory_space<semaphore_mem>>) src(%arg10 : memref<80x128xf32, #tpu.memory_space<vmem>>) dst(%arg17 : memref<80x128xf32, #tpu.memory_space<vmem_shared>>)
        tpu.yield
      }) : () -> ()
    } else {
    }
    %broadcast_in_dim3A = arith.constant -1.000000e+30 : f32
    %broadcast_in_dim3A_40 = vector.broadcast %broadcast_in_dim3A : f32 to vector<16xf32>
    %scan3A_41 = arith.constant 0 : i32
    %scan3A_42 = arith.constant 768 : i32
    %scan3A_43 = arith.addi %scan3A_41, %scan3A_42 : i32
    %scan3A_44 = arith.constant 1 : i32
    %scan3A_45 = scf.for %scan3A_78 = %scan3A_41 to %scan3A_43 step %scan3A_44 iter_args(%scan3A_79 = %broadcast_in_dim3A_40) -> (vector<16xf32>)  : i32 {
      %jit3A = arith.constant 8 : i32
      %div3A = arith.divsi %scan3A_78, %jit3A : i32
      %sign3A = arith.constant 0 : i32
      %sign3A_80 = arith.cmpi sgt, %scan3A_78, %sign3A : i32
      %sign3A_81 = arith.extui %sign3A_80 : i1 to i32
      %sign3A_82 = arith.constant 0 : i32
      %sign3A_83 = arith.cmpi slt, %scan3A_78, %sign3A_82 : i32
      %sign3A_84 = arith.extui %sign3A_83 : i1 to i32
      %sign3A_85 = arith.subi %sign3A_81, %sign3A_84 : i32
      %sign3A_86 = arith.constant 0 : i32
      %sign3A_87 = arith.cmpi sgt, %jit3A, %sign3A_86 : i32
      %sign3A_88 = arith.extui %sign3A_87 : i1 to i32
      %sign3A_89 = arith.constant 0 : i32
      %sign3A_90 = arith.cmpi slt, %jit3A, %sign3A_89 : i32
      %sign3A_91 = arith.extui %sign3A_90 : i1 to i32
      %sign3A_92 = arith.subi %sign3A_88, %sign3A_91 : i32
      %ne3A = arith.cmpi ne, %sign3A_85, %sign3A_92 : i32
      %rem3A = arith.remsi %scan3A_78, %jit3A : i32
      %ne3A_93 = arith.constant 0 : i32
      %ne3A_94 = arith.cmpi ne, %rem3A, %ne3A_93 : i32
      %and3A = arith.andi %ne3A, %ne3A_94 : i1
      %sub3A = arith.constant 1 : i32
      %sub3A_95 = arith.subi %div3A, %sub3A : i32
      %select_n3A = arith.select %and3A, %sub3A_95, %div3A : i32
      %jit3A_96 = arith.constant 8 : i32
      %eq3A_97 = arith.constant 0 : i32
      %eq3A_98 = arith.cmpi eq, %jit3A_96, %eq3A_97 : i32
      %jit3A_99 = arith.constant 1 : i32
      %select_n3A_100 = arith.select %eq3A_98, %jit3A_99, %jit3A_96 : i32
      %rem3A_101 = arith.remsi %scan3A_78, %select_n3A_100 : i32
      %ne3A_102 = arith.constant 0 : i32
      %ne3A_103 = arith.cmpi ne, %rem3A_101, %ne3A_102 : i32
      %lt3A = arith.constant 0 : i32
      %lt3A_104 = arith.cmpi slt, %rem3A_101, %lt3A : i32
      %lt3A_105 = arith.constant 0 : i32
      %lt3A_106 = arith.cmpi slt, %select_n3A_100, %lt3A_105 : i32
      %ne3A_107 = arith.xori %lt3A_104, %lt3A_106 : i1
      %and3A_108 = arith.andi %ne3A_107, %ne3A_103 : i1
      %add3A_109 = arith.addi %rem3A_101, %select_n3A_100 : i32
      %select_n3A_110 = arith.select %and3A_108, %add3A_109, %rem3A_101 : i32
      %mul3A_111 = arith.constant 16 : i32
      %mul3A_112 = arith.muli %select_n3A_110, %mul3A_111 : i32
      %get3A = arith.index_cast %select_n3A : i32 to index
      %get3A_113 = arith.index_cast %mul3A_112 : i32 to index
      %get3A_114 = tpu.vector_load %arg7[%get3A, %get3A_113] {strides = array<i32>} : memref<96x128xi32, #tpu.memory_space<vmem>>, vector<16xi32>,
      %mul3A_115 = arith.constant 2 : i32
      %mul3A_116 = vector.broadcast %mul3A_115 : i32 to vector<16xi32>
      %mul3A_117 = arith.muli %get3A_114, %mul3A_116 : vector<16xi32>
      %gather3A = tpu.vector_load_idx %arg6[%mul3A_117] : memref<20480xf32, #tpu.memory_space<vmem>>[vector<16xi32>], vector<16xf32>,
      %get3A_118 = arith.index_cast %select_n3A : i32 to index
      %get3A_119 = arith.index_cast %mul3A_112 : i32 to index
      %get3A_120 = tpu.vector_load %arg8[%get3A_118, %get3A_119] {strides = array<i32>} : memref<96x128xi32, #tpu.memory_space<vmem>>, vector<16xi32>,
      %mul3A_121 = arith.constant 2 : i32
      %mul3A_122 = vector.broadcast %mul3A_121 : i32 to vector<16xi32>
      %mul3A_123 = arith.muli %get3A_120, %mul3A_122 : vector<16xi32>
      %add3A_124 = arith.constant 1 : i32
      %add3A_125 = vector.broadcast %add3A_124 : i32 to vector<16xi32>
      %add3A_126 = arith.addi %mul3A_123, %add3A_125 : vector<16xi32>
      %gather3A_127 = tpu.vector_load_idx %arg6[%add3A_126] : memref<20480xf32, #tpu.memory_space<vmem>>[vector<16xi32>], vector<16xf32>,
      %add3A_128 = arith.addf %gather3A, %gather3A_127 : vector<16xf32>
      %ge3A = arith.constant 0.000000e+00 : f32
      %ge3A_129 = vector.broadcast %ge3A : f32 to vector<16xf32>
      %ge3A_130 = arith.cmpf oge, %add3A_128, %ge3A_129 : vector<16xf32>
      %mul3A_131 = arith.constant 2.000000e-01 : f32
      %mul3A_132 = vector.broadcast %mul3A_131 : f32 to vector<16xf32>
      %mul3A_133 = arith.mulf %add3A_128, %mul3A_132 : vector<16xf32>
      %select_n3A_134 = arith.select %ge3A_130, %add3A_128, %mul3A_133 : vector<16xi1>, vector<16xf32>
      %swap3A_135 = arith.index_cast %select_n3A : i32 to index
      %swap3A_136 = arith.index_cast %mul3A_112 : i32 to index
      %swap3A_137 = tpu.vector_load %arg9[%swap3A_135, %swap3A_136] {strides = array<i32>} : memref<96x128xf32, #tpu.memory_space<vmem>>, vector<16xf32>,
      tpu.vector_store %arg9[%swap3A_135, %swap3A_136], %select_n3A_134 {strides = array<i32>} : memref<96x128xf32, #tpu.memory_space<vmem>>, vector<16xf32>,
      %max3A = arith.maximumf %scan3A_79, %select_n3A_134 : vector<16xf32>
      scf.yield %max3A : vector<16xf32>
    }
    %scan3A_46 = arith.constant 768 : i32
    %swap3A = arith.constant 0 : index
    %swap3A_47 = tpu.vector_load %arg11[%swap3A] {strides = array<i32>} : memref<16xf32, #tpu.memory_space<vmem>>, vector<16xf32>,
    tpu.vector_store %arg11[%swap3A], %scan3A_45 {strides = array<i32>} : memref<16xf32, #tpu.memory_space<vmem>>, vector<16xf32>,
    "tpu.region"() ({
      %run_scoped3A = tpu.sem_alloc : memref<!tpu.dma_semaphore, #tpu.memory_space<semaphore_mem>>
      %dma_start3A_78 = arith.constant 0 : i32
      %dma_start3A_79 = tpu.memref_slice %arg16[%arg1, %dma_start3A_78] : memref<16x16xf32, #tpu.memory_space<vmem_shared>> -> memref<1x16xf32, #tpu.memory_space<vmem_shared>>
      %dma_start3A_80 = tpu.memref_squeeze %dma_start3A_79 : memref<1x16xf32, #tpu.memory_space<vmem_shared>> -> memref<16xf32, #tpu.memory_space<vmem_shared>>
      %dma_start3A_81 = arith.constant 0 : i32
      %dma_start3A_82 = tpu.memref_slice %arg16[%arg1, %dma_start3A_81] : memref<16x16xf32, #tpu.memory_space<vmem_shared>> -> memref<1x16xf32, #tpu.memory_space<vmem_shared>>
      %dma_start3A_83 = tpu.memref_squeeze %dma_start3A_82 : memref<1x16xf32, #tpu.memory_space<vmem_shared>> -> memref<16xf32, #tpu.memory_space<vmem_shared>>
      tpu.enqueue_dma source(%arg11 : memref<16xf32, #tpu.memory_space<vmem>>) target(%dma_start3A_83 : memref<16xf32, #tpu.memory_space<vmem_shared>>) target_semaphore(%run_scoped3A : memref<!tpu.dma_semaphore, #tpu.memory_space<semaphore_mem>>)
      %dma_wait3A_84 = arith.constant 0 : i32
      %dma_wait3A_85 = tpu.memref_slice %arg16[%arg1, %dma_wait3A_84] : memref<16x16xf32, #tpu.memory_space<vmem_shared>> -> memref<1x16xf32, #tpu.memory_space<vmem_shared>>
      %dma_wait3A_86 = tpu.memref_squeeze %dma_wait3A_85 : memref<1x16xf32, #tpu.memory_space<vmem_shared>> -> memref<16xf32, #tpu.memory_space<vmem_shared>>
      %dma_wait3A_87 = arith.constant 0 : i32
      %dma_wait3A_88 = tpu.memref_slice %arg16[%arg1, %dma_wait3A_87] : memref<16x16xf32, #tpu.memory_space<vmem_shared>> -> memref<1x16xf32, #tpu.memory_space<vmem_shared>>
      %dma_wait3A_89 = tpu.memref_squeeze %dma_wait3A_88 : memref<1x16xf32, #tpu.memory_space<vmem_shared>> -> memref<16xf32, #tpu.memory_space<vmem_shared>>
      tpu.wait_dma2 semaphore(%run_scoped3A : memref<!tpu.dma_semaphore, #tpu.memory_space<semaphore_mem>>) src(%arg11 : memref<16xf32, #tpu.memory_space<vmem>>) dst(%dma_wait3A_89 : memref<16xf32, #tpu.memory_space<vmem_shared>>)
      tpu.yield
    }) : () -> ()
    %barrier3A = arith.constant 0 : index
    tpu.barrier barrier_id(%barrier3A)
    "tpu.region"() ({
      %run_scoped3A = tpu.sem_alloc : memref<!tpu.dma_semaphore, #tpu.memory_space<semaphore_mem>>
      tpu.enqueue_dma source(%arg16 : memref<16x16xf32, #tpu.memory_space<vmem_shared>>) target(%arg12 : memref<16x16xf32, #tpu.memory_space<vmem>>) target_semaphore(%run_scoped3A : memref<!tpu.dma_semaphore, #tpu.memory_space<semaphore_mem>>)
      tpu.wait_dma2 semaphore(%run_scoped3A : memref<!tpu.dma_semaphore, #tpu.memory_space<semaphore_mem>>) src(%arg16 : memref<16x16xf32, #tpu.memory_space<vmem_shared>>) dst(%arg12 : memref<16x16xf32, #tpu.memory_space<vmem>>)
      tpu.yield
    }) : () -> ()
    %broadcast_in_dim3A_48 = arith.constant -1.000000e+30 : f32
    %broadcast_in_dim3A_49 = vector.broadcast %broadcast_in_dim3A_48 : f32 to vector<16xf32>
    %scan3A_50 = arith.constant 0 : i32
    %scan3A_51 = arith.constant 16 : i32
    %scan3A_52 = arith.addi %scan3A_50, %scan3A_51 : i32
    %scan3A_53 = arith.constant 1 : i32
    %scan3A_54 = scf.for %scan3A_78 = %scan3A_50 to %scan3A_52 step %scan3A_53 iter_args(%scan3A_79 = %broadcast_in_dim3A_49) -> (vector<16xf32>)  : i32 {
      %get3A = arith.index_cast %scan3A_78 : i32 to index
      %get3A_80 = arith.constant 0 : index
      %get3A_81 = tpu.vector_load %arg12[%get3A, %get3A_80] {strides = array<i32>} : memref<16x16xf32, #tpu.memory_space<vmem>>, vector<16xf32>,
      %max3A = arith.maximumf %scan3A_79, %get3A_81 : vector<16xf32>
      scf.yield %max3A : vector<16xf32>
    }
    %scan3A_55 = arith.constant 16 : i32
    %reduce_max3A = arith.constant true
    %reduce_max3A_56 = vector.broadcast %reduce_max3A : i1 to vector<16xi1>
    %reduce_max3A_57 = tpu.scan <max>, %scan3A_54 masked %reduce_max3A_56 : vector<16xf32>, vector<16xi1> -> vector<16xf32>
    %reduce_max3A_58 = vector.extract %reduce_max3A_57[15] : f32 from vector<16xf32>
    %scan3A_59 = arith.constant 0 : i32
    %scan3A_60 = arith.constant 0 : i32
    %scan3A_61 = arith.constant 768 : i32
    %scan3A_62 = arith.addi %scan3A_60, %scan3A_61 : i32
    %scan3A_63 = arith.constant 1 : i32
    %scan3A_64 = scf.for %scan3A_78 = %scan3A_60 to %scan3A_62 step %scan3A_63 iter_args(%scan3A_79 = %scan3A_59) -> (i32)  : i32 {
      %jit3A = arith.constant 8 : i32
      %div3A = arith.divsi %scan3A_78, %jit3A : i32
      %sign3A = arith.constant 0 : i32
      %sign3A_80 = arith.cmpi sgt, %scan3A_78, %sign3A : i32
      %sign3A_81 = arith.extui %sign3A_80 : i1 to i32
      %sign3A_82 = arith.constant 0 : i32
      %sign3A_83 = arith.cmpi slt, %scan3A_78, %sign3A_82 : i32
      %sign3A_84 = arith.extui %sign3A_83 : i1 to i32
      %sign3A_85 = arith.subi %sign3A_81, %sign3A_84 : i32
      %sign3A_86 = arith.constant 0 : i32
      %sign3A_87 = arith.cmpi sgt, %jit3A, %sign3A_86 : i32
      %sign3A_88 = arith.extui %sign3A_87 : i1 to i32
      %sign3A_89 = arith.constant 0 : i32
      %sign3A_90 = arith.cmpi slt, %jit3A, %sign3A_89 : i32
      %sign3A_91 = arith.extui %sign3A_90 : i1 to i32
      %sign3A_92 = arith.subi %sign3A_88, %sign3A_91 : i32
      %ne3A = arith.cmpi ne, %sign3A_85, %sign3A_92 : i32
      %rem3A = arith.remsi %scan3A_78, %jit3A : i32
      %ne3A_93 = arith.constant 0 : i32
      %ne3A_94 = arith.cmpi ne, %rem3A, %ne3A_93 : i32
      %and3A = arith.andi %ne3A, %ne3A_94 : i1
      %sub3A = arith.constant 1 : i32
      %sub3A_95 = arith.subi %div3A, %sub3A : i32
      %select_n3A = arith.select %and3A, %sub3A_95, %div3A : i32
      %jit3A_96 = arith.constant 8 : i32
      %eq3A_97 = arith.constant 0 : i32
      %eq3A_98 = arith.cmpi eq, %jit3A_96, %eq3A_97 : i32
      %jit3A_99 = arith.constant 1 : i32
      %select_n3A_100 = arith.select %eq3A_98, %jit3A_99, %jit3A_96 : i32
      %rem3A_101 = arith.remsi %scan3A_78, %select_n3A_100 : i32
      %ne3A_102 = arith.constant 0 : i32
      %ne3A_103 = arith.cmpi ne, %rem3A_101, %ne3A_102 : i32
      %lt3A = arith.constant 0 : i32
      %lt3A_104 = arith.cmpi slt, %rem3A_101, %lt3A : i32
      %lt3A_105 = arith.constant 0 : i32
      %lt3A_106 = arith.cmpi slt, %select_n3A_100, %lt3A_105 : i32
      %ne3A_107 = arith.xori %lt3A_104, %lt3A_106 : i1
      %and3A_108 = arith.andi %ne3A_107, %ne3A_103 : i1
      %add3A_109 = arith.addi %rem3A_101, %select_n3A_100 : i32
      %select_n3A_110 = arith.select %and3A_108, %add3A_109, %rem3A_101 : i32
      %mul3A_111 = arith.constant 16 : i32
      %mul3A_112 = arith.muli %select_n3A_110, %mul3A_111 : i32
      %get3A = arith.index_cast %select_n3A : i32 to index
      %get3A_113 = arith.index_cast %mul3A_112 : i32 to index
      %get3A_114 = tpu.vector_load %arg9[%get3A, %get3A_113] {strides = array<i32>} : memref<96x128xf32, #tpu.memory_space<vmem>>, vector<16xf32>,
      %sub3A_115 = vector.broadcast %reduce_max3A_58 : f32 to vector<16xf32>
      %sub3A_116 = arith.subf %get3A_114, %sub3A_115 : vector<16xf32>
      %exp3A = math.exp %sub3A_116 : vector<16xf32>
      %swap3A_117 = arith.index_cast %select_n3A : i32 to index
      %swap3A_118 = arith.index_cast %mul3A_112 : i32 to index
      %swap3A_119 = tpu.vector_load %arg9[%swap3A_117, %swap3A_118] {strides = array<i32>} : memref<96x128xf32, #tpu.memory_space<vmem>>, vector<16xf32>,
      tpu.vector_store %arg9[%swap3A_117, %swap3A_118], %exp3A {strides = array<i32>} : memref<96x128xf32, #tpu.memory_space<vmem>>, vector<16xf32>,
      %get3A_120 = arith.index_cast %select_n3A : i32 to index
      %get3A_121 = arith.index_cast %mul3A_112 : i32 to index
      %get3A_122 = tpu.vector_load %arg8[%get3A_120, %get3A_121] {strides = array<i32>} : memref<96x128xi32, #tpu.memory_space<vmem>>, vector<16xi32>,
      %shift_right_arithmetic3A = arith.constant 7 : i32
      %shift_right_arithmetic3A_123 = vector.broadcast %shift_right_arithmetic3A : i32 to vector<16xi32>
      %shift_right_arithmetic3A_124 = arith.shrsi %get3A_122, %shift_right_arithmetic3A_123 : vector<16xi32>
      %and3A_125 = arith.constant 127 : i32
      %and3A_126 = vector.broadcast %and3A_125 : i32 to vector<16xi32>
      %and3A_127 = arith.andi %get3A_122, %and3A_126 : vector<16xi32>
      tpu.vector_store_idx %arg10[%shift_right_arithmetic3A_124, %and3A_127], %exp3A {add = true} : memref<80x128xf32, #tpu.memory_space<vmem>>[vector<16xi32>, vector<16xi32>], vector<16xf32>,
      %scan3A_128 = arith.constant 0 : i32
      scf.yield %scan3A_128 : i32
    }
    %scan3A_65 = arith.constant 768 : i32
    "tpu.region"() ({
      %run_scoped3A = tpu.sem_alloc : memref<!tpu.dma_semaphore, #tpu.memory_space<semaphore_mem>>
      %dma_start3A_78 = arith.constant 0 : i32
      %dma_start3A_79 = arith.constant 0 : i32
      %dma_start3A_80 = tpu.memref_slice %arg17[%dma_start3A_78, %dma_start3A_79] : memref<80x128xf32, #tpu.memory_space<vmem_shared>> -> memref<80x128xf32, #tpu.memory_space<vmem_shared>>
      tpu.enqueue_indirect_dma source(%arg10 : memref<80x128xf32, #tpu.memory_space<vmem>>) target(%dma_start3A_80 : memref<80x128xf32, #tpu.memory_space<vmem_shared>>) offsets(%arg13 : memref<80xi32, #tpu.memory_space<vmem>>) semaphore(%run_scoped3A : memref<!tpu.dma_semaphore, #tpu.memory_space<semaphore_mem>>) {add = true}
      %dma_wait3A_81 = arith.constant 0 : i32
      %dma_wait3A_82 = arith.constant 0 : i32
      %dma_wait3A_83 = tpu.memref_slice %arg17[%dma_wait3A_81, %dma_wait3A_82] : memref<80x128xf32, #tpu.memory_space<vmem_shared>> -> memref<80x128xf32, #tpu.memory_space<vmem_shared>>
      tpu.wait_indirect_dma semaphore(%run_scoped3A : memref<!tpu.dma_semaphore, #tpu.memory_space<semaphore_mem>>) src(%arg10 : memref<80x128xf32, #tpu.memory_space<vmem>>) dst(%dma_wait3A_83 : memref<80x128xf32, #tpu.memory_space<vmem_shared>>)
      tpu.yield
    }) : () -> ()
    %barrier3A_66 = arith.constant 0 : index
    tpu.barrier barrier_id(%barrier3A_66)
    "tpu.region"() ({
      %run_scoped3A = tpu.sem_alloc : memref<!tpu.dma_semaphore, #tpu.memory_space<semaphore_mem>>
      tpu.enqueue_dma source(%arg17 : memref<80x128xf32, #tpu.memory_space<vmem_shared>>) target(%arg10 : memref<80x128xf32, #tpu.memory_space<vmem>>) target_semaphore(%run_scoped3A : memref<!tpu.dma_semaphore, #tpu.memory_space<semaphore_mem>>)
      tpu.wait_dma2 semaphore(%run_scoped3A : memref<!tpu.dma_semaphore, #tpu.memory_space<semaphore_mem>>) src(%arg17 : memref<80x128xf32, #tpu.memory_space<vmem_shared>>) dst(%arg10 : memref<80x128xf32, #tpu.memory_space<vmem>>)
      tpu.yield
    }) : () -> ()
    %scan3A_67 = arith.constant 0 : i32
    %scan3A_68 = arith.constant 0 : i32
    %scan3A_69 = arith.constant 768 : i32
    %scan3A_70 = arith.addi %scan3A_68, %scan3A_69 : i32
    %scan3A_71 = arith.constant 1 : i32
    %scan3A_72 = scf.for %scan3A_78 = %scan3A_68 to %scan3A_70 step %scan3A_71 iter_args(%scan3A_79 = %scan3A_67) -> (i32)  : i32 {
      %jit3A = arith.constant 8 : i32
      %div3A = arith.divsi %scan3A_78, %jit3A : i32
      %sign3A = arith.constant 0 : i32
      %sign3A_80 = arith.cmpi sgt, %scan3A_78, %sign3A : i32
      %sign3A_81 = arith.extui %sign3A_80 : i1 to i32
      %sign3A_82 = arith.constant 0 : i32
      %sign3A_83 = arith.cmpi slt, %scan3A_78, %sign3A_82 : i32
      %sign3A_84 = arith.extui %sign3A_83 : i1 to i32
      %sign3A_85 = arith.subi %sign3A_81, %sign3A_84 : i32
      %sign3A_86 = arith.constant 0 : i32
      %sign3A_87 = arith.cmpi sgt, %jit3A, %sign3A_86 : i32
      %sign3A_88 = arith.extui %sign3A_87 : i1 to i32
      %sign3A_89 = arith.constant 0 : i32
      %sign3A_90 = arith.cmpi slt, %jit3A, %sign3A_89 : i32
      %sign3A_91 = arith.extui %sign3A_90 : i1 to i32
      %sign3A_92 = arith.subi %sign3A_88, %sign3A_91 : i32
      %ne3A = arith.cmpi ne, %sign3A_85, %sign3A_92 : i32
      %rem3A = arith.remsi %scan3A_78, %jit3A : i32
      %ne3A_93 = arith.constant 0 : i32
      %ne3A_94 = arith.cmpi ne, %rem3A, %ne3A_93 : i32
      %and3A = arith.andi %ne3A, %ne3A_94 : i1
      %sub3A = arith.constant 1 : i32
      %sub3A_95 = arith.subi %div3A, %sub3A : i32
      %select_n3A = arith.select %and3A, %sub3A_95, %div3A : i32
      %jit3A_96 = arith.constant 8 : i32
      %eq3A_97 = arith.constant 0 : i32
      %eq3A_98 = arith.cmpi eq, %jit3A_96, %eq3A_97 : i32
      %jit3A_99 = arith.constant 1 : i32
      %select_n3A_100 = arith.select %eq3A_98, %jit3A_99, %jit3A_96 : i32
      %rem3A_101 = arith.remsi %scan3A_78, %select_n3A_100 : i32
      %ne3A_102 = arith.constant 0 : i32
      %ne3A_103 = arith.cmpi ne, %rem3A_101, %ne3A_102 : i32
      %lt3A = arith.constant 0 : i32
      %lt3A_104 = arith.cmpi slt, %rem3A_101, %lt3A : i32
      %lt3A_105 = arith.constant 0 : i32
      %lt3A_106 = arith.cmpi slt, %select_n3A_100, %lt3A_105 : i32
      %ne3A_107 = arith.xori %lt3A_104, %lt3A_106 : i1
      %and3A_108 = arith.andi %ne3A_107, %ne3A_103 : i1
      %add3A_109 = arith.addi %rem3A_101, %select_n3A_100 : i32
      %select_n3A_110 = arith.select %and3A_108, %add3A_109, %rem3A_101 : i32
      %mul3A_111 = arith.constant 16 : i32
      %mul3A_112 = arith.muli %select_n3A_110, %mul3A_111 : i32
      %get3A = arith.index_cast %select_n3A : i32 to index
      %get3A_113 = arith.index_cast %mul3A_112 : i32 to index
      %get3A_114 = tpu.vector_load %arg8[%get3A, %get3A_113] {strides = array<i32>} : memref<96x128xi32, #tpu.memory_space<vmem>>, vector<16xi32>,
      %shift_right_arithmetic3A = arith.constant 7 : i32
      %shift_right_arithmetic3A_115 = vector.broadcast %shift_right_arithmetic3A : i32 to vector<16xi32>
      %shift_right_arithmetic3A_116 = arith.shrsi %get3A_114, %shift_right_arithmetic3A_115 : vector<16xi32>
      %and3A_117 = arith.constant 127 : i32
      %and3A_118 = vector.broadcast %and3A_117 : i32 to vector<16xi32>
      %and3A_119 = arith.andi %get3A_114, %and3A_118 : vector<16xi32>
      %gather3A = tpu.vector_load_idx %arg10[%shift_right_arithmetic3A_116, %and3A_119] : memref<80x128xf32, #tpu.memory_space<vmem>>[vector<16xi32>, vector<16xi32>], vector<16xf32>,
      %get3A_120 = arith.index_cast %select_n3A : i32 to index
      %get3A_121 = arith.index_cast %mul3A_112 : i32 to index
      %get3A_122 = tpu.vector_load %arg9[%get3A_120, %get3A_121] {strides = array<i32>} : memref<96x128xf32, #tpu.memory_space<vmem>>, vector<16xf32>,
      %add3A_123 = arith.constant 1.000000e-16 : f32
      %add3A_124 = vector.broadcast %add3A_123 : f32 to vector<16xf32>
      %add3A_125 = arith.addf %gather3A, %add3A_124 : vector<16xf32>
      %div3A_126 = arith.divf %get3A_122, %add3A_125 : vector<16xf32>
      %swap3A_127 = arith.index_cast %select_n3A : i32 to index
      %swap3A_128 = arith.index_cast %mul3A_112 : i32 to index
      %swap3A_129 = tpu.vector_load %arg9[%swap3A_127, %swap3A_128] {strides = array<i32>} : memref<96x128xf32, #tpu.memory_space<vmem>>, vector<16xf32>,
      tpu.vector_store %arg9[%swap3A_127, %swap3A_128], %div3A_126 {strides = array<i32>} : memref<96x128xf32, #tpu.memory_space<vmem>>, vector<16xf32>,
      %scan3A_130 = arith.constant 0 : i32
      scf.yield %scan3A_130 : i32
    }
    %scan3A_73 = arith.constant 768 : i32
    %mul3A_74 = arith.constant 48 : i32
    %mul3A_75 = arith.muli %arg0, %mul3A_74 : i32
    %mul3A_76 = arith.constant 48 : i32
    %mul3A_77 = arith.muli %arg0, %mul3A_76 : i32
    %add3A = arith.addi %mul3A_0, %mul3A_77 : i32
    "tpu.region"() ({
      %run_scoped3A = tpu.sem_alloc : memref<!tpu.dma_semaphore, #tpu.memory_space<semaphore_mem>>
      %dma_start3A_78 = arith.constant 0 : i32
      %dma_start3A_79 = tpu.memref_slice %arg9[%mul3A_75, %dma_start3A_78] : memref<96x128xf32, #tpu.memory_space<vmem>> -> memref<48x128xf32, #tpu.memory_space<vmem>>
      %dma_start3A_80 = arith.constant 0 : i32
      %dma_start3A_81 = tpu.memref_slice %arg5[%add3A, %dma_start3A_80] : memref<1536x128xf32, #tpu.memory_space<hbm>> -> memref<48x128xf32, #tpu.memory_space<hbm>>
      %dma_start3A_82 = arith.constant 0 : i32
      %dma_start3A_83 = tpu.memref_slice %arg5[%add3A, %dma_start3A_82] : memref<1536x128xf32, #tpu.memory_space<hbm>> -> memref<48x128xf32, #tpu.memory_space<hbm>>
      %dma_start3A_84 = arith.constant 0 : i32
      %dma_start3A_85 = tpu.memref_slice %arg9[%mul3A_75, %dma_start3A_84] : memref<96x128xf32, #tpu.memory_space<vmem>> -> memref<48x128xf32, #tpu.memory_space<vmem>>
      tpu.enqueue_dma source(%dma_start3A_85 : memref<48x128xf32, #tpu.memory_space<vmem>>) target(%dma_start3A_83 : memref<48x128xf32, #tpu.memory_space<hbm>>) target_semaphore(%run_scoped3A : memref<!tpu.dma_semaphore, #tpu.memory_space<semaphore_mem>>)
      %dma_wait3A_86 = arith.constant 0 : i32
      %dma_wait3A_87 = tpu.memref_slice %arg9[%mul3A_75, %dma_wait3A_86] : memref<96x128xf32, #tpu.memory_space<vmem>> -> memref<48x128xf32, #tpu.memory_space<vmem>>
      %dma_wait3A_88 = arith.constant 0 : i32
      %dma_wait3A_89 = tpu.memref_slice %arg5[%add3A, %dma_wait3A_88] : memref<1536x128xf32, #tpu.memory_space<hbm>> -> memref<48x128xf32, #tpu.memory_space<hbm>>
      %dma_wait3A_90 = arith.constant 0 : i32
      %dma_wait3A_91 = tpu.memref_slice %arg5[%add3A, %dma_wait3A_90] : memref<1536x128xf32, #tpu.memory_space<hbm>> -> memref<48x128xf32, #tpu.memory_space<hbm>>
      %dma_wait3A_92 = arith.constant 0 : i32
      %dma_wait3A_93 = tpu.memref_slice %arg9[%mul3A_75, %dma_wait3A_92] : memref<96x128xf32, #tpu.memory_space<vmem>> -> memref<48x128xf32, #tpu.memory_space<vmem>>
      tpu.wait_dma2 semaphore(%run_scoped3A : memref<!tpu.dma_semaphore, #tpu.memory_space<semaphore_mem>>) src(%dma_wait3A_93 : memref<48x128xf32, #tpu.memory_space<vmem>>) dst(%dma_wait3A_91 : memref<48x128xf32, #tpu.memory_space<hbm>>)
      tpu.yield
    }) : () -> ()
    return
  }
}

#map = affine_map<(d0, d1) -> (0, 0)>
module attributes {stable_mosaic.version = 14 : i64} {
  func.func @_sc_agg(%arg0: i32, %arg1: i32, %arg2: memref<10240x256xf32, #tpu.memory_space<hbm>>, %arg3: memref<1536x128xi32, #tpu.memory_space<hbm>>, %arg4: memref<1536x128xi32, #tpu.memory_space<hbm>>, %arg5: memref<1536x128xf32, #tpu.memory_space<hbm>>, %arg6: memref<16x16xi32, #tpu.memory_space<hbm>>, %arg7: memref<10240x256xf32, #tpu.memory_space<hbm>>, %arg8: memref<96xi32, #tpu.memory_space<vmem>>, %arg9: memref<96x128xi32, #tpu.memory_space<vmem>>, %arg10: memref<96x128xi32, #tpu.memory_space<vmem>>, %arg11: memref<96x128xf32, #tpu.memory_space<vmem>>, %arg12: memref<16x16xi32, #tpu.memory_space<vmem>>, %arg13: memref<32x256xf32, #tpu.memory_space<vmem>>, %arg14: memref<4x256xf32, #tpu.memory_space<vmem>>, %arg15: memref<!tpu.dma_semaphore, #tpu.memory_space<semaphore_mem>>, %arg16: memref<5248x256xf32, #tpu.memory_space<vmem_shared>>) attributes {dimension_semantics = [#tpu.dimension_semantics<core_parallel>, #tpu.dimension_semantics<subcore_parallel>], iteration_bounds = array<i64: 2, 16>, scalar_prefetch = 0 : i64, scratch_operands = 9 : i64, tpu.core_type = #tpu.core_type<sc_vector_subcore>, window_params = [{transform_indices = #map}, {transform_indices = #map}, {transform_indices = #map}, {transform_indices = #map}, {transform_indices = #map}, {transform_indices = #map}]} {
    %mul3A = arith.constant 96 : i32
    %mul3A_0 = arith.muli %arg1, %mul3A : i32
    %scan3A = arith.constant 0 : i32
    %scan3A_1 = arith.constant 0 : i32
    %scan3A_2 = arith.constant 6 : i32
    %scan3A_3 = arith.addi %scan3A_1, %scan3A_2 : i32
    %scan3A_4 = arith.constant 1 : i32
    %scan3A_5 = scf.for %scan3A_73 = %scan3A_1 to %scan3A_3 step %scan3A_4 iter_args(%scan3A_74 = %scan3A) -> (i32)  : i32 {
      %mul3A_75 = arith.constant 16 : i32
      %mul3A_76 = arith.muli %scan3A_73, %mul3A_75 : i32
      %add3A_77 = arith.addi %mul3A_0, %mul3A_76 : i32
      %iota3A = tpu.iota {dimensions = array<i32: 0>} : vector<16xi32>
      %add3A_78 = vector.broadcast %add3A_77 : i32 to vector<16xi32>
      %add3A_79 = arith.addi %add3A_78, %iota3A : vector<16xi32>
      %mul3A_80 = arith.constant 16 : i32
      %mul3A_81 = arith.muli %scan3A_73, %mul3A_80 : i32
      %swap3A = arith.index_cast %mul3A_81 : i32 to index
      %swap3A_82 = tpu.vector_load %arg8[%swap3A] {strides = array<i32>} : memref<96xi32, #tpu.memory_space<vmem>>, vector<16xi32>,
      tpu.vector_store %arg8[%swap3A], %add3A_79 {strides = array<i32>} : memref<96xi32, #tpu.memory_space<vmem>>, vector<16xi32>,
      %scan3A_83 = arith.constant 0 : i32
      scf.yield %scan3A_83 : i32
    }
    %scan3A_6 = arith.constant 6 : i32
    %dma_start3A = arith.constant 0 : i32
    %dma_start3A_7 = arith.constant 0 : i32
    %dma_start3A_8 = tpu.memref_slice %arg3[%dma_start3A, %dma_start3A_7] : memref<1536x128xi32, #tpu.memory_space<hbm>> -> memref<1536x128xi32, #tpu.memory_space<hbm>>
    tpu.enqueue_indirect_dma source(%dma_start3A_8 : memref<1536x128xi32, #tpu.memory_space<hbm>>) target(%arg9 : memref<96x128xi32, #tpu.memory_space<vmem>>) offsets(%arg8 : memref<96xi32, #tpu.memory_space<vmem>>) semaphore(%arg15 : memref<!tpu.dma_semaphore, #tpu.memory_space<semaphore_mem>>)
    %dma_wait3A = arith.constant 0 : i32
    %dma_wait3A_9 = arith.constant 0 : i32
    %dma_wait3A_10 = tpu.memref_slice %arg3[%dma_wait3A, %dma_wait3A_9] : memref<1536x128xi32, #tpu.memory_space<hbm>> -> memref<1536x128xi32, #tpu.memory_space<hbm>>
    tpu.wait_indirect_dma semaphore(%arg15 : memref<!tpu.dma_semaphore, #tpu.memory_space<semaphore_mem>>) src(%dma_wait3A_10 : memref<1536x128xi32, #tpu.memory_space<hbm>>) dst(%arg9 : memref<96x128xi32, #tpu.memory_space<vmem>>)
    %dma_start3A_11 = arith.constant 0 : i32
    %dma_start3A_12 = arith.constant 0 : i32
    %dma_start3A_13 = tpu.memref_slice %arg4[%dma_start3A_11, %dma_start3A_12] : memref<1536x128xi32, #tpu.memory_space<hbm>> -> memref<1536x128xi32, #tpu.memory_space<hbm>>
    tpu.enqueue_indirect_dma source(%dma_start3A_13 : memref<1536x128xi32, #tpu.memory_space<hbm>>) target(%arg10 : memref<96x128xi32, #tpu.memory_space<vmem>>) offsets(%arg8 : memref<96xi32, #tpu.memory_space<vmem>>) semaphore(%arg15 : memref<!tpu.dma_semaphore, #tpu.memory_space<semaphore_mem>>)
    %dma_wait3A_14 = arith.constant 0 : i32
    %dma_wait3A_15 = arith.constant 0 : i32
    %dma_wait3A_16 = tpu.memref_slice %arg4[%dma_wait3A_14, %dma_wait3A_15] : memref<1536x128xi32, #tpu.memory_space<hbm>> -> memref<1536x128xi32, #tpu.memory_space<hbm>>
    tpu.wait_indirect_dma semaphore(%arg15 : memref<!tpu.dma_semaphore, #tpu.memory_space<semaphore_mem>>) src(%dma_wait3A_16 : memref<1536x128xi32, #tpu.memory_space<hbm>>) dst(%arg10 : memref<96x128xi32, #tpu.memory_space<vmem>>)
    %dma_start3A_17 = arith.constant 0 : i32
    %dma_start3A_18 = arith.constant 0 : i32
    %dma_start3A_19 = tpu.memref_slice %arg5[%dma_start3A_17, %dma_start3A_18] : memref<1536x128xf32, #tpu.memory_space<hbm>> -> memref<1536x128xf32, #tpu.memory_space<hbm>>
    tpu.enqueue_indirect_dma source(%dma_start3A_19 : memref<1536x128xf32, #tpu.memory_space<hbm>>) target(%arg11 : memref<96x128xf32, #tpu.memory_space<vmem>>) offsets(%arg8 : memref<96xi32, #tpu.memory_space<vmem>>) semaphore(%arg15 : memref<!tpu.dma_semaphore, #tpu.memory_space<semaphore_mem>>)
    %dma_wait3A_20 = arith.constant 0 : i32
    %dma_wait3A_21 = arith.constant 0 : i32
    %dma_wait3A_22 = tpu.memref_slice %arg5[%dma_wait3A_20, %dma_wait3A_21] : memref<1536x128xf32, #tpu.memory_space<hbm>> -> memref<1536x128xf32, #tpu.memory_space<hbm>>
    tpu.wait_indirect_dma semaphore(%arg15 : memref<!tpu.dma_semaphore, #tpu.memory_space<semaphore_mem>>) src(%dma_wait3A_22 : memref<1536x128xf32, #tpu.memory_space<hbm>>) dst(%arg11 : memref<96x128xf32, #tpu.memory_space<vmem>>)
    "tpu.region"() ({
      %run_scoped3A = tpu.sem_alloc : memref<!tpu.dma_semaphore, #tpu.memory_space<semaphore_mem>>
      tpu.enqueue_dma source(%arg6 : memref<16x16xi32, #tpu.memory_space<hbm>>) target(%arg12 : memref<16x16xi32, #tpu.memory_space<vmem>>) target_semaphore(%run_scoped3A : memref<!tpu.dma_semaphore, #tpu.memory_space<semaphore_mem>>)
      tpu.wait_dma2 semaphore(%run_scoped3A : memref<!tpu.dma_semaphore, #tpu.memory_space<semaphore_mem>>) src(%arg6 : memref<16x16xi32, #tpu.memory_space<hbm>>) dst(%arg12 : memref<16x16xi32, #tpu.memory_space<vmem>>)
      tpu.yield
    }) : () -> ()
    %mul3A_23 = arith.constant 5120 : i32
    %mul3A_24 = arith.muli %arg0, %mul3A_23 : i32
    %scan3A_25 = arith.constant 0 : i32
    %scan3A_26 = arith.constant 0 : i32
    %scan3A_27 = arith.constant 768 : i32
    %scan3A_28 = arith.addi %scan3A_26, %scan3A_27 : i32
    %scan3A_29 = arith.constant 1 : i32
    %scan3A_30 = scf.for %scan3A_73 = %scan3A_26 to %scan3A_28 step %scan3A_29 iter_args(%scan3A_74 = %scan3A_25) -> (i32)  : i32 {
      %jit3A_75 = arith.constant 8 : i32
      %div3A = arith.divsi %scan3A_73, %jit3A_75 : i32
      %sign3A = arith.constant 0 : i32
      %sign3A_76 = arith.cmpi sgt, %scan3A_73, %sign3A : i32
      %sign3A_77 = arith.extui %sign3A_76 : i1 to i32
      %sign3A_78 = arith.constant 0 : i32
      %sign3A_79 = arith.cmpi slt, %scan3A_73, %sign3A_78 : i32
      %sign3A_80 = arith.extui %sign3A_79 : i1 to i32
      %sign3A_81 = arith.subi %sign3A_77, %sign3A_80 : i32
      %sign3A_82 = arith.constant 0 : i32
      %sign3A_83 = arith.cmpi sgt, %jit3A_75, %sign3A_82 : i32
      %sign3A_84 = arith.extui %sign3A_83 : i1 to i32
      %sign3A_85 = arith.constant 0 : i32
      %sign3A_86 = arith.cmpi slt, %jit3A_75, %sign3A_85 : i32
      %sign3A_87 = arith.extui %sign3A_86 : i1 to i32
      %sign3A_88 = arith.subi %sign3A_84, %sign3A_87 : i32
      %ne3A = arith.cmpi ne, %sign3A_81, %sign3A_88 : i32
      %rem3A = arith.remsi %scan3A_73, %jit3A_75 : i32
      %ne3A_89 = arith.constant 0 : i32
      %ne3A_90 = arith.cmpi ne, %rem3A, %ne3A_89 : i32
      %and3A = arith.andi %ne3A, %ne3A_90 : i1
      %sub3A = arith.constant 1 : i32
      %sub3A_91 = arith.subi %div3A, %sub3A : i32
      %select_n3A_92 = arith.select %and3A, %sub3A_91, %div3A : i32
      %jit3A_93 = arith.constant 8 : i32
      %eq3A_94 = arith.constant 0 : i32
      %eq3A_95 = arith.cmpi eq, %jit3A_93, %eq3A_94 : i32
      %jit3A_96 = arith.constant 1 : i32
      %select_n3A_97 = arith.select %eq3A_95, %jit3A_96, %jit3A_93 : i32
      %rem3A_98 = arith.remsi %scan3A_73, %select_n3A_97 : i32
      %ne3A_99 = arith.constant 0 : i32
      %ne3A_100 = arith.cmpi ne, %rem3A_98, %ne3A_99 : i32
      %lt3A = arith.constant 0 : i32
      %lt3A_101 = arith.cmpi slt, %rem3A_98, %lt3A : i32
      %lt3A_102 = arith.constant 0 : i32
      %lt3A_103 = arith.cmpi slt, %select_n3A_97, %lt3A_102 : i32
      %ne3A_104 = arith.xori %lt3A_101, %lt3A_103 : i1
      %and3A_105 = arith.andi %ne3A_104, %ne3A_100 : i1
      %add3A_106 = arith.addi %rem3A_98, %select_n3A_97 : i32
      %select_n3A_107 = arith.select %and3A_105, %add3A_106, %rem3A_98 : i32
      %mul3A_108 = arith.constant 16 : i32
      %mul3A_109 = arith.muli %select_n3A_107, %mul3A_108 : i32
      %get3A_110 = arith.index_cast %select_n3A_92 : i32 to index
      %get3A_111 = arith.index_cast %mul3A_109 : i32 to index
      %get3A_112 = tpu.vector_load %arg10[%get3A_110, %get3A_111] {strides = array<i32>} : memref<96x128xi32, #tpu.memory_space<vmem>>, vector<16xi32>,
      %sub3A_113 = vector.broadcast %mul3A_24 : i32 to vector<16xi32>
      %sub3A_114 = arith.subi %get3A_112, %sub3A_113 : vector<16xi32>
      %ge3A = arith.constant 0 : i32
      %ge3A_115 = vector.broadcast %ge3A : i32 to vector<16xi32>
      %ge3A_116 = arith.cmpi sge, %sub3A_114, %ge3A_115 : vector<16xi32>
      %lt3A_117 = arith.constant 5120 : i32
      %lt3A_118 = vector.broadcast %lt3A_117 : i32 to vector<16xi32>
      %lt3A_119 = arith.cmpi slt, %sub3A_114, %lt3A_118 : vector<16xi32>
      %and3A_120 = arith.andi %ge3A_116, %lt3A_119 : vector<16xi1>
      %jit3A_121 = arith.constant 5247 : i32
      %broadcast_in_dim3A = vector.broadcast %jit3A_121 : i32 to vector<16xi32>
      %select_n3A_122 = arith.select %and3A_120, %sub3A_114, %broadcast_in_dim3A : vector<16xi1>, vector<16xi32>
      %swap3A = arith.index_cast %select_n3A_92 : i32 to index
      %swap3A_123 = arith.index_cast %mul3A_109 : i32 to index
      %swap3A_124 = tpu.vector_load %arg10[%swap3A, %swap3A_123] {strides = array<i32>} : memref<96x128xi32, #tpu.memory_space<vmem>>, vector<16xi32>,
      tpu.vector_store %arg10[%swap3A, %swap3A_123], %select_n3A_122 {strides = array<i32>} : memref<96x128xi32, #tpu.memory_space<vmem>>, vector<16xi32>,
      %scan3A_125 = arith.constant 0 : i32
      scf.yield %scan3A_125 : i32
    }
    %scan3A_31 = arith.constant 768 : i32
    %scan3A_32 = arith.constant 0 : i32
    %scan3A_33 = arith.constant 0 : i32
    %scan3A_34 = arith.constant 64 : i32
    %scan3A_35 = arith.addi %scan3A_33, %scan3A_34 : i32
    %scan3A_36 = arith.constant 1 : i32
    %scan3A_37 = scf.for %scan3A_73 = %scan3A_33 to %scan3A_35 step %scan3A_36 iter_args(%scan3A_74 = %scan3A_32) -> (i32)  : i32 {
      %broadcast_in_dim3A = arith.constant 0.000000e+00 : f32
      %broadcast_in_dim3A_75 = vector.broadcast %broadcast_in_dim3A : f32 to vector<16xf32>
      %jit3A_76 = arith.constant 16 : i32
      %div3A = arith.divsi %scan3A_73, %jit3A_76 : i32
      %sign3A = arith.constant 0 : i32
      %sign3A_77 = arith.cmpi sgt, %scan3A_73, %sign3A : i32
      %sign3A_78 = arith.extui %sign3A_77 : i1 to i32
      %sign3A_79 = arith.constant 0 : i32
      %sign3A_80 = arith.cmpi slt, %scan3A_73, %sign3A_79 : i32
      %sign3A_81 = arith.extui %sign3A_80 : i1 to i32
      %sign3A_82 = arith.subi %sign3A_78, %sign3A_81 : i32
      %sign3A_83 = arith.constant 0 : i32
      %sign3A_84 = arith.cmpi sgt, %jit3A_76, %sign3A_83 : i32
      %sign3A_85 = arith.extui %sign3A_84 : i1 to i32
      %sign3A_86 = arith.constant 0 : i32
      %sign3A_87 = arith.cmpi slt, %jit3A_76, %sign3A_86 : i32
      %sign3A_88 = arith.extui %sign3A_87 : i1 to i32
      %sign3A_89 = arith.subi %sign3A_85, %sign3A_88 : i32
      %ne3A = arith.cmpi ne, %sign3A_82, %sign3A_89 : i32
      %rem3A = arith.remsi %scan3A_73, %jit3A_76 : i32
      %ne3A_90 = arith.constant 0 : i32
      %ne3A_91 = arith.cmpi ne, %rem3A, %ne3A_90 : i32
      %and3A = arith.andi %ne3A, %ne3A_91 : i1
      %sub3A = arith.constant 1 : i32
      %sub3A_92 = arith.subi %div3A, %sub3A : i32
      %select_n3A_93 = arith.select %and3A, %sub3A_92, %div3A : i32
      %jit3A_94 = arith.constant 16 : i32
      %eq3A_95 = arith.constant 0 : i32
      %eq3A_96 = arith.cmpi eq, %jit3A_94, %eq3A_95 : i32
      %jit3A_97 = arith.constant 1 : i32
      %select_n3A_98 = arith.select %eq3A_96, %jit3A_97, %jit3A_94 : i32
      %rem3A_99 = arith.remsi %scan3A_73, %select_n3A_98 : i32
      %ne3A_100 = arith.constant 0 : i32
      %ne3A_101 = arith.cmpi ne, %rem3A_99, %ne3A_100 : i32
      %lt3A = arith.constant 0 : i32
      %lt3A_102 = arith.cmpi slt, %rem3A_99, %lt3A : i32
      %lt3A_103 = arith.constant 0 : i32
      %lt3A_104 = arith.cmpi slt, %select_n3A_98, %lt3A_103 : i32
      %ne3A_105 = arith.xori %lt3A_102, %lt3A_104 : i1
      %and3A_106 = arith.andi %ne3A_105, %ne3A_101 : i1
      %add3A_107 = arith.addi %rem3A_99, %select_n3A_98 : i32
      %select_n3A_108 = arith.select %and3A_106, %add3A_107, %rem3A_99 : i32
      %mul3A_109 = arith.constant 16 : i32
      %mul3A_110 = arith.muli %select_n3A_108, %mul3A_109 : i32
      %swap3A = arith.index_cast %select_n3A_93 : i32 to index
      %swap3A_111 = arith.index_cast %mul3A_110 : i32 to index
      %swap3A_112 = tpu.vector_load %arg14[%swap3A, %swap3A_111] {strides = array<i32>} : memref<4x256xf32, #tpu.memory_space<vmem>>, vector<16xf32>,
      tpu.vector_store %arg14[%swap3A, %swap3A_111], %broadcast_in_dim3A_75 {strides = array<i32>} : memref<4x256xf32, #tpu.memory_space<vmem>>, vector<16xf32>,
      %scan3A_113 = arith.constant 0 : i32
      scf.yield %scan3A_113 : i32
    }
    %scan3A_38 = arith.constant 64 : i32
    %scan3A_39 = arith.constant 0 : i32
    %scan3A_40 = arith.constant 0 : i32
    %scan3A_41 = arith.constant 82 : i32
    %scan3A_42 = arith.addi %scan3A_40, %scan3A_41 : i32
    %scan3A_43 = arith.constant 1 : i32
    %scan3A_44 = scf.for %scan3A_73 = %scan3A_40 to %scan3A_42 step %scan3A_43 iter_args(%scan3A_74 = %scan3A_39) -> (i32)  : i32 {
      %mul3A_75 = arith.constant 328 : i32
      %mul3A_76 = arith.muli %arg1, %mul3A_75 : i32
      %mul3A_77 = arith.constant 4 : i32
      %mul3A_78 = arith.muli %scan3A_73, %mul3A_77 : i32
      %add3A_79 = arith.addi %mul3A_76, %mul3A_78 : i32
      "tpu.region"() ({
        %run_scoped3A = tpu.sem_alloc : memref<!tpu.dma_semaphore, #tpu.memory_space<semaphore_mem>>
        %dma_start3A_81 = arith.constant 0 : i32
        %dma_start3A_82 = tpu.memref_slice %arg16[%add3A_79, %dma_start3A_81] : memref<5248x256xf32, #tpu.memory_space<vmem_shared>> -> memref<4x256xf32, #tpu.memory_space<vmem_shared>>
        %dma_start3A_83 = arith.constant 0 : i32
        %dma_start3A_84 = tpu.memref_slice %arg16[%add3A_79, %dma_start3A_83] : memref<5248x256xf32, #tpu.memory_space<vmem_shared>> -> memref<4x256xf32, #tpu.memory_space<vmem_shared>>
        tpu.enqueue_dma source(%arg14 : memref<4x256xf32, #tpu.memory_space<vmem>>) target(%dma_start3A_84 : memref<4x256xf32, #tpu.memory_space<vmem_shared>>) target_semaphore(%run_scoped3A : memref<!tpu.dma_semaphore, #tpu.memory_space<semaphore_mem>>)
        %dma_wait3A_85 = arith.constant 0 : i32
        %dma_wait3A_86 = tpu.memref_slice %arg16[%add3A_79, %dma_wait3A_85] : memref<5248x256xf32, #tpu.memory_space<vmem_shared>> -> memref<4x256xf32, #tpu.memory_space<vmem_shared>>
        %dma_wait3A_87 = arith.constant 0 : i32
        %dma_wait3A_88 = tpu.memref_slice %arg16[%add3A_79, %dma_wait3A_87] : memref<5248x256xf32, #tpu.memory_space<vmem_shared>> -> memref<4x256xf32, #tpu.memory_space<vmem_shared>>
        tpu.wait_dma2 semaphore(%run_scoped3A : memref<!tpu.dma_semaphore, #tpu.memory_space<semaphore_mem>>) src(%arg14 : memref<4x256xf32, #tpu.memory_space<vmem>>) dst(%dma_wait3A_88 : memref<4x256xf32, #tpu.memory_space<vmem_shared>>)
        tpu.yield
      }) : () -> ()
      %scan3A_80 = arith.constant 0 : i32
      scf.yield %scan3A_80 : i32
    }
    %scan3A_45 = arith.constant 82 : i32
    %barrier3A = arith.constant 0 : index
    tpu.barrier barrier_id(%barrier3A)
    %get3A = arith.index_cast %arg1 : i32 to index
    %get3A_46 = arith.constant 0 : index
    %get3A_47 = tpu.vector_load %arg12[%get3A, %get3A_46] {strides = array<i32>} : memref<16x16xi32, #tpu.memory_space<vmem>>, vector<16xi32>,
    %slice3A = vector.extract_strided_slice %get3A_47 {offsets = [0], sizes = [1], strides = [1]} : vector<16xi32> to vector<1xi32>
    %squeeze3A = vector.extract %slice3A[0] : i32 from vector<1xi32>
    %eq3A = arith.constant 0 : i32
    %eq3A_48 = arith.cmpi eq, %arg0, %eq3A : i32
    %shift_right_arithmetic3A = arith.constant 5 : i32
    %shift_right_arithmetic3A_49 = arith.shrsi %squeeze3A, %shift_right_arithmetic3A : i32
    %jit3A = arith.constant 0 : i32
    %select_n3A = arith.select %eq3A_48, %jit3A, %shift_right_arithmetic3A_49 : i32
    %eq3A_50 = arith.constant 0 : i32
    %eq3A_51 = arith.cmpi eq, %arg0, %eq3A_50 : i32
    %add3A = arith.constant 31 : i32
    %add3A_52 = arith.addi %squeeze3A, %add3A : i32
    %shift_right_arithmetic3A_53 = arith.constant 5 : i32
    %shift_right_arithmetic3A_54 = arith.shrsi %add3A_52, %shift_right_arithmetic3A_53 : i32
    %jit3A_55 = arith.constant 384 : i32
    %select_n3A_56 = arith.select %eq3A_51, %shift_right_arithmetic3A_54, %jit3A_55 : i32
    %while3A = arith.constant 0 : i32
    %while3A_57 = arith.subi %select_n3A_56, %select_n3A : i32
    %while3A_58 = arith.addi %select_n3A, %while3A_57 : i32
    %while3A_59 = arith.constant 1 : i32
    %while3A_60 = arith.divsi %while3A_57, %while3A_59 : i32
    %while3A_61 = arith.muli %while3A_60, %while3A_59 : i32
    %while3A_62 = arith.addi %select_n3A, %while3A_61 : i32
    %while3A_63 = arith.constant 1 : i32
    %while3A_64 = scf.for %while3A_73 = %select_n3A to %while3A_62 step %while3A_63 iter_args(%while3A_74 = %while3A) -> (i32)  : i32 {
      %jit3A_75 = arith.constant 4 : i32
      %div3A = arith.divsi %while3A_73, %jit3A_75 : i32
      %sign3A = arith.constant 0 : i32
      %sign3A_76 = arith.cmpi sgt, %while3A_73, %sign3A : i32
      %sign3A_77 = arith.extui %sign3A_76 : i1 to i32
      %sign3A_78 = arith.constant 0 : i32
      %sign3A_79 = arith.cmpi slt, %while3A_73, %sign3A_78 : i32
      %sign3A_80 = arith.extui %sign3A_79 : i1 to i32
      %sign3A_81 = arith.subi %sign3A_77, %sign3A_80 : i32
      %sign3A_82 = arith.constant 0 : i32
      %sign3A_83 = arith.cmpi sgt, %jit3A_75, %sign3A_82 : i32
      %sign3A_84 = arith.extui %sign3A_83 : i1 to i32
      %sign3A_85 = arith.constant 0 : i32
      %sign3A_86 = arith.cmpi slt, %jit3A_75, %sign3A_85 : i32
      %sign3A_87 = arith.extui %sign3A_86 : i1 to i32
      %sign3A_88 = arith.subi %sign3A_84, %sign3A_87 : i32
      %ne3A = arith.cmpi ne, %sign3A_81, %sign3A_88 : i32
      %rem3A = arith.remsi %while3A_73, %jit3A_75 : i32
      %ne3A_89 = arith.constant 0 : i32
      %ne3A_90 = arith.cmpi ne, %rem3A, %ne3A_89 : i32
      %and3A = arith.andi %ne3A, %ne3A_90 : i1
      %sub3A = arith.constant 1 : i32
      %sub3A_91 = arith.subi %div3A, %sub3A : i32
      %select_n3A_92 = arith.select %and3A, %sub3A_91, %div3A : i32
      %jit3A_93 = arith.constant 4 : i32
      %eq3A_94 = arith.constant 0 : i32
      %eq3A_95 = arith.cmpi eq, %jit3A_93, %eq3A_94 : i32
      %jit3A_96 = arith.constant 1 : i32
      %select_n3A_97 = arith.select %eq3A_95, %jit3A_96, %jit3A_93 : i32
      %rem3A_98 = arith.remsi %while3A_73, %select_n3A_97 : i32
      %ne3A_99 = arith.constant 0 : i32
      %ne3A_100 = arith.cmpi ne, %rem3A_98, %ne3A_99 : i32
      %lt3A = arith.constant 0 : i32
      %lt3A_101 = arith.cmpi slt, %rem3A_98, %lt3A : i32
      %lt3A_102 = arith.constant 0 : i32
      %lt3A_103 = arith.cmpi slt, %select_n3A_97, %lt3A_102 : i32
      %ne3A_104 = arith.xori %lt3A_101, %lt3A_103 : i1
      %and3A_105 = arith.andi %ne3A_104, %ne3A_100 : i1
      %add3A_106 = arith.addi %rem3A_98, %select_n3A_97 : i32
      %select_n3A_107 = arith.select %and3A_105, %add3A_106, %rem3A_98 : i32
      %mul3A_108 = arith.constant 32 : i32
      %mul3A_109 = arith.muli %select_n3A_107, %mul3A_108 : i32
      %dma_start3A_110 = tpu.memref_slice %arg9[%select_n3A_92, %mul3A_109] : memref<96x128xi32, #tpu.memory_space<vmem>> -> memref<1x32xi32, #tpu.memory_space<vmem>>
      %dma_start3A_111 = tpu.memref_squeeze %dma_start3A_110 : memref<1x32xi32, #tpu.memory_space<vmem>> -> memref<32xi32, #tpu.memory_space<vmem>>
      %dma_start3A_112 = arith.constant 0 : i32
      %dma_start3A_113 = arith.constant 0 : i32
      %dma_start3A_114 = tpu.memref_slice %arg2[%dma_start3A_112, %dma_start3A_113] : memref<10240x256xf32, #tpu.memory_space<hbm>> -> memref<10240x256xf32, #tpu.memory_space<hbm>>
      tpu.enqueue_indirect_dma source(%dma_start3A_114 : memref<10240x256xf32, #tpu.memory_space<hbm>>) target(%arg13 : memref<32x256xf32, #tpu.memory_space<vmem>>) offsets(%dma_start3A_111 : memref<32xi32, #tpu.memory_space<vmem>>) semaphore(%arg15 : memref<!tpu.dma_semaphore, #tpu.memory_space<semaphore_mem>>)
      %dma_wait3A_115 = tpu.memref_slice %arg9[%select_n3A_92, %mul3A_109] : memref<96x128xi32, #tpu.memory_space<vmem>> -> memref<1x32xi32, #tpu.memory_space<vmem>>
      %dma_wait3A_116 = tpu.memref_squeeze %dma_wait3A_115 : memref<1x32xi32, #tpu.memory_space<vmem>> -> memref<32xi32, #tpu.memory_space<vmem>>
      %dma_wait3A_117 = arith.constant 0 : i32
      %dma_wait3A_118 = arith.constant 0 : i32
      %dma_wait3A_119 = tpu.memref_slice %arg2[%dma_wait3A_117, %dma_wait3A_118] : memref<10240x256xf32, #tpu.memory_space<hbm>> -> memref<10240x256xf32, #tpu.memory_space<hbm>>
      tpu.wait_indirect_dma semaphore(%arg15 : memref<!tpu.dma_semaphore, #tpu.memory_space<semaphore_mem>>) src(%dma_wait3A_119 : memref<10240x256xf32, #tpu.memory_space<hbm>>) dst(%arg13 : memref<32x256xf32, #tpu.memory_space<vmem>>)
      %scan3A_120 = arith.constant 0 : i32
      %scan3A_121 = arith.constant 0 : i32
      %scan3A_122 = arith.constant 32 : i32
      %scan3A_123 = arith.addi %scan3A_121, %scan3A_122 : i32
      %scan3A_124 = arith.constant 1 : i32
      %scan3A_125 = scf.for %scan3A_130 = %scan3A_121 to %scan3A_123 step %scan3A_124 iter_args(%scan3A_131 = %scan3A_120) -> (i32)  : i32 {
        %broadcast_in_dim3A = arith.constant 0 : i32
        %broadcast_in_dim3A_132 = vector.broadcast %broadcast_in_dim3A : i32 to vector<16xi32>
        %add3A_133 = vector.broadcast %select_n3A_92 : i32 to vector<16xi32>
        %add3A_134 = arith.addi %broadcast_in_dim3A_132, %add3A_133 : vector<16xi32>
        %mul3A_135 = arith.constant 32 : i32
        %mul3A_136 = arith.muli %select_n3A_107, %mul3A_135 : i32
        %add3A_137 = vector.broadcast %mul3A_136 : i32 to vector<16xi32>
        %add3A_138 = arith.addi %broadcast_in_dim3A_132, %add3A_137 : vector<16xi32>
        %add3A_139 = vector.broadcast %scan3A_130 : i32 to vector<16xi32>
        %add3A_140 = arith.addi %add3A_138, %add3A_139 : vector<16xi32>
        %gather3A = tpu.vector_load_idx %arg11[%add3A_134, %add3A_140] : memref<96x128xf32, #tpu.memory_space<vmem>>[vector<16xi32>, vector<16xi32>], vector<16xf32>,
        %get3A_141 = arith.index_cast %scan3A_130 : i32 to index
        %get3A_142 = arith.constant 0 : index
        %get3A_143 = tpu.vector_load %arg13[%get3A_141, %get3A_142] {strides = array<i32>} : memref<32x256xf32, #tpu.memory_space<vmem>>, vector<16xf32>,
        %mul3A_144 = arith.mulf %get3A_143, %gather3A : vector<16xf32>
        %swap3A = arith.index_cast %scan3A_130 : i32 to index
        %swap3A_145 = arith.constant 0 : index
        %swap3A_146 = tpu.vector_load %arg13[%swap3A, %swap3A_145] {strides = array<i32>} : memref<32x256xf32, #tpu.memory_space<vmem>>, vector<16xf32>,
        tpu.vector_store %arg13[%swap3A, %swap3A_145], %mul3A_144 {strides = array<i32>} : memref<32x256xf32, #tpu.memory_space<vmem>>, vector<16xf32>,
        %get3A_147 = arith.index_cast %scan3A_130 : i32 to index
        %get3A_148 = arith.constant 16 : index
        %get3A_149 = tpu.vector_load %arg13[%get3A_147, %get3A_148] {strides = array<i32>} : memref<32x256xf32, #tpu.memory_space<vmem>>, vector<16xf32>,
        %mul3A_150 = arith.mulf %get3A_149, %gather3A : vector<16xf32>
        %swap3A_151 = arith.index_cast %scan3A_130 : i32 to index
        %swap3A_152 = arith.constant 16 : index
        %swap3A_153 = tpu.vector_load %arg13[%swap3A_151, %swap3A_152] {strides = array<i32>} : memref<32x256xf32, #tpu.memory_space<vmem>>, vector<16xf32>,
        tpu.vector_store %arg13[%swap3A_151, %swap3A_152], %mul3A_150 {strides = array<i32>} : memref<32x256xf32, #tpu.memory_space<vmem>>, vector<16xf32>,
        %get3A_154 = arith.index_cast %scan3A_130 : i32 to index
        %get3A_155 = arith.constant 32 : index
        %get3A_156 = tpu.vector_load %arg13[%get3A_154, %get3A_155] {strides = array<i32>} : memref<32x256xf32, #tpu.memory_space<vmem>>, vector<16xf32>,
        %mul3A_157 = arith.mulf %get3A_156, %gather3A : vector<16xf32>
        %swap3A_158 = arith.index_cast %scan3A_130 : i32 to index
        %swap3A_159 = arith.constant 32 : index
        %swap3A_160 = tpu.vector_load %arg13[%swap3A_158, %swap3A_159] {strides = array<i32>} : memref<32x256xf32, #tpu.memory_space<vmem>>, vector<16xf32>,
        tpu.vector_store %arg13[%swap3A_158, %swap3A_159], %mul3A_157 {strides = array<i32>} : memref<32x256xf32, #tpu.memory_space<vmem>>, vector<16xf32>,
        %get3A_161 = arith.index_cast %scan3A_130 : i32 to index
        %get3A_162 = arith.constant 48 : index
        %get3A_163 = tpu.vector_load %arg13[%get3A_161, %get3A_162] {strides = array<i32>} : memref<32x256xf32, #tpu.memory_space<vmem>>, vector<16xf32>,
        %mul3A_164 = arith.mulf %get3A_163, %gather3A : vector<16xf32>
        %swap3A_165 = arith.index_cast %scan3A_130 : i32 to index
        %swap3A_166 = arith.constant 48 : index
        %swap3A_167 = tpu.vector_load %arg13[%swap3A_165, %swap3A_166] {strides = array<i32>} : memref<32x256xf32, #tpu.memory_space<vmem>>, vector<16xf32>,
        tpu.vector_store %arg13[%swap3A_165, %swap3A_166], %mul3A_164 {strides = array<i32>} : memref<32x256xf32, #tpu.memory_space<vmem>>, vector<16xf32>,
        %get3A_168 = arith.index_cast %scan3A_130 : i32 to index
        %get3A_169 = arith.constant 64 : index
        %get3A_170 = tpu.vector_load %arg13[%get3A_168, %get3A_169] {strides = array<i32>} : memref<32x256xf32, #tpu.memory_space<vmem>>, vector<16xf32>,
        %mul3A_171 = arith.mulf %get3A_170, %gather3A : vector<16xf32>
        %swap3A_172 = arith.index_cast %scan3A_130 : i32 to index
        %swap3A_173 = arith.constant 64 : index
        %swap3A_174 = tpu.vector_load %arg13[%swap3A_172, %swap3A_173] {strides = array<i32>} : memref<32x256xf32, #tpu.memory_space<vmem>>, vector<16xf32>,
        tpu.vector_store %arg13[%swap3A_172, %swap3A_173], %mul3A_171 {strides = array<i32>} : memref<32x256xf32, #tpu.memory_space<vmem>>, vector<16xf32>,
        %get3A_175 = arith.index_cast %scan3A_130 : i32 to index
        %get3A_176 = arith.constant 80 : index
        %get3A_177 = tpu.vector_load %arg13[%get3A_175, %get3A_176] {strides = array<i32>} : memref<32x256xf32, #tpu.memory_space<vmem>>, vector<16xf32>,
        %mul3A_178 = arith.mulf %get3A_177, %gather3A : vector<16xf32>
        %swap3A_179 = arith.index_cast %scan3A_130 : i32 to index
        %swap3A_180 = arith.constant 80 : index
        %swap3A_181 = tpu.vector_load %arg13[%swap3A_179, %swap3A_180] {strides = array<i32>} : memref<32x256xf32, #tpu.memory_space<vmem>>, vector<16xf32>,
        tpu.vector_store %arg13[%swap3A_179, %swap3A_180], %mul3A_178 {strides = array<i32>} : memref<32x256xf32, #tpu.memory_space<vmem>>, vector<16xf32>,
        %get3A_182 = arith.index_cast %scan3A_130 : i32 to index
        %get3A_183 = arith.constant 96 : index
        %get3A_184 = tpu.vector_load %arg13[%get3A_182, %get3A_183] {strides = array<i32>} : memref<32x256xf32, #tpu.memory_space<vmem>>, vector<16xf32>,
        %mul3A_185 = arith.mulf %get3A_184, %gather3A : vector<16xf32>
        %swap3A_186 = arith.index_cast %scan3A_130 : i32 to index
        %swap3A_187 = arith.constant 96 : index
        %swap3A_188 = tpu.vector_load %arg13[%swap3A_186, %swap3A_187] {strides = array<i32>} : memref<32x256xf32, #tpu.memory_space<vmem>>, vector<16xf32>,
        tpu.vector_store %arg13[%swap3A_186, %swap3A_187], %mul3A_185 {strides = array<i32>} : memref<32x256xf32, #tpu.memory_space<vmem>>, vector<16xf32>,
        %get3A_189 = arith.index_cast %scan3A_130 : i32 to index
        %get3A_190 = arith.constant 112 : index
        %get3A_191 = tpu.vector_load %arg13[%get3A_189, %get3A_190] {strides = array<i32>} : memref<32x256xf32, #tpu.memory_space<vmem>>, vector<16xf32>,
        %mul3A_192 = arith.mulf %get3A_191, %gather3A : vector<16xf32>
        %swap3A_193 = arith.index_cast %scan3A_130 : i32 to index
        %swap3A_194 = arith.constant 112 : index
        %swap3A_195 = tpu.vector_load %arg13[%swap3A_193, %swap3A_194] {strides = array<i32>} : memref<32x256xf32, #tpu.memory_space<vmem>>, vector<16xf32>,
        tpu.vector_store %arg13[%swap3A_193, %swap3A_194], %mul3A_192 {strides = array<i32>} : memref<32x256xf32, #tpu.memory_space<vmem>>, vector<16xf32>,
        %get3A_196 = arith.index_cast %scan3A_130 : i32 to index
        %get3A_197 = arith.constant 128 : index
        %get3A_198 = tpu.vector_load %arg13[%get3A_196, %get3A_197] {strides = array<i32>} : memref<32x256xf32, #tpu.memory_space<vmem>>, vector<16xf32>,
        %mul3A_199 = arith.mulf %get3A_198, %gather3A : vector<16xf32>
        %swap3A_200 = arith.index_cast %scan3A_130 : i32 to index
        %swap3A_201 = arith.constant 128 : index
        %swap3A_202 = tpu.vector_load %arg13[%swap3A_200, %swap3A_201] {strides = array<i32>} : memref<32x256xf32, #tpu.memory_space<vmem>>, vector<16xf32>,
        tpu.vector_store %arg13[%swap3A_200, %swap3A_201], %mul3A_199 {strides = array<i32>} : memref<32x256xf32, #tpu.memory_space<vmem>>, vector<16xf32>,
        %get3A_203 = arith.index_cast %scan3A_130 : i32 to index
        %get3A_204 = arith.constant 144 : index
        %get3A_205 = tpu.vector_load %arg13[%get3A_203, %get3A_204] {strides = array<i32>} : memref<32x256xf32, #tpu.memory_space<vmem>>, vector<16xf32>,
        %mul3A_206 = arith.mulf %get3A_205, %gather3A : vector<16xf32>
        %swap3A_207 = arith.index_cast %scan3A_130 : i32 to index
        %swap3A_208 = arith.constant 144 : index
        %swap3A_209 = tpu.vector_load %arg13[%swap3A_207, %swap3A_208] {strides = array<i32>} : memref<32x256xf32, #tpu.memory_space<vmem>>, vector<16xf32>,
        tpu.vector_store %arg13[%swap3A_207, %swap3A_208], %mul3A_206 {strides = array<i32>} : memref<32x256xf32, #tpu.memory_space<vmem>>, vector<16xf32>,
        %get3A_210 = arith.index_cast %scan3A_130 : i32 to index
        %get3A_211 = arith.constant 160 : index
        %get3A_212 = tpu.vector_load %arg13[%get3A_210, %get3A_211] {strides = array<i32>} : memref<32x256xf32, #tpu.memory_space<vmem>>, vector<16xf32>,
        %mul3A_213 = arith.mulf %get3A_212, %gather3A : vector<16xf32>
        %swap3A_214 = arith.index_cast %scan3A_130 : i32 to index
        %swap3A_215 = arith.constant 160 : index
        %swap3A_216 = tpu.vector_load %arg13[%swap3A_214, %swap3A_215] {strides = array<i32>} : memref<32x256xf32, #tpu.memory_space<vmem>>, vector<16xf32>,
        tpu.vector_store %arg13[%swap3A_214, %swap3A_215], %mul3A_213 {strides = array<i32>} : memref<32x256xf32, #tpu.memory_space<vmem>>, vector<16xf32>,
        %get3A_217 = arith.index_cast %scan3A_130 : i32 to index
        %get3A_218 = arith.constant 176 : index
        %get3A_219 = tpu.vector_load %arg13[%get3A_217, %get3A_218] {strides = array<i32>} : memref<32x256xf32, #tpu.memory_space<vmem>>, vector<16xf32>,
        %mul3A_220 = arith.mulf %get3A_219, %gather3A : vector<16xf32>
        %swap3A_221 = arith.index_cast %scan3A_130 : i32 to index
        %swap3A_222 = arith.constant 176 : index
        %swap3A_223 = tpu.vector_load %arg13[%swap3A_221, %swap3A_222] {strides = array<i32>} : memref<32x256xf32, #tpu.memory_space<vmem>>, vector<16xf32>,
        tpu.vector_store %arg13[%swap3A_221, %swap3A_222], %mul3A_220 {strides = array<i32>} : memref<32x256xf32, #tpu.memory_space<vmem>>, vector<16xf32>,
        %get3A_224 = arith.index_cast %scan3A_130 : i32 to index
        %get3A_225 = arith.constant 192 : index
        %get3A_226 = tpu.vector_load %arg13[%get3A_224, %get3A_225] {strides = array<i32>} : memref<32x256xf32, #tpu.memory_space<vmem>>, vector<16xf32>,
        %mul3A_227 = arith.mulf %get3A_226, %gather3A : vector<16xf32>
        %swap3A_228 = arith.index_cast %scan3A_130 : i32 to index
        %swap3A_229 = arith.constant 192 : index
        %swap3A_230 = tpu.vector_load %arg13[%swap3A_228, %swap3A_229] {strides = array<i32>} : memref<32x256xf32, #tpu.memory_space<vmem>>, vector<16xf32>,
        tpu.vector_store %arg13[%swap3A_228, %swap3A_229], %mul3A_227 {strides = array<i32>} : memref<32x256xf32, #tpu.memory_space<vmem>>, vector<16xf32>,
        %get3A_231 = arith.index_cast %scan3A_130 : i32 to index
        %get3A_232 = arith.constant 208 : index
        %get3A_233 = tpu.vector_load %arg13[%get3A_231, %get3A_232] {strides = array<i32>} : memref<32x256xf32, #tpu.memory_space<vmem>>, vector<16xf32>,
        %mul3A_234 = arith.mulf %get3A_233, %gather3A : vector<16xf32>
        %swap3A_235 = arith.index_cast %scan3A_130 : i32 to index
        %swap3A_236 = arith.constant 208 : index
        %swap3A_237 = tpu.vector_load %arg13[%swap3A_235, %swap3A_236] {strides = array<i32>} : memref<32x256xf32, #tpu.memory_space<vmem>>, vector<16xf32>,
        tpu.vector_store %arg13[%swap3A_235, %swap3A_236], %mul3A_234 {strides = array<i32>} : memref<32x256xf32, #tpu.memory_space<vmem>>, vector<16xf32>,
        %get3A_238 = arith.index_cast %scan3A_130 : i32 to index
        %get3A_239 = arith.constant 224 : index
        %get3A_240 = tpu.vector_load %arg13[%get3A_238, %get3A_239] {strides = array<i32>} : memref<32x256xf32, #tpu.memory_space<vmem>>, vector<16xf32>,
        %mul3A_241 = arith.mulf %get3A_240, %gather3A : vector<16xf32>
        %swap3A_242 = arith.index_cast %scan3A_130 : i32 to index
        %swap3A_243 = arith.constant 224 : index
        %swap3A_244 = tpu.vector_load %arg13[%swap3A_242, %swap3A_243] {strides = array<i32>} : memref<32x256xf32, #tpu.memory_space<vmem>>, vector<16xf32>,
        tpu.vector_store %arg13[%swap3A_242, %swap3A_243], %mul3A_241 {strides = array<i32>} : memref<32x256xf32, #tpu.memory_space<vmem>>, vector<16xf32>,
        %get3A_245 = arith.index_cast %scan3A_130 : i32 to index
        %get3A_246 = arith.constant 240 : index
        %get3A_247 = tpu.vector_load %arg13[%get3A_245, %get3A_246] {strides = array<i32>} : memref<32x256xf32, #tpu.memory_space<vmem>>, vector<16xf32>,
        %mul3A_248 = arith.mulf %get3A_247, %gather3A : vector<16xf32>
        %swap3A_249 = arith.index_cast %scan3A_130 : i32 to index
        %swap3A_250 = arith.constant 240 : index
        %swap3A_251 = tpu.vector_load %arg13[%swap3A_249, %swap3A_250] {strides = array<i32>} : memref<32x256xf32, #tpu.memory_space<vmem>>, vector<16xf32>,
        tpu.vector_store %arg13[%swap3A_249, %swap3A_250], %mul3A_248 {strides = array<i32>} : memref<32x256xf32, #tpu.memory_space<vmem>>, vector<16xf32>,
        %scan3A_252 = arith.constant 0 : i32
        scf.yield %scan3A_252 : i32
      }
      %scan3A_126 = arith.constant 32 : i32
      %mul3A_127 = arith.constant 32 : i32
      %mul3A_128 = arith.muli %select_n3A_107, %mul3A_127 : i32
      "tpu.region"() ({
        %run_scoped3A = tpu.sem_alloc : memref<!tpu.dma_semaphore, #tpu.memory_space<semaphore_mem>>
        %dma_start3A_130 = tpu.memref_slice %arg10[%select_n3A_92, %mul3A_128] : memref<96x128xi32, #tpu.memory_space<vmem>> -> memref<1x32xi32, #tpu.memory_space<vmem>>
        %dma_start3A_131 = tpu.memref_squeeze %dma_start3A_130 : memref<1x32xi32, #tpu.memory_space<vmem>> -> memref<32xi32, #tpu.memory_space<vmem>>
        %dma_start3A_132 = arith.constant 0 : i32
        %dma_start3A_133 = arith.constant 0 : i32
        %dma_start3A_134 = tpu.memref_slice %arg16[%dma_start3A_132, %dma_start3A_133] : memref<5248x256xf32, #tpu.memory_space<vmem_shared>> -> memref<5248x256xf32, #tpu.memory_space<vmem_shared>>
        tpu.enqueue_indirect_dma source(%arg13 : memref<32x256xf32, #tpu.memory_space<vmem>>) target(%dma_start3A_134 : memref<5248x256xf32, #tpu.memory_space<vmem_shared>>) offsets(%dma_start3A_131 : memref<32xi32, #tpu.memory_space<vmem>>) semaphore(%run_scoped3A : memref<!tpu.dma_semaphore, #tpu.memory_space<semaphore_mem>>) {add = true}
        %dma_wait3A_135 = tpu.memref_slice %arg10[%select_n3A_92, %mul3A_128] : memref<96x128xi32, #tpu.memory_space<vmem>> -> memref<1x32xi32, #tpu.memory_space<vmem>>
        %dma_wait3A_136 = tpu.memref_squeeze %dma_wait3A_135 : memref<1x32xi32, #tpu.memory_space<vmem>> -> memref<32xi32, #tpu.memory_space<vmem>>
        %dma_wait3A_137 = arith.constant 0 : i32
        %dma_wait3A_138 = arith.constant 0 : i32
        %dma_wait3A_139 = tpu.memref_slice %arg16[%dma_wait3A_137, %dma_wait3A_138] : memref<5248x256xf32, #tpu.memory_space<vmem_shared>> -> memref<5248x256xf32, #tpu.memory_space<vmem_shared>>
        tpu.wait_indirect_dma semaphore(%run_scoped3A : memref<!tpu.dma_semaphore, #tpu.memory_space<semaphore_mem>>) src(%arg13 : memref<32x256xf32, #tpu.memory_space<vmem>>) dst(%dma_wait3A_139 : memref<5248x256xf32, #tpu.memory_space<vmem_shared>>)
        tpu.yield
      }) : () -> ()
      %while3A_129 = arith.constant 0 : i32
      scf.yield %while3A_129 : i32
    }
    %while3A_65 = arith.constant 1 : i32
    %while3A_66 = scf.for %while3A_73 = %while3A_62 to %while3A_58 step %while3A_65 iter_args(%while3A_74 = %while3A_64) -> (i32)  : i32 {
      %jit3A_75 = arith.constant 4 : i32
      %div3A = arith.divsi %while3A_73, %jit3A_75 : i32
      %sign3A = arith.constant 0 : i32
      %sign3A_76 = arith.cmpi sgt, %while3A_73, %sign3A : i32
      %sign3A_77 = arith.extui %sign3A_76 : i1 to i32
      %sign3A_78 = arith.constant 0 : i32
      %sign3A_79 = arith.cmpi slt, %while3A_73, %sign3A_78 : i32
      %sign3A_80 = arith.extui %sign3A_79 : i1 to i32
      %sign3A_81 = arith.subi %sign3A_77, %sign3A_80 : i32
      %sign3A_82 = arith.constant 0 : i32
      %sign3A_83 = arith.cmpi sgt, %jit3A_75, %sign3A_82 : i32
      %sign3A_84 = arith.extui %sign3A_83 : i1 to i32
      %sign3A_85 = arith.constant 0 : i32
      %sign3A_86 = arith.cmpi slt, %jit3A_75, %sign3A_85 : i32
      %sign3A_87 = arith.extui %sign3A_86 : i1 to i32
      %sign3A_88 = arith.subi %sign3A_84, %sign3A_87 : i32
      %ne3A = arith.cmpi ne, %sign3A_81, %sign3A_88 : i32
      %rem3A = arith.remsi %while3A_73, %jit3A_75 : i32
      %ne3A_89 = arith.constant 0 : i32
      %ne3A_90 = arith.cmpi ne, %rem3A, %ne3A_89 : i32
      %and3A = arith.andi %ne3A, %ne3A_90 : i1
      %sub3A = arith.constant 1 : i32
      %sub3A_91 = arith.subi %div3A, %sub3A : i32
      %select_n3A_92 = arith.select %and3A, %sub3A_91, %div3A : i32
      %jit3A_93 = arith.constant 4 : i32
      %eq3A_94 = arith.constant 0 : i32
      %eq3A_95 = arith.cmpi eq, %jit3A_93, %eq3A_94 : i32
      %jit3A_96 = arith.constant 1 : i32
      %select_n3A_97 = arith.select %eq3A_95, %jit3A_96, %jit3A_93 : i32
      %rem3A_98 = arith.remsi %while3A_73, %select_n3A_97 : i32
      %ne3A_99 = arith.constant 0 : i32
      %ne3A_100 = arith.cmpi ne, %rem3A_98, %ne3A_99 : i32
      %lt3A = arith.constant 0 : i32
      %lt3A_101 = arith.cmpi slt, %rem3A_98, %lt3A : i32
      %lt3A_102 = arith.constant 0 : i32
      %lt3A_103 = arith.cmpi slt, %select_n3A_97, %lt3A_102 : i32
      %ne3A_104 = arith.xori %lt3A_101, %lt3A_103 : i1
      %and3A_105 = arith.andi %ne3A_104, %ne3A_100 : i1
      %add3A_106 = arith.addi %rem3A_98, %select_n3A_97 : i32
      %select_n3A_107 = arith.select %and3A_105, %add3A_106, %rem3A_98 : i32
      %mul3A_108 = arith.constant 32 : i32
      %mul3A_109 = arith.muli %select_n3A_107, %mul3A_108 : i32
      %dma_start3A_110 = tpu.memref_slice %arg9[%select_n3A_92, %mul3A_109] : memref<96x128xi32, #tpu.memory_space<vmem>> -> memref<1x32xi32, #tpu.memory_space<vmem>>
      %dma_start3A_111 = tpu.memref_squeeze %dma_start3A_110 : memref<1x32xi32, #tpu.memory_space<vmem>> -> memref<32xi32, #tpu.memory_space<vmem>>
      %dma_start3A_112 = arith.constant 0 : i32
      %dma_start3A_113 = arith.constant 0 : i32
      %dma_start3A_114 = tpu.memref_slice %arg2[%dma_start3A_112, %dma_start3A_113] : memref<10240x256xf32, #tpu.memory_space<hbm>> -> memref<10240x256xf32, #tpu.memory_space<hbm>>
      tpu.enqueue_indirect_dma source(%dma_start3A_114 : memref<10240x256xf32, #tpu.memory_space<hbm>>) target(%arg13 : memref<32x256xf32, #tpu.memory_space<vmem>>) offsets(%dma_start3A_111 : memref<32xi32, #tpu.memory_space<vmem>>) semaphore(%arg15 : memref<!tpu.dma_semaphore, #tpu.memory_space<semaphore_mem>>)
      %dma_wait3A_115 = tpu.memref_slice %arg9[%select_n3A_92, %mul3A_109] : memref<96x128xi32, #tpu.memory_space<vmem>> -> memref<1x32xi32, #tpu.memory_space<vmem>>
      %dma_wait3A_116 = tpu.memref_squeeze %dma_wait3A_115 : memref<1x32xi32, #tpu.memory_space<vmem>> -> memref<32xi32, #tpu.memory_space<vmem>>
      %dma_wait3A_117 = arith.constant 0 : i32
      %dma_wait3A_118 = arith.constant 0 : i32
      %dma_wait3A_119 = tpu.memref_slice %arg2[%dma_wait3A_117, %dma_wait3A_118] : memref<10240x256xf32, #tpu.memory_space<hbm>> -> memref<10240x256xf32, #tpu.memory_space<hbm>>
      tpu.wait_indirect_dma semaphore(%arg15 : memref<!tpu.dma_semaphore, #tpu.memory_space<semaphore_mem>>) src(%dma_wait3A_119 : memref<10240x256xf32, #tpu.memory_space<hbm>>) dst(%arg13 : memref<32x256xf32, #tpu.memory_space<vmem>>)
      %scan3A_120 = arith.constant 0 : i32
      %scan3A_121 = arith.constant 0 : i32
      %scan3A_122 = arith.constant 32 : i32
      %scan3A_123 = arith.addi %scan3A_121, %scan3A_122 : i32
      %scan3A_124 = arith.constant 1 : i32
      %scan3A_125 = scf.for %scan3A_130 = %scan3A_121 to %scan3A_123 step %scan3A_124 iter_args(%scan3A_131 = %scan3A_120) -> (i32)  : i32 {
        %broadcast_in_dim3A = arith.constant 0 : i32
        %broadcast_in_dim3A_132 = vector.broadcast %broadcast_in_dim3A : i32 to vector<16xi32>
        %add3A_133 = vector.broadcast %select_n3A_92 : i32 to vector<16xi32>
        %add3A_134 = arith.addi %broadcast_in_dim3A_132, %add3A_133 : vector<16xi32>
        %mul3A_135 = arith.constant 32 : i32
        %mul3A_136 = arith.muli %select_n3A_107, %mul3A_135 : i32
        %add3A_137 = vector.broadcast %mul3A_136 : i32 to vector<16xi32>
        %add3A_138 = arith.addi %broadcast_in_dim3A_132, %add3A_137 : vector<16xi32>
        %add3A_139 = vector.broadcast %scan3A_130 : i32 to vector<16xi32>
        %add3A_140 = arith.addi %add3A_138, %add3A_139 : vector<16xi32>
        %gather3A = tpu.vector_load_idx %arg11[%add3A_134, %add3A_140] : memref<96x128xf32, #tpu.memory_space<vmem>>[vector<16xi32>, vector<16xi32>], vector<16xf32>,
        %get3A_141 = arith.index_cast %scan3A_130 : i32 to index
        %get3A_142 = arith.constant 0 : index
        %get3A_143 = tpu.vector_load %arg13[%get3A_141, %get3A_142] {strides = array<i32>} : memref<32x256xf32, #tpu.memory_space<vmem>>, vector<16xf32>,
        %mul3A_144 = arith.mulf %get3A_143, %gather3A : vector<16xf32>
        %swap3A = arith.index_cast %scan3A_130 : i32 to index
        %swap3A_145 = arith.constant 0 : index
        %swap3A_146 = tpu.vector_load %arg13[%swap3A, %swap3A_145] {strides = array<i32>} : memref<32x256xf32, #tpu.memory_space<vmem>>, vector<16xf32>,
        tpu.vector_store %arg13[%swap3A, %swap3A_145], %mul3A_144 {strides = array<i32>} : memref<32x256xf32, #tpu.memory_space<vmem>>, vector<16xf32>,
        %get3A_147 = arith.index_cast %scan3A_130 : i32 to index
        %get3A_148 = arith.constant 16 : index
        %get3A_149 = tpu.vector_load %arg13[%get3A_147, %get3A_148] {strides = array<i32>} : memref<32x256xf32, #tpu.memory_space<vmem>>, vector<16xf32>,
        %mul3A_150 = arith.mulf %get3A_149, %gather3A : vector<16xf32>
        %swap3A_151 = arith.index_cast %scan3A_130 : i32 to index
        %swap3A_152 = arith.constant 16 : index
        %swap3A_153 = tpu.vector_load %arg13[%swap3A_151, %swap3A_152] {strides = array<i32>} : memref<32x256xf32, #tpu.memory_space<vmem>>, vector<16xf32>,
        tpu.vector_store %arg13[%swap3A_151, %swap3A_152], %mul3A_150 {strides = array<i32>} : memref<32x256xf32, #tpu.memory_space<vmem>>, vector<16xf32>,
        %get3A_154 = arith.index_cast %scan3A_130 : i32 to index
        %get3A_155 = arith.constant 32 : index
        %get3A_156 = tpu.vector_load %arg13[%get3A_154, %get3A_155] {strides = array<i32>} : memref<32x256xf32, #tpu.memory_space<vmem>>, vector<16xf32>,
        %mul3A_157 = arith.mulf %get3A_156, %gather3A : vector<16xf32>
        %swap3A_158 = arith.index_cast %scan3A_130 : i32 to index
        %swap3A_159 = arith.constant 32 : index
        %swap3A_160 = tpu.vector_load %arg13[%swap3A_158, %swap3A_159] {strides = array<i32>} : memref<32x256xf32, #tpu.memory_space<vmem>>, vector<16xf32>,
        tpu.vector_store %arg13[%swap3A_158, %swap3A_159], %mul3A_157 {strides = array<i32>} : memref<32x256xf32, #tpu.memory_space<vmem>>, vector<16xf32>,
        %get3A_161 = arith.index_cast %scan3A_130 : i32 to index
        %get3A_162 = arith.constant 48 : index
        %get3A_163 = tpu.vector_load %arg13[%get3A_161, %get3A_162] {strides = array<i32>} : memref<32x256xf32, #tpu.memory_space<vmem>>, vector<16xf32>,
        %mul3A_164 = arith.mulf %get3A_163, %gather3A : vector<16xf32>
        %swap3A_165 = arith.index_cast %scan3A_130 : i32 to index
        %swap3A_166 = arith.constant 48 : index
        %swap3A_167 = tpu.vector_load %arg13[%swap3A_165, %swap3A_166] {strides = array<i32>} : memref<32x256xf32, #tpu.memory_space<vmem>>, vector<16xf32>,
        tpu.vector_store %arg13[%swap3A_165, %swap3A_166], %mul3A_164 {strides = array<i32>} : memref<32x256xf32, #tpu.memory_space<vmem>>, vector<16xf32>,
        %get3A_168 = arith.index_cast %scan3A_130 : i32 to index
        %get3A_169 = arith.constant 64 : index
        %get3A_170 = tpu.vector_load %arg13[%get3A_168, %get3A_169] {strides = array<i32>} : memref<32x256xf32, #tpu.memory_space<vmem>>, vector<16xf32>,
        %mul3A_171 = arith.mulf %get3A_170, %gather3A : vector<16xf32>
        %swap3A_172 = arith.index_cast %scan3A_130 : i32 to index
        %swap3A_173 = arith.constant 64 : index
        %swap3A_174 = tpu.vector_load %arg13[%swap3A_172, %swap3A_173] {strides = array<i32>} : memref<32x256xf32, #tpu.memory_space<vmem>>, vector<16xf32>,
        tpu.vector_store %arg13[%swap3A_172, %swap3A_173], %mul3A_171 {strides = array<i32>} : memref<32x256xf32, #tpu.memory_space<vmem>>, vector<16xf32>,
        %get3A_175 = arith.index_cast %scan3A_130 : i32 to index
        %get3A_176 = arith.constant 80 : index
        %get3A_177 = tpu.vector_load %arg13[%get3A_175, %get3A_176] {strides = array<i32>} : memref<32x256xf32, #tpu.memory_space<vmem>>, vector<16xf32>,
        %mul3A_178 = arith.mulf %get3A_177, %gather3A : vector<16xf32>
        %swap3A_179 = arith.index_cast %scan3A_130 : i32 to index
        %swap3A_180 = arith.constant 80 : index
        %swap3A_181 = tpu.vector_load %arg13[%swap3A_179, %swap3A_180] {strides = array<i32>} : memref<32x256xf32, #tpu.memory_space<vmem>>, vector<16xf32>,
        tpu.vector_store %arg13[%swap3A_179, %swap3A_180], %mul3A_178 {strides = array<i32>} : memref<32x256xf32, #tpu.memory_space<vmem>>, vector<16xf32>,
        %get3A_182 = arith.index_cast %scan3A_130 : i32 to index
        %get3A_183 = arith.constant 96 : index
        %get3A_184 = tpu.vector_load %arg13[%get3A_182, %get3A_183] {strides = array<i32>} : memref<32x256xf32, #tpu.memory_space<vmem>>, vector<16xf32>,
        %mul3A_185 = arith.mulf %get3A_184, %gather3A : vector<16xf32>
        %swap3A_186 = arith.index_cast %scan3A_130 : i32 to index
        %swap3A_187 = arith.constant 96 : index
        %swap3A_188 = tpu.vector_load %arg13[%swap3A_186, %swap3A_187] {strides = array<i32>} : memref<32x256xf32, #tpu.memory_space<vmem>>, vector<16xf32>,
        tpu.vector_store %arg13[%swap3A_186, %swap3A_187], %mul3A_185 {strides = array<i32>} : memref<32x256xf32, #tpu.memory_space<vmem>>, vector<16xf32>,
        %get3A_189 = arith.index_cast %scan3A_130 : i32 to index
        %get3A_190 = arith.constant 112 : index
        %get3A_191 = tpu.vector_load %arg13[%get3A_189, %get3A_190] {strides = array<i32>} : memref<32x256xf32, #tpu.memory_space<vmem>>, vector<16xf32>,
        %mul3A_192 = arith.mulf %get3A_191, %gather3A : vector<16xf32>
        %swap3A_193 = arith.index_cast %scan3A_130 : i32 to index
        %swap3A_194 = arith.constant 112 : index
        %swap3A_195 = tpu.vector_load %arg13[%swap3A_193, %swap3A_194] {strides = array<i32>} : memref<32x256xf32, #tpu.memory_space<vmem>>, vector<16xf32>,
        tpu.vector_store %arg13[%swap3A_193, %swap3A_194], %mul3A_192 {strides = array<i32>} : memref<32x256xf32, #tpu.memory_space<vmem>>, vector<16xf32>,
        %get3A_196 = arith.index_cast %scan3A_130 : i32 to index
        %get3A_197 = arith.constant 128 : index
        %get3A_198 = tpu.vector_load %arg13[%get3A_196, %get3A_197] {strides = array<i32>} : memref<32x256xf32, #tpu.memory_space<vmem>>, vector<16xf32>,
        %mul3A_199 = arith.mulf %get3A_198, %gather3A : vector<16xf32>
        %swap3A_200 = arith.index_cast %scan3A_130 : i32 to index
        %swap3A_201 = arith.constant 128 : index
        %swap3A_202 = tpu.vector_load %arg13[%swap3A_200, %swap3A_201] {strides = array<i32>} : memref<32x256xf32, #tpu.memory_space<vmem>>, vector<16xf32>,
        tpu.vector_store %arg13[%swap3A_200, %swap3A_201], %mul3A_199 {strides = array<i32>} : memref<32x256xf32, #tpu.memory_space<vmem>>, vector<16xf32>,
        %get3A_203 = arith.index_cast %scan3A_130 : i32 to index
        %get3A_204 = arith.constant 144 : index
        %get3A_205 = tpu.vector_load %arg13[%get3A_203, %get3A_204] {strides = array<i32>} : memref<32x256xf32, #tpu.memory_space<vmem>>, vector<16xf32>,
        %mul3A_206 = arith.mulf %get3A_205, %gather3A : vector<16xf32>
        %swap3A_207 = arith.index_cast %scan3A_130 : i32 to index
        %swap3A_208 = arith.constant 144 : index
        %swap3A_209 = tpu.vector_load %arg13[%swap3A_207, %swap3A_208] {strides = array<i32>} : memref<32x256xf32, #tpu.memory_space<vmem>>, vector<16xf32>,
        tpu.vector_store %arg13[%swap3A_207, %swap3A_208], %mul3A_206 {strides = array<i32>} : memref<32x256xf32, #tpu.memory_space<vmem>>, vector<16xf32>,
        %get3A_210 = arith.index_cast %scan3A_130 : i32 to index
        %get3A_211 = arith.constant 160 : index
        %get3A_212 = tpu.vector_load %arg13[%get3A_210, %get3A_211] {strides = array<i32>} : memref<32x256xf32, #tpu.memory_space<vmem>>, vector<16xf32>,
        %mul3A_213 = arith.mulf %get3A_212, %gather3A : vector<16xf32>
        %swap3A_214 = arith.index_cast %scan3A_130 : i32 to index
        %swap3A_215 = arith.constant 160 : index
        %swap3A_216 = tpu.vector_load %arg13[%swap3A_214, %swap3A_215] {strides = array<i32>} : memref<32x256xf32, #tpu.memory_space<vmem>>, vector<16xf32>,
        tpu.vector_store %arg13[%swap3A_214, %swap3A_215], %mul3A_213 {strides = array<i32>} : memref<32x256xf32, #tpu.memory_space<vmem>>, vector<16xf32>,
        %get3A_217 = arith.index_cast %scan3A_130 : i32 to index
        %get3A_218 = arith.constant 176 : index
        %get3A_219 = tpu.vector_load %arg13[%get3A_217, %get3A_218] {strides = array<i32>} : memref<32x256xf32, #tpu.memory_space<vmem>>, vector<16xf32>,
        %mul3A_220 = arith.mulf %get3A_219, %gather3A : vector<16xf32>
        %swap3A_221 = arith.index_cast %scan3A_130 : i32 to index
        %swap3A_222 = arith.constant 176 : index
        %swap3A_223 = tpu.vector_load %arg13[%swap3A_221, %swap3A_222] {strides = array<i32>} : memref<32x256xf32, #tpu.memory_space<vmem>>, vector<16xf32>,
        tpu.vector_store %arg13[%swap3A_221, %swap3A_222], %mul3A_220 {strides = array<i32>} : memref<32x256xf32, #tpu.memory_space<vmem>>, vector<16xf32>,
        %get3A_224 = arith.index_cast %scan3A_130 : i32 to index
        %get3A_225 = arith.constant 192 : index
        %get3A_226 = tpu.vector_load %arg13[%get3A_224, %get3A_225] {strides = array<i32>} : memref<32x256xf32, #tpu.memory_space<vmem>>, vector<16xf32>,
        %mul3A_227 = arith.mulf %get3A_226, %gather3A : vector<16xf32>
        %swap3A_228 = arith.index_cast %scan3A_130 : i32 to index
        %swap3A_229 = arith.constant 192 : index
        %swap3A_230 = tpu.vector_load %arg13[%swap3A_228, %swap3A_229] {strides = array<i32>} : memref<32x256xf32, #tpu.memory_space<vmem>>, vector<16xf32>,
        tpu.vector_store %arg13[%swap3A_228, %swap3A_229], %mul3A_227 {strides = array<i32>} : memref<32x256xf32, #tpu.memory_space<vmem>>, vector<16xf32>,
        %get3A_231 = arith.index_cast %scan3A_130 : i32 to index
        %get3A_232 = arith.constant 208 : index
        %get3A_233 = tpu.vector_load %arg13[%get3A_231, %get3A_232] {strides = array<i32>} : memref<32x256xf32, #tpu.memory_space<vmem>>, vector<16xf32>,
        %mul3A_234 = arith.mulf %get3A_233, %gather3A : vector<16xf32>
        %swap3A_235 = arith.index_cast %scan3A_130 : i32 to index
        %swap3A_236 = arith.constant 208 : index
        %swap3A_237 = tpu.vector_load %arg13[%swap3A_235, %swap3A_236] {strides = array<i32>} : memref<32x256xf32, #tpu.memory_space<vmem>>, vector<16xf32>,
        tpu.vector_store %arg13[%swap3A_235, %swap3A_236], %mul3A_234 {strides = array<i32>} : memref<32x256xf32, #tpu.memory_space<vmem>>, vector<16xf32>,
        %get3A_238 = arith.index_cast %scan3A_130 : i32 to index
        %get3A_239 = arith.constant 224 : index
        %get3A_240 = tpu.vector_load %arg13[%get3A_238, %get3A_239] {strides = array<i32>} : memref<32x256xf32, #tpu.memory_space<vmem>>, vector<16xf32>,
        %mul3A_241 = arith.mulf %get3A_240, %gather3A : vector<16xf32>
        %swap3A_242 = arith.index_cast %scan3A_130 : i32 to index
        %swap3A_243 = arith.constant 224 : index
        %swap3A_244 = tpu.vector_load %arg13[%swap3A_242, %swap3A_243] {strides = array<i32>} : memref<32x256xf32, #tpu.memory_space<vmem>>, vector<16xf32>,
        tpu.vector_store %arg13[%swap3A_242, %swap3A_243], %mul3A_241 {strides = array<i32>} : memref<32x256xf32, #tpu.memory_space<vmem>>, vector<16xf32>,
        %get3A_245 = arith.index_cast %scan3A_130 : i32 to index
        %get3A_246 = arith.constant 240 : index
        %get3A_247 = tpu.vector_load %arg13[%get3A_245, %get3A_246] {strides = array<i32>} : memref<32x256xf32, #tpu.memory_space<vmem>>, vector<16xf32>,
        %mul3A_248 = arith.mulf %get3A_247, %gather3A : vector<16xf32>
        %swap3A_249 = arith.index_cast %scan3A_130 : i32 to index
        %swap3A_250 = arith.constant 240 : index
        %swap3A_251 = tpu.vector_load %arg13[%swap3A_249, %swap3A_250] {strides = array<i32>} : memref<32x256xf32, #tpu.memory_space<vmem>>, vector<16xf32>,
        tpu.vector_store %arg13[%swap3A_249, %swap3A_250], %mul3A_248 {strides = array<i32>} : memref<32x256xf32, #tpu.memory_space<vmem>>, vector<16xf32>,
        %scan3A_252 = arith.constant 0 : i32
        scf.yield %scan3A_252 : i32
      }
      %scan3A_126 = arith.constant 32 : i32
      %mul3A_127 = arith.constant 32 : i32
      %mul3A_128 = arith.muli %select_n3A_107, %mul3A_127 : i32
      "tpu.region"() ({
        %run_scoped3A = tpu.sem_alloc : memref<!tpu.dma_semaphore, #tpu.memory_space<semaphore_mem>>
        %dma_start3A_130 = tpu.memref_slice %arg10[%select_n3A_92, %mul3A_128] : memref<96x128xi32, #tpu.memory_space<vmem>> -> memref<1x32xi32, #tpu.memory_space<vmem>>
        %dma_start3A_131 = tpu.memref_squeeze %dma_start3A_130 : memref<1x32xi32, #tpu.memory_space<vmem>> -> memref<32xi32, #tpu.memory_space<vmem>>
        %dma_start3A_132 = arith.constant 0 : i32
        %dma_start3A_133 = arith.constant 0 : i32
        %dma_start3A_134 = tpu.memref_slice %arg16[%dma_start3A_132, %dma_start3A_133] : memref<5248x256xf32, #tpu.memory_space<vmem_shared>> -> memref<5248x256xf32, #tpu.memory_space<vmem_shared>>
        tpu.enqueue_indirect_dma source(%arg13 : memref<32x256xf32, #tpu.memory_space<vmem>>) target(%dma_start3A_134 : memref<5248x256xf32, #tpu.memory_space<vmem_shared>>) offsets(%dma_start3A_131 : memref<32xi32, #tpu.memory_space<vmem>>) semaphore(%run_scoped3A : memref<!tpu.dma_semaphore, #tpu.memory_space<semaphore_mem>>) {add = true}
        %dma_wait3A_135 = tpu.memref_slice %arg10[%select_n3A_92, %mul3A_128] : memref<96x128xi32, #tpu.memory_space<vmem>> -> memref<1x32xi32, #tpu.memory_space<vmem>>
        %dma_wait3A_136 = tpu.memref_squeeze %dma_wait3A_135 : memref<1x32xi32, #tpu.memory_space<vmem>> -> memref<32xi32, #tpu.memory_space<vmem>>
        %dma_wait3A_137 = arith.constant 0 : i32
        %dma_wait3A_138 = arith.constant 0 : i32
        %dma_wait3A_139 = tpu.memref_slice %arg16[%dma_wait3A_137, %dma_wait3A_138] : memref<5248x256xf32, #tpu.memory_space<vmem_shared>> -> memref<5248x256xf32, #tpu.memory_space<vmem_shared>>
        tpu.wait_indirect_dma semaphore(%run_scoped3A : memref<!tpu.dma_semaphore, #tpu.memory_space<semaphore_mem>>) src(%arg13 : memref<32x256xf32, #tpu.memory_space<vmem>>) dst(%dma_wait3A_139 : memref<5248x256xf32, #tpu.memory_space<vmem_shared>>)
        tpu.yield
      }) : () -> ()
      %while3A_129 = arith.constant 0 : i32
      scf.yield %while3A_129 : i32
    }
    %barrier3A_67 = arith.constant 0 : index
    tpu.barrier barrier_id(%barrier3A_67)
    %mul3A_68 = arith.constant 320 : i32
    %mul3A_69 = arith.muli %arg1, %mul3A_68 : i32
    %mul3A_70 = arith.constant 320 : i32
    %mul3A_71 = arith.muli %arg1, %mul3A_70 : i32
    %add3A_72 = arith.addi %mul3A_24, %mul3A_71 : i32
    "tpu.region"() ({
      %run_scoped3A = tpu.sem_alloc : memref<!tpu.dma_semaphore, #tpu.memory_space<semaphore_mem>>
      %dma_start3A_73 = arith.constant 0 : i32
      %dma_start3A_74 = tpu.memref_slice %arg7[%add3A_72, %dma_start3A_73] : memref<10240x256xf32, #tpu.memory_space<hbm>> -> memref<320x256xf32, #tpu.memory_space<hbm>>
      %dma_start3A_75 = arith.constant 0 : i32
      %dma_start3A_76 = tpu.memref_slice %arg16[%mul3A_69, %dma_start3A_75] : memref<5248x256xf32, #tpu.memory_space<vmem_shared>> -> memref<320x256xf32, #tpu.memory_space<vmem_shared>>
      tpu.enqueue_dma source(%dma_start3A_76 : memref<320x256xf32, #tpu.memory_space<vmem_shared>>) target(%dma_start3A_74 : memref<320x256xf32, #tpu.memory_space<hbm>>) target_semaphore(%run_scoped3A : memref<!tpu.dma_semaphore, #tpu.memory_space<semaphore_mem>>)
      %dma_wait3A_77 = arith.constant 0 : i32
      %dma_wait3A_78 = tpu.memref_slice %arg7[%add3A_72, %dma_wait3A_77] : memref<10240x256xf32, #tpu.memory_space<hbm>> -> memref<320x256xf32, #tpu.memory_space<hbm>>
      %dma_wait3A_79 = arith.constant 0 : i32
      %dma_wait3A_80 = tpu.memref_slice %arg16[%mul3A_69, %dma_wait3A_79] : memref<5248x256xf32, #tpu.memory_space<vmem_shared>> -> memref<320x256xf32, #tpu.memory_space<vmem_shared>>
      tpu.wait_dma2 semaphore(%run_scoped3A : memref<!tpu.dma_semaphore, #tpu.memory_space<semaphore_mem>>) src(%dma_wait3A_80 : memref<320x256xf32, #tpu.memory_space<vmem_shared>>) dst(%dma_wait3A_78 : memref<320x256xf32, #tpu.memory_space<hbm>>)
      tpu.yield
    }) : () -> ()
    return
  }
}

module attributes {stable_mosaic.version = 14 : i64} {
  func.func @_tc_in_body(%arg0: i32, %arg1: memref<1000x256xf32, #tpu.memory_space<vmem>>, %arg2: memref<256x256xf32, #tpu.memory_space<vmem>>, %arg3: memref<1x256xf32, #tpu.memory_space<vmem>>, %arg4: memref<1x256xf32, #tpu.memory_space<vmem>>, %arg5: memref<1000x256xf32, #tpu.memory_space<vmem>>, %arg6: memref<1000x2xf32, #tpu.memory_space<vmem>>) attributes {dimension_semantics = [#tpu.dimension_semantics<arbitrary>], iteration_bounds = array<i64: 10>, scalar_prefetch = 0 : i64, scratch_operands = 0 : i64, tpu.core_type = #tpu.core_type<tc>, window_params = [{transform_indices = @transform_0, window_bounds = array<i64: 1000, 256>}, {pipeline_mode = #tpu.pipeline_mode<synchronous>, transform_indices = @transform_1, window_bounds = array<i64: 256, 256>}, {pipeline_mode = #tpu.pipeline_mode<synchronous>, transform_indices = @transform_2, window_bounds = array<i64: 1, 256>}, {pipeline_mode = #tpu.pipeline_mode<synchronous>, transform_indices = @transform_3, window_bounds = array<i64: 1, 256>}, {transform_indices = @transform_4, window_bounds = array<i64: 1000, 256>}, {transform_indices = @transform_5, window_bounds = array<i64: 1000, 2>}]} {
    %get3A = arith.constant 0 : index
    %get3A_0 = arith.constant 0 : index
    %get3A_1 = vector.load %arg1[%get3A, %get3A_0] : memref<1000x256xf32, #tpu.memory_space<vmem>>, vector<1000x256xf32>
    %get3A_2 = arith.constant 0 : index
    %get3A_3 = arith.constant 0 : index
    %get3A_4 = vector.load %arg2[%get3A_2, %get3A_3] : memref<256x256xf32, #tpu.memory_space<vmem>>, vector<256x256xf32>
    %dot_general3A = arith.constant dense<0.000000e+00> : vector<1000x256xf32>
    %dot_general3A_5 = tpu.matmul %get3A_1, %get3A_4, %dot_general3A {dimension_numbers = #tpu.dot_dimension_numbers<[1], [1], [0], [0], [0, 0, 1, 0], [], []>, transpose_lhs_hint = false} : vector<1000x256xf32>, vector<256x256xf32>, vector<1000x256xf32> -> vector<1000x256xf32>
    %swap3A = arith.constant 0 : index
    %swap3A_6 = arith.constant 0 : index
    %swap3A_7 = vector.load %arg5[%swap3A, %swap3A_6] : memref<1000x256xf32, #tpu.memory_space<vmem>>, vector<1000x256xf32>
    tpu.vector_store %arg5[%swap3A, %swap3A_6], %dot_general3A_5 {strides = array<i32>} : memref<1000x256xf32, #tpu.memory_space<vmem>>, vector<1000x256xf32>,
    %get3A_8 = arith.constant 0 : index
    %get3A_9 = arith.constant 0 : index
    %get3A_10 = vector.load %arg3[%get3A_8, %get3A_9] : memref<1x256xf32, #tpu.memory_space<vmem>>, vector<1x256xf32>
    %mul3A = vector.broadcast %get3A_10 : vector<1x256xf32> to vector<1000x256xf32>
    %mul3A_11 = arith.mulf %dot_general3A_5, %mul3A : vector<1000x256xf32>
    %reduce_sum3A = arith.constant dense<0.000000e+00> : vector<1000xf32>
    %reduce_sum3A_12 = vector.multi_reduction <add>, %mul3A_11, %reduce_sum3A [1] : vector<1000x256xf32> to vector<1000xf32>
    %broadcast_in_dim3A = vector.shape_cast %reduce_sum3A_12 : vector<1000xf32> to vector<1000x1xf32>
    %get3A_13 = arith.constant 0 : index
    %get3A_14 = arith.constant 0 : index
    %get3A_15 = vector.load %arg4[%get3A_13, %get3A_14] : memref<1x256xf32, #tpu.memory_space<vmem>>, vector<1x256xf32>
    %mul3A_16 = vector.broadcast %get3A_15 : vector<1x256xf32> to vector<1000x256xf32>
    %mul3A_17 = arith.mulf %dot_general3A_5, %mul3A_16 : vector<1000x256xf32>
    %reduce_sum3A_18 = arith.constant dense<0.000000e+00> : vector<1000xf32>
    %reduce_sum3A_19 = vector.multi_reduction <add>, %mul3A_17, %reduce_sum3A_18 [1] : vector<1000x256xf32> to vector<1000xf32>
    %broadcast_in_dim3A_20 = vector.shape_cast %reduce_sum3A_19 : vector<1000xf32> to vector<1000x1xf32>
    %concatenate3A = tpu.concatenate %broadcast_in_dim3A, %broadcast_in_dim3A_20 in 1 : vector<1000x1xf32>, vector<1000x1xf32> -> vector<1000x2xf32>
    %swap3A_21 = arith.constant 0 : index
    %swap3A_22 = arith.constant 0 : index
    %swap3A_23 = vector.load %arg6[%swap3A_21, %swap3A_22] : memref<1000x2xf32, #tpu.memory_space<vmem>>, vector<1000x2xf32>
    tpu.vector_store %arg6[%swap3A_21, %swap3A_22], %concatenate3A {strides = array<i32>} : memref<1000x2xf32, #tpu.memory_space<vmem>>, vector<1000x2xf32>,
    return
  }
  func.func @transform_0(%arg0: i32) -> (i32, i32) {
    %c0_i32 = arith.constant 0 : i32
    %c0_i32_0 = arith.constant 0 : i32
    return %arg0, %c0_i32 : i32, i32
  }
  func.func @transform_1(%arg0: i32) -> (i32, i32) {
    %c0_i32 = arith.constant 0 : i32
    %c0_i32_0 = arith.constant 0 : i32
    %c0_i32_1 = arith.constant 0 : i32
    return %c0_i32, %c0_i32_0 : i32, i32
  }
  func.func @transform_2(%arg0: i32) -> (i32, i32) {
    %c0_i32 = arith.constant 0 : i32
    %c0_i32_0 = arith.constant 0 : i32
    %c0_i32_1 = arith.constant 0 : i32
    return %c0_i32, %c0_i32_0 : i32, i32
  }
  func.func @transform_3(%arg0: i32) -> (i32, i32) {
    %c0_i32 = arith.constant 0 : i32
    %c0_i32_0 = arith.constant 0 : i32
    %c0_i32_1 = arith.constant 0 : i32
    return %c0_i32, %c0_i32_0 : i32, i32
  }
  func.func @transform_4(%arg0: i32) -> (i32, i32) {
    %c0_i32 = arith.constant 0 : i32
    %c0_i32_0 = arith.constant 0 : i32
    return %arg0, %c0_i32 : i32, i32
  }
  func.func @transform_5(%arg0: i32) -> (i32, i32) {
    %c0_i32 = arith.constant 0 : i32
    %c0_i32_0 = arith.constant 0 : i32
    return %arg0, %c0_i32 : i32, i32
  }
}

module attributes {stable_mosaic.version = 14 : i64} {
  func.func @_tc_mid_body(%arg0: i32, %arg1: memref<1024x256xf32, #tpu.memory_space<vmem>>, %arg2: memref<1x256xf32, #tpu.memory_space<vmem>>, %arg3: memref<256x256xf32, #tpu.memory_space<vmem>>, %arg4: memref<1x256xf32, #tpu.memory_space<vmem>>, %arg5: memref<1x256xf32, #tpu.memory_space<vmem>>, %arg6: memref<1024x256xf32, #tpu.memory_space<vmem>>, %arg7: memref<1024x2xf32, #tpu.memory_space<vmem>>) attributes {dimension_semantics = [#tpu.dimension_semantics<arbitrary>], iteration_bounds = array<i64: 10>, scalar_prefetch = 0 : i64, scratch_operands = 0 : i64, tpu.core_type = #tpu.core_type<tc>, window_params = [{transform_indices = @transform_0, window_bounds = array<i64: 1024, 256>}, {pipeline_mode = #tpu.pipeline_mode<synchronous>, transform_indices = @transform_1, window_bounds = array<i64: 1, 256>}, {pipeline_mode = #tpu.pipeline_mode<synchronous>, transform_indices = @transform_2, window_bounds = array<i64: 256, 256>}, {pipeline_mode = #tpu.pipeline_mode<synchronous>, transform_indices = @transform_3, window_bounds = array<i64: 1, 256>}, {pipeline_mode = #tpu.pipeline_mode<synchronous>, transform_indices = @transform_4, window_bounds = array<i64: 1, 256>}, {transform_indices = @transform_5, window_bounds = array<i64: 1024, 256>}, {transform_indices = @transform_6, window_bounds = array<i64: 1024, 2>}]} {
    %get3A = arith.constant 0 : index
    %get3A_0 = arith.constant 0 : index
    %get3A_1 = vector.load %arg1[%get3A, %get3A_0] : memref<1024x256xf32, #tpu.memory_space<vmem>>, vector<1024x256xf32>
    %get3A_2 = arith.constant 0 : index
    %get3A_3 = arith.constant 0 : index
    %get3A_4 = vector.load %arg2[%get3A_2, %get3A_3] : memref<1x256xf32, #tpu.memory_space<vmem>>, vector<1x256xf32>
    %add3A = vector.broadcast %get3A_4 : vector<1x256xf32> to vector<1024x256xf32>
    %add3A_5 = arith.addf %get3A_1, %add3A : vector<1024x256xf32>
    %max3A = arith.constant 0.000000e+00 : f32
    %max3A_6 = vector.broadcast %max3A : f32 to vector<1024x256xf32>
    %max3A_7 = arith.maximumf %add3A_5, %max3A_6 : vector<1024x256xf32>
    %get3A_8 = arith.constant 0 : index
    %get3A_9 = arith.constant 0 : index
    %get3A_10 = vector.load %arg3[%get3A_8, %get3A_9] : memref<256x256xf32, #tpu.memory_space<vmem>>, vector<256x256xf32>
    %dot_general3A = arith.constant dense<0.000000e+00> : vector<1024x256xf32>
    %dot_general3A_11 = tpu.matmul %max3A_7, %get3A_10, %dot_general3A {dimension_numbers = #tpu.dot_dimension_numbers<[1], [1], [0], [0], [0, 0, 1, 0], [], []>, transpose_lhs_hint = false} : vector<1024x256xf32>, vector<256x256xf32>, vector<1024x256xf32> -> vector<1024x256xf32>
    %swap3A = arith.constant 0 : index
    %swap3A_12 = arith.constant 0 : index
    %swap3A_13 = vector.load %arg6[%swap3A, %swap3A_12] : memref<1024x256xf32, #tpu.memory_space<vmem>>, vector<1024x256xf32>
    tpu.vector_store %arg6[%swap3A, %swap3A_12], %dot_general3A_11 {strides = array<i32>} : memref<1024x256xf32, #tpu.memory_space<vmem>>, vector<1024x256xf32>,
    %get3A_14 = arith.constant 0 : index
    %get3A_15 = arith.constant 0 : index
    %get3A_16 = vector.load %arg4[%get3A_14, %get3A_15] : memref<1x256xf32, #tpu.memory_space<vmem>>, vector<1x256xf32>
    %mul3A = vector.broadcast %get3A_16 : vector<1x256xf32> to vector<1024x256xf32>
    %mul3A_17 = arith.mulf %dot_general3A_11, %mul3A : vector<1024x256xf32>
    %reduce_sum3A = arith.constant dense<0.000000e+00> : vector<1024xf32>
    %reduce_sum3A_18 = vector.multi_reduction <add>, %mul3A_17, %reduce_sum3A [1] : vector<1024x256xf32> to vector<1024xf32>
    %broadcast_in_dim3A = vector.shape_cast %reduce_sum3A_18 : vector<1024xf32> to vector<1024x1xf32>
    %get3A_19 = arith.constant 0 : index
    %get3A_20 = arith.constant 0 : index
    %get3A_21 = vector.load %arg5[%get3A_19, %get3A_20] : memref<1x256xf32, #tpu.memory_space<vmem>>, vector<1x256xf32>
    %mul3A_22 = vector.broadcast %get3A_21 : vector<1x256xf32> to vector<1024x256xf32>
    %mul3A_23 = arith.mulf %dot_general3A_11, %mul3A_22 : vector<1024x256xf32>
    %reduce_sum3A_24 = arith.constant dense<0.000000e+00> : vector<1024xf32>
    %reduce_sum3A_25 = vector.multi_reduction <add>, %mul3A_23, %reduce_sum3A_24 [1] : vector<1024x256xf32> to vector<1024xf32>
    %broadcast_in_dim3A_26 = vector.shape_cast %reduce_sum3A_25 : vector<1024xf32> to vector<1024x1xf32>
    %concatenate3A = tpu.concatenate %broadcast_in_dim3A, %broadcast_in_dim3A_26 in 1 : vector<1024x1xf32>, vector<1024x1xf32> -> vector<1024x2xf32>
    %swap3A_27 = arith.constant 0 : index
    %swap3A_28 = arith.constant 0 : index
    %swap3A_29 = vector.load %arg7[%swap3A_27, %swap3A_28] : memref<1024x2xf32, #tpu.memory_space<vmem>>, vector<1024x2xf32>
    tpu.vector_store %arg7[%swap3A_27, %swap3A_28], %concatenate3A {strides = array<i32>} : memref<1024x2xf32, #tpu.memory_space<vmem>>, vector<1024x2xf32>,
    return
  }
  func.func @transform_0(%arg0: i32) -> (i32, i32) {
    %c0_i32 = arith.constant 0 : i32
    %c0_i32_0 = arith.constant 0 : i32
    return %arg0, %c0_i32 : i32, i32
  }
  func.func @transform_1(%arg0: i32) -> (i32, i32) {
    %c0_i32 = arith.constant 0 : i32
    %c0_i32_0 = arith.constant 0 : i32
    %c0_i32_1 = arith.constant 0 : i32
    return %c0_i32, %c0_i32_0 : i32, i32
  }
  func.func @transform_2(%arg0: i32) -> (i32, i32) {
    %c0_i32 = arith.constant 0 : i32
    %c0_i32_0 = arith.constant 0 : i32
    %c0_i32_1 = arith.constant 0 : i32
    return %c0_i32, %c0_i32_0 : i32, i32
  }
  func.func @transform_3(%arg0: i32) -> (i32, i32) {
    %c0_i32 = arith.constant 0 : i32
    %c0_i32_0 = arith.constant 0 : i32
    %c0_i32_1 = arith.constant 0 : i32
    return %c0_i32, %c0_i32_0 : i32, i32
  }
  func.func @transform_4(%arg0: i32) -> (i32, i32) {
    %c0_i32 = arith.constant 0 : i32
    %c0_i32_0 = arith.constant 0 : i32
    %c0_i32_1 = arith.constant 0 : i32
    return %c0_i32, %c0_i32_0 : i32, i32
  }
  func.func @transform_5(%arg0: i32) -> (i32, i32) {
    %c0_i32 = arith.constant 0 : i32
    %c0_i32_0 = arith.constant 0 : i32
    return %arg0, %c0_i32 : i32, i32
  }
  func.func @transform_6(%arg0: i32) -> (i32, i32) {
    %c0_i32 = arith.constant 0 : i32
    %c0_i32_0 = arith.constant 0 : i32
    return %arg0, %c0_i32 : i32, i32
  }
}

module attributes {stable_mosaic.version = 14 : i64} {
  func.func @_tc_fin_body(%arg0: i32, %arg1: memref<512x256xf32, #tpu.memory_space<vmem>>, %arg2: memref<1x256xf32, #tpu.memory_space<vmem>>, %arg3: memref<1x1x512xi32, #tpu.memory_space<vmem>>, %arg4: memref<128x256xf32, #tpu.memory_space<vmem>>, %arg5: memref<1x128xf32, #tpu.memory_space<vmem>>, %arg6: memref<64x128xf32, #tpu.memory_space<vmem>>, %arg7: memref<64x256xf32, #tpu.memory_space<vmem>>, %arg8: memref<64x128xf32, #tpu.memory_space<vmem>>) attributes {dimension_semantics = [#tpu.dimension_semantics<arbitrary>], iteration_bounds = array<i64: 20>, scalar_prefetch = 0 : i64, scratch_operands = 2 : i64, tpu.core_type = #tpu.core_type<tc>, window_params = [{transform_indices = @transform_0, window_bounds = array<i64: 512, 256>}, {pipeline_mode = #tpu.pipeline_mode<synchronous>, transform_indices = @transform_1, window_bounds = array<i64: 1, 256>}, {transform_indices = @transform_2, window_bounds = array<i64: 1, 1, 512>}, {pipeline_mode = #tpu.pipeline_mode<synchronous>, transform_indices = @transform_3, window_bounds = array<i64: 128, 256>}, {pipeline_mode = #tpu.pipeline_mode<synchronous>, transform_indices = @transform_4, window_bounds = array<i64: 1, 128>}, {pipeline_mode = #tpu.pipeline_mode<synchronous>, transform_indices = @transform_5, window_bounds = array<i64: 64, 128>}]} {
    %eq3A = arith.constant 0 : i32
    %eq3A_0 = arith.cmpi eq, %arg0, %eq3A : i32
    %convert_element_type3A = arith.extui %eq3A_0 : i1 to i32
    %cond3A = arith.constant 0 : i32
    %cond3A_1 = arith.cmpi ne, %convert_element_type3A, %cond3A : i32
    scf.if %cond3A_1 {
      %broadcast_in_dim3A_41 = arith.constant 0.000000e+00 : f32
      %broadcast_in_dim3A_42 = vector.broadcast %broadcast_in_dim3A_41 : f32 to vector<64x256xf32>
      %swap3A_43 = arith.constant 0 : index
      %swap3A_44 = arith.constant 0 : index
      %swap3A_45 = vector.load %arg7[%swap3A_43, %swap3A_44] : memref<64x256xf32, #tpu.memory_space<vmem>>, vector<64x256xf32>
      tpu.vector_store %arg7[%swap3A_43, %swap3A_44], %broadcast_in_dim3A_42 {strides = array<i32>} : memref<64x256xf32, #tpu.memory_space<vmem>>, vector<64x256xf32>,
      %broadcast_in_dim3A_46 = arith.constant 0.000000e+00 : f32
      %broadcast_in_dim3A_47 = vector.broadcast %broadcast_in_dim3A_46 : f32 to vector<64x128xf32>
      %swap3A_48 = arith.constant 0 : index
      %swap3A_49 = arith.constant 0 : index
      %swap3A_50 = vector.load %arg8[%swap3A_48, %swap3A_49] : memref<64x128xf32, #tpu.memory_space<vmem>>, vector<64x128xf32>
      tpu.vector_store %arg8[%swap3A_48, %swap3A_49], %broadcast_in_dim3A_47 {strides = array<i32>} : memref<64x128xf32, #tpu.memory_space<vmem>>, vector<64x128xf32>,
    } else {
    }
    %get3A = arith.constant 0 : index
    %get3A_2 = arith.constant 0 : index
    %get3A_3 = vector.load %arg1[%get3A, %get3A_2] : memref<512x256xf32, #tpu.memory_space<vmem>>, vector<512x256xf32>
    %get3A_4 = arith.constant 0 : index
    %get3A_5 = arith.constant 0 : index
    %get3A_6 = vector.load %arg2[%get3A_4, %get3A_5] : memref<1x256xf32, #tpu.memory_space<vmem>>, vector<1x256xf32>
    %add3A = vector.broadcast %get3A_6 : vector<1x256xf32> to vector<512x256xf32>
    %add3A_7 = arith.addf %get3A_3, %add3A : vector<512x256xf32>
    %max3A = arith.constant 0.000000e+00 : f32
    %max3A_8 = vector.broadcast %max3A : f32 to vector<512x256xf32>
    %max3A_9 = arith.maximumf %add3A_7, %max3A_8 : vector<512x256xf32>
    %get3A_10 = arith.constant 0 : index
    %get3A_11 = arith.constant 0 : index
    %get3A_12 = arith.constant 0 : index
    %get3A_13 = vector.load %arg3[%get3A_10, %get3A_11, %get3A_12] : memref<1x1x512xi32, #tpu.memory_space<vmem>>, vector<1x1x512xi32>
    %get3A_14 = vector.shape_cast %get3A_13 : vector<1x1x512xi32> to vector<1x512xi32>
    %iota3A = tpu.iota {dimensions = array<i32: 0>} : vector<64x512xi32>
    %eq3A_15 = vector.broadcast %get3A_14 : vector<1x512xi32> to vector<64x512xi32>
    %eq3A_16 = arith.cmpi eq, %iota3A, %eq3A_15 : vector<64x512xi32>
    %convert_element_type3A_17 = arith.extui %eq3A_16 : vector<64x512xi1> to vector<64x512xi32>
    %convert_element_type3A_18 = arith.sitofp %convert_element_type3A_17 : vector<64x512xi32> to vector<64x512xf32>
    %get3A_19 = arith.constant 0 : index
    %get3A_20 = arith.constant 0 : index
    %get3A_21 = vector.load %arg7[%get3A_19, %get3A_20] : memref<64x256xf32, #tpu.memory_space<vmem>>, vector<64x256xf32>
    %dot_general3A = arith.constant dense<0.000000e+00> : vector<64x256xf32>
    %dot_general3A_22 = tpu.matmul %convert_element_type3A_18, %max3A_9, %dot_general3A {dimension_numbers = #tpu.dot_dimension_numbers<[1], [0], [0], [1], [0, 0, 1, 1], [], []>, transpose_lhs_hint = false} : vector<64x512xf32>, vector<512x256xf32>, vector<64x256xf32> -> vector<64x256xf32>
    %add3A_23 = arith.addf %get3A_21, %dot_general3A_22 : vector<64x256xf32>
    %swap3A = arith.constant 0 : index
    %swap3A_24 = arith.constant 0 : index
    %swap3A_25 = vector.load %arg7[%swap3A, %swap3A_24] : memref<64x256xf32, #tpu.memory_space<vmem>>, vector<64x256xf32>
    tpu.vector_store %arg7[%swap3A, %swap3A_24], %add3A_23 {strides = array<i32>} : memref<64x256xf32, #tpu.memory_space<vmem>>, vector<64x256xf32>,
    %get3A_26 = arith.constant 0 : index
    %get3A_27 = arith.constant 0 : index
    %get3A_28 = vector.load %arg8[%get3A_26, %get3A_27] : memref<64x128xf32, #tpu.memory_space<vmem>>, vector<64x128xf32>
    %broadcast_in_dim3A = arith.constant 1.000000e+00 : f32
    %broadcast_in_dim3A_29 = vector.broadcast %broadcast_in_dim3A : f32 to vector<512x128xf32>
    %dot_general3A_30 = arith.constant dense<0.000000e+00> : vector<64x128xf32>
    %dot_general3A_31 = tpu.matmul %convert_element_type3A_18, %broadcast_in_dim3A_29, %dot_general3A_30 {dimension_numbers = #tpu.dot_dimension_numbers<[1], [0], [0], [1], [0, 0, 1, 1], [], []>, transpose_lhs_hint = false} : vector<64x512xf32>, vector<512x128xf32>, vector<64x128xf32> -> vector<64x128xf32>
    %add3A_32 = arith.addf %get3A_28, %dot_general3A_31 : vector<64x128xf32>
    %swap3A_33 = arith.constant 0 : index
    %swap3A_34 = arith.constant 0 : index
    %swap3A_35 = vector.load %arg8[%swap3A_33, %swap3A_34] : memref<64x128xf32, #tpu.memory_space<vmem>>, vector<64x128xf32>
    tpu.vector_store %arg8[%swap3A_33, %swap3A_34], %add3A_32 {strides = array<i32>} : memref<64x128xf32, #tpu.memory_space<vmem>>, vector<64x128xf32>,
    %eq3A_36 = arith.constant 19 : i32
    %eq3A_37 = arith.cmpi eq, %arg0, %eq3A_36 : i32
    %convert_element_type3A_38 = arith.extui %eq3A_37 : i1 to i32
    %cond3A_39 = arith.constant 0 : i32
    %cond3A_40 = arith.cmpi ne, %convert_element_type3A_38, %cond3A_39 : i32
    scf.if %cond3A_40 {
      %get3A_41 = arith.constant 0 : index
      %get3A_42 = arith.constant 0 : index
      %get3A_43 = vector.load %arg7[%get3A_41, %get3A_42] : memref<64x256xf32, #tpu.memory_space<vmem>>, vector<64x256xf32>
      %get3A_44 = arith.constant 0 : index
      %get3A_45 = arith.constant 0 : index
      %get3A_46 = vector.load %arg8[%get3A_44, %get3A_45] : memref<64x128xf32, #tpu.memory_space<vmem>>, vector<64x1xf32>
      %max3A_47 = arith.constant 1.000000e+00 : f32
      %max3A_48 = vector.broadcast %max3A_47 : f32 to vector<64x1xf32>
      %max3A_49 = arith.maximumf %get3A_46, %max3A_48 : vector<64x1xf32>
      %div3A = vector.broadcast %max3A_49 : vector<64x1xf32> to vector<64x256xf32>
      %div3A_50 = arith.divf %get3A_43, %div3A : vector<64x256xf32>
      %get3A_51 = arith.constant 0 : index
      %get3A_52 = arith.constant 0 : index
      %get3A_53 = vector.load %arg4[%get3A_51, %get3A_52] : memref<128x256xf32, #tpu.memory_space<vmem>>, vector<128x256xf32>
      %dot_general3A_54 = arith.constant dense<0.000000e+00> : vector<64x128xf32>
      %dot_general3A_55 = tpu.matmul %div3A_50, %get3A_53, %dot_general3A_54 {dimension_numbers = #tpu.dot_dimension_numbers<[1], [1], [0], [0], [0, 0, 1, 0], [], []>, transpose_lhs_hint = false} : vector<64x256xf32>, vector<128x256xf32>, vector<64x128xf32> -> vector<64x128xf32>
      %get3A_56 = arith.constant 0 : index
      %get3A_57 = arith.constant 0 : index
      %get3A_58 = vector.load %arg5[%get3A_56, %get3A_57] : memref<1x128xf32, #tpu.memory_space<vmem>>, vector<1x128xf32>
      %add3A_59 = vector.broadcast %get3A_58 : vector<1x128xf32> to vector<64x128xf32>
      %add3A_60 = arith.addf %dot_general3A_55, %add3A_59 : vector<64x128xf32>
      %swap3A_61 = arith.constant 0 : index
      %swap3A_62 = arith.constant 0 : index
      %swap3A_63 = vector.load %arg6[%swap3A_61, %swap3A_62] : memref<64x128xf32, #tpu.memory_space<vmem>>, vector<64x128xf32>
      tpu.vector_store %arg6[%swap3A_61, %swap3A_62], %add3A_60 {strides = array<i32>} : memref<64x128xf32, #tpu.memory_space<vmem>>, vector<64x128xf32>,
    } else {
    }
    return
  }
  func.func @transform_0(%arg0: i32) -> (i32, i32) {
    %c0_i32 = arith.constant 0 : i32
    %c0_i32_0 = arith.constant 0 : i32
    return %arg0, %c0_i32 : i32, i32
  }
  func.func @transform_1(%arg0: i32) -> (i32, i32) {
    %c0_i32 = arith.constant 0 : i32
    %c0_i32_0 = arith.constant 0 : i32
    %c0_i32_1 = arith.constant 0 : i32
    return %c0_i32, %c0_i32_0 : i32, i32
  }
  func.func @transform_2(%arg0: i32) -> (i32, i32, i32) {
    %c0_i32 = arith.constant 0 : i32
    %c0_i32_0 = arith.constant 0 : i32
    %c0_i32_1 = arith.constant 0 : i32
    return %arg0, %c0_i32, %c0_i32_0 : i32, i32, i32
  }
  func.func @transform_3(%arg0: i32) -> (i32, i32) {
    %c0_i32 = arith.constant 0 : i32
    %c0_i32_0 = arith.constant 0 : i32
    %c0_i32_1 = arith.constant 0 : i32
    return %c0_i32, %c0_i32_0 : i32, i32
  }
  func.func @transform_4(%arg0: i32) -> (i32, i32) {
    %c0_i32 = arith.constant 0 : i32
    %c0_i32_0 = arith.constant 0 : i32
    %c0_i32_1 = arith.constant 0 : i32
    return %c0_i32, %c0_i32_0 : i32, i32
  }
  func.func @transform_5(%arg0: i32) -> (i32, i32) {
    %c0_i32 = arith.constant 0 : i32
    %c0_i32_0 = arith.constant 0 : i32
    %c0_i32_1 = arith.constant 0 : i32
    return %c0_i32, %c0_i32_0 : i32, i32
  }
}

</mosaic_0001>

<sc_bundles>
// kernel: kernel.13.cloned.1.call-start
scs
__scs_entry_jumppad:
0x0: {  	(pc) =	sbr.rel $0x88, $3  }
0x1: {  	(tag) =	ssettag $0x0;
	lr =	simm.s32 $0x1  }
0x2: {  	[smem:$0x3F90] =	sst lr;
	_ =	strace $0xD0000000  }
0x3: {  	_ = 	snop  }
0x4: {  	_ = 	snop  }
0x5: {  	_ = 	snop  }
0x6: {  	_ = 	snop  }
0x7: {  	_ = 	snop  }
__scs_overlays_trampoline_lowered:
0x8: {  	[smem:$0x3F9F] =	sst s0  }
0x9: {  	[smem:$0x3FA0] =	sst s1  }
0xa: {  	[smem:$0x3FA1] =	sst s2  }
0xb: {  	[smem:$0x3FA2] =	sst s3  }
0xc: {  	[smem:$0x3FA3] =	sst s4  }
0xd: {  	[smem:$0x3FA4] =	sst s5  }
0xe: {  	[smem:$0x3FA5] =	sst s6  }
0xf: {  	[smem:$0x3FA6] =	sst s7  }
0x10: {  	[smem:$0x3FA7] =	sst s8  }
0x11: {  	[smem:$0x3FA8] =	sst s9;
	s0 =	simm.s32 @!p0 $0x0  }
0x12: {  	s1 =	sld [smem:$0x3F8E];
	s0 =	simm.s32 @p0 $0x1  }
0x13: {  	[smem:$0x3FA9] =	sst s0;
	s0 =	simm.s32 @!p1 $0x0  }
0x14: {  	s2 =	sld [smem:$0x3F8D];
	s0 =	simm.s32 @p1 $0x1  }
0x15: {  	[smem:$0x3FAA] =	sst s0;
	s0 =	simm.s32 @!p2 $0x0  }
0x16: {  	s3 =	sld [smem:$0x3FDB];
	s0 =	simm.s32 @p2 $0x1  }
0x17: {  	s4 =	simm.s32 $0x1BF5;
	[smem:$0x3FAC] =	sst s0  }
0x18: {  	s0 =	sld [smem:$0x3F8F];
	_ =	swait.ge [sflag:s4], $0x0  }
0x19: {  	s7 =	sld [smem:$0x3F90]  }
0x1a: {  	s8 =	sadd.s32 $0xFFFFE003, lr  }
0x1b: {  	s9 =	sadd.s32 $0xFFFFFEF7, lr;
	s5 =	simm.s32 $0xFFFFFFFF;
	p2 =	slt.u32 s8, $0xFFFFF086  }
0x1c: {  	p1 =	slt.u32 s9, $0xF7A;
	s5 =	simm.s32 @!p2 $0x0  }
0x1d: {  	s5 =	simm.s32 @p1 $0x1;
	p0 =	seq.s32 s7, s2  }
0x1e: {  	s7 =	smul.u32 @!p0 $0xF7A, s2;
	p2 =	seq.s32 @!p0 s5, $0x0  }
0x1f: {  	s9 =	smul.u32 $0xF7A, s1;
	s8 =	simm.s32 @!p0 $0x1BF5;
	p2 =	por !p2, p0  }
0x20: {  	[sflag:s8] =	ssyncset.s32 @!p0 $0xFFFFF086;
	s6 =	sadd.s32 @!p0 s3, s7;
	s7 =	simm.s32 @!p0 $0x108  }
0x21: {  	s3 =	sadd.s32 s3, s9;
	s6 =	sadd.s32 @!p0 $0x88, s6;
	s7 =	simm.s32 @p2 $0x1082  }
0x22: {  	[simem:s7], [sflag:s8] =	dma.local @!p0 [hbm:s6], $0xF7A  }
0x23: {  	s9 =	sor.u32 $0xD0000000, s2;
	s6 =	simm.s32 $0x108;
	_ =	swait.ge @!p0 [sflag:s8], $0x0  }
0x24: {  	s3 =	sadd.s32 $0x88, s3;
	s6 =	simm.s32 @!p1 $0x1082;
	[sflag:s4] =	ssyncset.s32 $0xFFFFF086  }
0x25: {  	[simem:s6], [sflag:s4] =	dma.local [hbm:s3], $0xF7A  }
0x26: {  	[smem:$0x3F90] =	sst s1;
	(tag) =	ssettag s2;
	_ =	strace s9  }
0x27: {  	s1 =	sld [smem:$0x3FA0]  }
0x28: {  	s2 =	sld [smem:$0x3FA1]  }
0x29: {  	s4 =	sld [smem:$0x3FA3]  }
0x2a: {  	p0 =	seq.s32 s5, $0x0;
	s5 =	sld [smem:$0x3FA4]  }
0x2b: {  	s6 =	sld [smem:$0x3FA5]  }
0x2c: {  	s7 =	sld [smem:$0x3FA6]  }
0x2d: {  	s3 =	simm.s32 $0x108;
	s8 =	sld [smem:$0x3FA7]  }
0x2e: {  	s3 =	simm.s32 @!p0 $0x1082;
	s9 =	sld [smem:$0x3FA8]  }
0x2f: {  	lr =	sadd.s32 s0, s3;
	s0 =	sld [smem:$0x3F9F]  }
0x30: {  	s3 =	sld [smem:$0x3FA2]  }
0x31: {  	[smem:$0x3FAB] =	sst s10  }
0x32: {  	s10 =	sld [smem:$0x3FA9];
	_ =	sdelay $0x3  }
0x33: {  	p0 =	seq.s32 s10, $0x1;
	s10 =	sld [smem:$0x3FAB];
	_ =	sdelay $0x3  }
0x34: {  	[smem:$0x3FAB] =	sst s10  }
0x35: {  	s10 =	sld [smem:$0x3FAA];
	_ =	sdelay $0x3  }
0x36: {  	p1 =	seq.s32 s10, $0x1;
	s10 =	sld [smem:$0x3FAB];
	_ =	sdelay $0x3  }
0x37: {  	[smem:$0x3FAB] =	sst s10  }
0x38: {  	s10 =	sld [smem:$0x3FAC]  }
0x39: {  	_ = 	snop;
	(pc) =	sbr.ind lr, $3  }
0x3a: {  	_ = 	snop  }
0x3b: {  	_ = 	snop  }
0x3c: {  	p2 =	seq.s32 s10, $0x1;
	s10 =	sld [smem:$0x3FAB]  }
0x3d: {  	_ =	shalt  }
0x3e: {  	_ =	shalt  }
0x3f: {  	_ =	shalt  }
0x40: {  	_ =	shalt  }
0x41: {  	_ =	shalt  }
0x42: {  	_ =	shalt  }
0x43: {  	_ =	shalt  }
0x44: {  	_ =	shalt  }
0x45: {  	_ =	shalt  }
0x46: {  	_ =	shalt  }
0x47: {  	_ =	shalt  }
0x48: {  	_ =	shalt  }
0x49: {  	_ =	shalt  }
0x4a: {  	_ =	shalt  }
0x4b: {  	_ =	shalt  }
0x4c: {  	_ =	shalt  }
0x4d: {  	_ =	shalt  }
0x4e: {  	_ =	shalt  }
0x4f: {  	_ =	shalt  }
0x50: {  	_ =	shalt  }
0x51: {  	_ =	shalt  }
0x52: {  	_ =	shalt  }
0x53: {  	_ =	shalt  }
0x54: {  	_ =	shalt  }
0x55: {  	_ =	shalt  }
0x56: {  	_ =	shalt  }
0x57: {  	_ =	shalt  }
0x58: {  	_ =	shalt  }
0x59: {  	_ =	shalt  }
0x5a: {  	_ =	shalt  }
0x5b: {  	_ =	shalt  }
0x5c: {  	_ =	shalt  }
0x5d: {  	_ =	shalt  }
0x5e: {  	_ =	shalt  }
0x5f: {  	_ =	shalt  }
0x60: {  	_ =	shalt  }
0x61: {  	_ =	shalt  }
0x62: {  	_ =	shalt  }
0x63: {  	_ =	shalt  }
0x64: {  	_ =	shalt  }
0x65: {  	_ =	shalt  }
0x66: {  	_ =	shalt  }
0x67: {  	_ =	shalt  }
0x68: {  	_ =	shalt  }
0x69: {  	_ =	shalt  }
0x6a: {  	_ =	shalt  }
0x6b: {  	_ =	shalt  }
0x6c: {  	_ =	shalt  }
0x6d: {  	_ =	shalt  }
0x6e: {  	_ =	shalt  }
0x6f: {  	_ =	shalt  }
0x70: {  	_ =	shalt  }
0x71: {  	_ =	shalt  }
0x72: {  	_ =	shalt  }
0x73: {  	_ =	shalt  }
0x74: {  	_ =	shalt  }
0x75: {  	_ =	shalt  }
0x76: {  	_ =	shalt  }
0x77: {  	_ =	shalt  }
0x78: {  	_ =	shalt  }
0x79: {  	_ =	shalt  }
0x7a: {  	_ =	shalt  }
0x7b: {  	_ =	shalt  }
0x7c: {  	_ =	shalt  }
0x7d: {  	_ =	shalt  }
0x7e: {  	_ =	shalt  }
0x7f: {  	_ =	shalt  }
0x80: {  	_ =	shalt  }
0x81: {  	_ =	shalt  }
0x82: {  	_ =	shalt  }
0x83: {  	_ =	shalt  }
0x84: {  	_ =	shalt  }
0x85: {  	_ =	shalt  }
0x86: {  	_ =	shalt  }
0x87: {  	_ =	shalt  }
.Lfunc_end0:
.L_simem_size_0:
called_computation_lowered:
.L_overlay_start_0:
0x88: {  	s2 =	sld [smem:$0x3FD9]  }
0x89: {  	s3 =	sld [smem:$0x3FFE];
	_ =	sdelay $0x1  }
0x8a: {  	s1 =	srdreg.scid  }
0x8b: {  	s0 =	sand.u32 $0x1, s1  }
0x8c: {  	s17 =	sshll.u32 s0, $0xA;
	s2 =	sadd.s32 s3, s2  }
0x8d: {  	s2 =	sadd.s32 s2, s17  }
0x8e: {  	[smem:$0x3FB7] =	sst s2  }
0x8f: {  	_ = 	snop  }
0x90: {  	s2 =	sld [smem:$0x3FD0];
	(tm) =	ssettm $0x1  }
0x91: {  	s18 =	sld [smem:$0x3FFB];
	_ =	sdelay $0x3  }
0x92: {  	_ =	strace s18  }
0x93: {  	s3 =	sld [smem:$0x3FFC];
	_ =	sdelay $0x3  }
0x94: {  	_ =	strace s3  }
0x95: {  	s3 =	sld [smem:$0x3FFD];
	_ =	sdelay $0x3  }
0x96: {  	_ =	strace s3  }
0x97: {  	_ =	strace $0x8FFFFFFF  }
0x98: {  	s19 =	sld [smem:$0x3FDB];
	_ =	sdelay $0x1  }
0x99: {  	s4 =	simm.s32 $_scs_section_size  }
0x9a: {  	s5 =	simm.s32 $_size__tile_overlayer_lowered;
	s6 =	simm.s32 $_tile_overlayer_lowered  }
0x9b: {  	s22 =	simm.s32 $0x1BFF;
	s21 =	sshll.u32 s6, $0x1;
	s3 =	sadd.s32 s4, s19  }
0x9c: {  	s7 =	simm.s32 $0x0;
	s20 =	sshll.u32 s5, $0x1;
	s5 =	sadd.s32 s21, s3  }
0x9d: {  	[timem:s7], [sflag:s22] =	dma.local [hbm:s5], s20  }
0x9e: {  	_ =	swait.ge [sflag:s22], s20  }
0x9f: {  	s4 =	ssub.s32 $0x0, s20;
	[sflag:s22] =	ssyncset.done $0x0  }
0xa0: {  	[sflag:s22] =	ssyncadd.s32 s4;
	_ =	sdelay $0x1  }
0xa1: {  	s23 =	simm.s32 $0x1B8B  }
0xa2: {  	_ =	swait.ge [sflag:s23], $0x1  }
0xa3: {  	[sflag:s23] =	ssyncset.done $0x0  }
0xa4: {  	s25 =	simm.s32 $0x1B8E;
	s24 =	sld [smem:$0x3FFE];
	[sflag:s23] =	ssyncadd.s32 $0xFFFFFFFF  }
0xa5: {  	s26 =	simm.s32 $execute0_lowered;
	[smem:$0x3FD2] =	sst s25  }
0xa6: {  	s5 =	sshll.u32 s26, $0x1;
	_ =	strace $0x80000046;
	[dreg:$0x1] =	wrdreg $0xFFFFFFFF  }
0xa7: {  	s28 =	simm.s32 $_size_execute0_lowered;
	s3 =	sadd.s32 s3, s5;
	[dreg:$0x0] =	wrdreg $0x0  }
0xa8: {  	s5 =	sshll.u32 s28, $0x1;
	[dreg:$0x2] =	wrdreg s3  }
0xa9: {  	[dreg:$0x3] =	wrdreg s5  }
0xaa: {  	[dreg:$0x4] =	wrdreg $0xC0  }
0xab: {  	_ =	task [dreg:s7], $0x5FFFF  }
0xac: {  	[dreg:$0x1] =	wrdreg $0xFFFFFFFF  }
0xad: {  	[dreg:$0x0] =	wrdreg $0x60  }
0xae: {  	[dreg:$0x2] =	wrdreg s24  }
0xaf: {  	[dreg:$0x3] =	wrdreg s2  }
0xb0: {  	[dreg:$0x4] =	wrdreg $0x9  }
0xb1: {  	_ =	task.clear_ibuf [dreg:s7], $0x5FFFF;
	_ =	strace $0x90000046  }
0xb2: {  	s29 =	simm.s32 $0x9;
	_ =	strace $0x80000048  }
0xb3: {  	_ =	swait.ge [sflag:s29], $0x1  }
0xb4: {  	[sflag:s29] =	ssyncadd.s32 $0xFFFFFFFF  }
0xb5: {  	_ =	strace $0x90000048  }
0xb6: {  	_ =	sfence  }
0xb7: {  	s30 =	sld [smem:$0x0];
	_ =	sdelay $0x2  }
0xb8: {  	s31 =	sshll.u32 s1, $0xD;
	s1 =	sshrl.u32 s1, $0x2  }
0xb9: {  	s3 =	sand.u32 $0x4000, s31;
	s1 =	sadd.s32 s1, s30  }
0xba: {  	s0 =	sor.u32 s3, s0;
	s1 =	sshll.u32 s1, $0x11  }
0xbb: {  	s0 =	sor.u32 s1, s0  }
0xbc: {  	s0 =	sadd.s32 $0x8F2B, s0  }
0xbd: {  	[sflag:s0] =	ssyncadd.remote.s32 $0x1  }
0xbe: {  	_ =	sfence.sel $0xFFFF  }
0xbf: {  	[dreg:$0x0] =	wrdreg $0xFFFFFFFF;
	(pc) =	sbr.abs _section_cstart, $3  }
0xc0: {  	[dreg:$0x1] =	wrdreg $0xFFFFFFFF  }
0xc1: {  	_ =	task.clear_ibuf [dreg:s7], $0x2FFFF;
	_ =	strace $0x9FFFFFFF  }
0xc2: {  	(tm) =	ssettm $0x7FFFFFFF  }
0xc3: {  	_ =	shalt  }
tec
execute0_lowered:
.L_overlay_start_1:
0x0: {  	(tag) =	ssettag $0x1  }
0x1: {  	s5 =	rddreg [dreg:$0x0]  }
0x2: {  	s7 =	rddreg [dreg:$0x1]  }
0x3: {  	s0 =	rddreg [dreg:$0x2]  }
0x4: {  	s2 =	simm.s32 $0x0;
	s1 =	stileid.u32;
	s3 =	srdreg.scid  }
0x5: {  	[smem:$0x7FF] =	sst s2;
	s6 =	smul.u32 $0x600, s1;
	s13 =	sand.u32 $0x1, s3  }
0x6: {  	s3 =	sadd.s32 $0xA000, s5;
	s4 =	sadd.s32 $0x4000, s5;
	s9 =	smul.u32 $0x60, s1  }
0x7: {  	s10 =	sshll.u32 s1, $0x1;
	_ =	strace $0x80000047;
	s8 =	ssub.s32 $0x2, s13  }
0x8: {  	s7 =	sadd.s32 s7, s10;
	s10 =	simm.s32 $0xC030;
	p0 =	sne.s32 s13, $0x0  }
0x9: {  	s13 =	simm.s32 $0x0;
	s6 =	sadd.s32 s6, s5;
	s30 =	sshrl.u32 s8, $0x1  }
0xa: {  	v5 =	vlaneseq.u32;
	s31 =	sor.u32 $0x10, s9;
	s11 =	sadd.s32 $0x20, s9;
	s12 =	sadd.s32 $0x30, s9  }
0xb: {  	s14 =	sadd.s32 $0x40, s9;
	s15 =	sadd.s32 $0x50, s9;
	v0 =	vor.u32 s9, v5;
	s9 =	simm.s32 $0x60  }
0xc: {  	s8 =	ssub.s32 s8, s30;
	s5 =	sadd.s32 $0x10000, s6;
	s6 =	sadd.s32 $0x16000, s6;
	v1 =	vor.u32 s31, v5;
	v2 =	vor.u32 s11, v5  }
0xd: {  	s11 =	simm.s32 $0x1;
	v3 =	vor.u32 s12, v5;
	v4 =	vor.u32 s14, v5;
	v5 =	vor.u32 s15, v5;
	s12 =	simm.s32 $0x3000;
	s8 =	smax.u32 s8, $0x1  }
.LBB2_1:
0xe: {  	[tilespmem:$0xC030] =	vst v0  }
0xf: {  	[tilespmem:$0xC040] =	vst v1  }
0x10: {  	[tilespmem:$0xC050] =	vst v2  }
0x11: {  	[tilespmem:$0xC060] =	vst v3  }
0x12: {  	[tilespmem:$0xC070] =	vst v4  }
0x13: {  	[tilespmem:$0xC080] =	vst v5  }
0x14: {  	[tilespmem:s2], [sflag:$0x1] =	stream.indirect.gather [hbm4b:s3+s9], $0x80, s10, s9, $0xb8;
	[tilespmem:$0xC090] =	vst v63  }
0x15: {  	_ =	swait.ge [sflag:s11], $0x3000  }
0x16: {  	s14 =	sand.u32 $0xFE00, s2;
	[sflag:s11] =	ssyncset.done $0x0  }
0x17: {  	s15 =	sand.u32 $0x70, s2;
	s16 =	simm.s32 $0x40;
	[sflag:s11] =	ssyncadd.s32 $0xFFFFD000  }
0x18: {  	[tilespmem:s12], [sflag:$0x1] =	stream.indirect.gather [hbm4b:s4+s9], $0x80, s10, s9, $0xb8;
	[tilespmem:$0xC090] =	vst v63  }
0x19: {  	s24 =	simm.s32 $0x10;
	s17 =	simm.s32 $0x80;
	_ =	swait.ge [sflag:s11], $0x3000  }
0x1a: {  	s18 =	simm.s32 $0x20;
	s14 =	sshrl.u32 s14, $0x2;
	[sflag:s11] =	ssyncset.done $0x0  }
0x1b: {  	s16 =	sand.u32 $0xFE00, s16;
	s14 =	sor.u32 s15, s14;
	[sflag:s11] =	ssyncadd.s32 $0xFFFFD000  }
0x1c: {  	s17 =	sand.u32 $0xFE00, s17;
	s15 =	sand.u32 $0x70, s24;
	s16 =	sshrl.u32 s16, $0x2;
	v6 =	vld [tilespmem:s14+$0x3000]  }
0x1d: {  	s26 =	sand.u32 $0x70, s18;
	s28 =	sshrl.u32 s17, $0x2;
	s25 =	sor.u32 s15, s16  }
0x1e: {  	s29 =	sor.u32 s26, s28;
	v7 =	vld [tilespmem:s25+$0x3000]  }
0x1f: {  	v8 =	vld [tilespmem:s29+$0x3000];
	_ =	sdelay $0x1  }
0x20: {  	vm0 =	vlt.s32 v6, $0x1400  }
0x21: {  	v6 =	vmpcnt.ones.xlane vm0  }
0x22: {  	vm14 =	vlt.s32 v7, $0x1400  }
0x23: {  	vm15 =	vlt.s32 v8, $0x1400;
	v7 =	vmpcnt.ones.xlane vm14;
	(v2sf) =	vpush v6, $0x0  }
0x24: {  	v8 =	vmpcnt.ones.xlane vm15  }
0x25: {  	(v2sf) =	vpush v7, $0x0  }
0x26: {  	(v2sf) =	vpush v8, $0x0;
	_ =	sdelay $0x2  }
0x27: {  	s30 =	simm.s32 $0xC0  }
0x28: {  	s31 =	simm.s32 $0x30;
	s14 =	sand.u32 $0xFE00, s30  }
0x29: {  	s15 =	sand.u32 $0x70, s31;
	s14 =	sshrl.u32 s14, $0x2  }
0x2a: {  	s14 =	sor.u32 s15, s14  }
0x2b: {  	v6 =	vld [tilespmem:s14+$0x3000];
	_ =	sdelay $0x1  }
0x2c: {  	s16 =	simm.s32 $0x40;
	s15 =	simm.s32 $0x100;
	s14 =	simm.s32 $0x0  }
.LBB2_2:
0x2d: {  	s17 =	sand.u32 $0xFE00, s15;
	p1 =	sne.s32 s15, $0xBFC0;
	s15 =	sadd.s32 $0x40, s15  }
.Ltmp0:
0x2e: {  	s18 =	sand.u32 $0x70, s16;
	s17 =	sshrl.u32 s17, $0x2;
	(pc) =	sbr.rel @p1 .LBB2_2-.Ltmp0, $3  }
0x2f: {  	s17 =	sor.u32 s18, s17;
	vm0 =	vlt.s32 v6, $0x1400;
	s18 =	spop (v2sf)  }
0x30: {  	v6 =	vld [tilespmem:s17+$0x3000];
	v7 =	vmpcnt.ones.xlane vm0;
	s14 =	sadd.s32 s14, s18;
	_ =	sdelay $0x1  }
0x31: {  	s16 =	sadd.s32 $0x10, s16;
	(v2sf) =	vpush v7, $0x0  }
0x32: {  	_ =	sdelay $0x1  }
0x33: {  	vm0 =	vlt.s32 v6, $0x1400  }
0x34: {  	v6 =	vmpcnt.ones.xlane vm0;
	_ =	sdelay $0x1  }
0x35: {  	(v2sf) =	vpush v6, $0x0;
	_ =	sdelay $0x1  }
0x36: {  	s15 =	simm.s32 $0x0  }
0x37: {  	v6 =	vld [tilespmem:s15+$0x3000];
	_ =	sdelay $0x4  }
0x38: {  	vm0 =	vlt.s32 v6, $0x1400  }
0x39: {  	v7 =	vmpcnt.ones.xlane vm0  }
0x3a: {  	v8 =	vld [tilespmem:s15+$0x0]  }
0x3b: {  	(v2sf) =	vpush v7, $0x0  }
0x3c: {  	s26 =	spop (v2sf)  }
0x3d: {  	s16 =	spop (v2sf);
	s14 =	sadd.s32 s14, s26  }
0x3e: {  	s29 =	simm.s32 $0x0;
	s14 =	sadd.s32 s14, s16;
	s28 =	spop (v2sf)  }
0x3f: {  	[tilespmem:s29+$0x6000] =	vst.msk vm0, v8;
	s14 =	sadd.s32 s14, s28;
	s30 =	spop (v2sf)  }
0x40: {  	vm1 =	vge.s32 v6, $0x1400;
	[tilespmem:s29+$0x9010] =	vst.msk vm0, v6;
	s14 =	sadd.s32 s14, s30  }
0x41: {  	[tilespmem:s14+$0x6000] =	vst.msk vm1, v8  }
0x42: {  	s31 =	simm.s32 $0x10;
	[tilespmem:s14+$0x9010] =	vst.msk vm1, v6  }
0x43: {  	v6 =	vld [tilespmem:s31+$0x3000];
	_ =	sdelay $0x4  }
0x44: {  	vm0 =	vlt.s32 v6, $0x1400  }
0x45: {  	v7 =	vld [tilespmem:s31+$0x0];
	v8 =	vmpcnt.ones.xlane vm0  }
0x46: {  	s17 =	simm.s32 $0x80;
	s18 =	spop (v2sf)  }
0x47: {  	s15 =	simm.s32 $0x40;
	s16 =	sadd.s32 $0x0, s18;
	s18 =	ssub.s32 s14, s18;
	(v2sf) =	vpush v8, $0x0  }
.LBB2_4:
0x48: {  	p1 =	sne.s32 s17, $0xBFC0  }
0x49: {  	s18 =	sadd.s32 $0x10, s18;
	s19 =	smov.u32 s17;
	s17 =	sadd.s32 $0x40, s17  }
0x4a: {  	[tilespmem:s16+$0x6000] =	vst.msk vm0, v7  }
0x4b: {  	vm1 =	vge.s32 v6, $0x1400;
	[tilespmem:s16+$0x9010] =	vst.msk vm0, v6  }
0x4c: {  	[tilespmem:s18+$0x6000] =	vst.msk vm1, v7  }
0x4d: {  	s19 =	sshra.s32 s19, $0x2;
	[tilespmem:s18+$0x9010] =	vst.msk vm1, v6  }
0x4e: {  	v6 =	vld [tilespmem:s19+$0x3000];
	_ =	sdelay $0x4  }
.Ltmp1:
0x4f: {  	vm0 =	vlt.s32 v6, $0x1400;
	(pc) =	sbr.rel @p1 .LBB2_4-.Ltmp1, $3  }
0x50: {  	v7 =	vld [tilespmem:s19+$0x0];
	v8 =	vmpcnt.ones.xlane vm0;
	_ =	sdelay $0x1  }
0x51: {  	(v2sf) =	vpush v8, $0x0;
	s19 =	spop (v2sf)  }
0x52: {  	s16 =	sadd.s32 s16, s19;
	s18 =	ssub.s32 s18, s19  }
0x53: {  	_ =	sdelay $0x7  }
0x54: {  	[tilespmem:s16+$0x6000] =	vst.msk vm0, v7  }
0x55: {  	s17 =	sadd.s32 $0x10, s18;
	vm1 =	vge.s32 v6, $0x1400;
	[tilespmem:s16+$0x9010] =	vst.msk vm0, v6  }
0x56: {  	[tilespmem:s17+$0x6000] =	vst.msk vm1, v7  }
0x57: {  	s16 =	simm.s32 $0x0;
	[tilespmem:s17+$0x9010] =	vst.msk vm1, v6  }
0x58: {  	v6 =	vld [tilespmem:s16+$0x9010]  }
0x59: {  	v7 =	vld [tilespmem:s16+$0x6000];
	s31 =	spop (v2sf)  }
.LBB2_6:
0x5a: {  	p1 =	sne.s32 s15, $0xBFC0  }
.Ltmp2:
0x5b: {  	_ = 	snop;
	(pc) =	sbr.rel @p1 .LBB2_6-.Ltmp2, $4  }
0x5c: {  	_ = 	snop  }
0x5d: {  	s17 =	sshra.s32 s15, $0x2;
	s15 =	sadd.s32 $0x40, s15;
	[tilespmem:s16+$0x3000] =	vst v6  }
0x5e: {  	v6 =	vld [tilespmem:s17+$0x9010];
	[tilespmem:s16+$0x0] =	vst v7;
	s16 =	smov.u32 s17  }
0x5f: {  	v7 =	vld [tilespmem:s16+$0x6000]  }
0x60: {  	_ =	sdelay $0x2  }
0x61: {  	[tilespmem:s16+$0x3000] =	vst v6  }
0x62: {  	v6 =	vmov s14;
	[tilespmem:s16+$0x0] =	vst v7  }
0x63: {  	s15 =	simm.s32 @!p0 $0x2;
	s14 =	simm.s32 @!p0 $0x0;
	[tilespmem:$0xC020] =	vst v6  }
0x64: {  	[hbm4b:s5+s14] =	stream.linear.scatter @!p0 [tilespmem:s14], [sflag:$0x2], $0x3000, $0x38;
	[tilespmem:$0xC090] =	vst v63  }
0x65: {  	_ =	swait.ge @!p0 [sflag:s15], $0x3000  }
0x66: {  	[sflag:s15] =	ssyncset.done @!p0 $0x0  }
0x67: {  	s16 =	simm.s32 @!p0 $0x3000;
	[sflag:s15] =	ssyncadd.s32 @!p0 $0xFFFFD000  }
0x68: {  	[hbm4b:s6+s14] =	stream.linear.scatter @!p0 [tilespmem:s16], [sflag:$0x2], $0x3000, $0x38;
	[tilespmem:$0xC090] =	vst v63  }
0x69: {  	s13 =	sadd.s32 $0x1, s13;
	_ =	swait.ge @!p0 [sflag:s15], $0x3000  }
0x6a: {  	p1 =	sne.s32 s13, s8;
	[sflag:s15] =	ssyncset.done @!p0 $0x0  }
.Ltmp3:
0x6b: {  	s16 =	simm.s32 @!p0 $0xC020;
	[sflag:s15] =	ssyncadd.s32 @!p0 $0xFFFFD000;
	(pc) =	sbr.rel @p1 .LBB2_1-.Ltmp3, $4  }
0x6c: {  	[hbm4b:s7+s14] =	stream.linear.scatter @!p0 [tilespmem:s16], [sflag:$0x2], $0x10, $0x38;
	[tilespmem:$0xC090] =	vst v63  }
0x6d: {  	_ =	swait.ge @!p0 [sflag:s15], $0x10  }
0x6e: {  	[sflag:s15] =	ssyncset.done @!p0 $0x0  }
0x6f: {  	[sflag:s15] =	ssyncadd.s32 @!p0 $0xFFFFFFF0  }
0x70: {  	_ =	sfence.sel $0x180000  }
0x71: {  	[bflag:$0x0] =	sbarrier.arrive $0xFFFF  }
0x72: {  	p0 =	sne.s32 s1, $0x0;
	_ =	strace $0x90000047  }
0x73: {  	s0 =	sadd.s32 @!p0 $0x100000, s0;
	[bflag:$0x2] =	sbarrier.arrive $0xFFFF  }
0x74: {  	[sflag:s0] =	ssyncadd.tile.s32 @!p0 $0x1;
	_ =	shalt  }
.Lfunc_end2:
_tile_overlayer_lowered:
.L_overlay_start_2:
0x75: {  	(tag) =	ssettag $0x2  }
0x76: {  	s0 =	rddreg [dreg:$0x0];
	s2 =	stileid.u32  }
0x77: {  	s1 =	rddreg [dreg:$0x1];
	p0 =	sne.s32 s2, $0x0  }
0x78: {  	s3 =	rddreg [dreg:$0x2];
	[bflag:$0x3] =	sbarrier.arrive $0xFFFF;
	s2 =	simm.s32 @!p0 $0x1C02  }
0x79: {  	[timem:s3], [sflag:s2] =	dma.local @!p0 [hbm:s0], s1  }
0x7a: {  	s0 =	simm.s32 @!p0 $0x2  }
0x7b: {  	_ =	swait.ge @!p0 [sflag:s0], s1  }
0x7c: {  	s1 =	ssub.s32 @!p0 $0x0, s1;
	[sflag:s0] =	ssyncset.done @!p0 $0x0  }
0x7d: {  	[sflag:s0] =	ssyncadd.s32 @!p0 s1  }
0x7e: {  	[bflag:$0x3] =	sbarrier.arrive $0xFFFF  }
0x7f: {  	_ =	shalt  }

// kernel: kernel.16.cloned.1.call-start
scs
__scs_entry_jumppad:
0x0: {  	(pc) =	sbr.rel $0x88, $3  }
0x1: {  	(tag) =	ssettag $0x0;
	lr =	simm.s32 $0x1  }
0x2: {  	[smem:$0x3F90] =	sst lr;
	_ =	strace $0xD0000000  }
0x3: {  	_ = 	snop  }
0x4: {  	_ = 	snop  }
0x5: {  	_ = 	snop  }
0x6: {  	_ = 	snop  }
0x7: {  	_ = 	snop  }
__scs_overlays_trampoline_lowered:
0x8: {  	[smem:$0x3F9F] =	sst s0  }
0x9: {  	[smem:$0x3FA0] =	sst s1  }
0xa: {  	[smem:$0x3FA1] =	sst s2  }
0xb: {  	[smem:$0x3FA2] =	sst s3  }
0xc: {  	[smem:$0x3FA3] =	sst s4  }
0xd: {  	[smem:$0x3FA4] =	sst s5  }
0xe: {  	[smem:$0x3FA5] =	sst s6  }
0xf: {  	[smem:$0x3FA6] =	sst s7  }
0x10: {  	[smem:$0x3FA7] =	sst s8  }
0x11: {  	[smem:$0x3FA8] =	sst s9;
	s0 =	simm.s32 @!p0 $0x0  }
0x12: {  	s1 =	sld [smem:$0x3F8E];
	s0 =	simm.s32 @p0 $0x1  }
0x13: {  	[smem:$0x3FA9] =	sst s0;
	s0 =	simm.s32 @!p1 $0x0  }
0x14: {  	s2 =	sld [smem:$0x3F8D];
	s0 =	simm.s32 @p1 $0x1  }
0x15: {  	[smem:$0x3FAA] =	sst s0;
	s0 =	simm.s32 @!p2 $0x0  }
0x16: {  	s3 =	sld [smem:$0x3FDB];
	s0 =	simm.s32 @p2 $0x1  }
0x17: {  	s4 =	simm.s32 $0x1BF5;
	[smem:$0x3FAC] =	sst s0  }
0x18: {  	s0 =	sld [smem:$0x3F8F];
	_ =	swait.ge [sflag:s4], $0x0  }
0x19: {  	s7 =	sld [smem:$0x3F90]  }
0x1a: {  	s8 =	sadd.s32 $0xFFFFE003, lr  }
0x1b: {  	s9 =	sadd.s32 $0xFFFFFEF7, lr;
	s5 =	simm.s32 $0xFFFFFFFF;
	p2 =	slt.u32 s8, $0xFFFFF086  }
0x1c: {  	p1 =	slt.u32 s9, $0xF7A;
	s5 =	simm.s32 @!p2 $0x0  }
0x1d: {  	s5 =	simm.s32 @p1 $0x1;
	p0 =	seq.s32 s7, s2  }
0x1e: {  	s7 =	smul.u32 @!p0 $0xF7A, s2;
	p2 =	seq.s32 @!p0 s5, $0x0  }
0x1f: {  	s9 =	smul.u32 $0xF7A, s1;
	s8 =	simm.s32 @!p0 $0x1BF5;
	p2 =	por !p2, p0  }
0x20: {  	[sflag:s8] =	ssyncset.s32 @!p0 $0xFFFFF086;
	s6 =	sadd.s32 @!p0 s3, s7;
	s7 =	simm.s32 @!p0 $0x108  }
0x21: {  	s3 =	sadd.s32 s3, s9;
	s6 =	sadd.s32 @!p0 $0x88, s6;
	s7 =	simm.s32 @p2 $0x1082  }
0x22: {  	[simem:s7], [sflag:s8] =	dma.local @!p0 [hbm:s6], $0xF7A  }
0x23: {  	s9 =	sor.u32 $0xD0000000, s2;
	s6 =	simm.s32 $0x108;
	_ =	swait.ge @!p0 [sflag:s8], $0x0  }
0x24: {  	s3 =	sadd.s32 $0x88, s3;
	s6 =	simm.s32 @!p1 $0x1082;
	[sflag:s4] =	ssyncset.s32 $0xFFFFF086  }
0x25: {  	[simem:s6], [sflag:s4] =	dma.local [hbm:s3], $0xF7A  }
0x26: {  	[smem:$0x3F90] =	sst s1;
	(tag) =	ssettag s2;
	_ =	strace s9  }
0x27: {  	s1 =	sld [smem:$0x3FA0]  }
0x28: {  	s2 =	sld [smem:$0x3FA1]  }
0x29: {  	s4 =	sld [smem:$0x3FA3]  }
0x2a: {  	p0 =	seq.s32 s5, $0x0;
	s5 =	sld [smem:$0x3FA4]  }
0x2b: {  	s6 =	sld [smem:$0x3FA5]  }
0x2c: {  	s7 =	sld [smem:$0x3FA6]  }
0x2d: {  	s3 =	simm.s32 $0x108;
	s8 =	sld [smem:$0x3FA7]  }
0x2e: {  	s3 =	simm.s32 @!p0 $0x1082;
	s9 =	sld [smem:$0x3FA8]  }
0x2f: {  	lr =	sadd.s32 s0, s3;
	s0 =	sld [smem:$0x3F9F]  }
0x30: {  	s3 =	sld [smem:$0x3FA2]  }
0x31: {  	[smem:$0x3FAB] =	sst s10  }
0x32: {  	s10 =	sld [smem:$0x3FA9];
	_ =	sdelay $0x3  }
0x33: {  	p0 =	seq.s32 s10, $0x1;
	s10 =	sld [smem:$0x3FAB];
	_ =	sdelay $0x3  }
0x34: {  	[smem:$0x3FAB] =	sst s10  }
0x35: {  	s10 =	sld [smem:$0x3FAA];
	_ =	sdelay $0x3  }
0x36: {  	p1 =	seq.s32 s10, $0x1;
	s10 =	sld [smem:$0x3FAB];
	_ =	sdelay $0x3  }
0x37: {  	[smem:$0x3FAB] =	sst s10  }
0x38: {  	s10 =	sld [smem:$0x3FAC]  }
0x39: {  	_ = 	snop;
	(pc) =	sbr.ind lr, $3  }
0x3a: {  	_ = 	snop  }
0x3b: {  	_ = 	snop  }
0x3c: {  	p2 =	seq.s32 s10, $0x1;
	s10 =	sld [smem:$0x3FAB]  }
0x3d: {  	_ =	shalt  }
0x3e: {  	_ =	shalt  }
0x3f: {  	_ =	shalt  }
0x40: {  	_ =	shalt  }
0x41: {  	_ =	shalt  }
0x42: {  	_ =	shalt  }
0x43: {  	_ =	shalt  }
0x44: {  	_ =	shalt  }
0x45: {  	_ =	shalt  }
0x46: {  	_ =	shalt  }
0x47: {  	_ =	shalt  }
0x48: {  	_ =	shalt  }
0x49: {  	_ =	shalt  }
0x4a: {  	_ =	shalt  }
0x4b: {  	_ =	shalt  }
0x4c: {  	_ =	shalt  }
0x4d: {  	_ =	shalt  }
0x4e: {  	_ =	shalt  }
0x4f: {  	_ =	shalt  }
0x50: {  	_ =	shalt  }
0x51: {  	_ =	shalt  }
0x52: {  	_ =	shalt  }
0x53: {  	_ =	shalt  }
0x54: {  	_ =	shalt  }
0x55: {  	_ =	shalt  }
0x56: {  	_ =	shalt  }
0x57: {  	_ =	shalt  }
0x58: {  	_ =	shalt  }
0x59: {  	_ =	shalt  }
0x5a: {  	_ =	shalt  }
0x5b: {  	_ =	shalt  }
0x5c: {  	_ =	shalt  }
0x5d: {  	_ =	shalt  }
0x5e: {  	_ =	shalt  }
0x5f: {  	_ =	shalt  }
0x60: {  	_ =	shalt  }
0x61: {  	_ =	shalt  }
0x62: {  	_ =	shalt  }
0x63: {  	_ =	shalt  }
0x64: {  	_ =	shalt  }
0x65: {  	_ =	shalt  }
0x66: {  	_ =	shalt  }
0x67: {  	_ =	shalt  }
0x68: {  	_ =	shalt  }
0x69: {  	_ =	shalt  }
0x6a: {  	_ =	shalt  }
0x6b: {  	_ =	shalt  }
0x6c: {  	_ =	shalt  }
0x6d: {  	_ =	shalt  }
0x6e: {  	_ =	shalt  }
0x6f: {  	_ =	shalt  }
0x70: {  	_ =	shalt  }
0x71: {  	_ =	shalt  }
0x72: {  	_ =	shalt  }
0x73: {  	_ =	shalt  }
0x74: {  	_ =	shalt  }
0x75: {  	_ =	shalt  }
0x76: {  	_ =	shalt  }
0x77: {  	_ =	shalt  }
0x78: {  	_ =	shalt  }
0x79: {  	_ =	shalt  }
0x7a: {  	_ =	shalt  }
0x7b: {  	_ =	shalt  }
0x7c: {  	_ =	shalt  }
0x7d: {  	_ =	shalt  }
0x7e: {  	_ =	shalt  }
0x7f: {  	_ =	shalt  }
0x80: {  	_ =	shalt  }
0x81: {  	_ =	shalt  }
0x82: {  	_ =	shalt  }
0x83: {  	_ =	shalt  }
0x84: {  	_ =	shalt  }
0x85: {  	_ =	shalt  }
0x86: {  	_ =	shalt  }
0x87: {  	_ =	shalt  }
.Lfunc_end0:
.L_simem_size_0:
called_computation.1_lowered:
.L_overlay_start_0:
0x88: {  	s2 =	sld [smem:$0x3FD9]  }
0x89: {  	s3 =	sld [smem:$0x3FFE];
	_ =	sdelay $0x1  }
0x8a: {  	s1 =	srdreg.scid  }
0x8b: {  	s0 =	sand.u32 $0x1, s1  }
0x8c: {  	s16 =	sshll.u32 s0, $0xA;
	s2 =	sadd.s32 s3, s2  }
0x8d: {  	s2 =	sadd.s32 s2, s16  }
0x8e: {  	[smem:$0x3FB7] =	sst s2  }
0x8f: {  	_ = 	snop  }
0x90: {  	(tm) =	ssettm $0x1  }
0x91: {  	s17 =	sld [smem:$0x3FFB];
	_ =	sdelay $0x3  }
0x92: {  	_ =	strace s17  }
0x93: {  	s2 =	sld [smem:$0x3FFC];
	_ =	sdelay $0x3  }
0x94: {  	_ =	strace s2  }
0x95: {  	s2 =	sld [smem:$0x3FFD];
	_ =	sdelay $0x3  }
0x96: {  	_ =	strace s2  }
0x97: {  	_ =	strace $0x8FFFFFFF  }
0x98: {  	s18 =	sld [smem:$0x3FDB];
	_ =	sdelay $0x1  }
0x99: {  	s19 =	simm.s32 $_scs_section_size  }
0x9a: {  	s4 =	simm.s32 $_size__tile_overlayer_lowered;
	s5 =	simm.s32 $_tile_overlayer_lowered  }
0x9b: {  	s22 =	simm.s32 $0x1BFF;
	s21 =	sshll.u32 s5, $0x1;
	s2 =	sadd.s32 s19, s18  }
0x9c: {  	s6 =	simm.s32 $0x0;
	s20 =	sshll.u32 s4, $0x1;
	s4 =	sadd.s32 s21, s2  }
0x9d: {  	[timem:s6], [sflag:s22] =	dma.local [hbm:s4], s20  }
0x9e: {  	_ =	swait.ge [sflag:s22], s20  }
0x9f: {  	s3 =	ssub.s32 $0x0, s20;
	[sflag:s22] =	ssyncset.done $0x0  }
0xa0: {  	[sflag:s22] =	ssyncadd.s32 s3;
	_ =	sdelay $0x1  }
0xa1: {  	s23 =	simm.s32 $0x1B8B  }
0xa2: {  	_ =	swait.ge [sflag:s23], $0x1  }
0xa3: {  	[sflag:s23] =	ssyncset.done $0x0  }
0xa4: {  	s25 =	simm.s32 $0x1B8E;
	s24 =	sld [smem:$0x3FFE];
	[sflag:s23] =	ssyncadd.s32 $0xFFFFFFFF  }
0xa5: {  	s26 =	simm.s32 $execute0_lowered;
	[smem:$0x3FD2] =	sst s25  }
0xa6: {  	s4 =	sshll.u32 s26, $0x1;
	_ =	strace $0x80000049;
	[dreg:$0x1] =	wrdreg $0xFFFFFFFF  }
0xa7: {  	s28 =	simm.s32 $_size_execute0_lowered;
	s2 =	sadd.s32 s2, s4;
	[dreg:$0x0] =	wrdreg $0x0  }
0xa8: {  	s4 =	sshll.u32 s28, $0x1;
	[dreg:$0x2] =	wrdreg s2  }
0xa9: {  	[dreg:$0x3] =	wrdreg s4  }
0xaa: {  	[dreg:$0x4] =	wrdreg $0xC0  }
0xab: {  	_ =	task [dreg:s6], $0x5FFFF  }
0xac: {  	[dreg:$0x1] =	wrdreg $0xFFFFFFFF  }
0xad: {  	[dreg:$0x0] =	wrdreg $0x60  }
0xae: {  	[dreg:$0x2] =	wrdreg s24  }
0xaf: {  	[dreg:$0x3] =	wrdreg $0x109D00  }
0xb0: {  	[dreg:$0x4] =	wrdreg $0x109C00  }
0xb1: {  	[dreg:$0x5] =	wrdreg $0x9  }
0xb2: {  	_ =	task.clear_ibuf [dreg:s6], $0x6FFFF;
	_ =	strace $0x90000049  }
0xb3: {  	s29 =	simm.s32 $0x9;
	_ =	strace $0x8000004B  }
0xb4: {  	_ =	swait.ge [sflag:s29], $0x1  }
0xb5: {  	[sflag:s29] =	ssyncadd.s32 $0xFFFFFFFF  }
0xb6: {  	_ =	strace $0x9000004B  }
0xb7: {  	_ =	sfence  }
0xb8: {  	s30 =	sld [smem:$0x0];
	_ =	sdelay $0x2  }
0xb9: {  	s31 =	sshll.u32 s1, $0xD;
	s1 =	sshrl.u32 s1, $0x2  }
0xba: {  	s3 =	sand.u32 $0x4000, s31;
	s1 =	sadd.s32 s1, s30  }
0xbb: {  	s0 =	sor.u32 s3, s0;
	s1 =	sshll.u32 s1, $0x11  }
0xbc: {  	s0 =	sor.u32 s1, s0  }
0xbd: {  	s0 =	sadd.s32 $0x8F2B, s0  }
0xbe: {  	[sflag:s0] =	ssyncadd.remote.s32 $0x1  }
0xbf: {  	_ =	sfence.sel $0xFFFF  }
0xc0: {  	[dreg:$0x0] =	wrdreg $0xFFFFFFFF;
	(pc) =	sbr.abs _section_cstart, $3  }
0xc1: {  	[dreg:$0x1] =	wrdreg $0xFFFFFFFF  }
0xc2: {  	_ =	task.clear_ibuf [dreg:s6], $0x2FFFF;
	_ =	strace $0x9FFFFFFF  }
0xc3: {  	(tm) =	ssettm $0x7FFFFFFF  }
tec
execute0_lowered:
.L_overlay_start_1:
0x0: {  	(tag) =	ssettag $0x1  }
0x1: {  	s7 =	rddreg [dreg:$0x0]  }
0x2: {  	s1 =	rddreg [dreg:$0x1]  }
0x3: {  	s2 =	rddreg [dreg:$0x2]  }
0x4: {  	s0 =	rddreg [dreg:$0x3]  }
0x5: {  	s4 =	srdreg.scid;
	s17 =	stileid.u32;
	s3 =	simm.s32 $0x0  }
0x6: {  	s14 =	simm.s32 $0x5000;
	s20 =	simm.s32 $0x50;
	s21 =	simm.s32 $0x10910  }
0x7: {  	s22 =	simm.s32 $0x0;
	s8 =	sand.u32 $0x1, s4;
	s12 =	smul.u32 $0x60, s17  }
0x8: {  	[smem:$0x7FF] =	sst s3;
	s4 =	sadd.s32 $0x6C000, s7;
	s5 =	sadd.s32 $0x10000, s7  }
0x9: {  	s6 =	sadd.s32 $0x16000, s7;
	s11 =	sshll.u32 s17, $0x4;
	p0 =	sne.s32 s17, $0x0  }
0xa: {  	s17 =	simm.s32 $0x10800;
	s9 =	smul.u32 $0x30, s8;
	s10 =	ssub.s32 $0x2, s8  }
0xb: {  	_ =	strace $0x8000004A;
	s8 =	smul.u32 $0x6000, s8;
	s30 =	sshrl.u32 s10, $0x1  }
0xc: {  	s13 =	sor.u32 $0x10, s12;
	s15 =	sadd.s32 $0x20, s12;
	s16 =	sadd.s32 $0x30, s12  }
0xd: {  	v0 =	vlaneseq.u32;
	s18 =	sadd.s32 $0x40, s12;
	s19 =	sadd.s32 $0x50, s12;
	s9 =	sadd.s32 s9, s12  }
0xe: {  	v1 =	vor.u32 s12, v0;
	s10 =	ssub.s32 s10, s30;
	s31 =	sshrl.u32 s8, $0x2;
	s12 =	simm.s32 $0x60  }
0xf: {  	v2 =	vor.u32 s13, v0;
	s13 =	simm.s32 $0x10960;
	v3 =	vor.u32 s15, v0;
	v4 =	vor.u32 s16, v0;
	s15 =	simm.s32 $0x1;
	s16 =	simm.s32 $0x8000  }
0x10: {  	v5 =	vor.u32 s18, v0;
	v6 =	vor.u32 s19, v0;
	s18 =	simm.s32 $0x10810;
	s19 =	simm.s32 $0xE000;
	s9 =	sshll.u32 s9, $0x4  }
0x11: {  	v7 =	vimm.f32 $0.0e+00;
	v8 =	vor.u32 $0x10, v0;
	s10 =	smax.u32 s10, $0x1;
	s9 =	sadd.s32 s9, s7;
	s7 =	sadd.s32 s11, s2  }
0x12: {  	v9 =	vor.u32 $0x20, v0;
	v10 =	vor.u32 $0x30, v0;
	v11 =	vor.u32 $0x40, v0;
	s11 =	simm.s32 $0x2;
	s8 =	sadd.s32 $0x4000, s9;
	s9 =	sadd.s32 $0xB000, s31  }
.LBB2_1:
0x13: {  	[tilespmem:s3], [sflag:$0x2] =	stream.linear.gather [hbm4b:s4+s3], $0x5000, $0x38;
	[tilespmem:$0x10C50] =	vst v63  }
0x14: {  	_ =	swait.ge [sflag:s11], $0x5000  }
0x15: {  	[sflag:s11] =	ssyncset.done $0x0  }
0x16: {  	[sflag:s11] =	ssyncadd.s32 $0xFFFFB000  }
0x17: {  	[tilespmem:$0x4E20] =	vst v7  }
0x18: {  	[tilespmem:$0x4E30] =	vst v7  }
0x19: {  	[tilespmem:$0x4E40] =	vst v7  }
0x1a: {  	[tilespmem:$0x4E50] =	vst v7  }
0x1b: {  	[tilespmem:$0x4E60] =	vst v7  }
0x1c: {  	[tilespmem:$0x4E70] =	vst v7  }
0x1d: {  	[tilespmem:$0x4E80] =	vst v7  }
0x1e: {  	[tilespmem:$0x4E90] =	vst v7  }
0x1f: {  	[tilespmem:$0x4EA0] =	vst v7  }
0x20: {  	[tilespmem:$0x4EB0] =	vst v7  }
0x21: {  	[tilespmem:$0x4EC0] =	vst v7  }
0x22: {  	[tilespmem:$0x4ED0] =	vst v7  }
0x23: {  	[tilespmem:$0x4EE0] =	vst v7  }
0x24: {  	[tilespmem:$0x4EF0] =	vst v7  }
0x25: {  	[tilespmem:$0x4F00] =	vst v7  }
0x26: {  	[tilespmem:$0x4F10] =	vst v7  }
0x27: {  	[tilespmem:$0x4F20] =	vst v7  }
0x28: {  	[tilespmem:$0x4F30] =	vst v7  }
0x29: {  	[tilespmem:$0x4F40] =	vst v7  }
0x2a: {  	[tilespmem:$0x4F50] =	vst v7  }
0x2b: {  	[tilespmem:$0x4F60] =	vst v7  }
0x2c: {  	[tilespmem:$0x4F70] =	vst v7  }
0x2d: {  	[tilespmem:$0x4F80] =	vst v7  }
0x2e: {  	[tilespmem:$0x4F90] =	vst v7  }
0x2f: {  	[tilespmem:$0x4FA0] =	vst v7  }
0x30: {  	[tilespmem:$0x4FB0] =	vst v7  }
0x31: {  	[tilespmem:$0x4FC0] =	vst v7  }
0x32: {  	[tilespmem:$0x4FD0] =	vst v7  }
0x33: {  	[tilespmem:$0x4FE0] =	vst v7  }
0x34: {  	[tilespmem:$0x4FF0] =	vst v7  }
0x35: {  	[tilespmem:$0x10960] =	vst v1  }
0x36: {  	[tilespmem:$0x10970] =	vst v2  }
0x37: {  	[tilespmem:$0x10980] =	vst v3  }
0x38: {  	[tilespmem:$0x10990] =	vst v4  }
0x39: {  	[tilespmem:$0x109A0] =	vst v5  }
0x3a: {  	[tilespmem:$0x109B0] =	vst v6  }
0x3b: {  	[tilespmem:s14], [sflag:$0x1] =	stream.indirect.gather [hbm4b:s5+s12], $0x80, s13, s12, $0xb8;
	[tilespmem:$0x10C50] =	vst v63  }
0x3c: {  	_ =	swait.ge [sflag:s15], $0x3000  }
0x3d: {  	[sflag:s15] =	ssyncset.done $0x0  }
0x3e: {  	[sflag:s15] =	ssyncadd.s32 $0xFFFFD000  }
0x3f: {  	[tilespmem:s16], [sflag:$0x1] =	stream.indirect.gather [hbm4b:s6+s12], $0x80, s13, s12, $0xb8;
	[tilespmem:$0x10C50] =	vst v63  }
0x40: {  	s23 =	sand.u32 $0xFE00, s3;
	s24 =	sand.u32 $0x70, s3;
	_ =	swait.ge [sflag:s15], $0x3000  }
0x41: {  	s25 =	sshrl.u32 s23, $0x2;
	s23 =	simm.s32 $0x40;
	[sflag:s15] =	ssyncset.done $0x0  }
0x42: {  	s25 =	sor.u32 s24, s25;
	s24 =	simm.s32 $0x0;
	[sflag:s15] =	ssyncadd.s32 $0xFFFFD000  }
.LBB2_2:
0x43: {  	p1 =	sne.s32 s23, $0x9FC0  }
0x44: {  	[tilespmem:s25+$0xE000] =	vst v7;
	s24 =	sadd.s32 $0x10, s24;
	s25 =	smov.u32 s23;
	s23 =	sadd.s32 $0x40, s23  }
.Ltmp0:
0x45: {  	(pc) =	sbr.rel @p1 .LBB2_2-.Ltmp0, $4  }
0x46: {  	_ = 	snop  }
0x47: {  	s25 =	sand.u32 $0xFE00, s25  }
0x48: {  	s26 =	sand.u32 $0x70, s24;
	s25 =	sshrl.u32 s25, $0x2  }
0x49: {  	s25 =	sor.u32 s26, s25  }
0x4a: {  	[tilespmem:s25+$0xE000] =	vst v7  }
0x4b: {  	[tilespmem:$0x10910] =	vst v0  }
0x4c: {  	[tilespmem:$0x10920] =	vst v8  }
0x4d: {  	[tilespmem:$0x10930] =	vst v9  }
0x4e: {  	[tilespmem:$0x10940] =	vst v10  }
0x4f: {  	s23 =	simm.s32 @!p0 $0xE000;
	[tilespmem:$0x10950] =	vst v11  }
0x50: {  	[spmem:s1] =	stream.linear.scatter @!p0 [tilespmem:s23], [sflag:$0x2], $0x2800, $0x38;
	[tilespmem:$0x10C50] =	vst v63  }
0x51: {  	s23 =	simm.s32 @!p0 $0x2  }
0x52: {  	_ =	swait.ge @!p0 [sflag:s23], $0x2800  }
0x53: {  	[sflag:s23] =	ssyncset.done @!p0 $0x0  }
0x54: {  	[sflag:s23] =	ssyncadd.s32 @!p0 $0xFFFFD800;
	s23 =	simm.s32 $0x0  }
0x55: {  	v12 =	vld [tilespmem:s23+$0x8000]  }
0x56: {  	v13 =	vld [tilespmem:s23+$0x5000];
	_ =	sdelay $0x4  }
0x57: {  	v12 =	vshll.u32 v12, $0x1;
	v14 =	vshll.u32 v13, $0x1  }
0x58: {  	v12 =	vor.u32 $0x1, v12;
	_ =	sdelay $0x1  }
0x59: {  	s24 =	simm.s32 $0x10  }
0x5a: {  	v15 =	vld [tilespmem:s24+$0x8000]  }
0x5b: {  	v14 =	vld.idx.msk [tilespmem:v14+s3+$0x0], $0xffff  }
0x5c: {  	s25 =	simm.s32 $0x80;
	v13 =	vld.idx.msk [tilespmem:v12+s3+$0x0], $0xffff;
	v12 =	vimm.f32 $-1.000000020e+30  }
.LBB2_4:
0x5d: {  	p1 =	sne.s32 s25, $0xBFC0  }
0x5e: {  	v16 =	vld [tilespmem:s24+$0x5000];
	_ =	sdelay $0x2  }
0x5f: {  	v13 =	vadd.f32 v13, v14;
	v15 =	vshll.u32 v15, $0x1  }
0x60: {  	v14 =	vor.u32 $0x1, v15  }
0x61: {  	v15 =	vshll.u32 v16, $0x1;
	v16 =	vmul.f32 $2.000000030e-01, v13  }
0x62: {  	vm0 =	vge.f32 v13, $0.0e+00  }
.Ltmp1:
0x63: {  	v13 =	vsel vm0, v13, v16;
	(pc) =	sbr.rel @p1 .LBB2_4-.Ltmp1, $4  }
0x64: {  	[tilespmem:s23+$0xB000] =	vst v13;
	v12 =	vmax.f32 v12, v13;
	s23 =	smov.u32 s24  }
0x65: {  	v13 =	vld.idx.msk [tilespmem:v14+s3+$0x0], $0xffff  }
0x66: {  	s24 =	sshra.s32 s25, $0x2;
	v14 =	vld.idx.msk [tilespmem:v15+s3+$0x0], $0xffff  }
0x67: {  	s25 =	sadd.s32 $0x40, s25;
	v15 =	vld [tilespmem:s24+$0x8000]  }
0x68: {  	_ = 	snop  }
0x69: {  	v16 =	vld [tilespmem:s24+$0x5000];
	_ =	sdelay $0x2  }
0x6a: {  	v13 =	vadd.f32 v13, v14;
	v15 =	vshll.u32 v15, $0x1  }
0x6b: {  	v14 =	vor.u32 $0x1, v15  }
0x6c: {  	v15 =	vshll.u32 v16, $0x1;
	v58 =	vmul.f32 $2.000000030e-01, v13  }
0x6d: {  	vm0 =	vge.f32 v13, $0.0e+00  }
0x6e: {  	v13 =	vsel vm0, v13, v58  }
0x6f: {  	[tilespmem:s23+$0xB000] =	vst v13  }
0x70: {  	v14 =	vld.idx.msk [tilespmem:v14+s3+$0x0], $0xffff  }
0x71: {  	v15 =	vld.idx.msk [tilespmem:v15+s3+$0x0], $0xffff;
	_ =	sdelay $0x4  }
0x72: {  	v14 =	vadd.f32 v14, v15;
	_ =	sdelay $0x1  }
0x73: {  	v15 =	vmul.f32 $2.000000030e-01, v14  }
0x74: {  	vm15 =	vge.f32 v14, $0.0e+00  }
0x75: {  	v12 =	vmax.f32 v12, v13;
	v13 =	vsel vm15, v14, v15  }
0x76: {  	[tilespmem:s24+$0xB000] =	vst v13;
	v12 =	vmax.f32 v12, v13  }
0x77: {  	[tilespmem:$0x10800] =	vst v12  }
0x78: {  	[spmem:s7] =	stream.linear.scatter [tilespmem:s17], [sflag:$0x2], $0x10, $0x38;
	[tilespmem:$0x10C50] =	vst v63  }
0x79: {  	_ =	swait.ge [sflag:s11], $0x10  }
0x7a: {  	[sflag:s11] =	ssyncset.done $0x0  }
0x7b: {  	[sflag:s11] =	ssyncadd.s32 $0xFFFFFFF0  }
0x7c: {  	[bflag:$0x0] =	sbarrier.arrive $0xFFFF  }
0x7d: {  	[tilespmem:s18], [sflag:$0x2] =	stream.linear.gather [spmem:s2], $0x100, $0x38;
	[tilespmem:$0x10C50] =	vst v63  }
0x7e: {  	_ =	swait.ge [sflag:s11], $0x100  }
0x7f: {  	[sflag:s11] =	ssyncset.done $0x0  }
0x80: {  	[sflag:s11] =	ssyncadd.s32 $0xFFFFFF00  }
0x81: {  	v12 =	vld [tilespmem:$0x10810]  }
0x82: {  	v13 =	vld [tilespmem:$0x10820]  }
0x83: {  	v14 =	vld [tilespmem:$0x10830]  }
0x84: {  	v15 =	vld [tilespmem:$0x10840]  }
0x85: {  	v59 =	vld [tilespmem:$0x10850]  }
0x86: {  	v17 =	vld [tilespmem:$0x10860];
	v12 =	vmax.f32 v12, $-1.000000020e+30  }
0x87: {  	v12 =	vmax.f32 v12, v13;
	v13 =	vld [tilespmem:$0x10870]  }
0x88: {  	v12 =	vmax.f32 v12, v14;
	v14 =	vld [tilespmem:$0x10880]  }
0x89: {  	v12 =	vmax.f32 v12, v15;
	v15 =	vld [tilespmem:$0x10890]  }
0x8a: {  	v60 =	vld [tilespmem:$0x108A0];
	v12 =	vmax.f32 v12, v59  }
0x8b: {  	v61 =	vld [tilespmem:$0x108B0];
	v12 =	vmax.f32 v12, v17  }
0x8c: {  	v12 =	vmax.f32 v12, v13;
	v13 =	vld [tilespmem:$0x108C0]  }
0x8d: {  	v12 =	vmax.f32 v12, v14;
	v14 =	vld [tilespmem:$0x108D0]  }
0x8e: {  	v12 =	vmax.f32 v12, v15;
	v15 =	vld [tilespmem:$0x108E0]  }
0x8f: {  	v62 =	vld [tilespmem:$0x108F0];
	v12 =	vmax.f32 v12, v60  }
0x90: {  	v63 =	vld [tilespmem:$0x10900];
	v12 =	vmax.f32 v12, v61  }
0x91: {  	v12 =	vmax.f32 v12, v13  }
0x92: {  	v12 =	vmax.f32 v12, v14  }
0x93: {  	v12 =	vmax.f32 v12, v15  }
0x94: {  	v12 =	vmax.f32 v12, v62  }
0x95: {  	v12 =	vmax.f32 v12, v63  }
0x96: {  	(xrf0) =	vmax.scan.msk.f32 $0xffff, v12;
	_ =	sdelay $0x5  }
0x97: {  	s23 =	simm.s32 $0x0;
	v12, _, _ =	vpop (xrf0)  }
0x98: {  	s24 =	simm.s32 $0x40;
	v13 =	vld [tilespmem:s23+$0xB000];
	v12 =	vbroadcast v12, $0xF  }
.LBB2_6:
0x99: {  	p1 =	sne.s32 s24, $0xBFC0;
	_ =	sdelay $0x3  }
0x9a: {  	v13 =	vsub.f32 v13, v12;
	_ =	sdelay $0x1  }
0x9b: {  	v13 =	vmul.f32 $1.442695020e+00, v13;
	_ =	sdelay $0x1  }
0x9c: {  	(erf) = vpow2.f32 v13;
	_ =	sdelay $0x2  }
0x9d: {  	v13 =	vld [tilespmem:s23+$0x8000];
	_ =	sdelay $0x4  }
.Ltmp2:
0x9e: {  	(pc) =	sbr.rel @p1 .LBB2_6-.Ltmp2, $4  }
0x9f: {  	v14 =	vpop (erf)  }
0xa0: {  	[tilespmem:s23+$0xB000] =	vst v14  }
0xa1: {  	s23 =	sshra.s32 s24, $0x2;
	[tilespmem:v13+s19+$0x0] =	vst.idx.add.f32.msk $0xffff, v14  }
0xa2: {  	s24 =	sadd.s32 $0x40, s24;
	v13 =	vld [tilespmem:s23+$0xB000]  }
0xa3: {  	_ =	sdelay $0x3  }
0xa4: {  	v12 =	vsub.f32 v13, v12;
	_ =	sdelay $0x1  }
0xa5: {  	v12 =	vmul.f32 $1.442695020e+00, v12;
	_ =	sdelay $0x1  }
0xa6: {  	(erf) = vpow2.f32 v12;
	_ =	sdelay $0x2  }
0xa7: {  	v12 =	vld [tilespmem:s23+$0x8000];
	_ =	sdelay $0x5  }
0xa8: {  	v13 =	vpop (erf)  }
0xa9: {  	[tilespmem:s23+$0xB000] =	vst v13  }
0xaa: {  	[tilespmem:v12+s19+$0x0] =	vst.idx.add.f32.msk $0xffff, v13  }
0xab: {  	[spmem:s1] =	stream.indirect.scatter.add.f32 [tilespmem:s19], [sflag:$0x2], $0x80, s21, s20, $0xb8;
	[tilespmem:$0x10C50] =	vst v63  }
0xac: {  	_ =	swait.ge [sflag:s11], $0x2800  }
0xad: {  	[sflag:s11] =	ssyncset.done $0x0  }
0xae: {  	[sflag:s11] =	ssyncadd.s32 $0xFFFFD800  }
0xaf: {  	[bflag:$0x0] =	sbarrier.arrive $0xFFFF  }
0xb0: {  	[tilespmem:s19], [sflag:$0x2] =	stream.linear.gather [spmem:s1], $0x2800, $0x38;
	[tilespmem:$0x10C50] =	vst v63  }
0xb1: {  	_ =	swait.ge [sflag:s11], $0x2800  }
0xb2: {  	[sflag:s11] =	ssyncset.done $0x0  }
0xb3: {  	s23 =	simm.s32 $0x0;
	[sflag:s11] =	ssyncadd.s32 $0xFFFFD800  }
0xb4: {  	v12 =	vld [tilespmem:s23+$0x8000];
	_ =	sdelay $0x7  }
0xb5: {  	v12 =	vld.idx.msk [tilespmem:v12+s19+$0x0], $0xffff;
	_ =	sdelay $0x4  }
0xb6: {  	v12 =	vadd.f32 $1.000000020e-16, v12;
	_ =	sdelay $0x1  }
0xb7: {  	(erf) = vrcp.f32 v12;
	_ =	sdelay $0x2  }
0xb8: {  	s25 =	simm.s32 $0x10  }
0xb9: {  	s24 =	simm.s32 $0x80;
	v12 =	vld [tilespmem:s25+$0x8000]  }
.LBB2_8:
0xba: {  	p1 =	sne.s32 s24, $0xBFC0;
	v13 =	vld [tilespmem:s23+$0xB000];
	_ =	sdelay $0x3  }
0xbb: {  	v14 =	vpop (erf)  }
0xbc: {  	v13 =	vmul.f32 v14, v13;
	_ =	sdelay $0x1  }
0xbd: {  	[tilespmem:s23+$0xB000] =	vst v13;
	s23 =	smov.u32 s25  }
0xbe: {  	v12 =	vld.idx.msk [tilespmem:v12+s19+$0x0], $0xffff;
	_ =	sdelay $0x5  }
0xbf: {  	v12 =	vadd.f32 $1.000000020e-16, v12;
	_ =	sdelay $0x1  }
.Ltmp3:
0xc0: {  	(erf) = vrcp.f32 v12;
	(pc) =	sbr.rel @p1 .LBB2_8-.Ltmp3, $3  }
0xc1: {  	_ =	sdelay $0x1  }
0xc2: {  	s25 =	sshra.s32 s24, $0x2  }
0xc3: {  	s24 =	sadd.s32 $0x40, s24;
	v12 =	vld [tilespmem:s25+$0x8000]  }
0xc4: {  	v13 =	vld [tilespmem:s23+$0xB000];
	_ =	sdelay $0x3  }
0xc5: {  	v14 =	vpop (erf)  }
0xc6: {  	v13 =	vmul.f32 v14, v13;
	_ =	sdelay $0x1  }
0xc7: {  	[tilespmem:s23+$0xB000] =	vst v13  }
0xc8: {  	v12 =	vld.idx.msk [tilespmem:v12+s19+$0x0], $0xffff;
	_ =	sdelay $0x4  }
0xc9: {  	v12 =	vadd.f32 $1.000000020e-16, v12;
	_ =	sdelay $0x1  }
0xca: {  	(erf) = vrcp.f32 v12;
	_ =	sdelay $0x4  }
0xcb: {  	v62 =	vld [tilespmem:s25+$0xB000];
	_ =	sdelay $0x3  }
0xcc: {  	v63 =	vpop (erf)  }
0xcd: {  	s22 =	sadd.s32 $0x1, s22;
	v12 =	vmul.f32 v63, v62  }
0xce: {  	p1 =	sne.s32 s22, s10  }
.Ltmp4:
0xcf: {  	[tilespmem:s25+$0xB000] =	vst v12;
	(pc) =	sbr.rel @p1 .LBB2_1-.Ltmp4, $4  }
0xd0: {  	[hbm4b:s8+s3] =	stream.linear.scatter [tilespmem:s9], [sflag:$0x2], $0x1800, $0x38;
	[tilespmem:$0x10C50] =	vst v63  }
0xd1: {  	_ =	swait.ge [sflag:s11], $0x1800  }
0xd2: {  	[sflag:s11] =	ssyncset.done $0x0  }
0xd3: {  	[sflag:s11] =	ssyncadd.s32 $0xFFFFE800  }
0xd4: {  	_ =	sfence.sel $0x180000  }
0xd5: {  	[bflag:$0x0] =	sbarrier.arrive $0xFFFF  }
0xd6: {  	_ =	strace $0x9000004A  }
0xd7: {  	s0 =	sadd.s32 @!p0 $0x100000, s0;
	[bflag:$0x2] =	sbarrier.arrive $0xFFFF  }
0xd8: {  	[sflag:s0] =	ssyncadd.tile.s32 @!p0 $0x1;
	_ =	shalt  }
.Lfunc_end2:
_tile_overlayer_lowered:
.L_overlay_start_2:
0xd9: {  	(tag) =	ssettag $0x2  }
0xda: {  	s0 =	rddreg [dreg:$0x0];
	s2 =	stileid.u32  }
0xdb: {  	s1 =	rddreg [dreg:$0x1];
	p0 =	sne.s32 s2, $0x0  }
0xdc: {  	s3 =	rddreg [dreg:$0x2];
	[bflag:$0x3] =	sbarrier.arrive $0xFFFF;
	s2 =	simm.s32 @!p0 $0x1C02  }
0xdd: {  	[timem:s3], [sflag:s2] =	dma.local @!p0 [hbm:s0], s1  }
0xde: {  	s0 =	simm.s32 @!p0 $0x2  }
0xdf: {  	_ =	swait.ge @!p0 [sflag:s0], s1  }
0xe0: {  	s1 =	ssub.s32 @!p0 $0x0, s1;
	[sflag:s0] =	ssyncset.done @!p0 $0x0  }
0xe1: {  	[sflag:s0] =	ssyncadd.s32 @!p0 s1  }
0xe2: {  	[bflag:$0x3] =	sbarrier.arrive $0xFFFF  }
0xe3: {  	_ =	shalt  }

// kernel: kernel.19.cloned.1.call-start
scs
__scs_entry_jumppad:
0x0: {  	(pc) =	sbr.rel $0x88, $3  }
0x1: {  	(tag) =	ssettag $0x0;
	lr =	simm.s32 $0x1  }
0x2: {  	[smem:$0x3F90] =	sst lr;
	_ =	strace $0xD0000000  }
0x3: {  	_ = 	snop  }
0x4: {  	_ = 	snop  }
0x5: {  	_ = 	snop  }
0x6: {  	_ = 	snop  }
0x7: {  	_ = 	snop  }
__scs_overlays_trampoline_lowered:
0x8: {  	[smem:$0x3F9F] =	sst s0  }
0x9: {  	[smem:$0x3FA0] =	sst s1  }
0xa: {  	[smem:$0x3FA1] =	sst s2  }
0xb: {  	[smem:$0x3FA2] =	sst s3  }
0xc: {  	[smem:$0x3FA3] =	sst s4  }
0xd: {  	[smem:$0x3FA4] =	sst s5  }
0xe: {  	[smem:$0x3FA5] =	sst s6  }
0xf: {  	[smem:$0x3FA6] =	sst s7  }
0x10: {  	[smem:$0x3FA7] =	sst s8  }
0x11: {  	[smem:$0x3FA8] =	sst s9;
	s0 =	simm.s32 @!p0 $0x0  }
0x12: {  	s1 =	sld [smem:$0x3F8E];
	s0 =	simm.s32 @p0 $0x1  }
0x13: {  	[smem:$0x3FA9] =	sst s0;
	s0 =	simm.s32 @!p1 $0x0  }
0x14: {  	s2 =	sld [smem:$0x3F8D];
	s0 =	simm.s32 @p1 $0x1  }
0x15: {  	[smem:$0x3FAA] =	sst s0;
	s0 =	simm.s32 @!p2 $0x0  }
0x16: {  	s3 =	sld [smem:$0x3FDB];
	s0 =	simm.s32 @p2 $0x1  }
0x17: {  	s4 =	simm.s32 $0x1BF5;
	[smem:$0x3FAC] =	sst s0  }
0x18: {  	s0 =	sld [smem:$0x3F8F];
	_ =	swait.ge [sflag:s4], $0x0  }
0x19: {  	s7 =	sld [smem:$0x3F90]  }
0x1a: {  	s8 =	sadd.s32 $0xFFFFE003, lr  }
0x1b: {  	s9 =	sadd.s32 $0xFFFFFEF7, lr;
	s5 =	simm.s32 $0xFFFFFFFF;
	p2 =	slt.u32 s8, $0xFFFFF086  }
0x1c: {  	p1 =	slt.u32 s9, $0xF7A;
	s5 =	simm.s32 @!p2 $0x0  }
0x1d: {  	s5 =	simm.s32 @p1 $0x1;
	p0 =	seq.s32 s7, s2  }
0x1e: {  	s7 =	smul.u32 @!p0 $0xF7A, s2;
	p2 =	seq.s32 @!p0 s5, $0x0  }
0x1f: {  	s9 =	smul.u32 $0xF7A, s1;
	s8 =	simm.s32 @!p0 $0x1BF5;
	p2 =	por !p2, p0  }
0x20: {  	[sflag:s8] =	ssyncset.s32 @!p0 $0xFFFFF086;
	s6 =	sadd.s32 @!p0 s3, s7;
	s7 =	simm.s32 @!p0 $0x108  }
0x21: {  	s3 =	sadd.s32 s3, s9;
	s6 =	sadd.s32 @!p0 $0x88, s6;
	s7 =	simm.s32 @p2 $0x1082  }
0x22: {  	[simem:s7], [sflag:s8] =	dma.local @!p0 [hbm:s6], $0xF7A  }
0x23: {  	s9 =	sor.u32 $0xD0000000, s2;
	s6 =	simm.s32 $0x108;
	_ =	swait.ge @!p0 [sflag:s8], $0x0  }
0x24: {  	s3 =	sadd.s32 $0x88, s3;
	s6 =	simm.s32 @!p1 $0x1082;
	[sflag:s4] =	ssyncset.s32 $0xFFFFF086  }
0x25: {  	[simem:s6], [sflag:s4] =	dma.local [hbm:s3], $0xF7A  }
0x26: {  	[smem:$0x3F90] =	sst s1;
	(tag) =	ssettag s2;
	_ =	strace s9  }
0x27: {  	s1 =	sld [smem:$0x3FA0]  }
0x28: {  	s2 =	sld [smem:$0x3FA1]  }
0x29: {  	s4 =	sld [smem:$0x3FA3]  }
0x2a: {  	p0 =	seq.s32 s5, $0x0;
	s5 =	sld [smem:$0x3FA4]  }
0x2b: {  	s6 =	sld [smem:$0x3FA5]  }
0x2c: {  	s7 =	sld [smem:$0x3FA6]  }
0x2d: {  	s3 =	simm.s32 $0x108;
	s8 =	sld [smem:$0x3FA7]  }
0x2e: {  	s3 =	simm.s32 @!p0 $0x1082;
	s9 =	sld [smem:$0x3FA8]  }
0x2f: {  	lr =	sadd.s32 s0, s3;
	s0 =	sld [smem:$0x3F9F]  }
0x30: {  	s3 =	sld [smem:$0x3FA2]  }
0x31: {  	[smem:$0x3FAB] =	sst s10  }
0x32: {  	s10 =	sld [smem:$0x3FA9];
	_ =	sdelay $0x3  }
0x33: {  	p0 =	seq.s32 s10, $0x1;
	s10 =	sld [smem:$0x3FAB];
	_ =	sdelay $0x3  }
0x34: {  	[smem:$0x3FAB] =	sst s10  }
0x35: {  	s10 =	sld [smem:$0x3FAA];
	_ =	sdelay $0x3  }
0x36: {  	p1 =	seq.s32 s10, $0x1;
	s10 =	sld [smem:$0x3FAB];
	_ =	sdelay $0x3  }
0x37: {  	[smem:$0x3FAB] =	sst s10  }
0x38: {  	s10 =	sld [smem:$0x3FAC]  }
0x39: {  	_ = 	snop;
	(pc) =	sbr.ind lr, $3  }
0x3a: {  	_ = 	snop  }
0x3b: {  	_ = 	snop  }
0x3c: {  	p2 =	seq.s32 s10, $0x1;
	s10 =	sld [smem:$0x3FAB]  }
0x3d: {  	_ =	shalt  }
0x3e: {  	_ =	shalt  }
0x3f: {  	_ =	shalt  }
0x40: {  	_ =	shalt  }
0x41: {  	_ =	shalt  }
0x42: {  	_ =	shalt  }
0x43: {  	_ =	shalt  }
0x44: {  	_ =	shalt  }
0x45: {  	_ =	shalt  }
0x46: {  	_ =	shalt  }
0x47: {  	_ =	shalt  }
0x48: {  	_ =	shalt  }
0x49: {  	_ =	shalt  }
0x4a: {  	_ =	shalt  }
0x4b: {  	_ =	shalt  }
0x4c: {  	_ =	shalt  }
0x4d: {  	_ =	shalt  }
0x4e: {  	_ =	shalt  }
0x4f: {  	_ =	shalt  }
0x50: {  	_ =	shalt  }
0x51: {  	_ =	shalt  }
0x52: {  	_ =	shalt  }
0x53: {  	_ =	shalt  }
0x54: {  	_ =	shalt  }
0x55: {  	_ =	shalt  }
0x56: {  	_ =	shalt  }
0x57: {  	_ =	shalt  }
0x58: {  	_ =	shalt  }
0x59: {  	_ =	shalt  }
0x5a: {  	_ =	shalt  }
0x5b: {  	_ =	shalt  }
0x5c: {  	_ =	shalt  }
0x5d: {  	_ =	shalt  }
0x5e: {  	_ =	shalt  }
0x5f: {  	_ =	shalt  }
0x60: {  	_ =	shalt  }
0x61: {  	_ =	shalt  }
0x62: {  	_ =	shalt  }
0x63: {  	_ =	shalt  }
0x64: {  	_ =	shalt  }
0x65: {  	_ =	shalt  }
0x66: {  	_ =	shalt  }
0x67: {  	_ =	shalt  }
0x68: {  	_ =	shalt  }
0x69: {  	_ =	shalt  }
0x6a: {  	_ =	shalt  }
0x6b: {  	_ =	shalt  }
0x6c: {  	_ =	shalt  }
0x6d: {  	_ =	shalt  }
0x6e: {  	_ =	shalt  }
0x6f: {  	_ =	shalt  }
0x70: {  	_ =	shalt  }
0x71: {  	_ =	shalt  }
0x72: {  	_ =	shalt  }
0x73: {  	_ =	shalt  }
0x74: {  	_ =	shalt  }
0x75: {  	_ =	shalt  }
0x76: {  	_ =	shalt  }
0x77: {  	_ =	shalt  }
0x78: {  	_ =	shalt  }
0x79: {  	_ =	shalt  }
0x7a: {  	_ =	shalt  }
0x7b: {  	_ =	shalt  }
0x7c: {  	_ =	shalt  }
0x7d: {  	_ =	shalt  }
0x7e: {  	_ =	shalt  }
0x7f: {  	_ =	shalt  }
0x80: {  	_ =	shalt  }
0x81: {  	_ =	shalt  }
0x82: {  	_ =	shalt  }
0x83: {  	_ =	shalt  }
0x84: {  	_ =	shalt  }
0x85: {  	_ =	shalt  }
0x86: {  	_ =	shalt  }
0x87: {  	_ =	shalt  }
.Lfunc_end0:
.L_simem_size_0:
called_computation.2_lowered:
.L_overlay_start_0:
0x88: {  	s2 =	sld [smem:$0x3FD9]  }
0x89: {  	s3 =	sld [smem:$0x3FFE];
	_ =	sdelay $0x1  }
0x8a: {  	s1 =	srdreg.scid  }
0x8b: {  	s0 =	sand.u32 $0x1, s1  }
0x8c: {  	s17 =	sshll.u32 s0, $0xA;
	s2 =	sadd.s32 s3, s2  }
0x8d: {  	s2 =	sadd.s32 s2, s17  }
0x8e: {  	[smem:$0x3FB7] =	sst s2  }
0x8f: {  	_ = 	snop  }
0x90: {  	s2 =	sld [smem:$0x3FD0];
	(tm) =	ssettm $0x1  }
0x91: {  	s18 =	sld [smem:$0x3FFB];
	_ =	sdelay $0x3  }
0x92: {  	_ =	strace s18  }
0x93: {  	s3 =	sld [smem:$0x3FFC];
	_ =	sdelay $0x3  }
0x94: {  	_ =	strace s3  }
0x95: {  	s3 =	sld [smem:$0x3FFD];
	_ =	sdelay $0x3  }
0x96: {  	_ =	strace s3  }
0x97: {  	_ =	strace $0x8FFFFFFF  }
0x98: {  	s19 =	sld [smem:$0x3FDB];
	_ =	sdelay $0x1  }
0x99: {  	s4 =	simm.s32 $_scs_section_size  }
0x9a: {  	s5 =	simm.s32 $_size__tile_overlayer_lowered;
	s6 =	simm.s32 $_tile_overlayer_lowered  }
0x9b: {  	s22 =	simm.s32 $0x1BFF;
	s21 =	sshll.u32 s6, $0x1;
	s3 =	sadd.s32 s4, s19  }
0x9c: {  	s7 =	simm.s32 $0x0;
	s20 =	sshll.u32 s5, $0x1;
	s5 =	sadd.s32 s21, s3  }
0x9d: {  	[timem:s7], [sflag:s22] =	dma.local [hbm:s5], s20  }
0x9e: {  	_ =	swait.ge [sflag:s22], s20  }
0x9f: {  	s4 =	ssub.s32 $0x0, s20;
	[sflag:s22] =	ssyncset.done $0x0  }
0xa0: {  	[sflag:s22] =	ssyncadd.s32 s4;
	_ =	sdelay $0x1  }
0xa1: {  	s23 =	simm.s32 $0x1B8B  }
0xa2: {  	_ =	swait.ge [sflag:s23], $0x1  }
0xa3: {  	[sflag:s23] =	ssyncset.done $0x0  }
0xa4: {  	s25 =	simm.s32 $0x1B8E;
	s24 =	sld [smem:$0x3FFE];
	[sflag:s23] =	ssyncadd.s32 $0xFFFFFFFF  }
0xa5: {  	s26 =	simm.s32 $execute0_lowered;
	[smem:$0x3FD2] =	sst s25  }
0xa6: {  	s5 =	sshll.u32 s26, $0x1;
	_ =	strace $0x8000004C;
	[dreg:$0x1] =	wrdreg $0xFFFFFFFF  }
0xa7: {  	s28 =	simm.s32 $_size_execute0_lowered;
	s3 =	sadd.s32 s3, s5;
	[dreg:$0x0] =	wrdreg $0x0  }
0xa8: {  	s5 =	sshll.u32 s28, $0x1;
	[dreg:$0x2] =	wrdreg s3  }
0xa9: {  	[dreg:$0x3] =	wrdreg s5  }
0xaa: {  	[dreg:$0x4] =	wrdreg $0xC0  }
0xab: {  	_ =	task [dreg:s7], $0x5FFFF  }
0xac: {  	[dreg:$0x1] =	wrdreg $0xFFFFFFFF  }
0xad: {  	[dreg:$0x0] =	wrdreg $0x60  }
0xae: {  	[dreg:$0x2] =	wrdreg s24  }
0xaf: {  	[dreg:$0x3] =	wrdreg s2  }
0xb0: {  	[dreg:$0x4] =	wrdreg $0xB5600  }
0xb1: {  	[dreg:$0x5] =	wrdreg $0x9  }
0xb2: {  	_ =	task.clear_ibuf [dreg:s7], $0x6FFFF;
	_ =	strace $0x9000004C  }
0xb3: {  	s29 =	simm.s32 $0x9;
	_ =	strace $0x8000004E  }
0xb4: {  	_ =	swait.ge [sflag:s29], $0x1  }
0xb5: {  	[sflag:s29] =	ssyncadd.s32 $0xFFFFFFFF  }
0xb6: {  	_ =	strace $0x9000004E  }
0xb7: {  	_ =	sfence  }
0xb8: {  	s30 =	sld [smem:$0x0];
	_ =	sdelay $0x2  }
0xb9: {  	s31 =	sshll.u32 s1, $0xD;
	s1 =	sshrl.u32 s1, $0x2  }
0xba: {  	s3 =	sand.u32 $0x4000, s31;
	s1 =	sadd.s32 s1, s30  }
0xbb: {  	s0 =	sor.u32 s3, s0;
	s1 =	sshll.u32 s1, $0x11  }
0xbc: {  	s0 =	sor.u32 s1, s0  }
0xbd: {  	s0 =	sadd.s32 $0x8F2B, s0  }
0xbe: {  	[sflag:s0] =	ssyncadd.remote.s32 $0x1  }
0xbf: {  	_ =	sfence.sel $0xFFFF  }
0xc0: {  	[dreg:$0x0] =	wrdreg $0xFFFFFFFF;
	(pc) =	sbr.abs _section_cstart, $3  }
0xc1: {  	[dreg:$0x1] =	wrdreg $0xFFFFFFFF  }
0xc2: {  	_ =	task.clear_ibuf [dreg:s7], $0x2FFFF;
	_ =	strace $0x9FFFFFFF  }
0xc3: {  	(tm) =	ssettm $0x7FFFFFFF  }
tec
execute0_lowered:
.L_overlay_start_1:
0x0: {  	(tag) =	ssettag $0x1  }
0x1: {  	s0 =	rddreg [dreg:$0x0]  }
0x2: {  	s1 =	rddreg [dreg:$0x1]  }
0x3: {  	s2 =	rddreg [dreg:$0x2];
	s3 =	srdreg.scid;
	s4 =	simm.s32 $0x0  }
0x4: {  	s28 =	stileid.u32;
	s14 =	simm.s32 $0x1;
	s15 =	simm.s32 $0x3060  }
0x5: {  	s16 =	simm.s32 $0x6060;
	s19 =	simm.s32 $0xB160;
	s9 =	smul.u32 $0x140, s28  }
0x6: {  	s20 =	sand.u32 $0x1, s3;
	[smem:$0x7FF] =	sst s4;
	s11 =	smul.u32 $0x52000, s28  }
0x7: {  	s5 =	sadd.s32 $0x1C000, s0;
	s6 =	sadd.s32 $0x10000, s0;
	s12 =	smul.u32 $0x50000, s28  }
0x8: {  	s7 =	sadd.s32 $0x16000, s0;
	s8 =	sadd.s32 $0x4000, s0;
	s18 =	smul.u32 $0x60, s28  }
0x9: {  	s17 =	smul.u32 $0x1400, s20;
	_ =	strace $0x8000004D;
	s10 =	ssub.s32 $0x2, s20  }
0xa: {  	p0 =	seq.s32 s20, $0x0;
	s29 =	sshrl.u32 s10, $0x1;
	s30 =	sshrl.u32 s11, $0x2  }
0xb: {  	s12 =	sshrl.u32 s12, $0x2;
	s21 =	sor.u32 $0x10, s18;
	s22 =	sadd.s32 $0x20, s18  }
0xc: {  	v6 =	vlaneseq.u32;
	s23 =	sadd.s32 $0x30, s18;
	s24 =	sadd.s32 $0x40, s18;
	s25 =	sadd.s32 $0x50, s18  }
0xd: {  	v1 =	vor.u32 s18, v6;
	s18 =	simm.s32 $0x2;
	s9 =	sadd.s32 s9, s17;
	s13 =	ssub.s32 s10, s29  }
.Ltmp0:
0xe: {  	s10 =	sshll.u32 s28, $0x6;
	s31 =	sadd.s32 s12, s2;
	(pc) =	sbr.rel .LBB2_1-.Ltmp0, $4  }
0xf: {  	v0 =	vmov s17;
	s17 =	simm.s32 $0x9060;
	v2 =	vor.u32 s21, v6;
	v3 =	vor.u32 s22, v6;
	s21 =	simm.s32 $0x20;
	s22 =	simm.s32 $0x9160  }
0x10: {  	v5 =	vor.u32 s24, v6;
	s24 =	simm.s32 $0x0;
	s9 =	sshll.u32 s9, $0x5;
	s12 =	smax.u32 s13, $0x1  }
0x11: {  	s13 =	simm.s32 $0x60;
	s20 =	sshrl.u32 s10, $0x2;
	s0 =	sadd.s32 s9, s0  }
0x12: {  	v7 =	vimm.f32 $0.0e+00;
	v4 =	vor.u32 s23, v6;
	v6 =	vor.u32 s25, v6;
	s23 =	sshrl.u32 s31, $0x3;
	s9 =	sadd.s32 s30, s2;
	s11 =	sadd.s32 $0x6C000, s0  }
.LBB2_11:
0x13: {  	s24 =	sadd.s32 $0x1, s24  }
0x14: {  	p1 =	sne.s32 s24, s12  }
.Ltmp1:
0x15: {  	[bflag:$0x0] =	sbarrier.arrive $0xFFFF;
	s0 =	sor.u32 $0x1C02, s10;
	(pc) =	sbr.rel @!p1 .LBB2_12-.Ltmp1, $4  }
0x16: {  	[hbm:s11], [sflag:s0] =	dma.local [spmem:s23], $0x2800  }
0x17: {  	_ =	swait.ge [sflag:s18], $0x2800  }
0x18: {  	[sflag:s18] =	ssyncset.done $0x0  }
0x19: {  	[sflag:s18] =	ssyncadd.s32 $0xFFFFD800  }
.LBB2_1:
0x1a: {  	[tilespmem:$0x0] =	vst v1  }
0x1b: {  	[tilespmem:$0x10] =	vst v2  }
0x1c: {  	[tilespmem:$0x20] =	vst v3  }
0x1d: {  	[tilespmem:$0x30] =	vst v4  }
0x1e: {  	[tilespmem:$0x40] =	vst v5  }
0x1f: {  	[tilespmem:$0x50] =	vst v6  }
0x20: {  	[tilespmem:s13], [sflag:$0x1] =	stream.indirect.gather [hbm4b:s6+s13], $0x80, s4, s13, $0xb8;
	[tilespmem:$0x1FD60] =	vst v63  }
0x21: {  	_ =	swait.ge [sflag:s14], $0x3000  }
0x22: {  	[sflag:s14] =	ssyncset.done $0x0  }
0x23: {  	[sflag:s14] =	ssyncadd.s32 $0xFFFFD000  }
0x24: {  	[tilespmem:s15], [sflag:$0x1] =	stream.indirect.gather [hbm4b:s7+s13], $0x80, s4, s13, $0xb8;
	[tilespmem:$0x1FD60] =	vst v63  }
0x25: {  	_ =	swait.ge [sflag:s14], $0x3000  }
0x26: {  	[sflag:s14] =	ssyncset.done $0x0  }
0x27: {  	[sflag:s14] =	ssyncadd.s32 $0xFFFFD000  }
0x28: {  	[tilespmem:s16], [sflag:$0x1] =	stream.indirect.gather [hbm4b:s8+s13], $0x80, s4, s13, $0xb8;
	[tilespmem:$0x1FD60] =	vst v63  }
0x29: {  	_ =	swait.ge [sflag:s14], $0x3000  }
0x2a: {  	[sflag:s14] =	ssyncset.done $0x0  }
0x2b: {  	[sflag:s14] =	ssyncadd.s32 $0xFFFFD000  }
0x2c: {  	[tilespmem:s17], [sflag:$0x2] =	stream.linear.gather [hbm4b:s1+s4], $0x100, $0x38;
	[tilespmem:$0x1FD60] =	vst v63  }
0x2d: {  	s0 =	sand.u32 $0xFE00, s4;
	_ =	swait.ge [sflag:s18], $0x100  }
0x2e: {  	s25 =	sand.u32 $0x70, s4;
	s0 =	sshrl.u32 s0, $0x2;
	[sflag:s18] =	ssyncset.done $0x0  }
0x2f: {  	s0 =	sor.u32 s25, s0;
	[sflag:s18] =	ssyncadd.s32 $0xFFFFFF00  }
0x30: {  	v8 =	vld [tilespmem:s0+$0x3060];
	_ =	sdelay $0x4  }
0x31: {  	s31 =	simm.s32 $0x40;
	v8 =	vsub.s32 v8, v0  }
0x32: {  	s26 =	simm.s32 $0x10;
	s28 =	sand.u32 $0xFE00, s31;
	s25 =	simm.s32 $0x80;
	vm0 =	vlt.u32 v8, $0x1400  }
.LBB2_2:
0x33: {  	p1 =	sne.s32 s25, $0xBFC0;
	s29 =	sand.u32 $0x70, s26;
	s28 =	sshrl.u32 s28, $0x2;
	v8 =	vnsel vm0, $0x147F, v8  }
0x34: {  	[tilespmem:s0+$0x3060] =	vst v8;
	s0 =	sor.u32 s29, s28  }
0x35: {  	v8 =	vld [tilespmem:s0+$0x3060];
	_ =	sdelay $0x1  }
.Ltmp2:
0x36: {  	(pc) =	sbr.rel @p1 .LBB2_2-.Ltmp2, $3  }
0x37: {  	_ =	sdelay $0x1  }
0x38: {  	v8 =	vsub.s32 v8, v0  }
0x39: {  	s26 =	sadd.s32 $0x10, s26;
	s28 =	sand.u32 $0xFE00, s25;
	s25 =	sadd.s32 $0x40, s25;
	vm0 =	vlt.u32 v8, $0x1400  }
0x3a: {  	s25 =	sand.u32 $0x70, s26;
	s29 =	sshrl.u32 s28, $0x2;
	v8 =	vnsel vm0, $0x147F, v8  }
0x3b: {  	s25 =	sor.u32 s25, s29;
	[tilespmem:s0+$0x3060] =	vst v8  }
0x3c: {  	v8 =	vld [tilespmem:s25+$0x3060];
	_ =	sdelay $0x4  }
0x3d: {  	s0 =	simm.s32 $0x0;
	v8 =	vsub.s32 v8, v0  }
0x3e: {  	s30 =	sand.u32 $0xC00, s0;
	vm15 =	vlt.u32 v8, $0x1400  }
0x3f: {  	s31 =	sand.u32 $0xF0, s0;
	s26 =	sshrl.u32 s30, $0x2;
	v8 =	vnsel vm15, $0x147F, v8  }
0x40: {  	s26 =	sor.u32 s31, s26;
	[tilespmem:s25+$0x3060] =	vst v8;
	s25 =	simm.s32 $0x40  }
.LBB2_4:
0x41: {  	p1 =	sne.s32 s25, $0xFC0  }
0x42: {  	[tilespmem:s26+$0xB160] =	vst v7;
	s0 =	sadd.s32 $0x10, s0;
	s26 =	smov.u32 s25;
	s25 =	sadd.s32 $0x40, s25  }
.Ltmp3:
0x43: {  	(pc) =	sbr.rel @p1 .LBB2_4-.Ltmp3, $4  }
0x44: {  	_ = 	snop  }
0x45: {  	s26 =	sand.u32 $0xC00, s26  }
0x46: {  	s28 =	sand.u32 $0xF0, s0;
	s26 =	sshrl.u32 s26, $0x2  }
0x47: {  	s26 =	sor.u32 s28, s26  }
0x48: {  	[tilespmem:s26+$0xB160] =	vst v7;
	s0 =	sadd.s32 $0x0, s9  }
0x49: {  	[spmem:s0] =	stream.linear.scatter [tilespmem:s19], [sflag:$0x2], $0x400, $0x38;
	[tilespmem:$0x1FD60] =	vst v63  }
0x4a: {  	s0 =	simm.s32 $0x1000;
	_ =	swait.ge [sflag:s18], $0x400  }
.LBB2_6:
0x4b: {  	s25 =	sshra.s32 s0, $0x2;
	[sflag:s18] =	ssyncset.done $0x0;
	p1 =	sne.s32 s0, $0x51000  }
.Ltmp4:
0x4c: {  	s25 =	sadd.s32 s25, s9;
	[sflag:s18] =	ssyncadd.s32 $0xFFFFFC00;
	(pc) =	sbr.rel @p1 .LBB2_6-.Ltmp4, $3  }
0x4d: {  	[spmem:s25] =	stream.linear.scatter [tilespmem:s19], [sflag:$0x2], $0x400, $0x38;
	[tilespmem:$0x1FD60] =	vst v63  }
0x4e: {  	s0 =	sadd.s32 $0x1000, s0;
	_ =	sdelay $0x1  }
0x4f: {  	_ =	swait.ge [sflag:s18], $0x400  }
0x50: {  	[sflag:s18] =	ssyncset.done $0x0  }
0x51: {  	[sflag:s18] =	ssyncadd.s32 $0xFFFFFC00  }
0x52: {  	[bflag:$0x0] =	sbarrier.arrive $0xFFFF  }
0x53: {  	v8 =	vld [tilespmem:s20+$0x9060];
	_ =	sdelay $0x4  }
0x54: {  	(v2sf) =	vpush v8, $0x0;
	_ =	sdelay $0xe  }
0x55: {  	s0 =	spop (v2sf)  }
0x56: {  	s26 =	sadd.s32 $0x1F, s0  }
0x57: {  	s25 =	sshra.s32 s0, $0x5;
	s26 =	sshra.s32 s26, $0x5  }
0x58: {  	s25 =	simm.s32 @p0 $0x0;
	s26 =	simm.s32 @!p0 $0x180  }
0x59: {  	p1 =	sge.s32 s25, s26  }
.Ltmp5:
0x5a: {  	_ = 	snop;
	(pc) =	sbr.rel @p1 .LBB2_11-.Ltmp5, $1  }
0x5b: {  	_ =	sdelay $0x3  }
.LBB2_8:
0x5c: {  	s0 =	sshra.s32 s25, $0x1F  }
0x5d: {  	s0 =	sshrl.u32 s0, $0x1E  }
0x5e: {  	s0 =	sadd.s32 s0, s25  }
0x5f: {  	s28 =	sand.u32 $0xFFFFFFFC, s0  }
0x60: {  	p1 =	slt.s32 s25, $0x1;
	p2 =	sne.s32 s25, s28  }
0x61: {  	p1 =	por !p1, !p2  }
0x62: {  	s28 =	simm.s32 $0x1;
	p1 =	por !p1, !p1  }
0x63: {  	s29 =	sshll.u32 s25, $0x5;
	s0 =	sshrl.u32 s0, $0x2;
	s28 =	simm.s32 @!p1 $0x0  }
0x64: {  	s0 =	ssub.s32 s0, s28;
	s28 =	sadd.s32 $0x80, s29  }
0x65: {  	s30 =	sand.u32 $0x60, s28;
	s0 =	sshll.u32 s0, $0x7  }
0x66: {  	s28 =	sor.u32 s30, s0  }
0x67: {  	s29 =	sadd.s32 $0x60, s28  }
0x68: {  	[tilespmem:s22], [sflag:$0x1] =	stream.indirect.gather [hbm4b:s5+s21], $0x100, s29, s21, $0xb8;
	[tilespmem:$0x1FD60] =	vst v63  }
0x69: {  	_ =	swait.ge [sflag:s14], $0x2000  }
0x6a: {  	[sflag:s14] =	ssyncset.done $0x0  }
0x6b: {  	s31 =	sadd.s32 $0x0, s30;
	s29 =	simm.s32 $0x91E0;
	[sflag:s14] =	ssyncadd.s32 $0xFFFFE000  }
0x6c: {  	v10 =	vmov s31;
	v8 =	vld [tilespmem:s29+$0xFFFFFFF0]  }
0x6d: {  	v9 =	vmov s0;
	v10 =	vand.u32 $0x7F, v10;
	v21 =	vld [tilespmem:s29+$0x70]  }
0x6e: {  	v11 =	vor.u32 v9, v10;
	v10 =	vld [tilespmem:s29+$0x60]  }
0x6f: {  	v12 =	vbroadcast v11, $0x0;
	v11 =	vld [tilespmem:s29+$0x20]  }
0x70: {  	v13 =	vld [tilespmem:s29+$0x10]  }
0x71: {  	v16 =	vld [tilespmem:s29+$0x30]  }
0x72: {  	v24 =	vld [tilespmem:s29+$0x50]  }
0x73: {  	v17 =	vld [tilespmem:s29+$0xFFFFFF80]  }
0x74: {  	v15 =	vld [tilespmem:s29+$0x0]  }
0x75: {  	v22 =	vld [tilespmem:s29+$0xFFFFFFA0]  }
0x76: {  	v12 =	vld.idx.msk [tilespmem:v12+s16+$0x0], $0xffff  }
0x77: {  	v14 =	vld [tilespmem:s29+$0xFFFFFFD0]  }
0x78: {  	v20 =	vld [tilespmem:s29+$0xFFFFFF90]  }
0x79: {  	v18 =	vld [tilespmem:s29+$0xFFFFFFB0]  }
0x7a: {  	v19 =	vld [tilespmem:s29+$0x40]  }
0x7b: {  	v23 =	vmul.f32 v17, v12;
	v17 =	vld [tilespmem:s29+$0xFFFFFFC0];
	v25 =	vmul.f32 v21, v12  }
0x7c: {  	s0 =	simm.s32 $0x91E0;
	s31 =	simm.s32 $0x1;
	v21 =	vmul.f32 v22, v12;
	v22 =	vld [tilespmem:s29+$0xFFFFFFE0];
	v24 =	vmul.f32 v24, v12  }
.LBB2_9:
0x7d: {  	p1 =	sne.s32 s31, $0x1F  }
0x7e: {  	v20 =	vmul.f32 v20, v12;
	v16 =	vmul.f32 v16, v12;
	[tilespmem:s29+$0x70] =	vst v25;
	s0 =	sadd.s32 $0x100, s0;
	s3 =	smov.u32 s31;
	s31 =	sadd.s32 $0x1, s31  }
0x7f: {  	v13 =	vmul.f32 v13, v12;
	[tilespmem:s29+$0xFFFFFF80] =	vst v23;
	v18 =	vmul.f32 v18, v12  }
0x80: {  	v15 =	vmul.f32 v15, v12;
	v19 =	vmul.f32 v19, v12;
	[tilespmem:s29+$0x50] =	vst v24  }
0x81: {  	v14 =	vmul.f32 v14, v12;
	v17 =	vmul.f32 v17, v12;
	[tilespmem:s29+$0x30] =	vst v16  }
0x82: {  	v16 =	vmul.f32 v22, v12;
	v22 =	vmul.f32 v8, v12;
	[tilespmem:s29+$0x10] =	vst v13  }
0x83: {  	v11 =	vmul.f32 v11, v12;
	v10 =	vmul.f32 v10, v12;
	[tilespmem:s29+$0xFFFFFFA0] =	vst v21  }
0x84: {  	s3 =	sadd.s32 s30, s3;
	[tilespmem:s29+$0x0] =	vst v15  }
0x85: {  	v12 =	vmov s3;
	v8 =	vld [tilespmem:s0+$0xFFFFFFF0];
	[tilespmem:s29+$0xFFFFFFE0] =	vst v16  }
0x86: {  	v12 =	vand.u32 $0x7F, v12;
	v21 =	vld [tilespmem:s0+$0x70];
	[tilespmem:s29+$0x60] =	vst v10  }
0x87: {  	v12 =	vor.u32 v9, v12;
	v10 =	vld [tilespmem:s0+$0x60];
	[tilespmem:s29+$0x20] =	vst v11  }
0x88: {  	v12 =	vbroadcast v12, $0x0;
	v11 =	vld [tilespmem:s0+$0x20];
	[tilespmem:s29+$0xFFFFFFD0] =	vst v14  }
0x89: {  	v13 =	vld [tilespmem:s0+$0x10];
	[tilespmem:s29+$0xFFFFFF90] =	vst v20  }
0x8a: {  	v16 =	vld [tilespmem:s0+$0x30];
	[tilespmem:s29+$0xFFFFFFF0] =	vst v22  }
0x8b: {  	v24 =	vld [tilespmem:s0+$0x50];
	[tilespmem:s29+$0x40] =	vst v19  }
0x8c: {  	v22 =	vld [tilespmem:s0+$0xFFFFFF80];
	[tilespmem:s29+$0xFFFFFFB0] =	vst v18  }
0x8d: {  	v15 =	vld [tilespmem:s0+$0x0];
	[tilespmem:s29+$0xFFFFFFC0] =	vst v17;
	s29 =	smov.u32 s0  }
0x8e: {  	v12 =	vld.idx.msk [tilespmem:v12+s16+$0x0], $0xffff  }
0x8f: {  	v26 =	vld [tilespmem:s0+$0xFFFFFFA0]  }
0x90: {  	v14 =	vld [tilespmem:s0+$0xFFFFFFD0]  }
.Ltmp6:
0x91: {  	v20 =	vld [tilespmem:s0+$0xFFFFFF90];
	(pc) =	sbr.rel @p1 .LBB2_9-.Ltmp6, $4  }
0x92: {  	v18 =	vld [tilespmem:s0+$0xFFFFFFB0]  }
0x93: {  	v19 =	vld [tilespmem:s0+$0x40]  }
0x94: {  	v23 =	vmul.f32 v22, v12;
	v25 =	vmul.f32 v21, v12;
	v17 =	vld [tilespmem:s0+$0xFFFFFFC0]  }
0x95: {  	v24 =	vmul.f32 v24, v12;
	v21 =	vmul.f32 v26, v12;
	v22 =	vld [tilespmem:s0+$0xFFFFFFE0]  }
0x96: {  	[tilespmem:s29+$0x70] =	vst v25  }
0x97: {  	[tilespmem:s29+$0xFFFFFF80] =	vst v23  }
0x98: {  	v9 =	vmul.f32 v16, v12;
	[tilespmem:s29+$0x50] =	vst v24  }
0x99: {  	v13 =	vmul.f32 v13, v12;
	[tilespmem:s29+$0xFFFFFFA0] =	vst v21  }
0x9a: {  	v57 =	vmul.f32 v15, v12;
	[tilespmem:s29+$0x30] =	vst v9  }
0x9b: {  	v10 =	vmul.f32 v10, v12;
	[tilespmem:s29+$0x10] =	vst v13  }
0x9c: {  	v59 =	vmul.f32 v11, v12;
	[tilespmem:s29+$0x0] =	vst v57  }
0x9d: {  	v60 =	vmul.f32 v14, v12;
	[tilespmem:s29+$0x60] =	vst v10  }
0x9e: {  	v61 =	vmul.f32 v20, v12;
	[tilespmem:s29+$0x20] =	vst v59  }
0x9f: {  	v8 =	vmul.f32 v8, v12;
	[tilespmem:s29+$0xFFFFFFD0] =	vst v60  }
0xa0: {  	v63 =	vmul.f32 v18, v12;
	[tilespmem:s29+$0xFFFFFF90] =	vst v61  }
0xa1: {  	v62 =	vmul.f32 v19, v12;
	[tilespmem:s29+$0xFFFFFFF0] =	vst v8  }
0xa2: {  	v8 =	vmul.f32 v17, v12;
	[tilespmem:s29+$0xFFFFFFB0] =	vst v63  }
0xa3: {  	v58 =	vmul.f32 v22, v12;
	[tilespmem:s29+$0x40] =	vst v62  }
0xa4: {  	s25 =	sadd.s32 $0x1, s25;
	[tilespmem:s29+$0xFFFFFFC0] =	vst v8  }
0xa5: {  	s0 =	sadd.s32 $0x3060, s28;
	p1 =	sne.s32 s25, s26;
	[tilespmem:s29+$0xFFFFFFE0] =	vst v58  }
0xa6: {  	[spmem:s2] =	stream.indirect.scatter.add.f32 [tilespmem:s22], [sflag:$0x2], $0x100, s0, s21, $0xb8;
	[tilespmem:$0x1FD60] =	vst v63  }
.Ltmp7:
0xa7: {  	_ = 	snop;
	(pc) =	sbr.rel @p1 .LBB2_8-.Ltmp7, $4  }
.Ltmp8:
0xa8: {  	_ = 	snop;
	(pc) =	sbr.rel @!p1 .LBB2_11-.Ltmp8, $4  }
0xa9: {  	_ =	swait.ge [sflag:s18], $0x2000  }
0xaa: {  	[sflag:s18] =	ssyncset.done $0x0  }
0xab: {  	[sflag:s18] =	ssyncadd.s32 $0xFFFFE000  }
0xac: {  	_ = 	snop  }
.LBB2_12:
0xad: {  	_ =	sfence.sel $0x180000  }
0xae: {  	[bflag:$0x0] =	sbarrier.arrive $0xFFFF  }
0xaf: {  	_ =	strace $0x9000004D  }
0xb0: {  	s0 =	stileid.u32;
	[bflag:$0x2] =	sbarrier.arrive $0xFFFF  }
0xb1: {  	p0 =	sne.s32 s0, $0x0;
	s0 =	rddreg [dreg:$0x3]  }
0xb2: {  	s0 =	sadd.s32 @!p0 $0x100000, s0  }
0xb3: {  	[sflag:s0] =	ssyncadd.tile.s32 @!p0 $0x1;
	_ =	shalt  }
.Lfunc_end2:
_tile_overlayer_lowered:
.L_overlay_start_2:
0xb4: {  	(tag) =	ssettag $0x2  }
0xb5: {  	s0 =	rddreg [dreg:$0x0];
	s2 =	stileid.u32  }
0xb6: {  	s1 =	rddreg [dreg:$0x1];
	p0 =	sne.s32 s2, $0x0  }
0xb7: {  	s3 =	rddreg [dreg:$0x2];
	[bflag:$0x3] =	sbarrier.arrive $0xFFFF;
	s2 =	simm.s32 @!p0 $0x1C02  }
0xb8: {  	[timem:s3], [sflag:s2] =	dma.local @!p0 [hbm:s0], s1  }
0xb9: {  	s0 =	simm.s32 @!p0 $0x2  }
0xba: {  	_ =	swait.ge @!p0 [sflag:s0], s1  }
0xbb: {  	s1 =	ssub.s32 @!p0 $0x0, s1;
	[sflag:s0] =	ssyncset.done @!p0 $0x0  }
0xbc: {  	[sflag:s0] =	ssyncadd.s32 @!p0 s1  }
0xbd: {  	[bflag:$0x3] =	sbarrier.arrive $0xFFFF  }
0xbe: {  	_ =	shalt  }

// kernel: kernel.22.cloned.1.call-start
scs
__scs_entry_jumppad:
0x0: {  	(pc) =	sbr.rel $0x88, $3  }
0x1: {  	(tag) =	ssettag $0x0;
	lr =	simm.s32 $0x1  }
0x2: {  	[smem:$0x3F90] =	sst lr;
	_ =	strace $0xD0000000  }
0x3: {  	_ = 	snop  }
0x4: {  	_ = 	snop  }
0x5: {  	_ = 	snop  }
0x6: {  	_ = 	snop  }
0x7: {  	_ = 	snop  }
__scs_overlays_trampoline_lowered:
0x8: {  	[smem:$0x3F9F] =	sst s0  }
0x9: {  	[smem:$0x3FA0] =	sst s1  }
0xa: {  	[smem:$0x3FA1] =	sst s2  }
0xb: {  	[smem:$0x3FA2] =	sst s3  }
0xc: {  	[smem:$0x3FA3] =	sst s4  }
0xd: {  	[smem:$0x3FA4] =	sst s5  }
0xe: {  	[smem:$0x3FA5] =	sst s6  }
0xf: {  	[smem:$0x3FA6] =	sst s7  }
0x10: {  	[smem:$0x3FA7] =	sst s8  }
0x11: {  	[smem:$0x3FA8] =	sst s9;
	s0 =	simm.s32 @!p0 $0x0  }
0x12: {  	s1 =	sld [smem:$0x3F8E];
	s0 =	simm.s32 @p0 $0x1  }
0x13: {  	[smem:$0x3FA9] =	sst s0;
	s0 =	simm.s32 @!p1 $0x0  }
0x14: {  	s2 =	sld [smem:$0x3F8D];
	s0 =	simm.s32 @p1 $0x1  }
0x15: {  	[smem:$0x3FAA] =	sst s0;
	s0 =	simm.s32 @!p2 $0x0  }
0x16: {  	s3 =	sld [smem:$0x3FDB];
	s0 =	simm.s32 @p2 $0x1  }
0x17: {  	s4 =	simm.s32 $0x1BF5;
	[smem:$0x3FAC] =	sst s0  }
0x18: {  	s0 =	sld [smem:$0x3F8F];
	_ =	swait.ge [sflag:s4], $0x0  }
0x19: {  	s7 =	sld [smem:$0x3F90]  }
0x1a: {  	s8 =	sadd.s32 $0xFFFFE003, lr  }
0x1b: {  	s9 =	sadd.s32 $0xFFFFFEF7, lr;
	s5 =	simm.s32 $0xFFFFFFFF;
	p2 =	slt.u32 s8, $0xFFFFF086  }
0x1c: {  	p1 =	slt.u32 s9, $0xF7A;
	s5 =	simm.s32 @!p2 $0x0  }
0x1d: {  	s5 =	simm.s32 @p1 $0x1;
	p0 =	seq.s32 s7, s2  }
0x1e: {  	s7 =	smul.u32 @!p0 $0xF7A, s2;
	p2 =	seq.s32 @!p0 s5, $0x0  }
0x1f: {  	s9 =	smul.u32 $0xF7A, s1;
	s8 =	simm.s32 @!p0 $0x1BF5;
	p2 =	por !p2, p0  }
0x20: {  	[sflag:s8] =	ssyncset.s32 @!p0 $0xFFFFF086;
	s6 =	sadd.s32 @!p0 s3, s7;
	s7 =	simm.s32 @!p0 $0x108  }
0x21: {  	s3 =	sadd.s32 s3, s9;
	s6 =	sadd.s32 @!p0 $0x88, s6;
	s7 =	simm.s32 @p2 $0x1082  }
0x22: {  	[simem:s7], [sflag:s8] =	dma.local @!p0 [hbm:s6], $0xF7A  }
0x23: {  	s9 =	sor.u32 $0xD0000000, s2;
	s6 =	simm.s32 $0x108;
	_ =	swait.ge @!p0 [sflag:s8], $0x0  }
0x24: {  	s3 =	sadd.s32 $0x88, s3;
	s6 =	simm.s32 @!p1 $0x1082;
	[sflag:s4] =	ssyncset.s32 $0xFFFFF086  }
0x25: {  	[simem:s6], [sflag:s4] =	dma.local [hbm:s3], $0xF7A  }
0x26: {  	[smem:$0x3F90] =	sst s1;
	(tag) =	ssettag s2;
	_ =	strace s9  }
0x27: {  	s1 =	sld [smem:$0x3FA0]  }
0x28: {  	s2 =	sld [smem:$0x3FA1]  }
0x29: {  	s4 =	sld [smem:$0x3FA3]  }
0x2a: {  	p0 =	seq.s32 s5, $0x0;
	s5 =	sld [smem:$0x3FA4]  }
0x2b: {  	s6 =	sld [smem:$0x3FA5]  }
0x2c: {  	s7 =	sld [smem:$0x3FA6]  }
0x2d: {  	s3 =	simm.s32 $0x108;
	s8 =	sld [smem:$0x3FA7]  }
0x2e: {  	s3 =	simm.s32 @!p0 $0x1082;
	s9 =	sld [smem:$0x3FA8]  }
0x2f: {  	lr =	sadd.s32 s0, s3;
	s0 =	sld [smem:$0x3F9F]  }
0x30: {  	s3 =	sld [smem:$0x3FA2]  }
0x31: {  	[smem:$0x3FAB] =	sst s10  }
0x32: {  	s10 =	sld [smem:$0x3FA9];
	_ =	sdelay $0x3  }
0x33: {  	p0 =	seq.s32 s10, $0x1;
	s10 =	sld [smem:$0x3FAB];
	_ =	sdelay $0x3  }
0x34: {  	[smem:$0x3FAB] =	sst s10  }
0x35: {  	s10 =	sld [smem:$0x3FAA];
	_ =	sdelay $0x3  }
0x36: {  	p1 =	seq.s32 s10, $0x1;
	s10 =	sld [smem:$0x3FAB];
	_ =	sdelay $0x3  }
0x37: {  	[smem:$0x3FAB] =	sst s10  }
0x38: {  	s10 =	sld [smem:$0x3FAC]  }
0x39: {  	_ = 	snop;
	(pc) =	sbr.ind lr, $3  }
0x3a: {  	_ = 	snop  }
0x3b: {  	_ = 	snop  }
0x3c: {  	p2 =	seq.s32 s10, $0x1;
	s10 =	sld [smem:$0x3FAB]  }
0x3d: {  	_ =	shalt  }
0x3e: {  	_ =	shalt  }
0x3f: {  	_ =	shalt  }
0x40: {  	_ =	shalt  }
0x41: {  	_ =	shalt  }
0x42: {  	_ =	shalt  }
0x43: {  	_ =	shalt  }
0x44: {  	_ =	shalt  }
0x45: {  	_ =	shalt  }
0x46: {  	_ =	shalt  }
0x47: {  	_ =	shalt  }
0x48: {  	_ =	shalt  }
0x49: {  	_ =	shalt  }
0x4a: {  	_ =	shalt  }
0x4b: {  	_ =	shalt  }
0x4c: {  	_ =	shalt  }
0x4d: {  	_ =	shalt  }
0x4e: {  	_ =	shalt  }
0x4f: {  	_ =	shalt  }
0x50: {  	_ =	shalt  }
0x51: {  	_ =	shalt  }
0x52: {  	_ =	shalt  }
0x53: {  	_ =	shalt  }
0x54: {  	_ =	shalt  }
0x55: {  	_ =	shalt  }
0x56: {  	_ =	shalt  }
0x57: {  	_ =	shalt  }
0x58: {  	_ =	shalt  }
0x59: {  	_ =	shalt  }
0x5a: {  	_ =	shalt  }
0x5b: {  	_ =	shalt  }
0x5c: {  	_ =	shalt  }
0x5d: {  	_ =	shalt  }
0x5e: {  	_ =	shalt  }
0x5f: {  	_ =	shalt  }
0x60: {  	_ =	shalt  }
0x61: {  	_ =	shalt  }
0x62: {  	_ =	shalt  }
0x63: {  	_ =	shalt  }
0x64: {  	_ =	shalt  }
0x65: {  	_ =	shalt  }
0x66: {  	_ =	shalt  }
0x67: {  	_ =	shalt  }
0x68: {  	_ =	shalt  }
0x69: {  	_ =	shalt  }
0x6a: {  	_ =	shalt  }
0x6b: {  	_ =	shalt  }
0x6c: {  	_ =	shalt  }
0x6d: {  	_ =	shalt  }
0x6e: {  	_ =	shalt  }
0x6f: {  	_ =	shalt  }
0x70: {  	_ =	shalt  }
0x71: {  	_ =	shalt  }
0x72: {  	_ =	shalt  }
0x73: {  	_ =	shalt  }
0x74: {  	_ =	shalt  }
0x75: {  	_ =	shalt  }
0x76: {  	_ =	shalt  }
0x77: {  	_ =	shalt  }
0x78: {  	_ =	shalt  }
0x79: {  	_ =	shalt  }
0x7a: {  	_ =	shalt  }
0x7b: {  	_ =	shalt  }
0x7c: {  	_ =	shalt  }
0x7d: {  	_ =	shalt  }
0x7e: {  	_ =	shalt  }
0x7f: {  	_ =	shalt  }
0x80: {  	_ =	shalt  }
0x81: {  	_ =	shalt  }
0x82: {  	_ =	shalt  }
0x83: {  	_ =	shalt  }
0x84: {  	_ =	shalt  }
0x85: {  	_ =	shalt  }
0x86: {  	_ =	shalt  }
0x87: {  	_ =	shalt  }
.Lfunc_end0:
.L_simem_size_0:
called_computation.3_lowered:
.L_overlay_start_0:
0x88: {  	s2 =	sld [smem:$0x3FD9]  }
0x89: {  	s3 =	sld [smem:$0x3FFE];
	_ =	sdelay $0x1  }
0x8a: {  	s1 =	srdreg.scid  }
0x8b: {  	s0 =	sand.u32 $0x1, s1  }
0x8c: {  	s16 =	sshll.u32 s0, $0xA;
	s2 =	sadd.s32 s3, s2  }
0x8d: {  	s2 =	sadd.s32 s2, s16  }
0x8e: {  	[smem:$0x3FB7] =	sst s2  }
0x8f: {  	_ = 	snop  }
0x90: {  	(tm) =	ssettm $0x1  }
0x91: {  	s17 =	sld [smem:$0x3FFB];
	_ =	sdelay $0x3  }
0x92: {  	_ =	strace s17  }
0x93: {  	s2 =	sld [smem:$0x3FFC];
	_ =	sdelay $0x3  }
0x94: {  	_ =	strace s2  }
0x95: {  	s2 =	sld [smem:$0x3FFD];
	_ =	sdelay $0x3  }
0x96: {  	_ =	strace s2  }
0x97: {  	_ =	strace $0x8FFFFFFF  }
0x98: {  	s18 =	sld [smem:$0x3FDB];
	_ =	sdelay $0x1  }
0x99: {  	s19 =	simm.s32 $_scs_section_size  }
0x9a: {  	s4 =	simm.s32 $_size__tile_overlayer_lowered;
	s5 =	simm.s32 $_tile_overlayer_lowered  }
0x9b: {  	s22 =	simm.s32 $0x1BFF;
	s21 =	sshll.u32 s5, $0x1;
	s2 =	sadd.s32 s19, s18  }
0x9c: {  	s6 =	simm.s32 $0x0;
	s20 =	sshll.u32 s4, $0x1;
	s4 =	sadd.s32 s21, s2  }
0x9d: {  	[timem:s6], [sflag:s22] =	dma.local [hbm:s4], s20  }
0x9e: {  	_ =	swait.ge [sflag:s22], s20  }
0x9f: {  	s3 =	ssub.s32 $0x0, s20;
	[sflag:s22] =	ssyncset.done $0x0  }
0xa0: {  	[sflag:s22] =	ssyncadd.s32 s3;
	_ =	sdelay $0x1  }
0xa1: {  	s23 =	simm.s32 $0x1B8B  }
0xa2: {  	_ =	swait.ge [sflag:s23], $0x1  }
0xa3: {  	[sflag:s23] =	ssyncset.done $0x0  }
0xa4: {  	s25 =	simm.s32 $0x1B8E;
	s24 =	sld [smem:$0x3FFE];
	[sflag:s23] =	ssyncadd.s32 $0xFFFFFFFF  }
0xa5: {  	s26 =	simm.s32 $execute0_lowered;
	[smem:$0x3FD2] =	sst s25  }
0xa6: {  	s4 =	sshll.u32 s26, $0x1;
	_ =	strace $0x8000004F;
	[dreg:$0x1] =	wrdreg $0xFFFFFFFF  }
0xa7: {  	s28 =	simm.s32 $_size_execute0_lowered;
	s2 =	sadd.s32 s2, s4;
	[dreg:$0x0] =	wrdreg $0x0  }
0xa8: {  	s4 =	sshll.u32 s28, $0x1;
	[dreg:$0x2] =	wrdreg s2  }
0xa9: {  	[dreg:$0x3] =	wrdreg s4  }
0xaa: {  	[dreg:$0x4] =	wrdreg $0xC0  }
0xab: {  	_ =	task [dreg:s6], $0x5FFFF  }
0xac: {  	[dreg:$0x1] =	wrdreg $0xFFFFFFFF  }
0xad: {  	[dreg:$0x0] =	wrdreg $0x60  }
0xae: {  	[dreg:$0x2] =	wrdreg s24  }
0xaf: {  	[dreg:$0x3] =	wrdreg $0x109D00  }
0xb0: {  	[dreg:$0x4] =	wrdreg $0x109C00  }
0xb1: {  	[dreg:$0x5] =	wrdreg $0x9  }
0xb2: {  	_ =	task.clear_ibuf [dreg:s6], $0x6FFFF;
	_ =	strace $0x9000004F  }
0xb3: {  	s29 =	simm.s32 $0x9;
	_ =	strace $0x80000051  }
0xb4: {  	_ =	swait.ge [sflag:s29], $0x1  }
0xb5: {  	[sflag:s29] =	ssyncadd.s32 $0xFFFFFFFF  }
0xb6: {  	_ =	strace $0x90000051  }
0xb7: {  	_ =	sfence  }
0xb8: {  	s30 =	sld [smem:$0x0];
	_ =	sdelay $0x2  }
0xb9: {  	s31 =	sshll.u32 s1, $0xD;
	s1 =	sshrl.u32 s1, $0x2  }
0xba: {  	s3 =	sand.u32 $0x4000, s31;
	s1 =	sadd.s32 s1, s30  }
0xbb: {  	s0 =	sor.u32 s3, s0;
	s1 =	sshll.u32 s1, $0x11  }
0xbc: {  	s0 =	sor.u32 s1, s0  }
0xbd: {  	s0 =	sadd.s32 $0x8F2B, s0  }
0xbe: {  	[sflag:s0] =	ssyncadd.remote.s32 $0x1  }
0xbf: {  	_ =	sfence.sel $0xFFFF  }
0xc0: {  	[dreg:$0x0] =	wrdreg $0xFFFFFFFF;
	(pc) =	sbr.abs _section_cstart, $3  }
0xc1: {  	[dreg:$0x1] =	wrdreg $0xFFFFFFFF  }
0xc2: {  	_ =	task.clear_ibuf [dreg:s6], $0x2FFFF;
	_ =	strace $0x9FFFFFFF  }
0xc3: {  	(tm) =	ssettm $0x7FFFFFFF  }
tec
execute0_lowered:
.L_overlay_start_1:
0x0: {  	(tag) =	ssettag $0x1  }
0x1: {  	s7 =	rddreg [dreg:$0x0]  }
0x2: {  	s1 =	rddreg [dreg:$0x1]  }
0x3: {  	s2 =	rddreg [dreg:$0x2]  }
0x4: {  	s0 =	rddreg [dreg:$0x3]  }
0x5: {  	s4 =	srdreg.scid;
	s17 =	stileid.u32;
	s3 =	simm.s32 $0x0  }
0x6: {  	s14 =	simm.s32 $0x5000;
	s20 =	simm.s32 $0x50;
	s21 =	simm.s32 $0x10910  }
0x7: {  	s22 =	simm.s32 $0x0;
	s8 =	sand.u32 $0x1, s4;
	s12 =	smul.u32 $0x60, s17  }
0x8: {  	[smem:$0x7FF] =	sst s3;
	s4 =	sadd.s32 $0x4000, s7;
	s5 =	sadd.s32 $0x10000, s7  }
0x9: {  	s6 =	sadd.s32 $0x16000, s7;
	s11 =	sshll.u32 s17, $0x4;
	p0 =	sne.s32 s17, $0x0  }
0xa: {  	s17 =	simm.s32 $0x10800;
	s9 =	smul.u32 $0x30, s8;
	s10 =	ssub.s32 $0x2, s8  }
0xb: {  	_ =	strace $0x80000050;
	s8 =	smul.u32 $0x6000, s8;
	s30 =	sshrl.u32 s10, $0x1  }
0xc: {  	s13 =	sor.u32 $0x10, s12;
	s15 =	sadd.s32 $0x20, s12;
	s16 =	sadd.s32 $0x30, s12  }
0xd: {  	v0 =	vlaneseq.u32;
	s18 =	sadd.s32 $0x40, s12;
	s19 =	sadd.s32 $0x50, s12;
	s9 =	sadd.s32 s9, s12  }
0xe: {  	v1 =	vor.u32 s12, v0;
	s10 =	ssub.s32 s10, s30;
	s31 =	sshrl.u32 s8, $0x2;
	s12 =	simm.s32 $0x60  }
0xf: {  	v2 =	vor.u32 s13, v0;
	s13 =	simm.s32 $0x10960;
	v3 =	vor.u32 s15, v0;
	v4 =	vor.u32 s16, v0;
	s15 =	simm.s32 $0x1;
	s16 =	simm.s32 $0x8000  }
0x10: {  	v5 =	vor.u32 s18, v0;
	v6 =	vor.u32 s19, v0;
	s18 =	simm.s32 $0x10810;
	s19 =	simm.s32 $0xE000;
	s9 =	sshll.u32 s9, $0x4  }
0x11: {  	v7 =	vimm.f32 $0.0e+00;
	v8 =	vor.u32 $0x10, v0;
	s10 =	smax.u32 s10, $0x1;
	s9 =	sadd.s32 s9, s7;
	s7 =	sadd.s32 s11, s2  }
0x12: {  	v9 =	vor.u32 $0x20, v0;
	v10 =	vor.u32 $0x30, v0;
	v11 =	vor.u32 $0x40, v0;
	s11 =	simm.s32 $0x2;
	s8 =	sadd.s32 $0x4A00, s9;
	s9 =	sadd.s32 $0xB000, s31  }
.LBB2_1:
0x13: {  	[tilespmem:s3], [sflag:$0x2] =	stream.linear.gather [hbm4b:s4+s3], $0x5000, $0x38;
	[tilespmem:$0x10C50] =	vst v63  }
0x14: {  	_ =	swait.ge [sflag:s11], $0x5000  }
0x15: {  	[sflag:s11] =	ssyncset.done $0x0  }
0x16: {  	[sflag:s11] =	ssyncadd.s32 $0xFFFFB000  }
0x17: {  	[tilespmem:$0x4E20] =	vst v7  }
0x18: {  	[tilespmem:$0x4E30] =	vst v7  }
0x19: {  	[tilespmem:$0x4E40] =	vst v7  }
0x1a: {  	[tilespmem:$0x4E50] =	vst v7  }
0x1b: {  	[tilespmem:$0x4E60] =	vst v7  }
0x1c: {  	[tilespmem:$0x4E70] =	vst v7  }
0x1d: {  	[tilespmem:$0x4E80] =	vst v7  }
0x1e: {  	[tilespmem:$0x4E90] =	vst v7  }
0x1f: {  	[tilespmem:$0x4EA0] =	vst v7  }
0x20: {  	[tilespmem:$0x4EB0] =	vst v7  }
0x21: {  	[tilespmem:$0x4EC0] =	vst v7  }
0x22: {  	[tilespmem:$0x4ED0] =	vst v7  }
0x23: {  	[tilespmem:$0x4EE0] =	vst v7  }
0x24: {  	[tilespmem:$0x4EF0] =	vst v7  }
0x25: {  	[tilespmem:$0x4F00] =	vst v7  }
0x26: {  	[tilespmem:$0x4F10] =	vst v7  }
0x27: {  	[tilespmem:$0x4F20] =	vst v7  }
0x28: {  	[tilespmem:$0x4F30] =	vst v7  }
0x29: {  	[tilespmem:$0x4F40] =	vst v7  }
0x2a: {  	[tilespmem:$0x4F50] =	vst v7  }
0x2b: {  	[tilespmem:$0x4F60] =	vst v7  }
0x2c: {  	[tilespmem:$0x4F70] =	vst v7  }
0x2d: {  	[tilespmem:$0x4F80] =	vst v7  }
0x2e: {  	[tilespmem:$0x4F90] =	vst v7  }
0x2f: {  	[tilespmem:$0x4FA0] =	vst v7  }
0x30: {  	[tilespmem:$0x4FB0] =	vst v7  }
0x31: {  	[tilespmem:$0x4FC0] =	vst v7  }
0x32: {  	[tilespmem:$0x4FD0] =	vst v7  }
0x33: {  	[tilespmem:$0x4FE0] =	vst v7  }
0x34: {  	[tilespmem:$0x4FF0] =	vst v7  }
0x35: {  	[tilespmem:$0x10960] =	vst v1  }
0x36: {  	[tilespmem:$0x10970] =	vst v2  }
0x37: {  	[tilespmem:$0x10980] =	vst v3  }
0x38: {  	[tilespmem:$0x10990] =	vst v4  }
0x39: {  	[tilespmem:$0x109A0] =	vst v5  }
0x3a: {  	[tilespmem:$0x109B0] =	vst v6  }
0x3b: {  	[tilespmem:s14], [sflag:$0x1] =	stream.indirect.gather [hbm4b:s5+s12], $0x80, s13, s12, $0xb8;
	[tilespmem:$0x10C50] =	vst v63  }
0x3c: {  	_ =	swait.ge [sflag:s15], $0x3000  }
0x3d: {  	[sflag:s15] =	ssyncset.done $0x0  }
0x3e: {  	[sflag:s15] =	ssyncadd.s32 $0xFFFFD000  }
0x3f: {  	[tilespmem:s16], [sflag:$0x1] =	stream.indirect.gather [hbm4b:s6+s12], $0x80, s13, s12, $0xb8;
	[tilespmem:$0x10C50] =	vst v63  }
0x40: {  	s23 =	sand.u32 $0xFE00, s3;
	s24 =	sand.u32 $0x70, s3;
	_ =	swait.ge [sflag:s15], $0x3000  }
0x41: {  	s25 =	sshrl.u32 s23, $0x2;
	s23 =	simm.s32 $0x40;
	[sflag:s15] =	ssyncset.done $0x0  }
0x42: {  	s25 =	sor.u32 s24, s25;
	s24 =	simm.s32 $0x0;
	[sflag:s15] =	ssyncadd.s32 $0xFFFFD000  }
.LBB2_2:
0x43: {  	p1 =	sne.s32 s23, $0x9FC0  }
0x44: {  	[tilespmem:s25+$0xE000] =	vst v7;
	s24 =	sadd.s32 $0x10, s24;
	s25 =	smov.u32 s23;
	s23 =	sadd.s32 $0x40, s23  }
.Ltmp0:
0x45: {  	(pc) =	sbr.rel @p1 .LBB2_2-.Ltmp0, $4  }
0x46: {  	_ = 	snop  }
0x47: {  	s25 =	sand.u32 $0xFE00, s25  }
0x48: {  	s26 =	sand.u32 $0x70, s24;
	s25 =	sshrl.u32 s25, $0x2  }
0x49: {  	s25 =	sor.u32 s26, s25  }
0x4a: {  	[tilespmem:s25+$0xE000] =	vst v7  }
0x4b: {  	[tilespmem:$0x10910] =	vst v0  }
0x4c: {  	[tilespmem:$0x10920] =	vst v8  }
0x4d: {  	[tilespmem:$0x10930] =	vst v9  }
0x4e: {  	[tilespmem:$0x10940] =	vst v10  }
0x4f: {  	s23 =	simm.s32 @!p0 $0xE000;
	[tilespmem:$0x10950] =	vst v11  }
0x50: {  	[spmem:s1] =	stream.linear.scatter @!p0 [tilespmem:s23], [sflag:$0x2], $0x2800, $0x38;
	[tilespmem:$0x10C50] =	vst v63  }
0x51: {  	s23 =	simm.s32 @!p0 $0x2  }
0x52: {  	_ =	swait.ge @!p0 [sflag:s23], $0x2800  }
0x53: {  	[sflag:s23] =	ssyncset.done @!p0 $0x0  }
0x54: {  	[sflag:s23] =	ssyncadd.s32 @!p0 $0xFFFFD800;
	s23 =	simm.s32 $0x0  }
0x55: {  	v12 =	vld [tilespmem:s23+$0x8000]  }
0x56: {  	v13 =	vld [tilespmem:s23+$0x5000];
	_ =	sdelay $0x4  }
0x57: {  	v12 =	vshll.u32 v12, $0x1;
	v14 =	vshll.u32 v13, $0x1  }
0x58: {  	v12 =	vor.u32 $0x1, v12;
	_ =	sdelay $0x1  }
0x59: {  	s24 =	simm.s32 $0x10  }
0x5a: {  	v15 =	vld [tilespmem:s24+$0x8000]  }
0x5b: {  	v14 =	vld.idx.msk [tilespmem:v14+s3+$0x0], $0xffff  }
0x5c: {  	s25 =	simm.s32 $0x80;
	v13 =	vld.idx.msk [tilespmem:v12+s3+$0x0], $0xffff;
	v12 =	vimm.f32 $-1.000000020e+30  }
.LBB2_4:
0x5d: {  	p1 =	sne.s32 s25, $0xBFC0  }
0x5e: {  	v16 =	vld [tilespmem:s24+$0x5000];
	_ =	sdelay $0x2  }
0x5f: {  	v13 =	vadd.f32 v13, v14;
	v15 =	vshll.u32 v15, $0x1  }
0x60: {  	v14 =	vor.u32 $0x1, v15  }
0x61: {  	v15 =	vshll.u32 v16, $0x1;
	v16 =	vmul.f32 $2.000000030e-01, v13  }
0x62: {  	vm0 =	vge.f32 v13, $0.0e+00  }
.Ltmp1:
0x63: {  	v13 =	vsel vm0, v13, v16;
	(pc) =	sbr.rel @p1 .LBB2_4-.Ltmp1, $4  }
0x64: {  	[tilespmem:s23+$0xB000] =	vst v13;
	v12 =	vmax.f32 v12, v13;
	s23 =	smov.u32 s24  }
0x65: {  	v13 =	vld.idx.msk [tilespmem:v14+s3+$0x0], $0xffff  }
0x66: {  	s24 =	sshra.s32 s25, $0x2;
	v14 =	vld.idx.msk [tilespmem:v15+s3+$0x0], $0xffff  }
0x67: {  	s25 =	sadd.s32 $0x40, s25;
	v15 =	vld [tilespmem:s24+$0x8000]  }
0x68: {  	_ = 	snop  }
0x69: {  	v16 =	vld [tilespmem:s24+$0x5000];
	_ =	sdelay $0x2  }
0x6a: {  	v13 =	vadd.f32 v13, v14;
	v15 =	vshll.u32 v15, $0x1  }
0x6b: {  	v14 =	vor.u32 $0x1, v15  }
0x6c: {  	v15 =	vshll.u32 v16, $0x1;
	v58 =	vmul.f32 $2.000000030e-01, v13  }
0x6d: {  	vm0 =	vge.f32 v13, $0.0e+00  }
0x6e: {  	v13 =	vsel vm0, v13, v58  }
0x6f: {  	[tilespmem:s23+$0xB000] =	vst v13  }
0x70: {  	v14 =	vld.idx.msk [tilespmem:v14+s3+$0x0], $0xffff  }
0x71: {  	v15 =	vld.idx.msk [tilespmem:v15+s3+$0x0], $0xffff;
	_ =	sdelay $0x4  }
0x72: {  	v14 =	vadd.f32 v14, v15;
	_ =	sdelay $0x1  }
0x73: {  	v15 =	vmul.f32 $2.000000030e-01, v14  }
0x74: {  	vm15 =	vge.f32 v14, $0.0e+00  }
0x75: {  	v12 =	vmax.f32 v12, v13;
	v13 =	vsel vm15, v14, v15  }
0x76: {  	[tilespmem:s24+$0xB000] =	vst v13;
	v12 =	vmax.f32 v12, v13  }
0x77: {  	[tilespmem:$0x10800] =	vst v12  }
0x78: {  	[spmem:s7] =	stream.linear.scatter [tilespmem:s17], [sflag:$0x2], $0x10, $0x38;
	[tilespmem:$0x10C50] =	vst v63  }
0x79: {  	_ =	swait.ge [sflag:s11], $0x10  }
0x7a: {  	[sflag:s11] =	ssyncset.done $0x0  }
0x7b: {  	[sflag:s11] =	ssyncadd.s32 $0xFFFFFFF0  }
0x7c: {  	[bflag:$0x0] =	sbarrier.arrive $0xFFFF  }
0x7d: {  	[tilespmem:s18], [sflag:$0x2] =	stream.linear.gather [spmem:s2], $0x100, $0x38;
	[tilespmem:$0x10C50] =	vst v63  }
0x7e: {  	_ =	swait.ge [sflag:s11], $0x100  }
0x7f: {  	[sflag:s11] =	ssyncset.done $0x0  }
0x80: {  	[sflag:s11] =	ssyncadd.s32 $0xFFFFFF00  }
0x81: {  	v12 =	vld [tilespmem:$0x10810]  }
0x82: {  	v13 =	vld [tilespmem:$0x10820]  }
0x83: {  	v14 =	vld [tilespmem:$0x10830]  }
0x84: {  	v15 =	vld [tilespmem:$0x10840]  }
0x85: {  	v59 =	vld [tilespmem:$0x10850]  }
0x86: {  	v17 =	vld [tilespmem:$0x10860];
	v12 =	vmax.f32 v12, $-1.000000020e+30  }
0x87: {  	v12 =	vmax.f32 v12, v13;
	v13 =	vld [tilespmem:$0x10870]  }
0x88: {  	v12 =	vmax.f32 v12, v14;
	v14 =	vld [tilespmem:$0x10880]  }
0x89: {  	v12 =	vmax.f32 v12, v15;
	v15 =	vld [tilespmem:$0x10890]  }
0x8a: {  	v60 =	vld [tilespmem:$0x108A0];
	v12 =	vmax.f32 v12, v59  }
0x8b: {  	v61 =	vld [tilespmem:$0x108B0];
	v12 =	vmax.f32 v12, v17  }
0x8c: {  	v12 =	vmax.f32 v12, v13;
	v13 =	vld [tilespmem:$0x108C0]  }
0x8d: {  	v12 =	vmax.f32 v12, v14;
	v14 =	vld [tilespmem:$0x108D0]  }
0x8e: {  	v12 =	vmax.f32 v12, v15;
	v15 =	vld [tilespmem:$0x108E0]  }
0x8f: {  	v62 =	vld [tilespmem:$0x108F0];
	v12 =	vmax.f32 v12, v60  }
0x90: {  	v63 =	vld [tilespmem:$0x10900];
	v12 =	vmax.f32 v12, v61  }
0x91: {  	v12 =	vmax.f32 v12, v13  }
0x92: {  	v12 =	vmax.f32 v12, v14  }
0x93: {  	v12 =	vmax.f32 v12, v15  }
0x94: {  	v12 =	vmax.f32 v12, v62  }
0x95: {  	v12 =	vmax.f32 v12, v63  }
0x96: {  	(xrf0) =	vmax.scan.msk.f32 $0xffff, v12;
	_ =	sdelay $0x5  }
0x97: {  	s23 =	simm.s32 $0x0;
	v12, _, _ =	vpop (xrf0)  }
0x98: {  	s24 =	simm.s32 $0x40;
	v13 =	vld [tilespmem:s23+$0xB000];
	v12 =	vbroadcast v12, $0xF  }
.LBB2_6:
0x99: {  	p1 =	sne.s32 s24, $0xBFC0;
	_ =	sdelay $0x3  }
0x9a: {  	v13 =	vsub.f32 v13, v12;
	_ =	sdelay $0x1  }
0x9b: {  	v13 =	vmul.f32 $1.442695020e+00, v13;
	_ =	sdelay $0x1  }
0x9c: {  	(erf) = vpow2.f32 v13;
	_ =	sdelay $0x2  }
0x9d: {  	v13 =	vld [tilespmem:s23+$0x8000];
	_ =	sdelay $0x4  }
.Ltmp2:
0x9e: {  	(pc) =	sbr.rel @p1 .LBB2_6-.Ltmp2, $4  }
0x9f: {  	v14 =	vpop (erf)  }
0xa0: {  	[tilespmem:s23+$0xB000] =	vst v14  }
0xa1: {  	s23 =	sshra.s32 s24, $0x2;
	[tilespmem:v13+s19+$0x0] =	vst.idx.add.f32.msk $0xffff, v14  }
0xa2: {  	s24 =	sadd.s32 $0x40, s24;
	v13 =	vld [tilespmem:s23+$0xB000]  }
0xa3: {  	_ =	sdelay $0x3  }
0xa4: {  	v12 =	vsub.f32 v13, v12;
	_ =	sdelay $0x1  }
0xa5: {  	v12 =	vmul.f32 $1.442695020e+00, v12;
	_ =	sdelay $0x1  }
0xa6: {  	(erf) = vpow2.f32 v12;
	_ =	sdelay $0x2  }
0xa7: {  	v12 =	vld [tilespmem:s23+$0x8000];
	_ =	sdelay $0x5  }
0xa8: {  	v13 =	vpop (erf)  }
0xa9: {  	[tilespmem:s23+$0xB000] =	vst v13  }
0xaa: {  	[tilespmem:v12+s19+$0x0] =	vst.idx.add.f32.msk $0xffff, v13  }
0xab: {  	[spmem:s1] =	stream.indirect.scatter.add.f32 [tilespmem:s19], [sflag:$0x2], $0x80, s21, s20, $0xb8;
	[tilespmem:$0x10C50] =	vst v63  }
0xac: {  	_ =	swait.ge [sflag:s11], $0x2800  }
0xad: {  	[sflag:s11] =	ssyncset.done $0x0  }
0xae: {  	[sflag:s11] =	ssyncadd.s32 $0xFFFFD800  }
0xaf: {  	[bflag:$0x0] =	sbarrier.arrive $0xFFFF  }
0xb0: {  	[tilespmem:s19], [sflag:$0x2] =	stream.linear.gather [spmem:s1], $0x2800, $0x38;
	[tilespmem:$0x10C50] =	vst v63  }
0xb1: {  	_ =	swait.ge [sflag:s11], $0x2800  }
0xb2: {  	[sflag:s11] =	ssyncset.done $0x0  }
0xb3: {  	s23 =	simm.s32 $0x0;
	[sflag:s11] =	ssyncadd.s32 $0xFFFFD800  }
0xb4: {  	v12 =	vld [tilespmem:s23+$0x8000];
	_ =	sdelay $0x7  }
0xb5: {  	v12 =	vld.idx.msk [tilespmem:v12+s19+$0x0], $0xffff;
	_ =	sdelay $0x4  }
0xb6: {  	v12 =	vadd.f32 $1.000000020e-16, v12;
	_ =	sdelay $0x1  }
0xb7: {  	(erf) = vrcp.f32 v12;
	_ =	sdelay $0x2  }
0xb8: {  	s25 =	simm.s32 $0x10  }
0xb9: {  	s24 =	simm.s32 $0x80;
	v12 =	vld [tilespmem:s25+$0x8000]  }
.LBB2_8:
0xba: {  	p1 =	sne.s32 s24, $0xBFC0;
	v13 =	vld [tilespmem:s23+$0xB000];
	_ =	sdelay $0x3  }
0xbb: {  	v14 =	vpop (erf)  }
0xbc: {  	v13 =	vmul.f32 v14, v13;
	_ =	sdelay $0x1  }
0xbd: {  	[tilespmem:s23+$0xB000] =	vst v13;
	s23 =	smov.u32 s25  }
0xbe: {  	v12 =	vld.idx.msk [tilespmem:v12+s19+$0x0], $0xffff;
	_ =	sdelay $0x5  }
0xbf: {  	v12 =	vadd.f32 $1.000000020e-16, v12;
	_ =	sdelay $0x1  }
.Ltmp3:
0xc0: {  	(erf) = vrcp.f32 v12;
	(pc) =	sbr.rel @p1 .LBB2_8-.Ltmp3, $3  }
0xc1: {  	_ =	sdelay $0x1  }
0xc2: {  	s25 =	sshra.s32 s24, $0x2  }
0xc3: {  	s24 =	sadd.s32 $0x40, s24;
	v12 =	vld [tilespmem:s25+$0x8000]  }
0xc4: {  	v13 =	vld [tilespmem:s23+$0xB000];
	_ =	sdelay $0x3  }
0xc5: {  	v14 =	vpop (erf)  }
0xc6: {  	v13 =	vmul.f32 v14, v13;
	_ =	sdelay $0x1  }
0xc7: {  	[tilespmem:s23+$0xB000] =	vst v13  }
0xc8: {  	v12 =	vld.idx.msk [tilespmem:v12+s19+$0x0], $0xffff;
	_ =	sdelay $0x4  }
0xc9: {  	v12 =	vadd.f32 $1.000000020e-16, v12;
	_ =	sdelay $0x1  }
0xca: {  	(erf) = vrcp.f32 v12;
	_ =	sdelay $0x4  }
0xcb: {  	v62 =	vld [tilespmem:s25+$0xB000];
	_ =	sdelay $0x3  }
0xcc: {  	v63 =	vpop (erf)  }
0xcd: {  	s22 =	sadd.s32 $0x1, s22;
	v12 =	vmul.f32 v63, v62  }
0xce: {  	p1 =	sne.s32 s22, s10  }
.Ltmp4:
0xcf: {  	[tilespmem:s25+$0xB000] =	vst v12;
	(pc) =	sbr.rel @p1 .LBB2_1-.Ltmp4, $4  }
0xd0: {  	[hbm4b:s8+s3] =	stream.linear.scatter [tilespmem:s9], [sflag:$0x2], $0x1800, $0x38;
	[tilespmem:$0x10C50] =	vst v63  }
0xd1: {  	_ =	swait.ge [sflag:s11], $0x1800  }
0xd2: {  	[sflag:s11] =	ssyncset.done $0x0  }
0xd3: {  	[sflag:s11] =	ssyncadd.s32 $0xFFFFE800  }
0xd4: {  	_ =	sfence.sel $0x180000  }
0xd5: {  	[bflag:$0x0] =	sbarrier.arrive $0xFFFF  }
0xd6: {  	_ =	strace $0x90000050  }
0xd7: {  	s0 =	sadd.s32 @!p0 $0x100000, s0;
	[bflag:$0x2] =	sbarrier.arrive $0xFFFF  }
0xd8: {  	[sflag:s0] =	ssyncadd.tile.s32 @!p0 $0x1;
	_ =	shalt  }
.Lfunc_end2:
_tile_overlayer_lowered:
.L_overlay_start_2:
0xd9: {  	(tag) =	ssettag $0x2  }
0xda: {  	s0 =	rddreg [dreg:$0x0];
	s2 =	stileid.u32  }
0xdb: {  	s1 =	rddreg [dreg:$0x1];
	p0 =	sne.s32 s2, $0x0  }
0xdc: {  	s3 =	rddreg [dreg:$0x2];
	[bflag:$0x3] =	sbarrier.arrive $0xFFFF;
	s2 =	simm.s32 @!p0 $0x1C02  }
0xdd: {  	[timem:s3], [sflag:s2] =	dma.local @!p0 [hbm:s0], s1  }
0xde: {  	s0 =	simm.s32 @!p0 $0x2  }
0xdf: {  	_ =	swait.ge @!p0 [sflag:s0], s1  }
0xe0: {  	s1 =	ssub.s32 @!p0 $0x0, s1;
	[sflag:s0] =	ssyncset.done @!p0 $0x0  }
0xe1: {  	[sflag:s0] =	ssyncadd.s32 @!p0 s1  }
0xe2: {  	[bflag:$0x3] =	sbarrier.arrive $0xFFFF  }
0xe3: {  	_ =	shalt  }

// kernel: kernel.25.cloned.1.call-start
scs
__scs_entry_jumppad:
0x0: {  	(pc) =	sbr.rel $0x88, $3  }
0x1: {  	(tag) =	ssettag $0x0;
	lr =	simm.s32 $0x1  }
0x2: {  	[smem:$0x3F90] =	sst lr;
	_ =	strace $0xD0000000  }
0x3: {  	_ = 	snop  }
0x4: {  	_ = 	snop  }
0x5: {  	_ = 	snop  }
0x6: {  	_ = 	snop  }
0x7: {  	_ = 	snop  }
__scs_overlays_trampoline_lowered:
0x8: {  	[smem:$0x3F9F] =	sst s0  }
0x9: {  	[smem:$0x3FA0] =	sst s1  }
0xa: {  	[smem:$0x3FA1] =	sst s2  }
0xb: {  	[smem:$0x3FA2] =	sst s3  }
0xc: {  	[smem:$0x3FA3] =	sst s4  }
0xd: {  	[smem:$0x3FA4] =	sst s5  }
0xe: {  	[smem:$0x3FA5] =	sst s6  }
0xf: {  	[smem:$0x3FA6] =	sst s7  }
0x10: {  	[smem:$0x3FA7] =	sst s8  }
0x11: {  	[smem:$0x3FA8] =	sst s9;
	s0 =	simm.s32 @!p0 $0x0  }
0x12: {  	s1 =	sld [smem:$0x3F8E];
	s0 =	simm.s32 @p0 $0x1  }
0x13: {  	[smem:$0x3FA9] =	sst s0;
	s0 =	simm.s32 @!p1 $0x0  }
0x14: {  	s2 =	sld [smem:$0x3F8D];
	s0 =	simm.s32 @p1 $0x1  }
0x15: {  	[smem:$0x3FAA] =	sst s0;
	s0 =	simm.s32 @!p2 $0x0  }
0x16: {  	s3 =	sld [smem:$0x3FDB];
	s0 =	simm.s32 @p2 $0x1  }
0x17: {  	s4 =	simm.s32 $0x1BF5;
	[smem:$0x3FAC] =	sst s0  }
0x18: {  	s0 =	sld [smem:$0x3F8F];
	_ =	swait.ge [sflag:s4], $0x0  }
0x19: {  	s7 =	sld [smem:$0x3F90]  }
0x1a: {  	s8 =	sadd.s32 $0xFFFFE003, lr  }
0x1b: {  	s9 =	sadd.s32 $0xFFFFFEF7, lr;
	s5 =	simm.s32 $0xFFFFFFFF;
	p2 =	slt.u32 s8, $0xFFFFF086  }
0x1c: {  	p1 =	slt.u32 s9, $0xF7A;
	s5 =	simm.s32 @!p2 $0x0  }
0x1d: {  	s5 =	simm.s32 @p1 $0x1;
	p0 =	seq.s32 s7, s2  }
0x1e: {  	s7 =	smul.u32 @!p0 $0xF7A, s2;
	p2 =	seq.s32 @!p0 s5, $0x0  }
0x1f: {  	s9 =	smul.u32 $0xF7A, s1;
	s8 =	simm.s32 @!p0 $0x1BF5;
	p2 =	por !p2, p0  }
0x20: {  	[sflag:s8] =	ssyncset.s32 @!p0 $0xFFFFF086;
	s6 =	sadd.s32 @!p0 s3, s7;
	s7 =	simm.s32 @!p0 $0x108  }
0x21: {  	s3 =	sadd.s32 s3, s9;
	s6 =	sadd.s32 @!p0 $0x88, s6;
	s7 =	simm.s32 @p2 $0x1082  }
0x22: {  	[simem:s7], [sflag:s8] =	dma.local @!p0 [hbm:s6], $0xF7A  }
0x23: {  	s9 =	sor.u32 $0xD0000000, s2;
	s6 =	simm.s32 $0x108;
	_ =	swait.ge @!p0 [sflag:s8], $0x0  }
0x24: {  	s3 =	sadd.s32 $0x88, s3;
	s6 =	simm.s32 @!p1 $0x1082;
	[sflag:s4] =	ssyncset.s32 $0xFFFFF086  }
0x25: {  	[simem:s6], [sflag:s4] =	dma.local [hbm:s3], $0xF7A  }
0x26: {  	[smem:$0x3F90] =	sst s1;
	(tag) =	ssettag s2;
	_ =	strace s9  }
0x27: {  	s1 =	sld [smem:$0x3FA0]  }
0x28: {  	s2 =	sld [smem:$0x3FA1]  }
0x29: {  	s4 =	sld [smem:$0x3FA3]  }
0x2a: {  	p0 =	seq.s32 s5, $0x0;
	s5 =	sld [smem:$0x3FA4]  }
0x2b: {  	s6 =	sld [smem:$0x3FA5]  }
0x2c: {  	s7 =	sld [smem:$0x3FA6]  }
0x2d: {  	s3 =	simm.s32 $0x108;
	s8 =	sld [smem:$0x3FA7]  }
0x2e: {  	s3 =	simm.s32 @!p0 $0x1082;
	s9 =	sld [smem:$0x3FA8]  }
0x2f: {  	lr =	sadd.s32 s0, s3;
	s0 =	sld [smem:$0x3F9F]  }
0x30: {  	s3 =	sld [smem:$0x3FA2]  }
0x31: {  	[smem:$0x3FAB] =	sst s10  }
0x32: {  	s10 =	sld [smem:$0x3FA9];
	_ =	sdelay $0x3  }
0x33: {  	p0 =	seq.s32 s10, $0x1;
	s10 =	sld [smem:$0x3FAB];
	_ =	sdelay $0x3  }
0x34: {  	[smem:$0x3FAB] =	sst s10  }
0x35: {  	s10 =	sld [smem:$0x3FAA];
	_ =	sdelay $0x3  }
0x36: {  	p1 =	seq.s32 s10, $0x1;
	s10 =	sld [smem:$0x3FAB];
	_ =	sdelay $0x3  }
0x37: {  	[smem:$0x3FAB] =	sst s10  }
0x38: {  	s10 =	sld [smem:$0x3FAC]  }
0x39: {  	_ = 	snop;
	(pc) =	sbr.ind lr, $3  }
0x3a: {  	_ = 	snop  }
0x3b: {  	_ = 	snop  }
0x3c: {  	p2 =	seq.s32 s10, $0x1;
	s10 =	sld [smem:$0x3FAB]  }
0x3d: {  	_ =	shalt  }
0x3e: {  	_ =	shalt  }
0x3f: {  	_ =	shalt  }
0x40: {  	_ =	shalt  }
0x41: {  	_ =	shalt  }
0x42: {  	_ =	shalt  }
0x43: {  	_ =	shalt  }
0x44: {  	_ =	shalt  }
0x45: {  	_ =	shalt  }
0x46: {  	_ =	shalt  }
0x47: {  	_ =	shalt  }
0x48: {  	_ =	shalt  }
0x49: {  	_ =	shalt  }
0x4a: {  	_ =	shalt  }
0x4b: {  	_ =	shalt  }
0x4c: {  	_ =	shalt  }
0x4d: {  	_ =	shalt  }
0x4e: {  	_ =	shalt  }
0x4f: {  	_ =	shalt  }
0x50: {  	_ =	shalt  }
0x51: {  	_ =	shalt  }
0x52: {  	_ =	shalt  }
0x53: {  	_ =	shalt  }
0x54: {  	_ =	shalt  }
0x55: {  	_ =	shalt  }
0x56: {  	_ =	shalt  }
0x57: {  	_ =	shalt  }
0x58: {  	_ =	shalt  }
0x59: {  	_ =	shalt  }
0x5a: {  	_ =	shalt  }
0x5b: {  	_ =	shalt  }
0x5c: {  	_ =	shalt  }
0x5d: {  	_ =	shalt  }
0x5e: {  	_ =	shalt  }
0x5f: {  	_ =	shalt  }
0x60: {  	_ =	shalt  }
0x61: {  	_ =	shalt  }
0x62: {  	_ =	shalt  }
0x63: {  	_ =	shalt  }
0x64: {  	_ =	shalt  }
0x65: {  	_ =	shalt  }
0x66: {  	_ =	shalt  }
0x67: {  	_ =	shalt  }
0x68: {  	_ =	shalt  }
0x69: {  	_ =	shalt  }
0x6a: {  	_ =	shalt  }
0x6b: {  	_ =	shalt  }
0x6c: {  	_ =	shalt  }
0x6d: {  	_ =	shalt  }
0x6e: {  	_ =	shalt  }
0x6f: {  	_ =	shalt  }
0x70: {  	_ =	shalt  }
0x71: {  	_ =	shalt  }
0x72: {  	_ =	shalt  }
0x73: {  	_ =	shalt  }
0x74: {  	_ =	shalt  }
0x75: {  	_ =	shalt  }
0x76: {  	_ =	shalt  }
0x77: {  	_ =	shalt  }
0x78: {  	_ =	shalt  }
0x79: {  	_ =	shalt  }
0x7a: {  	_ =	shalt  }
0x7b: {  	_ =	shalt  }
0x7c: {  	_ =	shalt  }
0x7d: {  	_ =	shalt  }
0x7e: {  	_ =	shalt  }
0x7f: {  	_ =	shalt  }
0x80: {  	_ =	shalt  }
0x81: {  	_ =	shalt  }
0x82: {  	_ =	shalt  }
0x83: {  	_ =	shalt  }
0x84: {  	_ =	shalt  }
0x85: {  	_ =	shalt  }
0x86: {  	_ =	shalt  }
0x87: {  	_ =	shalt  }
.Lfunc_end0:
.L_simem_size_0:
called_computation.4_lowered:
.L_overlay_start_0:
0x88: {  	s2 =	sld [smem:$0x3FD9]  }
0x89: {  	s3 =	sld [smem:$0x3FFE];
	_ =	sdelay $0x1  }
0x8a: {  	s1 =	srdreg.scid  }
0x8b: {  	s0 =	sand.u32 $0x1, s1  }
0x8c: {  	s17 =	sshll.u32 s0, $0xA;
	s2 =	sadd.s32 s3, s2  }
0x8d: {  	s2 =	sadd.s32 s2, s17  }
0x8e: {  	[smem:$0x3FB7] =	sst s2  }
0x8f: {  	_ = 	snop  }
0x90: {  	s2 =	sld [smem:$0x3FD0];
	(tm) =	ssettm $0x1  }
0x91: {  	s18 =	sld [smem:$0x3FFB];
	_ =	sdelay $0x3  }
0x92: {  	_ =	strace s18  }
0x93: {  	s3 =	sld [smem:$0x3FFC];
	_ =	sdelay $0x3  }
0x94: {  	_ =	strace s3  }
0x95: {  	s3 =	sld [smem:$0x3FFD];
	_ =	sdelay $0x3  }
0x96: {  	_ =	strace s3  }
0x97: {  	_ =	strace $0x8FFFFFFF  }
0x98: {  	s19 =	sld [smem:$0x3FDB];
	_ =	sdelay $0x1  }
0x99: {  	s4 =	simm.s32 $_scs_section_size  }
0x9a: {  	s5 =	simm.s32 $_size__tile_overlayer_lowered;
	s6 =	simm.s32 $_tile_overlayer_lowered  }
0x9b: {  	s22 =	simm.s32 $0x1BFF;
	s21 =	sshll.u32 s6, $0x1;
	s3 =	sadd.s32 s4, s19  }
0x9c: {  	s7 =	simm.s32 $0x0;
	s20 =	sshll.u32 s5, $0x1;
	s5 =	sadd.s32 s21, s3  }
0x9d: {  	[timem:s7], [sflag:s22] =	dma.local [hbm:s5], s20  }
0x9e: {  	_ =	swait.ge [sflag:s22], s20  }
0x9f: {  	s4 =	ssub.s32 $0x0, s20;
	[sflag:s22] =	ssyncset.done $0x0  }
0xa0: {  	[sflag:s22] =	ssyncadd.s32 s4;
	_ =	sdelay $0x1  }
0xa1: {  	s23 =	simm.s32 $0x1B8B  }
0xa2: {  	_ =	swait.ge [sflag:s23], $0x1  }
0xa3: {  	[sflag:s23] =	ssyncset.done $0x0  }
0xa4: {  	s25 =	simm.s32 $0x1B8E;
	s24 =	sld [smem:$0x3FFE];
	[sflag:s23] =	ssyncadd.s32 $0xFFFFFFFF  }
0xa5: {  	s26 =	simm.s32 $execute0_lowered;
	[smem:$0x3FD2] =	sst s25  }
0xa6: {  	s5 =	sshll.u32 s26, $0x1;
	_ =	strace $0x80000052;
	[dreg:$0x1] =	wrdreg $0xFFFFFFFF  }
0xa7: {  	s28 =	simm.s32 $_size_execute0_lowered;
	s3 =	sadd.s32 s3, s5;
	[dreg:$0x0] =	wrdreg $0x0  }
0xa8: {  	s5 =	sshll.u32 s28, $0x1;
	[dreg:$0x2] =	wrdreg s3  }
0xa9: {  	[dreg:$0x3] =	wrdreg s5  }
0xaa: {  	[dreg:$0x4] =	wrdreg $0xC0  }
0xab: {  	_ =	task [dreg:s7], $0x5FFFF  }
0xac: {  	[dreg:$0x1] =	wrdreg $0xFFFFFFFF  }
0xad: {  	[dreg:$0x0] =	wrdreg $0x60  }
0xae: {  	[dreg:$0x2] =	wrdreg s24  }
0xaf: {  	[dreg:$0x3] =	wrdreg s2  }
0xb0: {  	[dreg:$0x4] =	wrdreg $0xB5600  }
0xb1: {  	[dreg:$0x5] =	wrdreg $0x9  }
0xb2: {  	_ =	task.clear_ibuf [dreg:s7], $0x6FFFF;
	_ =	strace $0x90000052  }
0xb3: {  	s29 =	simm.s32 $0x9;
	_ =	strace $0x80000054  }
0xb4: {  	_ =	swait.ge [sflag:s29], $0x1  }
0xb5: {  	[sflag:s29] =	ssyncadd.s32 $0xFFFFFFFF  }
0xb6: {  	_ =	strace $0x90000054  }
0xb7: {  	_ =	sfence  }
0xb8: {  	s30 =	sld [smem:$0x0];
	_ =	sdelay $0x2  }
0xb9: {  	s31 =	sshll.u32 s1, $0xD;
	s1 =	sshrl.u32 s1, $0x2  }
0xba: {  	s3 =	sand.u32 $0x4000, s31;
	s1 =	sadd.s32 s1, s30  }
0xbb: {  	s0 =	sor.u32 s3, s0;
	s1 =	sshll.u32 s1, $0x11  }
0xbc: {  	s0 =	sor.u32 s1, s0  }
0xbd: {  	s0 =	sadd.s32 $0x8F2B, s0  }
0xbe: {  	[sflag:s0] =	ssyncadd.remote.s32 $0x1  }
0xbf: {  	_ =	sfence.sel $0xFFFF  }
0xc0: {  	[dreg:$0x0] =	wrdreg $0xFFFFFFFF;
	(pc) =	sbr.abs _section_cstart, $3  }
0xc1: {  	[dreg:$0x1] =	wrdreg $0xFFFFFFFF  }
0xc2: {  	_ =	task.clear_ibuf [dreg:s7], $0x2FFFF;
	_ =	strace $0x9FFFFFFF  }
0xc3: {  	(tm) =	ssettm $0x7FFFFFFF  }
tec
execute0_lowered:
.L_overlay_start_1:
0x0: {  	(tag) =	ssettag $0x1  }
0x1: {  	s0 =	rddreg [dreg:$0x0]  }
0x2: {  	s1 =	rddreg [dreg:$0x1]  }
0x3: {  	s2 =	rddreg [dreg:$0x2];
	s3 =	srdreg.scid;
	s4 =	simm.s32 $0x0  }
0x4: {  	s28 =	stileid.u32;
	s14 =	simm.s32 $0x1;
	s15 =	simm.s32 $0x3060  }
0x5: {  	s16 =	simm.s32 $0x6060;
	s19 =	simm.s32 $0xB160;
	s9 =	smul.u32 $0x140, s28  }
0x6: {  	s20 =	sand.u32 $0x1, s3;
	[smem:$0x7FF] =	sst s4;
	s11 =	smul.u32 $0x52000, s28  }
0x7: {  	s5 =	sadd.s32 $0x1C000, s0;
	s6 =	sadd.s32 $0x10000, s0;
	s12 =	smul.u32 $0x50000, s28  }
0x8: {  	s7 =	sadd.s32 $0x16000, s0;
	s8 =	sadd.s32 $0x4A00, s0;
	s18 =	smul.u32 $0x60, s28  }
0x9: {  	s17 =	smul.u32 $0x1400, s20;
	_ =	strace $0x80000053;
	s10 =	ssub.s32 $0x2, s20  }
0xa: {  	p0 =	seq.s32 s20, $0x0;
	s29 =	sshrl.u32 s10, $0x1;
	s30 =	sshrl.u32 s11, $0x2  }
0xb: {  	s12 =	sshrl.u32 s12, $0x2;
	s21 =	sor.u32 $0x10, s18;
	s22 =	sadd.s32 $0x20, s18  }
0xc: {  	v6 =	vlaneseq.u32;
	s23 =	sadd.s32 $0x30, s18;
	s24 =	sadd.s32 $0x40, s18;
	s25 =	sadd.s32 $0x50, s18  }
0xd: {  	v1 =	vor.u32 s18, v6;
	s18 =	simm.s32 $0x2;
	s9 =	sadd.s32 s9, s17;
	s13 =	ssub.s32 s10, s29  }
.Ltmp0:
0xe: {  	s10 =	sshll.u32 s28, $0x6;
	s31 =	sadd.s32 s12, s2;
	(pc) =	sbr.rel .LBB2_1-.Ltmp0, $4  }
0xf: {  	v0 =	vmov s17;
	s17 =	simm.s32 $0x9060;
	v2 =	vor.u32 s21, v6;
	v3 =	vor.u32 s22, v6;
	s21 =	simm.s32 $0x20;
	s22 =	simm.s32 $0x9160  }
0x10: {  	v5 =	vor.u32 s24, v6;
	s24 =	simm.s32 $0x0;
	s9 =	sshll.u32 s9, $0x5;
	s12 =	smax.u32 s13, $0x1  }
0x11: {  	s13 =	simm.s32 $0x60;
	s20 =	sshrl.u32 s10, $0x2;
	s0 =	sadd.s32 s9, s0  }
0x12: {  	v7 =	vimm.f32 $0.0e+00;
	v4 =	vor.u32 s23, v6;
	v6 =	vor.u32 s25, v6;
	s23 =	sshrl.u32 s31, $0x3;
	s9 =	sadd.s32 s30, s2;
	s11 =	sadd.s32 $0x6C000, s0  }
.LBB2_11:
0x13: {  	s24 =	sadd.s32 $0x1, s24  }
0x14: {  	p1 =	sne.s32 s24, s12  }
.Ltmp1:
0x15: {  	[bflag:$0x0] =	sbarrier.arrive $0xFFFF;
	s0 =	sor.u32 $0x1C02, s10;
	(pc) =	sbr.rel @!p1 .LBB2_12-.Ltmp1, $4  }
0x16: {  	[hbm:s11], [sflag:s0] =	dma.local [spmem:s23], $0x2800  }
0x17: {  	_ =	swait.ge [sflag:s18], $0x2800  }
0x18: {  	[sflag:s18] =	ssyncset.done $0x0  }
0x19: {  	[sflag:s18] =	ssyncadd.s32 $0xFFFFD800  }
.LBB2_1:
0x1a: {  	[tilespmem:$0x0] =	vst v1  }
0x1b: {  	[tilespmem:$0x10] =	vst v2  }
0x1c: {  	[tilespmem:$0x20] =	vst v3  }
0x1d: {  	[tilespmem:$0x30] =	vst v4  }
0x1e: {  	[tilespmem:$0x40] =	vst v5  }
0x1f: {  	[tilespmem:$0x50] =	vst v6  }
0x20: {  	[tilespmem:s13], [sflag:$0x1] =	stream.indirect.gather [hbm4b:s6+s13], $0x80, s4, s13, $0xb8;
	[tilespmem:$0x1FD60] =	vst v63  }
0x21: {  	_ =	swait.ge [sflag:s14], $0x3000  }
0x22: {  	[sflag:s14] =	ssyncset.done $0x0  }
0x23: {  	[sflag:s14] =	ssyncadd.s32 $0xFFFFD000  }
0x24: {  	[tilespmem:s15], [sflag:$0x1] =	stream.indirect.gather [hbm4b:s7+s13], $0x80, s4, s13, $0xb8;
	[tilespmem:$0x1FD60] =	vst v63  }
0x25: {  	_ =	swait.ge [sflag:s14], $0x3000  }
0x26: {  	[sflag:s14] =	ssyncset.done $0x0  }
0x27: {  	[sflag:s14] =	ssyncadd.s32 $0xFFFFD000  }
0x28: {  	[tilespmem:s16], [sflag:$0x1] =	stream.indirect.gather [hbm4b:s8+s13], $0x80, s4, s13, $0xb8;
	[tilespmem:$0x1FD60] =	vst v63  }
0x29: {  	_ =	swait.ge [sflag:s14], $0x3000  }
0x2a: {  	[sflag:s14] =	ssyncset.done $0x0  }
0x2b: {  	[sflag:s14] =	ssyncadd.s32 $0xFFFFD000  }
0x2c: {  	[tilespmem:s17], [sflag:$0x2] =	stream.linear.gather [hbm4b:s1+s4], $0x100, $0x38;
	[tilespmem:$0x1FD60] =	vst v63  }
0x2d: {  	s0 =	sand.u32 $0xFE00, s4;
	_ =	swait.ge [sflag:s18], $0x100  }
0x2e: {  	s25 =	sand.u32 $0x70, s4;
	s0 =	sshrl.u32 s0, $0x2;
	[sflag:s18] =	ssyncset.done $0x0  }
0x2f: {  	s0 =	sor.u32 s25, s0;
	[sflag:s18] =	ssyncadd.s32 $0xFFFFFF00  }
0x30: {  	v8 =	vld [tilespmem:s0+$0x3060];
	_ =	sdelay $0x4  }
0x31: {  	s31 =	simm.s32 $0x40;
	v8 =	vsub.s32 v8, v0  }
0x32: {  	s26 =	simm.s32 $0x10;
	s28 =	sand.u32 $0xFE00, s31;
	s25 =	simm.s32 $0x80;
	vm0 =	vlt.u32 v8, $0x1400  }
.LBB2_2:
0x33: {  	p1 =	sne.s32 s25, $0xBFC0;
	s29 =	sand.u32 $0x70, s26;
	s28 =	sshrl.u32 s28, $0x2;
	v8 =	vnsel vm0, $0x147F, v8  }
0x34: {  	[tilespmem:s0+$0x3060] =	vst v8;
	s0 =	sor.u32 s29, s28  }
0x35: {  	v8 =	vld [tilespmem:s0+$0x3060];
	_ =	sdelay $0x1  }
.Ltmp2:
0x36: {  	(pc) =	sbr.rel @p1 .LBB2_2-.Ltmp2, $3  }
0x37: {  	_ =	sdelay $0x1  }
0x38: {  	v8 =	vsub.s32 v8, v0  }
0x39: {  	s26 =	sadd.s32 $0x10, s26;
	s28 =	sand.u32 $0xFE00, s25;
	s25 =	sadd.s32 $0x40, s25;
	vm0 =	vlt.u32 v8, $0x1400  }
0x3a: {  	s25 =	sand.u32 $0x70, s26;
	s29 =	sshrl.u32 s28, $0x2;
	v8 =	vnsel vm0, $0x147F, v8  }
0x3b: {  	s25 =	sor.u32 s25, s29;
	[tilespmem:s0+$0x3060] =	vst v8  }
0x3c: {  	v8 =	vld [tilespmem:s25+$0x3060];
	_ =	sdelay $0x4  }
0x3d: {  	s0 =	simm.s32 $0x0;
	v8 =	vsub.s32 v8, v0  }
0x3e: {  	s30 =	sand.u32 $0xC00, s0;
	vm15 =	vlt.u32 v8, $0x1400  }
0x3f: {  	s31 =	sand.u32 $0xF0, s0;
	s26 =	sshrl.u32 s30, $0x2;
	v8 =	vnsel vm15, $0x147F, v8  }
0x40: {  	s26 =	sor.u32 s31, s26;
	[tilespmem:s25+$0x3060] =	vst v8;
	s25 =	simm.s32 $0x40  }
.LBB2_4:
0x41: {  	p1 =	sne.s32 s25, $0xFC0  }
0x42: {  	[tilespmem:s26+$0xB160] =	vst v7;
	s0 =	sadd.s32 $0x10, s0;
	s26 =	smov.u32 s25;
	s25 =	sadd.s32 $0x40, s25  }
.Ltmp3:
0x43: {  	(pc) =	sbr.rel @p1 .LBB2_4-.Ltmp3, $4  }
0x44: {  	_ = 	snop  }
0x45: {  	s26 =	sand.u32 $0xC00, s26  }
0x46: {  	s28 =	sand.u32 $0xF0, s0;
	s26 =	sshrl.u32 s26, $0x2  }
0x47: {  	s26 =	sor.u32 s28, s26  }
0x48: {  	[tilespmem:s26+$0xB160] =	vst v7;
	s0 =	sadd.s32 $0x0, s9  }
0x49: {  	[spmem:s0] =	stream.linear.scatter [tilespmem:s19], [sflag:$0x2], $0x400, $0x38;
	[tilespmem:$0x1FD60] =	vst v63  }
0x4a: {  	s0 =	simm.s32 $0x1000;
	_ =	swait.ge [sflag:s18], $0x400  }
.LBB2_6:
0x4b: {  	s25 =	sshra.s32 s0, $0x2;
	[sflag:s18] =	ssyncset.done $0x0;
	p1 =	sne.s32 s0, $0x51000  }
.Ltmp4:
0x4c: {  	s25 =	sadd.s32 s25, s9;
	[sflag:s18] =	ssyncadd.s32 $0xFFFFFC00;
	(pc) =	sbr.rel @p1 .LBB2_6-.Ltmp4, $3  }
0x4d: {  	[spmem:s25] =	stream.linear.scatter [tilespmem:s19], [sflag:$0x2], $0x400, $0x38;
	[tilespmem:$0x1FD60] =	vst v63  }
0x4e: {  	s0 =	sadd.s32 $0x1000, s0;
	_ =	sdelay $0x1  }
0x4f: {  	_ =	swait.ge [sflag:s18], $0x400  }
0x50: {  	[sflag:s18] =	ssyncset.done $0x0  }
0x51: {  	[sflag:s18] =	ssyncadd.s32 $0xFFFFFC00  }
0x52: {  	[bflag:$0x0] =	sbarrier.arrive $0xFFFF  }
0x53: {  	v8 =	vld [tilespmem:s20+$0x9060];
	_ =	sdelay $0x4  }
0x54: {  	(v2sf) =	vpush v8, $0x0;
	_ =	sdelay $0xe  }
0x55: {  	s0 =	spop (v2sf)  }
0x56: {  	s26 =	sadd.s32 $0x1F, s0  }
0x57: {  	s25 =	sshra.s32 s0, $0x5;
	s26 =	sshra.s32 s26, $0x5  }
0x58: {  	s25 =	simm.s32 @p0 $0x0;
	s26 =	simm.s32 @!p0 $0x180  }
0x59: {  	p1 =	sge.s32 s25, s26  }
.Ltmp5:
0x5a: {  	_ = 	snop;
	(pc) =	sbr.rel @p1 .LBB2_11-.Ltmp5, $1  }
0x5b: {  	_ =	sdelay $0x3  }
.LBB2_8:
0x5c: {  	s0 =	sshra.s32 s25, $0x1F  }
0x5d: {  	s0 =	sshrl.u32 s0, $0x1E  }
0x5e: {  	s0 =	sadd.s32 s0, s25  }
0x5f: {  	s28 =	sand.u32 $0xFFFFFFFC, s0  }
0x60: {  	p1 =	slt.s32 s25, $0x1;
	p2 =	sne.s32 s25, s28  }
0x61: {  	p1 =	por !p1, !p2  }
0x62: {  	s28 =	simm.s32 $0x1;
	p1 =	por !p1, !p1  }
0x63: {  	s29 =	sshll.u32 s25, $0x5;
	s0 =	sshrl.u32 s0, $0x2;
	s28 =	simm.s32 @!p1 $0x0  }
0x64: {  	s0 =	ssub.s32 s0, s28;
	s28 =	sadd.s32 $0x80, s29  }
0x65: {  	s30 =	sand.u32 $0x60, s28;
	s0 =	sshll.u32 s0, $0x7  }
0x66: {  	s28 =	sor.u32 s30, s0  }
0x67: {  	s29 =	sadd.s32 $0x60, s28  }
0x68: {  	[tilespmem:s22], [sflag:$0x1] =	stream.indirect.gather [hbm4b:s5+s21], $0x100, s29, s21, $0xb8;
	[tilespmem:$0x1FD60] =	vst v63  }
0x69: {  	_ =	swait.ge [sflag:s14], $0x2000  }
0x6a: {  	[sflag:s14] =	ssyncset.done $0x0  }
0x6b: {  	s31 =	sadd.s32 $0x0, s30;
	s29 =	simm.s32 $0x91E0;
	[sflag:s14] =	ssyncadd.s32 $0xFFFFE000  }
0x6c: {  	v10 =	vmov s31;
	v8 =	vld [tilespmem:s29+$0xFFFFFFF0]  }
0x6d: {  	v9 =	vmov s0;
	v10 =	vand.u32 $0x7F, v10;
	v21 =	vld [tilespmem:s29+$0x70]  }
0x6e: {  	v11 =	vor.u32 v9, v10;
	v10 =	vld [tilespmem:s29+$0x60]  }
0x6f: {  	v12 =	vbroadcast v11, $0x0;
	v11 =	vld [tilespmem:s29+$0x20]  }
0x70: {  	v13 =	vld [tilespmem:s29+$0x10]  }
0x71: {  	v16 =	vld [tilespmem:s29+$0x30]  }
0x72: {  	v24 =	vld [tilespmem:s29+$0x50]  }
0x73: {  	v17 =	vld [tilespmem:s29+$0xFFFFFF80]  }
0x74: {  	v15 =	vld [tilespmem:s29+$0x0]  }
0x75: {  	v22 =	vld [tilespmem:s29+$0xFFFFFFA0]  }
0x76: {  	v12 =	vld.idx.msk [tilespmem:v12+s16+$0x0], $0xffff  }
0x77: {  	v14 =	vld [tilespmem:s29+$0xFFFFFFD0]  }
0x78: {  	v20 =	vld [tilespmem:s29+$0xFFFFFF90]  }
0x79: {  	v18 =	vld [tilespmem:s29+$0xFFFFFFB0]  }
0x7a: {  	v19 =	vld [tilespmem:s29+$0x40]  }
0x7b: {  	v23 =	vmul.f32 v17, v12;
	v17 =	vld [tilespmem:s29+$0xFFFFFFC0];
	v25 =	vmul.f32 v21, v12  }
0x7c: {  	s0 =	simm.s32 $0x91E0;
	s31 =	simm.s32 $0x1;
	v21 =	vmul.f32 v22, v12;
	v22 =	vld [tilespmem:s29+$0xFFFFFFE0];
	v24 =	vmul.f32 v24, v12  }
.LBB2_9:
0x7d: {  	p1 =	sne.s32 s31, $0x1F  }
0x7e: {  	v20 =	vmul.f32 v20, v12;
	v16 =	vmul.f32 v16, v12;
	[tilespmem:s29+$0x70] =	vst v25;
	s0 =	sadd.s32 $0x100, s0;
	s3 =	smov.u32 s31;
	s31 =	sadd.s32 $0x1, s31  }
0x7f: {  	v13 =	vmul.f32 v13, v12;
	[tilespmem:s29+$0xFFFFFF80] =	vst v23;
	v18 =	vmul.f32 v18, v12  }
0x80: {  	v15 =	vmul.f32 v15, v12;
	v19 =	vmul.f32 v19, v12;
	[tilespmem:s29+$0x50] =	vst v24  }
0x81: {  	v14 =	vmul.f32 v14, v12;
	v17 =	vmul.f32 v17, v12;
	[tilespmem:s29+$0x30] =	vst v16  }
0x82: {  	v16 =	vmul.f32 v22, v12;
	v22 =	vmul.f32 v8, v12;
	[tilespmem:s29+$0x10] =	vst v13  }
0x83: {  	v11 =	vmul.f32 v11, v12;
	v10 =	vmul.f32 v10, v12;
	[tilespmem:s29+$0xFFFFFFA0] =	vst v21  }
0x84: {  	s3 =	sadd.s32 s30, s3;
	[tilespmem:s29+$0x0] =	vst v15  }
0x85: {  	v12 =	vmov s3;
	v8 =	vld [tilespmem:s0+$0xFFFFFFF0];
	[tilespmem:s29+$0xFFFFFFE0] =	vst v16  }
0x86: {  	v12 =	vand.u32 $0x7F, v12;
	v21 =	vld [tilespmem:s0+$0x70];
	[tilespmem:s29+$0x60] =	vst v10  }
0x87: {  	v12 =	vor.u32 v9, v12;
	v10 =	vld [tilespmem:s0+$0x60];
	[tilespmem:s29+$0x20] =	vst v11  }
0x88: {  	v12 =	vbroadcast v12, $0x0;
	v11 =	vld [tilespmem:s0+$0x20];
	[tilespmem:s29+$0xFFFFFFD0] =	vst v14  }
0x89: {  	v13 =	vld [tilespmem:s0+$0x10];
	[tilespmem:s29+$0xFFFFFF90] =	vst v20  }
0x8a: {  	v16 =	vld [tilespmem:s0+$0x30];
	[tilespmem:s29+$0xFFFFFFF0] =	vst v22  }
0x8b: {  	v24 =	vld [tilespmem:s0+$0x50];
	[tilespmem:s29+$0x40] =	vst v19  }
0x8c: {  	v22 =	vld [tilespmem:s0+$0xFFFFFF80];
	[tilespmem:s29+$0xFFFFFFB0] =	vst v18  }
0x8d: {  	v15 =	vld [tilespmem:s0+$0x0];
	[tilespmem:s29+$0xFFFFFFC0] =	vst v17;
	s29 =	smov.u32 s0  }
0x8e: {  	v12 =	vld.idx.msk [tilespmem:v12+s16+$0x0], $0xffff  }
0x8f: {  	v26 =	vld [tilespmem:s0+$0xFFFFFFA0]  }
0x90: {  	v14 =	vld [tilespmem:s0+$0xFFFFFFD0]  }
.Ltmp6:
0x91: {  	v20 =	vld [tilespmem:s0+$0xFFFFFF90];
	(pc) =	sbr.rel @p1 .LBB2_9-.Ltmp6, $4  }
0x92: {  	v18 =	vld [tilespmem:s0+$0xFFFFFFB0]  }
0x93: {  	v19 =	vld [tilespmem:s0+$0x40]  }
0x94: {  	v23 =	vmul.f32 v22, v12;
	v25 =	vmul.f32 v21, v12;
	v17 =	vld [tilespmem:s0+$0xFFFFFFC0]  }
0x95: {  	v24 =	vmul.f32 v24, v12;
	v21 =	vmul.f32 v26, v12;
	v22 =	vld [tilespmem:s0+$0xFFFFFFE0]  }
0x96: {  	[tilespmem:s29+$0x70] =	vst v25  }
0x97: {  	[tilespmem:s29+$0xFFFFFF80] =	vst v23  }
0x98: {  	v9 =	vmul.f32 v16, v12;
	[tilespmem:s29+$0x50] =	vst v24  }
0x99: {  	v13 =	vmul.f32 v13, v12;
	[tilespmem:s29+$0xFFFFFFA0] =	vst v21  }
0x9a: {  	v57 =	vmul.f32 v15, v12;
	[tilespmem:s29+$0x30] =	vst v9  }
0x9b: {  	v10 =	vmul.f32 v10, v12;
	[tilespmem:s29+$0x10] =	vst v13  }
0x9c: {  	v59 =	vmul.f32 v11, v12;
	[tilespmem:s29+$0x0] =	vst v57  }
0x9d: {  	v60 =	vmul.f32 v14, v12;
	[tilespmem:s29+$0x60] =	vst v10  }
0x9e: {  	v61 =	vmul.f32 v20, v12;
	[tilespmem:s29+$0x20] =	vst v59  }
0x9f: {  	v8 =	vmul.f32 v8, v12;
	[tilespmem:s29+$0xFFFFFFD0] =	vst v60  }
0xa0: {  	v63 =	vmul.f32 v18, v12;
	[tilespmem:s29+$0xFFFFFF90] =	vst v61  }
0xa1: {  	v62 =	vmul.f32 v19, v12;
	[tilespmem:s29+$0xFFFFFFF0] =	vst v8  }
0xa2: {  	v8 =	vmul.f32 v17, v12;
	[tilespmem:s29+$0xFFFFFFB0] =	vst v63  }
0xa3: {  	v58 =	vmul.f32 v22, v12;
	[tilespmem:s29+$0x40] =	vst v62  }
0xa4: {  	s25 =	sadd.s32 $0x1, s25;
	[tilespmem:s29+$0xFFFFFFC0] =	vst v8  }
0xa5: {  	s0 =	sadd.s32 $0x3060, s28;
	p1 =	sne.s32 s25, s26;
	[tilespmem:s29+$0xFFFFFFE0] =	vst v58  }
0xa6: {  	[spmem:s2] =	stream.indirect.scatter.add.f32 [tilespmem:s22], [sflag:$0x2], $0x100, s0, s21, $0xb8;
	[tilespmem:$0x1FD60] =	vst v63  }
.Ltmp7:
0xa7: {  	_ = 	snop;
	(pc) =	sbr.rel @p1 .LBB2_8-.Ltmp7, $4  }
.Ltmp8:
0xa8: {  	_ = 	snop;
	(pc) =	sbr.rel @!p1 .LBB2_11-.Ltmp8, $4  }
0xa9: {  	_ =	swait.ge [sflag:s18], $0x2000  }
0xaa: {  	[sflag:s18] =	ssyncset.done $0x0  }
0xab: {  	[sflag:s18] =	ssyncadd.s32 $0xFFFFE000  }
0xac: {  	_ = 	snop  }
.LBB2_12:
0xad: {  	_ =	sfence.sel $0x180000  }
0xae: {  	[bflag:$0x0] =	sbarrier.arrive $0xFFFF  }
0xaf: {  	_ =	strace $0x90000053  }
0xb0: {  	s0 =	stileid.u32;
	[bflag:$0x2] =	sbarrier.arrive $0xFFFF  }
0xb1: {  	p0 =	sne.s32 s0, $0x0;
	s0 =	rddreg [dreg:$0x3]  }
0xb2: {  	s0 =	sadd.s32 @!p0 $0x100000, s0  }
0xb3: {  	[sflag:s0] =	ssyncadd.tile.s32 @!p0 $0x1;
	_ =	shalt  }
.Lfunc_end2:
_tile_overlayer_lowered:
.L_overlay_start_2:
0xb4: {  	(tag) =	ssettag $0x2  }
0xb5: {  	s0 =	rddreg [dreg:$0x0];
	s2 =	stileid.u32  }
0xb6: {  	s1 =	rddreg [dreg:$0x1];
	p0 =	sne.s32 s2, $0x0  }
0xb7: {  	s3 =	rddreg [dreg:$0x2];
	[bflag:$0x3] =	sbarrier.arrive $0xFFFF;
	s2 =	simm.s32 @!p0 $0x1C02  }
0xb8: {  	[timem:s3], [sflag:s2] =	dma.local @!p0 [hbm:s0], s1  }
0xb9: {  	s0 =	simm.s32 @!p0 $0x2  }
0xba: {  	_ =	swait.ge @!p0 [sflag:s0], s1  }
0xbb: {  	s1 =	ssub.s32 @!p0 $0x0, s1;
	[sflag:s0] =	ssyncset.done @!p0 $0x0  }
0xbc: {  	[sflag:s0] =	ssyncadd.s32 @!p0 s1  }
0xbd: {  	[bflag:$0x3] =	sbarrier.arrive $0xFFFF  }
0xbe: {  	_ =	shalt  }

// kernel: kernel.28.cloned.1.call-start
scs
__scs_entry_jumppad:
0x0: {  	(pc) =	sbr.rel $0x88, $3  }
0x1: {  	(tag) =	ssettag $0x0;
	lr =	simm.s32 $0x1  }
0x2: {  	[smem:$0x3F90] =	sst lr;
	_ =	strace $0xD0000000  }
0x3: {  	_ = 	snop  }
0x4: {  	_ = 	snop  }
0x5: {  	_ = 	snop  }
0x6: {  	_ = 	snop  }
0x7: {  	_ = 	snop  }
__scs_overlays_trampoline_lowered:
0x8: {  	[smem:$0x3F9F] =	sst s0  }
0x9: {  	[smem:$0x3FA0] =	sst s1  }
0xa: {  	[smem:$0x3FA1] =	sst s2  }
0xb: {  	[smem:$0x3FA2] =	sst s3  }
0xc: {  	[smem:$0x3FA3] =	sst s4  }
0xd: {  	[smem:$0x3FA4] =	sst s5  }
0xe: {  	[smem:$0x3FA5] =	sst s6  }
0xf: {  	[smem:$0x3FA6] =	sst s7  }
0x10: {  	[smem:$0x3FA7] =	sst s8  }
0x11: {  	[smem:$0x3FA8] =	sst s9;
	s0 =	simm.s32 @!p0 $0x0  }
0x12: {  	s1 =	sld [smem:$0x3F8E];
	s0 =	simm.s32 @p0 $0x1  }
0x13: {  	[smem:$0x3FA9] =	sst s0;
	s0 =	simm.s32 @!p1 $0x0  }
0x14: {  	s2 =	sld [smem:$0x3F8D];
	s0 =	simm.s32 @p1 $0x1  }
0x15: {  	[smem:$0x3FAA] =	sst s0;
	s0 =	simm.s32 @!p2 $0x0  }
0x16: {  	s3 =	sld [smem:$0x3FDB];
	s0 =	simm.s32 @p2 $0x1  }
0x17: {  	s4 =	simm.s32 $0x1BF5;
	[smem:$0x3FAC] =	sst s0  }
0x18: {  	s0 =	sld [smem:$0x3F8F];
	_ =	swait.ge [sflag:s4], $0x0  }
0x19: {  	s7 =	sld [smem:$0x3F90]  }
0x1a: {  	s8 =	sadd.s32 $0xFFFFE003, lr  }
0x1b: {  	s9 =	sadd.s32 $0xFFFFFEF7, lr;
	s5 =	simm.s32 $0xFFFFFFFF;
	p2 =	slt.u32 s8, $0xFFFFF086  }
0x1c: {  	p1 =	slt.u32 s9, $0xF7A;
	s5 =	simm.s32 @!p2 $0x0  }
0x1d: {  	s5 =	simm.s32 @p1 $0x1;
	p0 =	seq.s32 s7, s2  }
0x1e: {  	s7 =	smul.u32 @!p0 $0xF7A, s2;
	p2 =	seq.s32 @!p0 s5, $0x0  }
0x1f: {  	s9 =	smul.u32 $0xF7A, s1;
	s8 =	simm.s32 @!p0 $0x1BF5;
	p2 =	por !p2, p0  }
0x20: {  	[sflag:s8] =	ssyncset.s32 @!p0 $0xFFFFF086;
	s6 =	sadd.s32 @!p0 s3, s7;
	s7 =	simm.s32 @!p0 $0x108  }
0x21: {  	s3 =	sadd.s32 s3, s9;
	s6 =	sadd.s32 @!p0 $0x88, s6;
	s7 =	simm.s32 @p2 $0x1082  }
0x22: {  	[simem:s7], [sflag:s8] =	dma.local @!p0 [hbm:s6], $0xF7A  }
0x23: {  	s9 =	sor.u32 $0xD0000000, s2;
	s6 =	simm.s32 $0x108;
	_ =	swait.ge @!p0 [sflag:s8], $0x0  }
0x24: {  	s3 =	sadd.s32 $0x88, s3;
	s6 =	simm.s32 @!p1 $0x1082;
	[sflag:s4] =	ssyncset.s32 $0xFFFFF086  }
0x25: {  	[simem:s6], [sflag:s4] =	dma.local [hbm:s3], $0xF7A  }
0x26: {  	[smem:$0x3F90] =	sst s1;
	(tag) =	ssettag s2;
	_ =	strace s9  }
0x27: {  	s1 =	sld [smem:$0x3FA0]  }
0x28: {  	s2 =	sld [smem:$0x3FA1]  }
0x29: {  	s4 =	sld [smem:$0x3FA3]  }
0x2a: {  	p0 =	seq.s32 s5, $0x0;
	s5 =	sld [smem:$0x3FA4]  }
0x2b: {  	s6 =	sld [smem:$0x3FA5]  }
0x2c: {  	s7 =	sld [smem:$0x3FA6]  }
0x2d: {  	s3 =	simm.s32 $0x108;
	s8 =	sld [smem:$0x3FA7]  }
0x2e: {  	s3 =	simm.s32 @!p0 $0x1082;
	s9 =	sld [smem:$0x3FA8]  }
0x2f: {  	lr =	sadd.s32 s0, s3;
	s0 =	sld [smem:$0x3F9F]  }
0x30: {  	s3 =	sld [smem:$0x3FA2]  }
0x31: {  	[smem:$0x3FAB] =	sst s10  }
0x32: {  	s10 =	sld [smem:$0x3FA9];
	_ =	sdelay $0x3  }
0x33: {  	p0 =	seq.s32 s10, $0x1;
	s10 =	sld [smem:$0x3FAB];
	_ =	sdelay $0x3  }
0x34: {  	[smem:$0x3FAB] =	sst s10  }
0x35: {  	s10 =	sld [smem:$0x3FAA];
	_ =	sdelay $0x3  }
0x36: {  	p1 =	seq.s32 s10, $0x1;
	s10 =	sld [smem:$0x3FAB];
	_ =	sdelay $0x3  }
0x37: {  	[smem:$0x3FAB] =	sst s10  }
0x38: {  	s10 =	sld [smem:$0x3FAC]  }
0x39: {  	_ = 	snop;
	(pc) =	sbr.ind lr, $3  }
0x3a: {  	_ = 	snop  }
0x3b: {  	_ = 	snop  }
0x3c: {  	p2 =	seq.s32 s10, $0x1;
	s10 =	sld [smem:$0x3FAB]  }
0x3d: {  	_ =	shalt  }
0x3e: {  	_ =	shalt  }
0x3f: {  	_ =	shalt  }
0x40: {  	_ =	shalt  }
0x41: {  	_ =	shalt  }
0x42: {  	_ =	shalt  }
0x43: {  	_ =	shalt  }
0x44: {  	_ =	shalt  }
0x45: {  	_ =	shalt  }
0x46: {  	_ =	shalt  }
0x47: {  	_ =	shalt  }
0x48: {  	_ =	shalt  }
0x49: {  	_ =	shalt  }
0x4a: {  	_ =	shalt  }
0x4b: {  	_ =	shalt  }
0x4c: {  	_ =	shalt  }
0x4d: {  	_ =	shalt  }
0x4e: {  	_ =	shalt  }
0x4f: {  	_ =	shalt  }
0x50: {  	_ =	shalt  }
0x51: {  	_ =	shalt  }
0x52: {  	_ =	shalt  }
0x53: {  	_ =	shalt  }
0x54: {  	_ =	shalt  }
0x55: {  	_ =	shalt  }
0x56: {  	_ =	shalt  }
0x57: {  	_ =	shalt  }
0x58: {  	_ =	shalt  }
0x59: {  	_ =	shalt  }
0x5a: {  	_ =	shalt  }
0x5b: {  	_ =	shalt  }
0x5c: {  	_ =	shalt  }
0x5d: {  	_ =	shalt  }
0x5e: {  	_ =	shalt  }
0x5f: {  	_ =	shalt  }
0x60: {  	_ =	shalt  }
0x61: {  	_ =	shalt  }
0x62: {  	_ =	shalt  }
0x63: {  	_ =	shalt  }
0x64: {  	_ =	shalt  }
0x65: {  	_ =	shalt  }
0x66: {  	_ =	shalt  }
0x67: {  	_ =	shalt  }
0x68: {  	_ =	shalt  }
0x69: {  	_ =	shalt  }
0x6a: {  	_ =	shalt  }
0x6b: {  	_ =	shalt  }
0x6c: {  	_ =	shalt  }
0x6d: {  	_ =	shalt  }
0x6e: {  	_ =	shalt  }
0x6f: {  	_ =	shalt  }
0x70: {  	_ =	shalt  }
0x71: {  	_ =	shalt  }
0x72: {  	_ =	shalt  }
0x73: {  	_ =	shalt  }
0x74: {  	_ =	shalt  }
0x75: {  	_ =	shalt  }
0x76: {  	_ =	shalt  }
0x77: {  	_ =	shalt  }
0x78: {  	_ =	shalt  }
0x79: {  	_ =	shalt  }
0x7a: {  	_ =	shalt  }
0x7b: {  	_ =	shalt  }
0x7c: {  	_ =	shalt  }
0x7d: {  	_ =	shalt  }
0x7e: {  	_ =	shalt  }
0x7f: {  	_ =	shalt  }
0x80: {  	_ =	shalt  }
0x81: {  	_ =	shalt  }
0x82: {  	_ =	shalt  }
0x83: {  	_ =	shalt  }
0x84: {  	_ =	shalt  }
0x85: {  	_ =	shalt  }
0x86: {  	_ =	shalt  }
0x87: {  	_ =	shalt  }
.Lfunc_end0:
.L_simem_size_0:
called_computation.5_lowered:
.L_overlay_start_0:
0x88: {  	s2 =	sld [smem:$0x3FD9]  }
0x89: {  	s3 =	sld [smem:$0x3FFE];
	_ =	sdelay $0x1  }
0x8a: {  	s1 =	srdreg.scid  }
0x8b: {  	s0 =	sand.u32 $0x1, s1  }
0x8c: {  	s16 =	sshll.u32 s0, $0xA;
	s2 =	sadd.s32 s3, s2  }
0x8d: {  	s2 =	sadd.s32 s2, s16  }
0x8e: {  	[smem:$0x3FB7] =	sst s2  }
0x8f: {  	_ = 	snop  }
0x90: {  	(tm) =	ssettm $0x1  }
0x91: {  	s17 =	sld [smem:$0x3FFB];
	_ =	sdelay $0x3  }
0x92: {  	_ =	strace s17  }
0x93: {  	s2 =	sld [smem:$0x3FFC];
	_ =	sdelay $0x3  }
0x94: {  	_ =	strace s2  }
0x95: {  	s2 =	sld [smem:$0x3FFD];
	_ =	sdelay $0x3  }
0x96: {  	_ =	strace s2  }
0x97: {  	_ =	strace $0x8FFFFFFF  }
0x98: {  	s18 =	sld [smem:$0x3FDB];
	_ =	sdelay $0x1  }
0x99: {  	s19 =	simm.s32 $_scs_section_size  }
0x9a: {  	s4 =	simm.s32 $_size__tile_overlayer_lowered;
	s5 =	simm.s32 $_tile_overlayer_lowered  }
0x9b: {  	s22 =	simm.s32 $0x1BFF;
	s21 =	sshll.u32 s5, $0x1;
	s2 =	sadd.s32 s19, s18  }
0x9c: {  	s6 =	simm.s32 $0x0;
	s20 =	sshll.u32 s4, $0x1;
	s4 =	sadd.s32 s21, s2  }
0x9d: {  	[timem:s6], [sflag:s22] =	dma.local [hbm:s4], s20  }
0x9e: {  	_ =	swait.ge [sflag:s22], s20  }
0x9f: {  	s3 =	ssub.s32 $0x0, s20;
	[sflag:s22] =	ssyncset.done $0x0  }
0xa0: {  	[sflag:s22] =	ssyncadd.s32 s3;
	_ =	sdelay $0x1  }
0xa1: {  	s23 =	simm.s32 $0x1B8B  }
0xa2: {  	_ =	swait.ge [sflag:s23], $0x1  }
0xa3: {  	[sflag:s23] =	ssyncset.done $0x0  }
0xa4: {  	s25 =	simm.s32 $0x1B8E;
	s24 =	sld [smem:$0x3FFE];
	[sflag:s23] =	ssyncadd.s32 $0xFFFFFFFF  }
0xa5: {  	s26 =	simm.s32 $execute0_lowered;
	[smem:$0x3FD2] =	sst s25  }
0xa6: {  	s4 =	sshll.u32 s26, $0x1;
	_ =	strace $0x80000055;
	[dreg:$0x1] =	wrdreg $0xFFFFFFFF  }
0xa7: {  	s28 =	simm.s32 $_size_execute0_lowered;
	s2 =	sadd.s32 s2, s4;
	[dreg:$0x0] =	wrdreg $0x0  }
0xa8: {  	s4 =	sshll.u32 s28, $0x1;
	[dreg:$0x2] =	wrdreg s2  }
0xa9: {  	[dreg:$0x3] =	wrdreg s4  }
0xaa: {  	[dreg:$0x4] =	wrdreg $0xC0  }
0xab: {  	_ =	task [dreg:s6], $0x5FFFF  }
0xac: {  	[dreg:$0x1] =	wrdreg $0xFFFFFFFF  }
0xad: {  	[dreg:$0x0] =	wrdreg $0x60  }
0xae: {  	[dreg:$0x2] =	wrdreg s24  }
0xaf: {  	[dreg:$0x3] =	wrdreg $0x109D00  }
0xb0: {  	[dreg:$0x4] =	wrdreg $0x109C00  }
0xb1: {  	[dreg:$0x5] =	wrdreg $0x9  }
0xb2: {  	_ =	task.clear_ibuf [dreg:s6], $0x6FFFF;
	_ =	strace $0x90000055  }
0xb3: {  	s29 =	simm.s32 $0x9;
	_ =	strace $0x80000057  }
0xb4: {  	_ =	swait.ge [sflag:s29], $0x1  }
0xb5: {  	[sflag:s29] =	ssyncadd.s32 $0xFFFFFFFF  }
0xb6: {  	_ =	strace $0x90000057  }
0xb7: {  	_ =	sfence  }
0xb8: {  	s30 =	sld [smem:$0x0];
	_ =	sdelay $0x2  }
0xb9: {  	s31 =	sshll.u32 s1, $0xD;
	s1 =	sshrl.u32 s1, $0x2  }
0xba: {  	s3 =	sand.u32 $0x4000, s31;
	s1 =	sadd.s32 s1, s30  }
0xbb: {  	s0 =	sor.u32 s3, s0;
	s1 =	sshll.u32 s1, $0x11  }
0xbc: {  	s0 =	sor.u32 s1, s0  }
0xbd: {  	s0 =	sadd.s32 $0x8F2B, s0  }
0xbe: {  	[sflag:s0] =	ssyncadd.remote.s32 $0x1  }
0xbf: {  	_ =	sfence.sel $0xFFFF  }
0xc0: {  	[dreg:$0x0] =	wrdreg $0xFFFFFFFF;
	(pc) =	sbr.abs _section_cstart, $3  }
0xc1: {  	[dreg:$0x1] =	wrdreg $0xFFFFFFFF  }
0xc2: {  	_ =	task.clear_ibuf [dreg:s6], $0x2FFFF;
	_ =	strace $0x9FFFFFFF  }
0xc3: {  	(tm) =	ssettm $0x7FFFFFFF  }
tec
execute0_lowered:
.L_overlay_start_1:
0x0: {  	(tag) =	ssettag $0x1  }
0x1: {  	s7 =	rddreg [dreg:$0x0]  }
0x2: {  	s1 =	rddreg [dreg:$0x1]  }
0x3: {  	s2 =	rddreg [dreg:$0x2]  }
0x4: {  	s0 =	rddreg [dreg:$0x3]  }
0x5: {  	s4 =	srdreg.scid;
	s17 =	stileid.u32;
	s3 =	simm.s32 $0x0  }
0x6: {  	s14 =	simm.s32 $0x5000;
	s20 =	simm.s32 $0x50;
	s21 =	simm.s32 $0x10910  }
0x7: {  	s22 =	simm.s32 $0x0;
	s8 =	sand.u32 $0x1, s4;
	s12 =	smul.u32 $0x60, s17  }
0x8: {  	[smem:$0x7FF] =	sst s3;
	s4 =	sadd.s32 $0x4000, s7;
	s5 =	sadd.s32 $0x10000, s7  }
0x9: {  	s6 =	sadd.s32 $0x16000, s7;
	s11 =	sshll.u32 s17, $0x4;
	p0 =	sne.s32 s17, $0x0  }
0xa: {  	s17 =	simm.s32 $0x10800;
	s9 =	smul.u32 $0x30, s8;
	s10 =	ssub.s32 $0x2, s8  }
0xb: {  	_ =	strace $0x80000056;
	s8 =	smul.u32 $0x6000, s8;
	s30 =	sshrl.u32 s10, $0x1  }
0xc: {  	s13 =	sor.u32 $0x10, s12;
	s15 =	sadd.s32 $0x20, s12;
	s16 =	sadd.s32 $0x30, s12  }
0xd: {  	v0 =	vlaneseq.u32;
	s18 =	sadd.s32 $0x40, s12;
	s19 =	sadd.s32 $0x50, s12;
	s9 =	sadd.s32 s9, s12  }
0xe: {  	v1 =	vor.u32 s12, v0;
	s10 =	ssub.s32 s10, s30;
	s31 =	sshrl.u32 s8, $0x2;
	s12 =	simm.s32 $0x60  }
0xf: {  	v2 =	vor.u32 s13, v0;
	s13 =	simm.s32 $0x10960;
	v3 =	vor.u32 s15, v0;
	v4 =	vor.u32 s16, v0;
	s15 =	simm.s32 $0x1;
	s16 =	simm.s32 $0x8000  }
0x10: {  	v5 =	vor.u32 s18, v0;
	v6 =	vor.u32 s19, v0;
	s18 =	simm.s32 $0x10810;
	s19 =	simm.s32 $0xE000;
	s9 =	sshll.u32 s9, $0x4  }
0x11: {  	v7 =	vimm.f32 $0.0e+00;
	v8 =	vor.u32 $0x10, v0;
	s10 =	smax.u32 s10, $0x1;
	s9 =	sadd.s32 s9, s7;
	s7 =	sadd.s32 s11, s2  }
0x12: {  	v9 =	vor.u32 $0x20, v0;
	v10 =	vor.u32 $0x30, v0;
	v11 =	vor.u32 $0x40, v0;
	s11 =	simm.s32 $0x2;
	s8 =	sadd.s32 $0x4A00, s9;
	s9 =	sadd.s32 $0xB000, s31  }
.LBB2_1:
0x13: {  	[tilespmem:s3], [sflag:$0x2] =	stream.linear.gather [hbm4b:s4+s3], $0x5000, $0x38;
	[tilespmem:$0x10C50] =	vst v63  }
0x14: {  	_ =	swait.ge [sflag:s11], $0x5000  }
0x15: {  	[sflag:s11] =	ssyncset.done $0x0  }
0x16: {  	[sflag:s11] =	ssyncadd.s32 $0xFFFFB000  }
0x17: {  	[tilespmem:$0x4E20] =	vst v7  }
0x18: {  	[tilespmem:$0x4E30] =	vst v7  }
0x19: {  	[tilespmem:$0x4E40] =	vst v7  }
0x1a: {  	[tilespmem:$0x4E50] =	vst v7  }
0x1b: {  	[tilespmem:$0x4E60] =	vst v7  }
0x1c: {  	[tilespmem:$0x4E70] =	vst v7  }
0x1d: {  	[tilespmem:$0x4E80] =	vst v7  }
0x1e: {  	[tilespmem:$0x4E90] =	vst v7  }
0x1f: {  	[tilespmem:$0x4EA0] =	vst v7  }
0x20: {  	[tilespmem:$0x4EB0] =	vst v7  }
0x21: {  	[tilespmem:$0x4EC0] =	vst v7  }
0x22: {  	[tilespmem:$0x4ED0] =	vst v7  }
0x23: {  	[tilespmem:$0x4EE0] =	vst v7  }
0x24: {  	[tilespmem:$0x4EF0] =	vst v7  }
0x25: {  	[tilespmem:$0x4F00] =	vst v7  }
0x26: {  	[tilespmem:$0x4F10] =	vst v7  }
0x27: {  	[tilespmem:$0x4F20] =	vst v7  }
0x28: {  	[tilespmem:$0x4F30] =	vst v7  }
0x29: {  	[tilespmem:$0x4F40] =	vst v7  }
0x2a: {  	[tilespmem:$0x4F50] =	vst v7  }
0x2b: {  	[tilespmem:$0x4F60] =	vst v7  }
0x2c: {  	[tilespmem:$0x4F70] =	vst v7  }
0x2d: {  	[tilespmem:$0x4F80] =	vst v7  }
0x2e: {  	[tilespmem:$0x4F90] =	vst v7  }
0x2f: {  	[tilespmem:$0x4FA0] =	vst v7  }
0x30: {  	[tilespmem:$0x4FB0] =	vst v7  }
0x31: {  	[tilespmem:$0x4FC0] =	vst v7  }
0x32: {  	[tilespmem:$0x4FD0] =	vst v7  }
0x33: {  	[tilespmem:$0x4FE0] =	vst v7  }
0x34: {  	[tilespmem:$0x4FF0] =	vst v7  }
0x35: {  	[tilespmem:$0x10960] =	vst v1  }
0x36: {  	[tilespmem:$0x10970] =	vst v2  }
0x37: {  	[tilespmem:$0x10980] =	vst v3  }
0x38: {  	[tilespmem:$0x10990] =	vst v4  }
0x39: {  	[tilespmem:$0x109A0] =	vst v5  }
0x3a: {  	[tilespmem:$0x109B0] =	vst v6  }
0x3b: {  	[tilespmem:s14], [sflag:$0x1] =	stream.indirect.gather [hbm4b:s5+s12], $0x80, s13, s12, $0xb8;
	[tilespmem:$0x10C50] =	vst v63  }
0x3c: {  	_ =	swait.ge [sflag:s15], $0x3000  }
0x3d: {  	[sflag:s15] =	ssyncset.done $0x0  }
0x3e: {  	[sflag:s15] =	ssyncadd.s32 $0xFFFFD000  }
0x3f: {  	[tilespmem:s16], [sflag:$0x1] =	stream.indirect.gather [hbm4b:s6+s12], $0x80, s13, s12, $0xb8;
	[tilespmem:$0x10C50] =	vst v63  }
0x40: {  	s23 =	sand.u32 $0xFE00, s3;
	s24 =	sand.u32 $0x70, s3;
	_ =	swait.ge [sflag:s15], $0x3000  }
0x41: {  	s25 =	sshrl.u32 s23, $0x2;
	s23 =	simm.s32 $0x40;
	[sflag:s15] =	ssyncset.done $0x0  }
0x42: {  	s25 =	sor.u32 s24, s25;
	s24 =	simm.s32 $0x0;
	[sflag:s15] =	ssyncadd.s32 $0xFFFFD000  }
.LBB2_2:
0x43: {  	p1 =	sne.s32 s23, $0x9FC0  }
0x44: {  	[tilespmem:s25+$0xE000] =	vst v7;
	s24 =	sadd.s32 $0x10, s24;
	s25 =	smov.u32 s23;
	s23 =	sadd.s32 $0x40, s23  }
.Ltmp0:
0x45: {  	(pc) =	sbr.rel @p1 .LBB2_2-.Ltmp0, $4  }
0x46: {  	_ = 	snop  }
0x47: {  	s25 =	sand.u32 $0xFE00, s25  }
0x48: {  	s26 =	sand.u32 $0x70, s24;
	s25 =	sshrl.u32 s25, $0x2  }
0x49: {  	s25 =	sor.u32 s26, s25  }
0x4a: {  	[tilespmem:s25+$0xE000] =	vst v7  }
0x4b: {  	[tilespmem:$0x10910] =	vst v0  }
0x4c: {  	[tilespmem:$0x10920] =	vst v8  }
0x4d: {  	[tilespmem:$0x10930] =	vst v9  }
0x4e: {  	[tilespmem:$0x10940] =	vst v10  }
0x4f: {  	s23 =	simm.s32 @!p0 $0xE000;
	[tilespmem:$0x10950] =	vst v11  }
0x50: {  	[spmem:s1] =	stream.linear.scatter @!p0 [tilespmem:s23], [sflag:$0x2], $0x2800, $0x38;
	[tilespmem:$0x10C50] =	vst v63  }
0x51: {  	s23 =	simm.s32 @!p0 $0x2  }
0x52: {  	_ =	swait.ge @!p0 [sflag:s23], $0x2800  }
0x53: {  	[sflag:s23] =	ssyncset.done @!p0 $0x0  }
0x54: {  	[sflag:s23] =	ssyncadd.s32 @!p0 $0xFFFFD800;
	s23 =	simm.s32 $0x0  }
0x55: {  	v12 =	vld [tilespmem:s23+$0x8000]  }
0x56: {  	v13 =	vld [tilespmem:s23+$0x5000];
	_ =	sdelay $0x4  }
0x57: {  	v12 =	vshll.u32 v12, $0x1;
	v14 =	vshll.u32 v13, $0x1  }
0x58: {  	v12 =	vor.u32 $0x1, v12;
	_ =	sdelay $0x1  }
0x59: {  	s24 =	simm.s32 $0x10  }
0x5a: {  	v15 =	vld [tilespmem:s24+$0x8000]  }
0x5b: {  	v14 =	vld.idx.msk [tilespmem:v14+s3+$0x0], $0xffff  }
0x5c: {  	s25 =	simm.s32 $0x80;
	v13 =	vld.idx.msk [tilespmem:v12+s3+$0x0], $0xffff;
	v12 =	vimm.f32 $-1.000000020e+30  }
.LBB2_4:
0x5d: {  	p1 =	sne.s32 s25, $0xBFC0  }
0x5e: {  	v16 =	vld [tilespmem:s24+$0x5000];
	_ =	sdelay $0x2  }
0x5f: {  	v13 =	vadd.f32 v13, v14;
	v15 =	vshll.u32 v15, $0x1  }
0x60: {  	v14 =	vor.u32 $0x1, v15  }
0x61: {  	v15 =	vshll.u32 v16, $0x1;
	v16 =	vmul.f32 $2.000000030e-01, v13  }
0x62: {  	vm0 =	vge.f32 v13, $0.0e+00  }
.Ltmp1:
0x63: {  	v13 =	vsel vm0, v13, v16;
	(pc) =	sbr.rel @p1 .LBB2_4-.Ltmp1, $4  }
0x64: {  	[tilespmem:s23+$0xB000] =	vst v13;
	v12 =	vmax.f32 v12, v13;
	s23 =	smov.u32 s24  }
0x65: {  	v13 =	vld.idx.msk [tilespmem:v14+s3+$0x0], $0xffff  }
0x66: {  	s24 =	sshra.s32 s25, $0x2;
	v14 =	vld.idx.msk [tilespmem:v15+s3+$0x0], $0xffff  }
0x67: {  	s25 =	sadd.s32 $0x40, s25;
	v15 =	vld [tilespmem:s24+$0x8000]  }
0x68: {  	_ = 	snop  }
0x69: {  	v16 =	vld [tilespmem:s24+$0x5000];
	_ =	sdelay $0x2  }
0x6a: {  	v13 =	vadd.f32 v13, v14;
	v15 =	vshll.u32 v15, $0x1  }
0x6b: {  	v14 =	vor.u32 $0x1, v15  }
0x6c: {  	v15 =	vshll.u32 v16, $0x1;
	v58 =	vmul.f32 $2.000000030e-01, v13  }
0x6d: {  	vm0 =	vge.f32 v13, $0.0e+00  }
0x6e: {  	v13 =	vsel vm0, v13, v58  }
0x6f: {  	[tilespmem:s23+$0xB000] =	vst v13  }
0x70: {  	v14 =	vld.idx.msk [tilespmem:v14+s3+$0x0], $0xffff  }
0x71: {  	v15 =	vld.idx.msk [tilespmem:v15+s3+$0x0], $0xffff;
	_ =	sdelay $0x4  }
0x72: {  	v14 =	vadd.f32 v14, v15;
	_ =	sdelay $0x1  }
0x73: {  	v15 =	vmul.f32 $2.000000030e-01, v14  }
0x74: {  	vm15 =	vge.f32 v14, $0.0e+00  }
0x75: {  	v12 =	vmax.f32 v12, v13;
	v13 =	vsel vm15, v14, v15  }
0x76: {  	[tilespmem:s24+$0xB000] =	vst v13;
	v12 =	vmax.f32 v12, v13  }
0x77: {  	[tilespmem:$0x10800] =	vst v12  }
0x78: {  	[spmem:s7] =	stream.linear.scatter [tilespmem:s17], [sflag:$0x2], $0x10, $0x38;
	[tilespmem:$0x10C50] =	vst v63  }
0x79: {  	_ =	swait.ge [sflag:s11], $0x10  }
0x7a: {  	[sflag:s11] =	ssyncset.done $0x0  }
0x7b: {  	[sflag:s11] =	ssyncadd.s32 $0xFFFFFFF0  }
0x7c: {  	[bflag:$0x0] =	sbarrier.arrive $0xFFFF  }
0x7d: {  	[tilespmem:s18], [sflag:$0x2] =	stream.linear.gather [spmem:s2], $0x100, $0x38;
	[tilespmem:$0x10C50] =	vst v63  }
0x7e: {  	_ =	swait.ge [sflag:s11], $0x100  }
0x7f: {  	[sflag:s11] =	ssyncset.done $0x0  }
0x80: {  	[sflag:s11] =	ssyncadd.s32 $0xFFFFFF00  }
0x81: {  	v12 =	vld [tilespmem:$0x10810]  }
0x82: {  	v13 =	vld [tilespmem:$0x10820]  }
0x83: {  	v14 =	vld [tilespmem:$0x10830]  }
0x84: {  	v15 =	vld [tilespmem:$0x10840]  }
0x85: {  	v59 =	vld [tilespmem:$0x10850]  }
0x86: {  	v17 =	vld [tilespmem:$0x10860];
	v12 =	vmax.f32 v12, $-1.000000020e+30  }
0x87: {  	v12 =	vmax.f32 v12, v13;
	v13 =	vld [tilespmem:$0x10870]  }
0x88: {  	v12 =	vmax.f32 v12, v14;
	v14 =	vld [tilespmem:$0x10880]  }
0x89: {  	v12 =	vmax.f32 v12, v15;
	v15 =	vld [tilespmem:$0x10890]  }
0x8a: {  	v60 =	vld [tilespmem:$0x108A0];
	v12 =	vmax.f32 v12, v59  }
0x8b: {  	v61 =	vld [tilespmem:$0x108B0];
	v12 =	vmax.f32 v12, v17  }
0x8c: {  	v12 =	vmax.f32 v12, v13;
	v13 =	vld [tilespmem:$0x108C0]  }
0x8d: {  	v12 =	vmax.f32 v12, v14;
	v14 =	vld [tilespmem:$0x108D0]  }
0x8e: {  	v12 =	vmax.f32 v12, v15;
	v15 =	vld [tilespmem:$0x108E0]  }
0x8f: {  	v62 =	vld [tilespmem:$0x108F0];
	v12 =	vmax.f32 v12, v60  }
0x90: {  	v63 =	vld [tilespmem:$0x10900];
	v12 =	vmax.f32 v12, v61  }
0x91: {  	v12 =	vmax.f32 v12, v13  }
0x92: {  	v12 =	vmax.f32 v12, v14  }
0x93: {  	v12 =	vmax.f32 v12, v15  }
0x94: {  	v12 =	vmax.f32 v12, v62  }
0x95: {  	v12 =	vmax.f32 v12, v63  }
0x96: {  	(xrf0) =	vmax.scan.msk.f32 $0xffff, v12;
	_ =	sdelay $0x5  }
0x97: {  	s23 =	simm.s32 $0x0;
	v12, _, _ =	vpop (xrf0)  }
0x98: {  	s24 =	simm.s32 $0x40;
	v13 =	vld [tilespmem:s23+$0xB000];
	v12 =	vbroadcast v12, $0xF  }
.LBB2_6:
0x99: {  	p1 =	sne.s32 s24, $0xBFC0;
	_ =	sdelay $0x3  }
0x9a: {  	v13 =	vsub.f32 v13, v12;
	_ =	sdelay $0x1  }
0x9b: {  	v13 =	vmul.f32 $1.442695020e+00, v13;
	_ =	sdelay $0x1  }
0x9c: {  	(erf) = vpow2.f32 v13;
	_ =	sdelay $0x2  }
0x9d: {  	v13 =	vld [tilespmem:s23+$0x8000];
	_ =	sdelay $0x4  }
.Ltmp2:
0x9e: {  	(pc) =	sbr.rel @p1 .LBB2_6-.Ltmp2, $4  }
0x9f: {  	v14 =	vpop (erf)  }
0xa0: {  	[tilespmem:s23+$0xB000] =	vst v14  }
0xa1: {  	s23 =	sshra.s32 s24, $0x2;
	[tilespmem:v13+s19+$0x0] =	vst.idx.add.f32.msk $0xffff, v14  }
0xa2: {  	s24 =	sadd.s32 $0x40, s24;
	v13 =	vld [tilespmem:s23+$0xB000]  }
0xa3: {  	_ =	sdelay $0x3  }
0xa4: {  	v12 =	vsub.f32 v13, v12;
	_ =	sdelay $0x1  }
0xa5: {  	v12 =	vmul.f32 $1.442695020e+00, v12;
	_ =	sdelay $0x1  }
0xa6: {  	(erf) = vpow2.f32 v12;
	_ =	sdelay $0x2  }
0xa7: {  	v12 =	vld [tilespmem:s23+$0x8000];
	_ =	sdelay $0x5  }
0xa8: {  	v13 =	vpop (erf)  }
0xa9: {  	[tilespmem:s23+$0xB000] =	vst v13  }
0xaa: {  	[tilespmem:v12+s19+$0x0] =	vst.idx.add.f32.msk $0xffff, v13  }
0xab: {  	[spmem:s1] =	stream.indirect.scatter.add.f32 [tilespmem:s19], [sflag:$0x2], $0x80, s21, s20, $0xb8;
	[tilespmem:$0x10C50] =	vst v63  }
0xac: {  	_ =	swait.ge [sflag:s11], $0x2800  }
0xad: {  	[sflag:s11] =	ssyncset.done $0x0  }
0xae: {  	[sflag:s11] =	ssyncadd.s32 $0xFFFFD800  }
0xaf: {  	[bflag:$0x0] =	sbarrier.arrive $0xFFFF  }
0xb0: {  	[tilespmem:s19], [sflag:$0x2] =	stream.linear.gather [spmem:s1], $0x2800, $0x38;
	[tilespmem:$0x10C50] =	vst v63  }
0xb1: {  	_ =	swait.ge [sflag:s11], $0x2800  }
0xb2: {  	[sflag:s11] =	ssyncset.done $0x0  }
0xb3: {  	s23 =	simm.s32 $0x0;
	[sflag:s11] =	ssyncadd.s32 $0xFFFFD800  }
0xb4: {  	v12 =	vld [tilespmem:s23+$0x8000];
	_ =	sdelay $0x7  }
0xb5: {  	v12 =	vld.idx.msk [tilespmem:v12+s19+$0x0], $0xffff;
	_ =	sdelay $0x4  }
0xb6: {  	v12 =	vadd.f32 $1.000000020e-16, v12;
	_ =	sdelay $0x1  }
0xb7: {  	(erf) = vrcp.f32 v12;
	_ =	sdelay $0x2  }
0xb8: {  	s25 =	simm.s32 $0x10  }
0xb9: {  	s24 =	simm.s32 $0x80;
	v12 =	vld [tilespmem:s25+$0x8000]  }
.LBB2_8:
0xba: {  	p1 =	sne.s32 s24, $0xBFC0;
	v13 =	vld [tilespmem:s23+$0xB000];
	_ =	sdelay $0x3  }
0xbb: {  	v14 =	vpop (erf)  }
0xbc: {  	v13 =	vmul.f32 v14, v13;
	_ =	sdelay $0x1  }
0xbd: {  	[tilespmem:s23+$0xB000] =	vst v13;
	s23 =	smov.u32 s25  }
0xbe: {  	v12 =	vld.idx.msk [tilespmem:v12+s19+$0x0], $0xffff;
	_ =	sdelay $0x5  }
0xbf: {  	v12 =	vadd.f32 $1.000000020e-16, v12;
	_ =	sdelay $0x1  }
.Ltmp3:
0xc0: {  	(erf) = vrcp.f32 v12;
	(pc) =	sbr.rel @p1 .LBB2_8-.Ltmp3, $3  }
0xc1: {  	_ =	sdelay $0x1  }
0xc2: {  	s25 =	sshra.s32 s24, $0x2  }
0xc3: {  	s24 =	sadd.s32 $0x40, s24;
	v12 =	vld [tilespmem:s25+$0x8000]  }
0xc4: {  	v13 =	vld [tilespmem:s23+$0xB000];
	_ =	sdelay $0x3  }
0xc5: {  	v14 =	vpop (erf)  }
0xc6: {  	v13 =	vmul.f32 v14, v13;
	_ =	sdelay $0x1  }
0xc7: {  	[tilespmem:s23+$0xB000] =	vst v13  }
0xc8: {  	v12 =	vld.idx.msk [tilespmem:v12+s19+$0x0], $0xffff;
	_ =	sdelay $0x4  }
0xc9: {  	v12 =	vadd.f32 $1.000000020e-16, v12;
	_ =	sdelay $0x1  }
0xca: {  	(erf) = vrcp.f32 v12;
	_ =	sdelay $0x4  }
0xcb: {  	v62 =	vld [tilespmem:s25+$0xB000];
	_ =	sdelay $0x3  }
0xcc: {  	v63 =	vpop (erf)  }
0xcd: {  	s22 =	sadd.s32 $0x1, s22;
	v12 =	vmul.f32 v63, v62  }
0xce: {  	p1 =	sne.s32 s22, s10  }
.Ltmp4:
0xcf: {  	[tilespmem:s25+$0xB000] =	vst v12;
	(pc) =	sbr.rel @p1 .LBB2_1-.Ltmp4, $4  }
0xd0: {  	[hbm4b:s8+s3] =	stream.linear.scatter [tilespmem:s9], [sflag:$0x2], $0x1800, $0x38;
	[tilespmem:$0x10C50] =	vst v63  }
0xd1: {  	_ =	swait.ge [sflag:s11], $0x1800  }
0xd2: {  	[sflag:s11] =	ssyncset.done $0x0  }
0xd3: {  	[sflag:s11] =	ssyncadd.s32 $0xFFFFE800  }
0xd4: {  	_ =	sfence.sel $0x180000  }
0xd5: {  	[bflag:$0x0] =	sbarrier.arrive $0xFFFF  }
0xd6: {  	_ =	strace $0x90000056  }
0xd7: {  	s0 =	sadd.s32 @!p0 $0x100000, s0;
	[bflag:$0x2] =	sbarrier.arrive $0xFFFF  }
0xd8: {  	[sflag:s0] =	ssyncadd.tile.s32 @!p0 $0x1;
	_ =	shalt  }
.Lfunc_end2:
_tile_overlayer_lowered:
.L_overlay_start_2:
0xd9: {  	(tag) =	ssettag $0x2  }
0xda: {  	s0 =	rddreg [dreg:$0x0];
	s2 =	stileid.u32  }
0xdb: {  	s1 =	rddreg [dreg:$0x1];
	p0 =	sne.s32 s2, $0x0  }
0xdc: {  	s3 =	rddreg [dreg:$0x2];
	[bflag:$0x3] =	sbarrier.arrive $0xFFFF;
	s2 =	simm.s32 @!p0 $0x1C02  }
0xdd: {  	[timem:s3], [sflag:s2] =	dma.local @!p0 [hbm:s0], s1  }
0xde: {  	s0 =	simm.s32 @!p0 $0x2  }
0xdf: {  	_ =	swait.ge @!p0 [sflag:s0], s1  }
0xe0: {  	s1 =	ssub.s32 @!p0 $0x0, s1;
	[sflag:s0] =	ssyncset.done @!p0 $0x0  }
0xe1: {  	[sflag:s0] =	ssyncadd.s32 @!p0 s1  }
0xe2: {  	[bflag:$0x3] =	sbarrier.arrive $0xFFFF  }
0xe3: {  	_ =	shalt  }

// kernel: kernel.31.cloned.1.call-start
scs
__scs_entry_jumppad:
0x0: {  	(pc) =	sbr.rel $0x88, $3  }
0x1: {  	(tag) =	ssettag $0x0;
	lr =	simm.s32 $0x1  }
0x2: {  	[smem:$0x3F90] =	sst lr;
	_ =	strace $0xD0000000  }
0x3: {  	_ = 	snop  }
0x4: {  	_ = 	snop  }
0x5: {  	_ = 	snop  }
0x6: {  	_ = 	snop  }
0x7: {  	_ = 	snop  }
__scs_overlays_trampoline_lowered:
0x8: {  	[smem:$0x3F9F] =	sst s0  }
0x9: {  	[smem:$0x3FA0] =	sst s1  }
0xa: {  	[smem:$0x3FA1] =	sst s2  }
0xb: {  	[smem:$0x3FA2] =	sst s3  }
0xc: {  	[smem:$0x3FA3] =	sst s4  }
0xd: {  	[smem:$0x3FA4] =	sst s5  }
0xe: {  	[smem:$0x3FA5] =	sst s6  }
0xf: {  	[smem:$0x3FA6] =	sst s7  }
0x10: {  	[smem:$0x3FA7] =	sst s8  }
0x11: {  	[smem:$0x3FA8] =	sst s9;
	s0 =	simm.s32 @!p0 $0x0  }
0x12: {  	s1 =	sld [smem:$0x3F8E];
	s0 =	simm.s32 @p0 $0x1  }
0x13: {  	[smem:$0x3FA9] =	sst s0;
	s0 =	simm.s32 @!p1 $0x0  }
0x14: {  	s2 =	sld [smem:$0x3F8D];
	s0 =	simm.s32 @p1 $0x1  }
0x15: {  	[smem:$0x3FAA] =	sst s0;
	s0 =	simm.s32 @!p2 $0x0  }
0x16: {  	s3 =	sld [smem:$0x3FDB];
	s0 =	simm.s32 @p2 $0x1  }
0x17: {  	s4 =	simm.s32 $0x1BF5;
	[smem:$0x3FAC] =	sst s0  }
0x18: {  	s0 =	sld [smem:$0x3F8F];
	_ =	swait.ge [sflag:s4], $0x0  }
0x19: {  	s7 =	sld [smem:$0x3F90]  }
0x1a: {  	s8 =	sadd.s32 $0xFFFFE003, lr  }
0x1b: {  	s9 =	sadd.s32 $0xFFFFFEF7, lr;
	s5 =	simm.s32 $0xFFFFFFFF;
	p2 =	slt.u32 s8, $0xFFFFF086  }
0x1c: {  	p1 =	slt.u32 s9, $0xF7A;
	s5 =	simm.s32 @!p2 $0x0  }
0x1d: {  	s5 =	simm.s32 @p1 $0x1;
	p0 =	seq.s32 s7, s2  }
0x1e: {  	s7 =	smul.u32 @!p0 $0xF7A, s2;
	p2 =	seq.s32 @!p0 s5, $0x0  }
0x1f: {  	s9 =	smul.u32 $0xF7A, s1;
	s8 =	simm.s32 @!p0 $0x1BF5;
	p2 =	por !p2, p0  }
0x20: {  	[sflag:s8] =	ssyncset.s32 @!p0 $0xFFFFF086;
	s6 =	sadd.s32 @!p0 s3, s7;
	s7 =	simm.s32 @!p0 $0x108  }
0x21: {  	s3 =	sadd.s32 s3, s9;
	s6 =	sadd.s32 @!p0 $0x88, s6;
	s7 =	simm.s32 @p2 $0x1082  }
0x22: {  	[simem:s7], [sflag:s8] =	dma.local @!p0 [hbm:s6], $0xF7A  }
0x23: {  	s9 =	sor.u32 $0xD0000000, s2;
	s6 =	simm.s32 $0x108;
	_ =	swait.ge @!p0 [sflag:s8], $0x0  }
0x24: {  	s3 =	sadd.s32 $0x88, s3;
	s6 =	simm.s32 @!p1 $0x1082;
	[sflag:s4] =	ssyncset.s32 $0xFFFFF086  }
0x25: {  	[simem:s6], [sflag:s4] =	dma.local [hbm:s3], $0xF7A  }
0x26: {  	[smem:$0x3F90] =	sst s1;
	(tag) =	ssettag s2;
	_ =	strace s9  }
0x27: {  	s1 =	sld [smem:$0x3FA0]  }
0x28: {  	s2 =	sld [smem:$0x3FA1]  }
0x29: {  	s4 =	sld [smem:$0x3FA3]  }
0x2a: {  	p0 =	seq.s32 s5, $0x0;
	s5 =	sld [smem:$0x3FA4]  }
0x2b: {  	s6 =	sld [smem:$0x3FA5]  }
0x2c: {  	s7 =	sld [smem:$0x3FA6]  }
0x2d: {  	s3 =	simm.s32 $0x108;
	s8 =	sld [smem:$0x3FA7]  }
0x2e: {  	s3 =	simm.s32 @!p0 $0x1082;
	s9 =	sld [smem:$0x3FA8]  }
0x2f: {  	lr =	sadd.s32 s0, s3;
	s0 =	sld [smem:$0x3F9F]  }
0x30: {  	s3 =	sld [smem:$0x3FA2]  }
0x31: {  	[smem:$0x3FAB] =	sst s10  }
0x32: {  	s10 =	sld [smem:$0x3FA9];
	_ =	sdelay $0x3  }
0x33: {  	p0 =	seq.s32 s10, $0x1;
	s10 =	sld [smem:$0x3FAB];
	_ =	sdelay $0x3  }
0x34: {  	[smem:$0x3FAB] =	sst s10  }
0x35: {  	s10 =	sld [smem:$0x3FAA];
	_ =	sdelay $0x3  }
0x36: {  	p1 =	seq.s32 s10, $0x1;
	s10 =	sld [smem:$0x3FAB];
	_ =	sdelay $0x3  }
0x37: {  	[smem:$0x3FAB] =	sst s10  }
0x38: {  	s10 =	sld [smem:$0x3FAC]  }
0x39: {  	_ = 	snop;
	(pc) =	sbr.ind lr, $3  }
0x3a: {  	_ = 	snop  }
0x3b: {  	_ = 	snop  }
0x3c: {  	p2 =	seq.s32 s10, $0x1;
	s10 =	sld [smem:$0x3FAB]  }
0x3d: {  	_ =	shalt  }
0x3e: {  	_ =	shalt  }
0x3f: {  	_ =	shalt  }
0x40: {  	_ =	shalt  }
0x41: {  	_ =	shalt  }
0x42: {  	_ =	shalt  }
0x43: {  	_ =	shalt  }
0x44: {  	_ =	shalt  }
0x45: {  	_ =	shalt  }
0x46: {  	_ =	shalt  }
0x47: {  	_ =	shalt  }
0x48: {  	_ =	shalt  }
0x49: {  	_ =	shalt  }
0x4a: {  	_ =	shalt  }
0x4b: {  	_ =	shalt  }
0x4c: {  	_ =	shalt  }
0x4d: {  	_ =	shalt  }
0x4e: {  	_ =	shalt  }
0x4f: {  	_ =	shalt  }
0x50: {  	_ =	shalt  }
0x51: {  	_ =	shalt  }
0x52: {  	_ =	shalt  }
0x53: {  	_ =	shalt  }
0x54: {  	_ =	shalt  }
0x55: {  	_ =	shalt  }
0x56: {  	_ =	shalt  }
0x57: {  	_ =	shalt  }
0x58: {  	_ =	shalt  }
0x59: {  	_ =	shalt  }
0x5a: {  	_ =	shalt  }
0x5b: {  	_ =	shalt  }
0x5c: {  	_ =	shalt  }
0x5d: {  	_ =	shalt  }
0x5e: {  	_ =	shalt  }
0x5f: {  	_ =	shalt  }
0x60: {  	_ =	shalt  }
0x61: {  	_ =	shalt  }
0x62: {  	_ =	shalt  }
0x63: {  	_ =	shalt  }
0x64: {  	_ =	shalt  }
0x65: {  	_ =	shalt  }
0x66: {  	_ =	shalt  }
0x67: {  	_ =	shalt  }
0x68: {  	_ =	shalt  }
0x69: {  	_ =	shalt  }
0x6a: {  	_ =	shalt  }
0x6b: {  	_ =	shalt  }
0x6c: {  	_ =	shalt  }
0x6d: {  	_ =	shalt  }
0x6e: {  	_ =	shalt  }
0x6f: {  	_ =	shalt  }
0x70: {  	_ =	shalt  }
0x71: {  	_ =	shalt  }
0x72: {  	_ =	shalt  }
0x73: {  	_ =	shalt  }
0x74: {  	_ =	shalt  }
0x75: {  	_ =	shalt  }
0x76: {  	_ =	shalt  }
0x77: {  	_ =	shalt  }
0x78: {  	_ =	shalt  }
0x79: {  	_ =	shalt  }
0x7a: {  	_ =	shalt  }
0x7b: {  	_ =	shalt  }
0x7c: {  	_ =	shalt  }
0x7d: {  	_ =	shalt  }
0x7e: {  	_ =	shalt  }
0x7f: {  	_ =	shalt  }
0x80: {  	_ =	shalt  }
0x81: {  	_ =	shalt  }
0x82: {  	_ =	shalt  }
0x83: {  	_ =	shalt  }
0x84: {  	_ =	shalt  }
0x85: {  	_ =	shalt  }
0x86: {  	_ =	shalt  }
0x87: {  	_ =	shalt  }
.Lfunc_end0:
.L_simem_size_0:
called_computation.6_lowered:
.L_overlay_start_0:
0x88: {  	s2 =	sld [smem:$0x3FD9]  }
0x89: {  	s3 =	sld [smem:$0x3FFE];
	_ =	sdelay $0x1  }
0x8a: {  	s1 =	srdreg.scid  }
0x8b: {  	s0 =	sand.u32 $0x1, s1  }
0x8c: {  	s17 =	sshll.u32 s0, $0xA;
	s2 =	sadd.s32 s3, s2  }
0x8d: {  	s2 =	sadd.s32 s2, s17  }
0x8e: {  	[smem:$0x3FB7] =	sst s2  }
0x8f: {  	_ = 	snop  }
0x90: {  	s2 =	sld [smem:$0x3FD0];
	(tm) =	ssettm $0x1  }
0x91: {  	s18 =	sld [smem:$0x3FFB];
	_ =	sdelay $0x3  }
0x92: {  	_ =	strace s18  }
0x93: {  	s3 =	sld [smem:$0x3FFC];
	_ =	sdelay $0x3  }
0x94: {  	_ =	strace s3  }
0x95: {  	s3 =	sld [smem:$0x3FFD];
	_ =	sdelay $0x3  }
0x96: {  	_ =	strace s3  }
0x97: {  	_ =	strace $0x8FFFFFFF  }
0x98: {  	s19 =	sld [smem:$0x3FDB];
	_ =	sdelay $0x1  }
0x99: {  	s4 =	simm.s32 $_scs_section_size  }
0x9a: {  	s5 =	simm.s32 $_size__tile_overlayer_lowered;
	s6 =	simm.s32 $_tile_overlayer_lowered  }
0x9b: {  	s22 =	simm.s32 $0x1BFF;
	s21 =	sshll.u32 s6, $0x1;
	s3 =	sadd.s32 s4, s19  }
0x9c: {  	s7 =	simm.s32 $0x0;
	s20 =	sshll.u32 s5, $0x1;
	s5 =	sadd.s32 s21, s3  }
0x9d: {  	[timem:s7], [sflag:s22] =	dma.local [hbm:s5], s20  }
0x9e: {  	_ =	swait.ge [sflag:s22], s20  }
0x9f: {  	s4 =	ssub.s32 $0x0, s20;
	[sflag:s22] =	ssyncset.done $0x0  }
0xa0: {  	[sflag:s22] =	ssyncadd.s32 s4;
	_ =	sdelay $0x1  }
0xa1: {  	s23 =	simm.s32 $0x1B8B  }
0xa2: {  	_ =	swait.ge [sflag:s23], $0x1  }
0xa3: {  	[sflag:s23] =	ssyncset.done $0x0  }
0xa4: {  	s25 =	simm.s32 $0x1B8E;
	s24 =	sld [smem:$0x3FFE];
	[sflag:s23] =	ssyncadd.s32 $0xFFFFFFFF  }
0xa5: {  	s26 =	simm.s32 $execute0_lowered;
	[smem:$0x3FD2] =	sst s25  }
0xa6: {  	s5 =	sshll.u32 s26, $0x1;
	_ =	strace $0x80000058;
	[dreg:$0x1] =	wrdreg $0xFFFFFFFF  }
0xa7: {  	s28 =	simm.s32 $_size_execute0_lowered;
	s3 =	sadd.s32 s3, s5;
	[dreg:$0x0] =	wrdreg $0x0  }
0xa8: {  	s5 =	sshll.u32 s28, $0x1;
	[dreg:$0x2] =	wrdreg s3  }
0xa9: {  	[dreg:$0x3] =	wrdreg s5  }
0xaa: {  	[dreg:$0x4] =	wrdreg $0xC0  }
0xab: {  	_ =	task [dreg:s7], $0x5FFFF  }
0xac: {  	[dreg:$0x1] =	wrdreg $0xFFFFFFFF  }
0xad: {  	[dreg:$0x0] =	wrdreg $0x60  }
0xae: {  	[dreg:$0x2] =	wrdreg s24  }
0xaf: {  	[dreg:$0x3] =	wrdreg s2  }
0xb0: {  	[dreg:$0x4] =	wrdreg $0xB5600  }
0xb1: {  	[dreg:$0x5] =	wrdreg $0x9  }
0xb2: {  	_ =	task.clear_ibuf [dreg:s7], $0x6FFFF;
	_ =	strace $0x90000058  }
0xb3: {  	s29 =	simm.s32 $0x9;
	_ =	strace $0x8000005A  }
0xb4: {  	_ =	swait.ge [sflag:s29], $0x1  }
0xb5: {  	[sflag:s29] =	ssyncadd.s32 $0xFFFFFFFF  }
0xb6: {  	_ =	strace $0x9000005A  }
0xb7: {  	_ =	sfence  }
0xb8: {  	s30 =	sld [smem:$0x0];
	_ =	sdelay $0x2  }
0xb9: {  	s31 =	sshll.u32 s1, $0xD;
	s1 =	sshrl.u32 s1, $0x2  }
0xba: {  	s3 =	sand.u32 $0x4000, s31;
	s1 =	sadd.s32 s1, s30  }
0xbb: {  	s0 =	sor.u32 s3, s0;
	s1 =	sshll.u32 s1, $0x11  }
0xbc: {  	s0 =	sor.u32 s1, s0  }
0xbd: {  	s0 =	sadd.s32 $0x8F2B, s0  }
0xbe: {  	[sflag:s0] =	ssyncadd.remote.s32 $0x1  }
0xbf: {  	_ =	sfence.sel $0xFFFF  }
0xc0: {  	[dreg:$0x0] =	wrdreg $0xFFFFFFFF;
	(pc) =	sbr.abs _section_cstart, $3  }
0xc1: {  	[dreg:$0x1] =	wrdreg $0xFFFFFFFF  }
0xc2: {  	_ =	task.clear_ibuf [dreg:s7], $0x2FFFF;
	_ =	strace $0x9FFFFFFF  }
0xc3: {  	(tm) =	ssettm $0x7FFFFFFF  }
tec
execute0_lowered:
.L_overlay_start_1:
0x0: {  	(tag) =	ssettag $0x1  }
0x1: {  	s0 =	rddreg [dreg:$0x0]  }
0x2: {  	s1 =	rddreg [dreg:$0x1]  }
0x3: {  	s2 =	rddreg [dreg:$0x2];
	s3 =	srdreg.scid;
	s4 =	simm.s32 $0x0  }
0x4: {  	s28 =	stileid.u32;
	s14 =	simm.s32 $0x1;
	s15 =	simm.s32 $0x3060  }
0x5: {  	s16 =	simm.s32 $0x6060;
	s19 =	simm.s32 $0xB160;
	s9 =	smul.u32 $0x140, s28  }
0x6: {  	s20 =	sand.u32 $0x1, s3;
	[smem:$0x7FF] =	sst s4;
	s11 =	smul.u32 $0x52000, s28  }
0x7: {  	s5 =	sadd.s32 $0x1C000, s0;
	s6 =	sadd.s32 $0x10000, s0;
	s12 =	smul.u32 $0x50000, s28  }
0x8: {  	s7 =	sadd.s32 $0x16000, s0;
	s8 =	sadd.s32 $0x4A00, s0;
	s18 =	smul.u32 $0x60, s28  }
0x9: {  	s17 =	smul.u32 $0x1400, s20;
	_ =	strace $0x80000059;
	s10 =	ssub.s32 $0x2, s20  }
0xa: {  	p0 =	seq.s32 s20, $0x0;
	s29 =	sshrl.u32 s10, $0x1;
	s30 =	sshrl.u32 s11, $0x2  }
0xb: {  	s12 =	sshrl.u32 s12, $0x2;
	s21 =	sor.u32 $0x10, s18;
	s22 =	sadd.s32 $0x20, s18  }
0xc: {  	v6 =	vlaneseq.u32;
	s23 =	sadd.s32 $0x30, s18;
	s24 =	sadd.s32 $0x40, s18;
	s25 =	sadd.s32 $0x50, s18  }
0xd: {  	v1 =	vor.u32 s18, v6;
	s18 =	simm.s32 $0x2;
	s9 =	sadd.s32 s9, s17;
	s13 =	ssub.s32 s10, s29  }
.Ltmp0:
0xe: {  	s10 =	sshll.u32 s28, $0x6;
	s31 =	sadd.s32 s12, s2;
	(pc) =	sbr.rel .LBB2_1-.Ltmp0, $4  }
0xf: {  	v0 =	vmov s17;
	s17 =	simm.s32 $0x9060;
	v2 =	vor.u32 s21, v6;
	v3 =	vor.u32 s22, v6;
	s21 =	simm.s32 $0x20;
	s22 =	simm.s32 $0x9160  }
0x10: {  	v5 =	vor.u32 s24, v6;
	s24 =	simm.s32 $0x0;
	s9 =	sshll.u32 s9, $0x5;
	s12 =	smax.u32 s13, $0x1  }
0x11: {  	s13 =	simm.s32 $0x60;
	s20 =	sshrl.u32 s10, $0x2;
	s0 =	sadd.s32 s9, s0  }
0x12: {  	v7 =	vimm.f32 $0.0e+00;
	v4 =	vor.u32 s23, v6;
	v6 =	vor.u32 s25, v6;
	s23 =	sshrl.u32 s31, $0x3;
	s9 =	sadd.s32 s30, s2;
	s11 =	sadd.s32 $0x6C000, s0  }
.LBB2_11:
0x13: {  	s24 =	sadd.s32 $0x1, s24  }
0x14: {  	p1 =	sne.s32 s24, s12  }
.Ltmp1:
0x15: {  	[bflag:$0x0] =	sbarrier.arrive $0xFFFF;
	s0 =	sor.u32 $0x1C02, s10;
	(pc) =	sbr.rel @!p1 .LBB2_12-.Ltmp1, $4  }
0x16: {  	[hbm:s11], [sflag:s0] =	dma.local [spmem:s23], $0x2800  }
0x17: {  	_ =	swait.ge [sflag:s18], $0x2800  }
0x18: {  	[sflag:s18] =	ssyncset.done $0x0  }
0x19: {  	[sflag:s18] =	ssyncadd.s32 $0xFFFFD800  }
.LBB2_1:
0x1a: {  	[tilespmem:$0x0] =	vst v1  }
0x1b: {  	[tilespmem:$0x10] =	vst v2  }
0x1c: {  	[tilespmem:$0x20] =	vst v3  }
0x1d: {  	[tilespmem:$0x30] =	vst v4  }
0x1e: {  	[tilespmem:$0x40] =	vst v5  }
0x1f: {  	[tilespmem:$0x50] =	vst v6  }
0x20: {  	[tilespmem:s13], [sflag:$0x1] =	stream.indirect.gather [hbm4b:s6+s13], $0x80, s4, s13, $0xb8;
	[tilespmem:$0x1FD60] =	vst v63  }
0x21: {  	_ =	swait.ge [sflag:s14], $0x3000  }
0x22: {  	[sflag:s14] =	ssyncset.done $0x0  }
0x23: {  	[sflag:s14] =	ssyncadd.s32 $0xFFFFD000  }
0x24: {  	[tilespmem:s15], [sflag:$0x1] =	stream.indirect.gather [hbm4b:s7+s13], $0x80, s4, s13, $0xb8;
	[tilespmem:$0x1FD60] =	vst v63  }
0x25: {  	_ =	swait.ge [sflag:s14], $0x3000  }
0x26: {  	[sflag:s14] =	ssyncset.done $0x0  }
0x27: {  	[sflag:s14] =	ssyncadd.s32 $0xFFFFD000  }
0x28: {  	[tilespmem:s16], [sflag:$0x1] =	stream.indirect.gather [hbm4b:s8+s13], $0x80, s4, s13, $0xb8;
	[tilespmem:$0x1FD60] =	vst v63  }
0x29: {  	_ =	swait.ge [sflag:s14], $0x3000  }
0x2a: {  	[sflag:s14] =	ssyncset.done $0x0  }
0x2b: {  	[sflag:s14] =	ssyncadd.s32 $0xFFFFD000  }
0x2c: {  	[tilespmem:s17], [sflag:$0x2] =	stream.linear.gather [hbm4b:s1+s4], $0x100, $0x38;
	[tilespmem:$0x1FD60] =	vst v63  }
0x2d: {  	s0 =	sand.u32 $0xFE00, s4;
	_ =	swait.ge [sflag:s18], $0x100  }
0x2e: {  	s25 =	sand.u32 $0x70, s4;
	s0 =	sshrl.u32 s0, $0x2;
	[sflag:s18] =	ssyncset.done $0x0  }
0x2f: {  	s0 =	sor.u32 s25, s0;
	[sflag:s18] =	ssyncadd.s32 $0xFFFFFF00  }
0x30: {  	v8 =	vld [tilespmem:s0+$0x3060];
	_ =	sdelay $0x4  }
0x31: {  	s31 =	simm.s32 $0x40;
	v8 =	vsub.s32 v8, v0  }
0x32: {  	s26 =	simm.s32 $0x10;
	s28 =	sand.u32 $0xFE00, s31;
	s25 =	simm.s32 $0x80;
	vm0 =	vlt.u32 v8, $0x1400  }
.LBB2_2:
0x33: {  	p1 =	sne.s32 s25, $0xBFC0;
	s29 =	sand.u32 $0x70, s26;
	s28 =	sshrl.u32 s28, $0x2;
	v8 =	vnsel vm0, $0x147F, v8  }
0x34: {  	[tilespmem:s0+$0x3060] =	vst v8;
	s0 =	sor.u32 s29, s28  }
0x35: {  	v8 =	vld [tilespmem:s0+$0x3060];
	_ =	sdelay $0x1  }
.Ltmp2:
0x36: {  	(pc) =	sbr.rel @p1 .LBB2_2-.Ltmp2, $3  }
0x37: {  	_ =	sdelay $0x1  }
0x38: {  	v8 =	vsub.s32 v8, v0  }
0x39: {  	s26 =	sadd.s32 $0x10, s26;
	s28 =	sand.u32 $0xFE00, s25;
	s25 =	sadd.s32 $0x40, s25;
	vm0 =	vlt.u32 v8, $0x1400  }
0x3a: {  	s25 =	sand.u32 $0x70, s26;
	s29 =	sshrl.u32 s28, $0x2;
	v8 =	vnsel vm0, $0x147F, v8  }
0x3b: {  	s25 =	sor.u32 s25, s29;
	[tilespmem:s0+$0x3060] =	vst v8  }
0x3c: {  	v8 =	vld [tilespmem:s25+$0x3060];
	_ =	sdelay $0x4  }
0x3d: {  	s0 =	simm.s32 $0x0;
	v8 =	vsub.s32 v8, v0  }
0x3e: {  	s30 =	sand.u32 $0xC00, s0;
	vm15 =	vlt.u32 v8, $0x1400  }
0x3f: {  	s31 =	sand.u32 $0xF0, s0;
	s26 =	sshrl.u32 s30, $0x2;
	v8 =	vnsel vm15, $0x147F, v8  }
0x40: {  	s26 =	sor.u32 s31, s26;
	[tilespmem:s25+$0x3060] =	vst v8;
	s25 =	simm.s32 $0x40  }
.LBB2_4:
0x41: {  	p1 =	sne.s32 s25, $0xFC0  }
0x42: {  	[tilespmem:s26+$0xB160] =	vst v7;
	s0 =	sadd.s32 $0x10, s0;
	s26 =	smov.u32 s25;
	s25 =	sadd.s32 $0x40, s25  }
.Ltmp3:
0x43: {  	(pc) =	sbr.rel @p1 .LBB2_4-.Ltmp3, $4  }
0x44: {  	_ = 	snop  }
0x45: {  	s26 =	sand.u32 $0xC00, s26  }
0x46: {  	s28 =	sand.u32 $0xF0, s0;
	s26 =	sshrl.u32 s26, $0x2  }
0x47: {  	s26 =	sor.u32 s28, s26  }
0x48: {  	[tilespmem:s26+$0xB160] =	vst v7;
	s0 =	sadd.s32 $0x0, s9  }
0x49: {  	[spmem:s0] =	stream.linear.scatter [tilespmem:s19], [sflag:$0x2], $0x400, $0x38;
	[tilespmem:$0x1FD60] =	vst v63  }
0x4a: {  	s0 =	simm.s32 $0x1000;
	_ =	swait.ge [sflag:s18], $0x400  }
.LBB2_6:
0x4b: {  	s25 =	sshra.s32 s0, $0x2;
	[sflag:s18] =	ssyncset.done $0x0;
	p1 =	sne.s32 s0, $0x51000  }
.Ltmp4:
0x4c: {  	s25 =	sadd.s32 s25, s9;
	[sflag:s18] =	ssyncadd.s32 $0xFFFFFC00;
	(pc) =	sbr.rel @p1 .LBB2_6-.Ltmp4, $3  }
0x4d: {  	[spmem:s25] =	stream.linear.scatter [tilespmem:s19], [sflag:$0x2], $0x400, $0x38;
	[tilespmem:$0x1FD60] =	vst v63  }
0x4e: {  	s0 =	sadd.s32 $0x1000, s0;
	_ =	sdelay $0x1  }
0x4f: {  	_ =	swait.ge [sflag:s18], $0x400  }
0x50: {  	[sflag:s18] =	ssyncset.done $0x0  }
0x51: {  	[sflag:s18] =	ssyncadd.s32 $0xFFFFFC00  }
0x52: {  	[bflag:$0x0] =	sbarrier.arrive $0xFFFF  }
0x53: {  	v8 =	vld [tilespmem:s20+$0x9060];
	_ =	sdelay $0x4  }
0x54: {  	(v2sf) =	vpush v8, $0x0;
	_ =	sdelay $0xe  }
0x55: {  	s0 =	spop (v2sf)  }
0x56: {  	s26 =	sadd.s32 $0x1F, s0  }
0x57: {  	s25 =	sshra.s32 s0, $0x5;
	s26 =	sshra.s32 s26, $0x5  }
0x58: {  	s25 =	simm.s32 @p0 $0x0;
	s26 =	simm.s32 @!p0 $0x180  }
0x59: {  	p1 =	sge.s32 s25, s26  }
.Ltmp5:
0x5a: {  	_ = 	snop;
	(pc) =	sbr.rel @p1 .LBB2_11-.Ltmp5, $1  }
0x5b: {  	_ =	sdelay $0x3  }
.LBB2_8:
0x5c: {  	s0 =	sshra.s32 s25, $0x1F  }
0x5d: {  	s0 =	sshrl.u32 s0, $0x1E  }
0x5e: {  	s0 =	sadd.s32 s0, s25  }
0x5f: {  	s28 =	sand.u32 $0xFFFFFFFC, s0  }
0x60: {  	p1 =	slt.s32 s25, $0x1;
	p2 =	sne.s32 s25, s28  }
0x61: {  	p1 =	por !p1, !p2  }
0x62: {  	s28 =	simm.s32 $0x1;
	p1 =	por !p1, !p1  }
0x63: {  	s29 =	sshll.u32 s25, $0x5;
	s0 =	sshrl.u32 s0, $0x2;
	s28 =	simm.s32 @!p1 $0x0  }
0x64: {  	s0 =	ssub.s32 s0, s28;
	s28 =	sadd.s32 $0x80, s29  }
0x65: {  	s30 =	sand.u32 $0x60, s28;
	s0 =	sshll.u32 s0, $0x7  }
0x66: {  	s28 =	sor.u32 s30, s0  }
0x67: {  	s29 =	sadd.s32 $0x60, s28  }
0x68: {  	[tilespmem:s22], [sflag:$0x1] =	stream.indirect.gather [hbm4b:s5+s21], $0x100, s29, s21, $0xb8;
	[tilespmem:$0x1FD60] =	vst v63  }
0x69: {  	_ =	swait.ge [sflag:s14], $0x2000  }
0x6a: {  	[sflag:s14] =	ssyncset.done $0x0  }
0x6b: {  	s31 =	sadd.s32 $0x0, s30;
	s29 =	simm.s32 $0x91E0;
	[sflag:s14] =	ssyncadd.s32 $0xFFFFE000  }
0x6c: {  	v10 =	vmov s31;
	v8 =	vld [tilespmem:s29+$0xFFFFFFF0]  }
0x6d: {  	v9 =	vmov s0;
	v10 =	vand.u32 $0x7F, v10;
	v21 =	vld [tilespmem:s29+$0x70]  }
0x6e: {  	v11 =	vor.u32 v9, v10;
	v10 =	vld [tilespmem:s29+$0x60]  }
0x6f: {  	v12 =	vbroadcast v11, $0x0;
	v11 =	vld [tilespmem:s29+$0x20]  }
0x70: {  	v13 =	vld [tilespmem:s29+$0x10]  }
0x71: {  	v16 =	vld [tilespmem:s29+$0x30]  }
0x72: {  	v24 =	vld [tilespmem:s29+$0x50]  }
0x73: {  	v17 =	vld [tilespmem:s29+$0xFFFFFF80]  }
0x74: {  	v15 =	vld [tilespmem:s29+$0x0]  }
0x75: {  	v22 =	vld [tilespmem:s29+$0xFFFFFFA0]  }
0x76: {  	v12 =	vld.idx.msk [tilespmem:v12+s16+$0x0], $0xffff  }
0x77: {  	v14 =	vld [tilespmem:s29+$0xFFFFFFD0]  }
0x78: {  	v20 =	vld [tilespmem:s29+$0xFFFFFF90]  }
0x79: {  	v18 =	vld [tilespmem:s29+$0xFFFFFFB0]  }
0x7a: {  	v19 =	vld [tilespmem:s29+$0x40]  }
0x7b: {  	v23 =	vmul.f32 v17, v12;
	v17 =	vld [tilespmem:s29+$0xFFFFFFC0];
	v25 =	vmul.f32 v21, v12  }
0x7c: {  	s0 =	simm.s32 $0x91E0;
	s31 =	simm.s32 $0x1;
	v21 =	vmul.f32 v22, v12;
	v22 =	vld [tilespmem:s29+$0xFFFFFFE0];
	v24 =	vmul.f32 v24, v12  }
.LBB2_9:
0x7d: {  	p1 =	sne.s32 s31, $0x1F  }
0x7e: {  	v20 =	vmul.f32 v20, v12;
	v16 =	vmul.f32 v16, v12;
	[tilespmem:s29+$0x70] =	vst v25;
	s0 =	sadd.s32 $0x100, s0;
	s3 =	smov.u32 s31;
	s31 =	sadd.s32 $0x1, s31  }
0x7f: {  	v13 =	vmul.f32 v13, v12;
	[tilespmem:s29+$0xFFFFFF80] =	vst v23;
	v18 =	vmul.f32 v18, v12  }
0x80: {  	v15 =	vmul.f32 v15, v12;
	v19 =	vmul.f32 v19, v12;
	[tilespmem:s29+$0x50] =	vst v24  }
0x81: {  	v14 =	vmul.f32 v14, v12;
	v17 =	vmul.f32 v17, v12;
	[tilespmem:s29+$0x30] =	vst v16  }
0x82: {  	v16 =	vmul.f32 v22, v12;
	v22 =	vmul.f32 v8, v12;
	[tilespmem:s29+$0x10] =	vst v13  }
0x83: {  	v11 =	vmul.f32 v11, v12;
	v10 =	vmul.f32 v10, v12;
	[tilespmem:s29+$0xFFFFFFA0] =	vst v21  }
0x84: {  	s3 =	sadd.s32 s30, s3;
	[tilespmem:s29+$0x0] =	vst v15  }
0x85: {  	v12 =	vmov s3;
	v8 =	vld [tilespmem:s0+$0xFFFFFFF0];
	[tilespmem:s29+$0xFFFFFFE0] =	vst v16  }
0x86: {  	v12 =	vand.u32 $0x7F, v12;
	v21 =	vld [tilespmem:s0+$0x70];
	[tilespmem:s29+$0x60] =	vst v10  }
0x87: {  	v12 =	vor.u32 v9, v12;
	v10 =	vld [tilespmem:s0+$0x60];
	[tilespmem:s29+$0x20] =	vst v11  }
0x88: {  	v12 =	vbroadcast v12, $0x0;
	v11 =	vld [tilespmem:s0+$0x20];
	[tilespmem:s29+$0xFFFFFFD0] =	vst v14  }
0x89: {  	v13 =	vld [tilespmem:s0+$0x10];
	[tilespmem:s29+$0xFFFFFF90] =	vst v20  }
0x8a: {  	v16 =	vld [tilespmem:s0+$0x30];
	[tilespmem:s29+$0xFFFFFFF0] =	vst v22  }
0x8b: {  	v24 =	vld [tilespmem:s0+$0x50];
	[tilespmem:s29+$0x40] =	vst v19  }
0x8c: {  	v22 =	vld [tilespmem:s0+$0xFFFFFF80];
	[tilespmem:s29+$0xFFFFFFB0] =	vst v18  }
0x8d: {  	v15 =	vld [tilespmem:s0+$0x0];
	[tilespmem:s29+$0xFFFFFFC0] =	vst v17;
	s29 =	smov.u32 s0  }
0x8e: {  	v12 =	vld.idx.msk [tilespmem:v12+s16+$0x0], $0xffff  }
0x8f: {  	v26 =	vld [tilespmem:s0+$0xFFFFFFA0]  }
0x90: {  	v14 =	vld [tilespmem:s0+$0xFFFFFFD0]  }
.Ltmp6:
0x91: {  	v20 =	vld [tilespmem:s0+$0xFFFFFF90];
	(pc) =	sbr.rel @p1 .LBB2_9-.Ltmp6, $4  }
0x92: {  	v18 =	vld [tilespmem:s0+$0xFFFFFFB0]  }
0x93: {  	v19 =	vld [tilespmem:s0+$0x40]  }
0x94: {  	v23 =	vmul.f32 v22, v12;
	v25 =	vmul.f32 v21, v12;
	v17 =	vld [tilespmem:s0+$0xFFFFFFC0]  }
0x95: {  	v24 =	vmul.f32 v24, v12;
	v21 =	vmul.f32 v26, v12;
	v22 =	vld [tilespmem:s0+$0xFFFFFFE0]  }
0x96: {  	[tilespmem:s29+$0x70] =	vst v25  }
0x97: {  	[tilespmem:s29+$0xFFFFFF80] =	vst v23  }
0x98: {  	v9 =	vmul.f32 v16, v12;
	[tilespmem:s29+$0x50] =	vst v24  }
0x99: {  	v13 =	vmul.f32 v13, v12;
	[tilespmem:s29+$0xFFFFFFA0] =	vst v21  }
0x9a: {  	v57 =	vmul.f32 v15, v12;
	[tilespmem:s29+$0x30] =	vst v9  }
0x9b: {  	v10 =	vmul.f32 v10, v12;
	[tilespmem:s29+$0x10] =	vst v13  }
0x9c: {  	v59 =	vmul.f32 v11, v12;
	[tilespmem:s29+$0x0] =	vst v57  }
0x9d: {  	v60 =	vmul.f32 v14, v12;
	[tilespmem:s29+$0x60] =	vst v10  }
0x9e: {  	v61 =	vmul.f32 v20, v12;
	[tilespmem:s29+$0x20] =	vst v59  }
0x9f: {  	v8 =	vmul.f32 v8, v12;
	[tilespmem:s29+$0xFFFFFFD0] =	vst v60  }
0xa0: {  	v63 =	vmul.f32 v18, v12;
	[tilespmem:s29+$0xFFFFFF90] =	vst v61  }
0xa1: {  	v62 =	vmul.f32 v19, v12;
	[tilespmem:s29+$0xFFFFFFF0] =	vst v8  }
0xa2: {  	v8 =	vmul.f32 v17, v12;
	[tilespmem:s29+$0xFFFFFFB0] =	vst v63  }
0xa3: {  	v58 =	vmul.f32 v22, v12;
	[tilespmem:s29+$0x40] =	vst v62  }
0xa4: {  	s25 =	sadd.s32 $0x1, s25;
	[tilespmem:s29+$0xFFFFFFC0] =	vst v8  }
0xa5: {  	s0 =	sadd.s32 $0x3060, s28;
	p1 =	sne.s32 s25, s26;
	[tilespmem:s29+$0xFFFFFFE0] =	vst v58  }
0xa6: {  	[spmem:s2] =	stream.indirect.scatter.add.f32 [tilespmem:s22], [sflag:$0x2], $0x100, s0, s21, $0xb8;
	[tilespmem:$0x1FD60] =	vst v63  }
.Ltmp7:
0xa7: {  	_ = 	snop;
	(pc) =	sbr.rel @p1 .LBB2_8-.Ltmp7, $4  }
.Ltmp8:
0xa8: {  	_ = 	snop;
	(pc) =	sbr.rel @!p1 .LBB2_11-.Ltmp8, $4  }
0xa9: {  	_ =	swait.ge [sflag:s18], $0x2000  }
0xaa: {  	[sflag:s18] =	ssyncset.done $0x0  }
0xab: {  	[sflag:s18] =	ssyncadd.s32 $0xFFFFE000  }
0xac: {  	_ = 	snop  }
.LBB2_12:
0xad: {  	_ =	sfence.sel $0x180000  }
0xae: {  	[bflag:$0x0] =	sbarrier.arrive $0xFFFF  }
0xaf: {  	_ =	strace $0x90000059  }
0xb0: {  	s0 =	stileid.u32;
	[bflag:$0x2] =	sbarrier.arrive $0xFFFF  }
0xb1: {  	p0 =	sne.s32 s0, $0x0;
	s0 =	rddreg [dreg:$0x3]  }
0xb2: {  	s0 =	sadd.s32 @!p0 $0x100000, s0  }
0xb3: {  	[sflag:s0] =	ssyncadd.tile.s32 @!p0 $0x1;
	_ =	shalt  }
.Lfunc_end2:
_tile_overlayer_lowered:
.L_overlay_start_2:
0xb4: {  	(tag) =	ssettag $0x2  }
0xb5: {  	s0 =	rddreg [dreg:$0x0];
	s2 =	stileid.u32  }
0xb6: {  	s1 =	rddreg [dreg:$0x1];
	p0 =	sne.s32 s2, $0x0  }
0xb7: {  	s3 =	rddreg [dreg:$0x2];
	[bflag:$0x3] =	sbarrier.arrive $0xFFFF;
	s2 =	simm.s32 @!p0 $0x1C02  }
0xb8: {  	[timem:s3], [sflag:s2] =	dma.local @!p0 [hbm:s0], s1  }
0xb9: {  	s0 =	simm.s32 @!p0 $0x2  }
0xba: {  	_ =	swait.ge @!p0 [sflag:s0], s1  }
0xbb: {  	s1 =	ssub.s32 @!p0 $0x0, s1;
	[sflag:s0] =	ssyncset.done @!p0 $0x0  }
0xbc: {  	[sflag:s0] =	ssyncadd.s32 @!p0 s1  }
0xbd: {  	[bflag:$0x3] =	sbarrier.arrive $0xFFFF  }
0xbe: {  	_ =	shalt  }

</sc_bundles>
